<compile_context>
chip_gen: v7x
topology: tpu7x:2x2x1
jax: 0.10.2.dev20260603
libtpu: 0.0.44.dev20260713+nightly
codegen_flags: <defaults>
</compile_context>

<pallas_src>
import functools

import jax
import jax.numpy as jnp
from jax import lax
from jax.experimental import pallas as pl
from jax.experimental.pallas import tpu as pltpu
from jax.experimental.pallas import tpu_sc as plsc

N = 10000
E = 320000
D = 128

NC = 2
NS = 16
NW = NC * NS
L = 16

NP = 10240
CH = 128
E2 = E // CH
E2P = 2536
CPS0 = 1248
CPT_BIG = 80
CPT_SMALL = 48
LROWS = 80
CE = 64
RPT = NP // NS
RPT_EL = NP // NS

_MESH = dict(core_axis_name="c", subcore_axis_name="s", num_cores=NC,
             num_subcores=NS)



def _sc_degree(edge_index):
  mesh = plsc.VectorSubcoreMesh(**_MESH)

  @functools.partial(
      pl.kernel,
      out_type=[
          jax.ShapeDtypeStruct((NC * NP,), jnp.float32),
          jax.ShapeDtypeStruct((E2P, CH), jnp.int32),
      ],
      mesh=mesh,
      scratch_types=[
          pltpu.VMEM((LROWS * CH,), jnp.int32),
          pltpu.VMEM((LROWS * CH,), jnp.int32),
          pltpu.VMEM((LROWS, CH), jnp.int32),
          pltpu.VMEM((LROWS, CH), jnp.int32),
          pltpu.VMEM((CH,), jnp.float32),
          pltpu.VMEM((RPT_EL,), jnp.float32),
          pltpu.VMEM_SHARED((NP,), jnp.float32),
          pltpu.SemaphoreType.DMA,
      ],
  )
  def k(ei_hbm, out_hbm, pk_hbm, rowf, colf, pbuf, cbuf_all, ones_v,
        vbuf, deg_sh, ss):
    cid = lax.axis_index("c")
    sid = lax.axis_index("s")
    base_row = cid * CPS0 + sid * CPT_BIG
    ebase = base_row * CH

    @pl.when(sid < NS - 1)
    def _sfull():
      pltpu.sync_copy(ei_hbm.at[0, pl.ds(ebase, LROWS * CH)], rowf)
      pltpu.sync_copy(ei_hbm.at[1, pl.ds(ebase, LROWS * CH)], colf)

    @pl.when(jnp.logical_and(sid == NS - 1, cid == 0))
    def _s0():
      nel = CPT_SMALL * CH
      pltpu.sync_copy(ei_hbm.at[0, pl.ds(ebase, nel)],
                      rowf.at[pl.ds(0, nel)])
      pltpu.sync_copy(ei_hbm.at[1, pl.ds(ebase, nel)],
                      colf.at[pl.ds(0, nel)])

    @pl.when(jnp.logical_and(sid == NS - 1, cid == 1))
    def _s1():
      nel = (CPT_SMALL + 4) * CH
      pltpu.sync_copy(ei_hbm.at[0, pl.ds(ebase, nel)],
                      rowf.at[pl.ds(0, nel)])
      pltpu.sync_copy(ei_hbm.at[1, pl.ds(ebase, nel)],
                      colf.at[pl.ds(0, nel)])

    for k2 in range(CH // L):
      ones_v[pl.ds(k2 * L, L)] = jnp.ones((L,), jnp.float32)

    def zb(r, carry):
      vbuf[pl.ds(r * L, L)] = jnp.zeros((L,), jnp.float32)
      return carry

    lax.fori_loop(0, RPT_EL // L, zb, 0)
    pltpu.sync_copy(vbuf, deg_sh.at[pl.ds(sid * RPT_EL, RPT_EL)])

    def pb(j, carry):
      for k2 in range(CH // L):
        r = rowf[pl.ds(j * CH + k2 * L, L)]
        c = colf[pl.ds(j * CH + k2 * L, L)]
        pbuf[j, pl.ds(k2 * L, L)] = jnp.bitwise_or(
            r, jnp.left_shift(c, 16))
        cbuf_all[j, pl.ds(k2 * L, L)] = c
      return carry

    nch = jnp.where(sid == NS - 1, CPT_SMALL + 4 * cid, CPT_BIG)
    lax.fori_loop(0, nch, pb, 0)

    @pl.when(sid < NS - 1)
    def _wfull():
      pltpu.sync_copy(pbuf, pk_hbm.at[pl.ds(base_row, LROWS)])

    @pl.when(jnp.logical_and(sid == NS - 1, cid == 0))
    def _w0():
      pltpu.sync_copy(pbuf.at[pl.ds(0, CPT_SMALL)],
                      pk_hbm.at[pl.ds(base_row, CPT_SMALL)])

    @pl.when(jnp.logical_and(sid == NS - 1, cid == 1))
    def _w1():
      pltpu.sync_copy(pbuf.at[pl.ds(0, CPT_SMALL + 8)],
                      pk_hbm.at[pl.ds(base_row, CPT_SMALL + 8)])

    plsc.subcore_barrier()

    def cbody(i, carry):
      pltpu.async_copy(ones_v, deg_sh.at[cbuf_all.at[i]], ss, add=True)
      return carry

    lax.fori_loop(0, nch, cbody, 0)

    def dbody(i, carry):
      pltpu.make_async_copy(ones_v, deg_sh.at[cbuf_all.at[0]], ss).wait()
      return carry

    lax.fori_loop(0, nch, dbody, 0)
    plsc.subcore_barrier()
    pltpu.sync_copy(deg_sh.at[pl.ds(sid * RPT_EL, RPT_EL)], vbuf)
    pltpu.sync_copy(vbuf, out_hbm.at[pl.ds(cid * NP + sid * RPT_EL, RPT_EL)])

  return k(edge_index)


def _sc_edge_scatter(ht, packed2):
  mesh = plsc.VectorSubcoreMesh(**_MESH)

  @functools.partial(
      pl.kernel,
      out_type=jax.ShapeDtypeStruct((NC, NP, D), jnp.float32),
      mesh=mesh,
      scratch_types=[
          pltpu.VMEM((LROWS, CH), jnp.int32),
          pltpu.VMEM((2, CH), jnp.int32),
          pltpu.VMEM((2, CH), jnp.int32),
          pltpu.VMEM((CH, D), jnp.float32),
          pltpu.VMEM((CH, D), jnp.float32),
          pltpu.VMEM_SHARED((NP, D), jnp.float32),
          pltpu.SemaphoreType.DMA,
          pltpu.SemaphoreType.DMA,
      ],
  )
  def k(ht_hbm, packed_hbm, out_hbm, pbuf_all, rbi, cbi, buf0, buf1,
        acc_sh, gs0, gs1):
    cid = lax.axis_index("c")
    sid = lax.axis_index("s")
    base_row = cid * CPS0 + sid * CPT_BIG

    pltpu.async_copy(packed_hbm.at[pl.ds(base_row, LROWS)], pbuf_all, gs1)

    def zbody(r, carry):
      for j in range(D // L):
        buf0[r, pl.ds(j * L, L)] = jnp.zeros((L,), jnp.float32)
      return carry

    lax.fori_loop(0, CH, zbody, 0)
    for j in range(RPT // CH):
      pltpu.async_copy(buf0, acc_sh.at[pl.ds(sid * RPT + j * CH, CH)], gs0)
    for j in range(RPT // CH):
      pltpu.make_async_copy(buf0, acc_sh.at[pl.ds(sid * RPT, CH)],
                            gs0).wait()
    pltpu.make_async_copy(packed_hbm.at[pl.ds(base_row, LROWS)], pbuf_all,
                          gs1).wait()
    plsc.subcore_barrier()

    def unpack(j, b):
      for k2 in range(CH // L):
        pk = pbuf_all[j, pl.ds(k2 * L, L)]
        rbi[b, pl.ds(k2 * L, L)] = jnp.bitwise_and(pk, 0xFFFF)
        cbi[b, pl.ds(k2 * L, L)] = lax.shift_right_logical(pk, 16)

    npairs = jnp.where(sid == NS - 1, (CPT_SMALL + 4 * cid) // 2,
                       CPT_BIG // 2)
    unpack(0, 0)
    pltpu.async_copy(ht_hbm.at[rbi.at[0]], buf0, gs0)

    def cbody(p, carry):
      j0 = 2 * p
      j1 = j0 + 1
      unpack(j1, 1)
      pltpu.async_copy(ht_hbm.at[rbi.at[1]], buf1, gs1)
      pltpu.make_async_copy(ht_hbm.at[rbi.at[0]], buf0, gs0).wait()
      pltpu.sync_copy(buf0, acc_sh.at[cbi.at[0]], add=True)

      @pl.when(p < npairs - 1)
      def _next_even():
        unpack(j0 + 2, 0)
        pltpu.async_copy(ht_hbm.at[rbi.at[0]], buf0, gs0)

      pltpu.make_async_copy(ht_hbm.at[rbi.at[1]], buf1, gs1).wait()
      pltpu.sync_copy(buf1, acc_sh.at[cbi.at[1]], add=True)
      return carry

    lax.fori_loop(0, npairs, cbody, 0)
    plsc.subcore_barrier()

    rbufs = (buf0, buf1)
    rsems = (gs0, gs1)
    for j in range(RPT // CH):
      b = j % 2
      base = sid * RPT + j * CH
      if j >= 2:
        pltpu.make_async_copy(rbufs[b], out_hbm.at[cid, pl.ds(base, CH)],
                              rsems[b]).wait()
      pltpu.sync_copy(acc_sh.at[pl.ds(base, CH)], rbufs[b])
      pltpu.async_copy(rbufs[b], out_hbm.at[cid, pl.ds(base, CH)],
                       rsems[b])
    for b in range(2):
      pltpu.make_async_copy(rbufs[b], out_hbm.at[cid, pl.ds(0, CH)],
                            rsems[b]).wait()

  return k(ht, packed2)



_RB = 2000
_GRID = N // _RB


def _tc1_body(deg_ref, x_ref, w_ref, ht_ref, dis_ref):
  deg = deg_ref[...]
  dis = jnp.where(deg > 0.0, lax.rsqrt(deg), 0.0)
  p = jnp.dot(x_ref[...], w_ref[...], preferred_element_type=jnp.float32)
  ht_ref[...] = dis * p
  dis_ref[...] = dis


def _tc_layer1(degc, x, W1):
  return pl.pallas_call(
      _tc1_body,
      grid=(_GRID,),
      in_specs=[
          pl.BlockSpec((_RB, 1), lambda i: (i, 0)),
          pl.BlockSpec((_RB, D), lambda i: (i, 0)),
          pl.BlockSpec((D, D), lambda i: (0, 0)),
      ],
      out_specs=[
          pl.BlockSpec((_RB, D), lambda i: (i, 0)),
          pl.BlockSpec((_RB, 1), lambda i: (i, 0)),
      ],
      out_shape=[
          jax.ShapeDtypeStruct((N, D), jnp.float32),
          jax.ShapeDtypeStruct((N, 1), jnp.float32),
      ],
  )(degc, x, W1)


def _tc2_body(acc_ref, dis_ref, bias_ref, w_ref, out_ref, ht_ref):
  dis = dis_ref[...]
  out = dis * (acc_ref[0] + acc_ref[1]) + bias_ref[...]
  out_ref[...] = out
  ht_ref[...] = dis * jnp.dot(out, w_ref[...],
                              preferred_element_type=jnp.float32)


def _tc_layer2(acc, dis, bias, W2):
  return pl.pallas_call(
      _tc2_body,
      grid=(_GRID,),
      in_specs=[
          pl.BlockSpec((NC, _RB, D), lambda i: (0, i, 0)),
          pl.BlockSpec((_RB, 1), lambda i: (i, 0)),
          pl.BlockSpec((1, D), lambda i: (0, 0)),
          pl.BlockSpec((D, D), lambda i: (0, 0)),
      ],
      out_specs=[
          pl.BlockSpec((_RB, D), lambda i: (i, 0)),
          pl.BlockSpec((_RB, D), lambda i: (i, 0)),
      ],
      out_shape=[
          jax.ShapeDtypeStruct((N, D), jnp.float32),
          jax.ShapeDtypeStruct((N, D), jnp.float32),
      ],
  )(acc, dis, bias, W2)


def _tc3_body(acc_ref, dis_ref, bias_ref, out_ref, out2_ref):
  out = dis_ref[...] * (acc_ref[0] + acc_ref[1]) + bias_ref[...]
  out_ref[...] = out
  out2_ref[...] = out


def _tc_layer3(acc, dis, bias):
  return pl.pallas_call(
      _tc3_body,
      grid=(_GRID,),
      in_specs=[
          pl.BlockSpec((NC, _RB, D), lambda i: (0, i, 0)),
          pl.BlockSpec((_RB, 1), lambda i: (i, 0)),
          pl.BlockSpec((1, D), lambda i: (0, 0)),
      ],
      out_specs=[
          pl.BlockSpec((_RB, D), lambda i: (i, 0)),
          pl.BlockSpec((_RB, D), lambda i: (i, 0)),
      ],
      out_shape=[
          jax.ShapeDtypeStruct((N, D), jnp.float32),
          jax.ShapeDtypeStruct((N, D), jnp.float32),
      ],
  )(acc, dis, bias)



def kernel(x, edge_index, W1, b1, W2, b2):
  deg_parts, packed2 = _sc_degree(edge_index)
  degc = (deg_parts[:N] + deg_parts[NP:NP + N]).reshape(N, 1)
  ht1, dis = _tc_layer1(degc, x, W1)
  acc1 = _sc_edge_scatter(ht1, packed2)
  out1, ht2 = _tc_layer2(acc1, dis, b1.reshape(1, D), W2)
  acc2 = _sc_edge_scatter(ht2, packed2)
  out2a, out2b = _tc_layer3(acc2, dis, b2.reshape(1, D))

  return (out2a, (x, out1, out2b))

# --- scband reference (transcript-rebuilt; emitter-appended) ---
"""Pipeline reference for scband-graph-encoder-71657234366492 (READ-ONLY COPY).

The authoritative reference and input builder live on the scoring server;
editing this copy changes nothing except your own understanding.
"""

import jax, jax.numpy as jnp
import numpy as np

N = 10000
E = 320000
D = 128


def setup_inputs(seed: int = 0) -> dict:
    key = jax.random.key(seed)
    k1, k2, k3, k4, k5, k6 = jax.random.split(key, 6)
    x = jax.random.normal(k1, (N, D), dtype=jnp.float32)
    edge_index = jax.random.randint(k2, (2, E), 0, N, dtype=jnp.int32)
    scale = 1.0 / np.sqrt(D)
    W1 = jax.random.uniform(k3, (D, D), dtype=jnp.float32, minval=-scale, maxval=scale)
    b1 = jnp.zeros((D,), dtype=jnp.float32)
    W2 = jax.random.uniform(k4, (D, D), dtype=jnp.float32, minval=-scale, maxval=scale)
    b2 = jnp.zeros((D,), dtype=jnp.float32)
    return {"x": x, "edge_index": edge_index, "W1": W1, "b1": b1, "W2": W2, "b2": b2}


def gcn_layer(x, edge_index, W, b):
    # GCNConv with add_self_loops=False, symmetric normalization
    row = edge_index[0]
    col = edge_index[1]
    ones = jnp.ones((edge_index.shape[1],), dtype=x.dtype)
    deg = jnp.zeros((N,), dtype=x.dtype).at[col].add(ones)
    deg_inv_sqrt = jnp.where(deg > 0, 1.0 / jnp.sqrt(deg), 0.0)
    norm = deg_inv_sqrt[row] * deg_inv_sqrt[col]
    h = x @ W
    msg = h[row] * norm[:, None]
    out = jnp.zeros_like(h).at[col].add(msg)
    return out + b


def reference(x, edge_index, W1, b1, W2, b2):
    embeddings_list = [x]
    h = gcn_layer(x, edge_index, W1, b1)
    embeddings_list.append(h)
    h = gcn_layer(h, edge_index, W2, b2)
    embeddings_list.append(h)
    return (h, tuple(embeddings_list))

if __name__ == "__main__":
    import jax
    _d = setup_inputs()
    print(jax.jit(kernel)(*tuple(_d.values())))

</pallas_src>

<mosaic_0001>
#map = affine_map<(d0, d1) -> (0, 0)>
#map1 = affine_map<(d0, d1) -> (0)>
module attributes {stable_mosaic.version = 14 : i64} {
  func.func @k(%arg0: i32, %arg1: i32, %arg2: memref<2x320000xi32, #tpu.memory_space<hbm>>, %arg3: memref<20480xf32, #tpu.memory_space<hbm>>, %arg4: memref<2536x128xi32, #tpu.memory_space<hbm>>, %arg5: memref<10240xi32, #tpu.memory_space<vmem>>, %arg6: memref<10240xi32, #tpu.memory_space<vmem>>, %arg7: memref<80x128xi32, #tpu.memory_space<vmem>>, %arg8: memref<80x128xi32, #tpu.memory_space<vmem>>, %arg9: memref<128xf32, #tpu.memory_space<vmem>>, %arg10: memref<640xf32, #tpu.memory_space<vmem>>, %arg11: memref<10240xf32, #tpu.memory_space<vmem_shared>>, %arg12: memref<!tpu.dma_semaphore, #tpu.memory_space<semaphore_mem>>) attributes {dimension_semantics = [#tpu.dimension_semantics<core_parallel>, #tpu.dimension_semantics<subcore_parallel>], iteration_bounds = array<i64: 2, 16>, scalar_prefetch = 0 : i64, scratch_operands = 8 : i64, tpu.core_type = #tpu.core_type<sc_vector_subcore>, window_params = [{transform_indices = #map}, {transform_indices = #map1}, {transform_indices = #map}]} {
    %mul3A = arith.constant 1248 : i32
    %mul3A_0 = arith.muli %arg0, %mul3A : i32
    %mul3A_1 = arith.constant 80 : i32
    %mul3A_2 = arith.muli %arg1, %mul3A_1 : i32
    %add3A = arith.addi %mul3A_0, %mul3A_2 : i32
    %mul3A_3 = arith.constant 128 : i32
    %mul3A_4 = arith.muli %add3A, %mul3A_3 : i32
    %lt3A = arith.constant 15 : i32
    %lt3A_5 = arith.cmpi slt, %arg1, %lt3A : i32
    %convert_element_type3A = arith.extui %lt3A_5 : i1 to i32
    %cond3A = arith.constant 0 : i32
    %cond3A_6 = arith.cmpi ne, %convert_element_type3A, %cond3A : i32
    scf.if %cond3A_6 {
      %run_scoped3A = arith.constant 0 : i32
      "tpu.region"() ({
        %run_scoped3A_139 = tpu.sem_alloc : memref<!tpu.dma_semaphore, #tpu.memory_space<semaphore_mem>>
        %dma_start3A = tpu.memref_slice %arg2[%run_scoped3A, %mul3A_4] : memref<2x320000xi32, #tpu.memory_space<hbm>> -> memref<1x10240xi32, #tpu.memory_space<hbm>>
        %dma_start3A_140 = tpu.memref_squeeze %dma_start3A : memref<1x10240xi32, #tpu.memory_space<hbm>> -> memref<10240xi32, #tpu.memory_space<hbm>>
        %dma_start3A_141 = tpu.memref_slice %arg2[%run_scoped3A, %mul3A_4] : memref<2x320000xi32, #tpu.memory_space<hbm>> -> memref<1x10240xi32, #tpu.memory_space<hbm>>
        %dma_start3A_142 = tpu.memref_squeeze %dma_start3A_141 : memref<1x10240xi32, #tpu.memory_space<hbm>> -> memref<10240xi32, #tpu.memory_space<hbm>>
        tpu.enqueue_dma source(%dma_start3A_142 : memref<10240xi32, #tpu.memory_space<hbm>>) target(%arg5 : memref<10240xi32, #tpu.memory_space<vmem>>) target_semaphore(%run_scoped3A_139 : memref<!tpu.dma_semaphore, #tpu.memory_space<semaphore_mem>>)
        %dma_wait3A = tpu.memref_slice %arg2[%run_scoped3A, %mul3A_4] : memref<2x320000xi32, #tpu.memory_space<hbm>> -> memref<1x10240xi32, #tpu.memory_space<hbm>>
        %dma_wait3A_143 = tpu.memref_squeeze %dma_wait3A : memref<1x10240xi32, #tpu.memory_space<hbm>> -> memref<10240xi32, #tpu.memory_space<hbm>>
        %dma_wait3A_144 = tpu.memref_slice %arg2[%run_scoped3A, %mul3A_4] : memref<2x320000xi32, #tpu.memory_space<hbm>> -> memref<1x10240xi32, #tpu.memory_space<hbm>>
        %dma_wait3A_145 = tpu.memref_squeeze %dma_wait3A_144 : memref<1x10240xi32, #tpu.memory_space<hbm>> -> memref<10240xi32, #tpu.memory_space<hbm>>
        tpu.wait_dma2 semaphore(%run_scoped3A_139 : memref<!tpu.dma_semaphore, #tpu.memory_space<semaphore_mem>>) src(%dma_wait3A_145 : memref<10240xi32, #tpu.memory_space<hbm>>) dst(%arg5 : memref<10240xi32, #tpu.memory_space<vmem>>)
        tpu.yield
      }) : () -> ()
      %run_scoped3A_138 = arith.constant 1 : i32
      "tpu.region"() ({
        %run_scoped3A_139 = tpu.sem_alloc : memref<!tpu.dma_semaphore, #tpu.memory_space<semaphore_mem>>
        %dma_start3A = tpu.memref_slice %arg2[%run_scoped3A_138, %mul3A_4] : memref<2x320000xi32, #tpu.memory_space<hbm>> -> memref<1x10240xi32, #tpu.memory_space<hbm>>
        %dma_start3A_140 = tpu.memref_squeeze %dma_start3A : memref<1x10240xi32, #tpu.memory_space<hbm>> -> memref<10240xi32, #tpu.memory_space<hbm>>
        %dma_start3A_141 = tpu.memref_slice %arg2[%run_scoped3A_138, %mul3A_4] : memref<2x320000xi32, #tpu.memory_space<hbm>> -> memref<1x10240xi32, #tpu.memory_space<hbm>>
        %dma_start3A_142 = tpu.memref_squeeze %dma_start3A_141 : memref<1x10240xi32, #tpu.memory_space<hbm>> -> memref<10240xi32, #tpu.memory_space<hbm>>
        tpu.enqueue_dma source(%dma_start3A_142 : memref<10240xi32, #tpu.memory_space<hbm>>) target(%arg6 : memref<10240xi32, #tpu.memory_space<vmem>>) target_semaphore(%run_scoped3A_139 : memref<!tpu.dma_semaphore, #tpu.memory_space<semaphore_mem>>)
        %dma_wait3A = tpu.memref_slice %arg2[%run_scoped3A_138, %mul3A_4] : memref<2x320000xi32, #tpu.memory_space<hbm>> -> memref<1x10240xi32, #tpu.memory_space<hbm>>
        %dma_wait3A_143 = tpu.memref_squeeze %dma_wait3A : memref<1x10240xi32, #tpu.memory_space<hbm>> -> memref<10240xi32, #tpu.memory_space<hbm>>
        %dma_wait3A_144 = tpu.memref_slice %arg2[%run_scoped3A_138, %mul3A_4] : memref<2x320000xi32, #tpu.memory_space<hbm>> -> memref<1x10240xi32, #tpu.memory_space<hbm>>
        %dma_wait3A_145 = tpu.memref_squeeze %dma_wait3A_144 : memref<1x10240xi32, #tpu.memory_space<hbm>> -> memref<10240xi32, #tpu.memory_space<hbm>>
        tpu.wait_dma2 semaphore(%run_scoped3A_139 : memref<!tpu.dma_semaphore, #tpu.memory_space<semaphore_mem>>) src(%dma_wait3A_145 : memref<10240xi32, #tpu.memory_space<hbm>>) dst(%arg6 : memref<10240xi32, #tpu.memory_space<vmem>>)
        tpu.yield
      }) : () -> ()
    } else {
    }
    %eq3A = arith.constant 15 : i32
    %eq3A_7 = arith.cmpi eq, %arg1, %eq3A : i32
    %eq3A_8 = arith.constant 0 : i32
    %eq3A_9 = arith.cmpi eq, %arg0, %eq3A_8 : i32
    %and3A = arith.andi %eq3A_7, %eq3A_9 : i1
    %convert_element_type3A_10 = arith.extui %and3A : i1 to i32
    %cond3A_11 = arith.constant 0 : i32
    %cond3A_12 = arith.cmpi ne, %convert_element_type3A_10, %cond3A_11 : i32
    scf.if %cond3A_12 {
      %run_scoped3A = arith.constant 0 : i32
      "tpu.region"() ({
        %run_scoped3A_139 = tpu.sem_alloc : memref<!tpu.dma_semaphore, #tpu.memory_space<semaphore_mem>>
        %dma_start3A = arith.constant 0 : i32
        %dma_start3A_140 = tpu.memref_slice %arg5[%dma_start3A] : memref<10240xi32, #tpu.memory_space<vmem>> -> memref<6144xi32, #tpu.memory_space<vmem>>
        %dma_start3A_141 = tpu.memref_slice %arg2[%run_scoped3A, %mul3A_4] : memref<2x320000xi32, #tpu.memory_space<hbm>> -> memref<1x6144xi32, #tpu.memory_space<hbm>>
        %dma_start3A_142 = tpu.memref_squeeze %dma_start3A_141 : memref<1x6144xi32, #tpu.memory_space<hbm>> -> memref<6144xi32, #tpu.memory_space<hbm>>
        %dma_start3A_143 = arith.constant 0 : i32
        %dma_start3A_144 = tpu.memref_slice %arg5[%dma_start3A_143] : memref<10240xi32, #tpu.memory_space<vmem>> -> memref<6144xi32, #tpu.memory_space<vmem>>
        %dma_start3A_145 = tpu.memref_slice %arg2[%run_scoped3A, %mul3A_4] : memref<2x320000xi32, #tpu.memory_space<hbm>> -> memref<1x6144xi32, #tpu.memory_space<hbm>>
        %dma_start3A_146 = tpu.memref_squeeze %dma_start3A_145 : memref<1x6144xi32, #tpu.memory_space<hbm>> -> memref<6144xi32, #tpu.memory_space<hbm>>
        tpu.enqueue_dma source(%dma_start3A_146 : memref<6144xi32, #tpu.memory_space<hbm>>) target(%dma_start3A_144 : memref<6144xi32, #tpu.memory_space<vmem>>) target_semaphore(%run_scoped3A_139 : memref<!tpu.dma_semaphore, #tpu.memory_space<semaphore_mem>>)
        %dma_wait3A = arith.constant 0 : i32
        %dma_wait3A_147 = tpu.memref_slice %arg5[%dma_wait3A] : memref<10240xi32, #tpu.memory_space<vmem>> -> memref<6144xi32, #tpu.memory_space<vmem>>
        %dma_wait3A_148 = tpu.memref_slice %arg2[%run_scoped3A, %mul3A_4] : memref<2x320000xi32, #tpu.memory_space<hbm>> -> memref<1x6144xi32, #tpu.memory_space<hbm>>
        %dma_wait3A_149 = tpu.memref_squeeze %dma_wait3A_148 : memref<1x6144xi32, #tpu.memory_space<hbm>> -> memref<6144xi32, #tpu.memory_space<hbm>>
        %dma_wait3A_150 = arith.constant 0 : i32
        %dma_wait3A_151 = tpu.memref_slice %arg5[%dma_wait3A_150] : memref<10240xi32, #tpu.memory_space<vmem>> -> memref<6144xi32, #tpu.memory_space<vmem>>
        %dma_wait3A_152 = tpu.memref_slice %arg2[%run_scoped3A, %mul3A_4] : memref<2x320000xi32, #tpu.memory_space<hbm>> -> memref<1x6144xi32, #tpu.memory_space<hbm>>
        %dma_wait3A_153 = tpu.memref_squeeze %dma_wait3A_152 : memref<1x6144xi32, #tpu.memory_space<hbm>> -> memref<6144xi32, #tpu.memory_space<hbm>>
        tpu.wait_dma2 semaphore(%run_scoped3A_139 : memref<!tpu.dma_semaphore, #tpu.memory_space<semaphore_mem>>) src(%dma_wait3A_153 : memref<6144xi32, #tpu.memory_space<hbm>>) dst(%dma_wait3A_151 : memref<6144xi32, #tpu.memory_space<vmem>>)
        tpu.yield
      }) : () -> ()
      %run_scoped3A_138 = arith.constant 1 : i32
      "tpu.region"() ({
        %run_scoped3A_139 = tpu.sem_alloc : memref<!tpu.dma_semaphore, #tpu.memory_space<semaphore_mem>>
        %dma_start3A = arith.constant 0 : i32
        %dma_start3A_140 = tpu.memref_slice %arg6[%dma_start3A] : memref<10240xi32, #tpu.memory_space<vmem>> -> memref<6144xi32, #tpu.memory_space<vmem>>
        %dma_start3A_141 = tpu.memref_slice %arg2[%run_scoped3A_138, %mul3A_4] : memref<2x320000xi32, #tpu.memory_space<hbm>> -> memref<1x6144xi32, #tpu.memory_space<hbm>>
        %dma_start3A_142 = tpu.memref_squeeze %dma_start3A_141 : memref<1x6144xi32, #tpu.memory_space<hbm>> -> memref<6144xi32, #tpu.memory_space<hbm>>
        %dma_start3A_143 = arith.constant 0 : i32
        %dma_start3A_144 = tpu.memref_slice %arg6[%dma_start3A_143] : memref<10240xi32, #tpu.memory_space<vmem>> -> memref<6144xi32, #tpu.memory_space<vmem>>
        %dma_start3A_145 = tpu.memref_slice %arg2[%run_scoped3A_138, %mul3A_4] : memref<2x320000xi32, #tpu.memory_space<hbm>> -> memref<1x6144xi32, #tpu.memory_space<hbm>>
        %dma_start3A_146 = tpu.memref_squeeze %dma_start3A_145 : memref<1x6144xi32, #tpu.memory_space<hbm>> -> memref<6144xi32, #tpu.memory_space<hbm>>
        tpu.enqueue_dma source(%dma_start3A_146 : memref<6144xi32, #tpu.memory_space<hbm>>) target(%dma_start3A_144 : memref<6144xi32, #tpu.memory_space<vmem>>) target_semaphore(%run_scoped3A_139 : memref<!tpu.dma_semaphore, #tpu.memory_space<semaphore_mem>>)
        %dma_wait3A = arith.constant 0 : i32
        %dma_wait3A_147 = tpu.memref_slice %arg6[%dma_wait3A] : memref<10240xi32, #tpu.memory_space<vmem>> -> memref<6144xi32, #tpu.memory_space<vmem>>
        %dma_wait3A_148 = tpu.memref_slice %arg2[%run_scoped3A_138, %mul3A_4] : memref<2x320000xi32, #tpu.memory_space<hbm>> -> memref<1x6144xi32, #tpu.memory_space<hbm>>
        %dma_wait3A_149 = tpu.memref_squeeze %dma_wait3A_148 : memref<1x6144xi32, #tpu.memory_space<hbm>> -> memref<6144xi32, #tpu.memory_space<hbm>>
        %dma_wait3A_150 = arith.constant 0 : i32
        %dma_wait3A_151 = tpu.memref_slice %arg6[%dma_wait3A_150] : memref<10240xi32, #tpu.memory_space<vmem>> -> memref<6144xi32, #tpu.memory_space<vmem>>
        %dma_wait3A_152 = tpu.memref_slice %arg2[%run_scoped3A_138, %mul3A_4] : memref<2x320000xi32, #tpu.memory_space<hbm>> -> memref<1x6144xi32, #tpu.memory_space<hbm>>
        %dma_wait3A_153 = tpu.memref_squeeze %dma_wait3A_152 : memref<1x6144xi32, #tpu.memory_space<hbm>> -> memref<6144xi32, #tpu.memory_space<hbm>>
        tpu.wait_dma2 semaphore(%run_scoped3A_139 : memref<!tpu.dma_semaphore, #tpu.memory_space<semaphore_mem>>) src(%dma_wait3A_153 : memref<6144xi32, #tpu.memory_space<hbm>>) dst(%dma_wait3A_151 : memref<6144xi32, #tpu.memory_space<vmem>>)
        tpu.yield
      }) : () -> ()
    } else {
    }
    %eq3A_13 = arith.constant 15 : i32
    %eq3A_14 = arith.cmpi eq, %arg1, %eq3A_13 : i32
    %eq3A_15 = arith.constant 1 : i32
    %eq3A_16 = arith.cmpi eq, %arg0, %eq3A_15 : i32
    %and3A_17 = arith.andi %eq3A_14, %eq3A_16 : i1
    %convert_element_type3A_18 = arith.extui %and3A_17 : i1 to i32
    %cond3A_19 = arith.constant 0 : i32
    %cond3A_20 = arith.cmpi ne, %convert_element_type3A_18, %cond3A_19 : i32
    scf.if %cond3A_20 {
      %run_scoped3A = arith.constant 0 : i32
      "tpu.region"() ({
        %run_scoped3A_139 = tpu.sem_alloc : memref<!tpu.dma_semaphore, #tpu.memory_space<semaphore_mem>>
        %dma_start3A = arith.constant 0 : i32
        %dma_start3A_140 = tpu.memref_slice %arg5[%dma_start3A] : memref<10240xi32, #tpu.memory_space<vmem>> -> memref<6656xi32, #tpu.memory_space<vmem>>
        %dma_start3A_141 = tpu.memref_slice %arg2[%run_scoped3A, %mul3A_4] : memref<2x320000xi32, #tpu.memory_space<hbm>> -> memref<1x6656xi32, #tpu.memory_space<hbm>>
        %dma_start3A_142 = tpu.memref_squeeze %dma_start3A_141 : memref<1x6656xi32, #tpu.memory_space<hbm>> -> memref<6656xi32, #tpu.memory_space<hbm>>
        %dma_start3A_143 = arith.constant 0 : i32
        %dma_start3A_144 = tpu.memref_slice %arg5[%dma_start3A_143] : memref<10240xi32, #tpu.memory_space<vmem>> -> memref<6656xi32, #tpu.memory_space<vmem>>
        %dma_start3A_145 = tpu.memref_slice %arg2[%run_scoped3A, %mul3A_4] : memref<2x320000xi32, #tpu.memory_space<hbm>> -> memref<1x6656xi32, #tpu.memory_space<hbm>>
        %dma_start3A_146 = tpu.memref_squeeze %dma_start3A_145 : memref<1x6656xi32, #tpu.memory_space<hbm>> -> memref<6656xi32, #tpu.memory_space<hbm>>
        tpu.enqueue_dma source(%dma_start3A_146 : memref<6656xi32, #tpu.memory_space<hbm>>) target(%dma_start3A_144 : memref<6656xi32, #tpu.memory_space<vmem>>) target_semaphore(%run_scoped3A_139 : memref<!tpu.dma_semaphore, #tpu.memory_space<semaphore_mem>>)
        %dma_wait3A = arith.constant 0 : i32
        %dma_wait3A_147 = tpu.memref_slice %arg5[%dma_wait3A] : memref<10240xi32, #tpu.memory_space<vmem>> -> memref<6656xi32, #tpu.memory_space<vmem>>
        %dma_wait3A_148 = tpu.memref_slice %arg2[%run_scoped3A, %mul3A_4] : memref<2x320000xi32, #tpu.memory_space<hbm>> -> memref<1x6656xi32, #tpu.memory_space<hbm>>
        %dma_wait3A_149 = tpu.memref_squeeze %dma_wait3A_148 : memref<1x6656xi32, #tpu.memory_space<hbm>> -> memref<6656xi32, #tpu.memory_space<hbm>>
        %dma_wait3A_150 = arith.constant 0 : i32
        %dma_wait3A_151 = tpu.memref_slice %arg5[%dma_wait3A_150] : memref<10240xi32, #tpu.memory_space<vmem>> -> memref<6656xi32, #tpu.memory_space<vmem>>
        %dma_wait3A_152 = tpu.memref_slice %arg2[%run_scoped3A, %mul3A_4] : memref<2x320000xi32, #tpu.memory_space<hbm>> -> memref<1x6656xi32, #tpu.memory_space<hbm>>
        %dma_wait3A_153 = tpu.memref_squeeze %dma_wait3A_152 : memref<1x6656xi32, #tpu.memory_space<hbm>> -> memref<6656xi32, #tpu.memory_space<hbm>>
        tpu.wait_dma2 semaphore(%run_scoped3A_139 : memref<!tpu.dma_semaphore, #tpu.memory_space<semaphore_mem>>) src(%dma_wait3A_153 : memref<6656xi32, #tpu.memory_space<hbm>>) dst(%dma_wait3A_151 : memref<6656xi32, #tpu.memory_space<vmem>>)
        tpu.yield
      }) : () -> ()
      %run_scoped3A_138 = arith.constant 1 : i32
      "tpu.region"() ({
        %run_scoped3A_139 = tpu.sem_alloc : memref<!tpu.dma_semaphore, #tpu.memory_space<semaphore_mem>>
        %dma_start3A = arith.constant 0 : i32
        %dma_start3A_140 = tpu.memref_slice %arg6[%dma_start3A] : memref<10240xi32, #tpu.memory_space<vmem>> -> memref<6656xi32, #tpu.memory_space<vmem>>
        %dma_start3A_141 = tpu.memref_slice %arg2[%run_scoped3A_138, %mul3A_4] : memref<2x320000xi32, #tpu.memory_space<hbm>> -> memref<1x6656xi32, #tpu.memory_space<hbm>>
        %dma_start3A_142 = tpu.memref_squeeze %dma_start3A_141 : memref<1x6656xi32, #tpu.memory_space<hbm>> -> memref<6656xi32, #tpu.memory_space<hbm>>
        %dma_start3A_143 = arith.constant 0 : i32
        %dma_start3A_144 = tpu.memref_slice %arg6[%dma_start3A_143] : memref<10240xi32, #tpu.memory_space<vmem>> -> memref<6656xi32, #tpu.memory_space<vmem>>
        %dma_start3A_145 = tpu.memref_slice %arg2[%run_scoped3A_138, %mul3A_4] : memref<2x320000xi32, #tpu.memory_space<hbm>> -> memref<1x6656xi32, #tpu.memory_space<hbm>>
        %dma_start3A_146 = tpu.memref_squeeze %dma_start3A_145 : memref<1x6656xi32, #tpu.memory_space<hbm>> -> memref<6656xi32, #tpu.memory_space<hbm>>
        tpu.enqueue_dma source(%dma_start3A_146 : memref<6656xi32, #tpu.memory_space<hbm>>) target(%dma_start3A_144 : memref<6656xi32, #tpu.memory_space<vmem>>) target_semaphore(%run_scoped3A_139 : memref<!tpu.dma_semaphore, #tpu.memory_space<semaphore_mem>>)
        %dma_wait3A = arith.constant 0 : i32
        %dma_wait3A_147 = tpu.memref_slice %arg6[%dma_wait3A] : memref<10240xi32, #tpu.memory_space<vmem>> -> memref<6656xi32, #tpu.memory_space<vmem>>
        %dma_wait3A_148 = tpu.memref_slice %arg2[%run_scoped3A_138, %mul3A_4] : memref<2x320000xi32, #tpu.memory_space<hbm>> -> memref<1x6656xi32, #tpu.memory_space<hbm>>
        %dma_wait3A_149 = tpu.memref_squeeze %dma_wait3A_148 : memref<1x6656xi32, #tpu.memory_space<hbm>> -> memref<6656xi32, #tpu.memory_space<hbm>>
        %dma_wait3A_150 = arith.constant 0 : i32
        %dma_wait3A_151 = tpu.memref_slice %arg6[%dma_wait3A_150] : memref<10240xi32, #tpu.memory_space<vmem>> -> memref<6656xi32, #tpu.memory_space<vmem>>
        %dma_wait3A_152 = tpu.memref_slice %arg2[%run_scoped3A_138, %mul3A_4] : memref<2x320000xi32, #tpu.memory_space<hbm>> -> memref<1x6656xi32, #tpu.memory_space<hbm>>
        %dma_wait3A_153 = tpu.memref_squeeze %dma_wait3A_152 : memref<1x6656xi32, #tpu.memory_space<hbm>> -> memref<6656xi32, #tpu.memory_space<hbm>>
        tpu.wait_dma2 semaphore(%run_scoped3A_139 : memref<!tpu.dma_semaphore, #tpu.memory_space<semaphore_mem>>) src(%dma_wait3A_153 : memref<6656xi32, #tpu.memory_space<hbm>>) dst(%dma_wait3A_151 : memref<6656xi32, #tpu.memory_space<vmem>>)
        tpu.yield
      }) : () -> ()
    } else {
    }
    %broadcast_in_dim3A = arith.constant 1.000000e+00 : f32
    %broadcast_in_dim3A_21 = vector.broadcast %broadcast_in_dim3A : f32 to vector<16xf32>
    %swap3A = arith.constant 0 : index
    %swap3A_22 = tpu.vector_load %arg9[%swap3A] {strides = array<i32>} : memref<128xf32, #tpu.memory_space<vmem>>, vector<16xf32>,
    %swap3A_23 = vector.shape_cast %swap3A_22 : vector<16xf32> to vector<16xf32>
    %swap3A_24 = vector.shape_cast %broadcast_in_dim3A_21 : vector<16xf32> to vector<16xf32>
    tpu.vector_store %arg9[%swap3A], %swap3A_24 {strides = array<i32>} : memref<128xf32, #tpu.memory_space<vmem>>, vector<16xf32>,
    %broadcast_in_dim3A_25 = arith.constant 1.000000e+00 : f32
    %broadcast_in_dim3A_26 = vector.broadcast %broadcast_in_dim3A_25 : f32 to vector<16xf32>
    %swap3A_27 = arith.constant 16 : index
    %swap3A_28 = tpu.vector_load %arg9[%swap3A_27] {strides = array<i32>} : memref<128xf32, #tpu.memory_space<vmem>>, vector<16xf32>,
    %swap3A_29 = vector.shape_cast %swap3A_28 : vector<16xf32> to vector<16xf32>
    %swap3A_30 = vector.shape_cast %broadcast_in_dim3A_26 : vector<16xf32> to vector<16xf32>
    tpu.vector_store %arg9[%swap3A_27], %swap3A_30 {strides = array<i32>} : memref<128xf32, #tpu.memory_space<vmem>>, vector<16xf32>,
    %broadcast_in_dim3A_31 = arith.constant 1.000000e+00 : f32
    %broadcast_in_dim3A_32 = vector.broadcast %broadcast_in_dim3A_31 : f32 to vector<16xf32>
    %swap3A_33 = arith.constant 32 : index
    %swap3A_34 = tpu.vector_load %arg9[%swap3A_33] {strides = array<i32>} : memref<128xf32, #tpu.memory_space<vmem>>, vector<16xf32>,
    %swap3A_35 = vector.shape_cast %swap3A_34 : vector<16xf32> to vector<16xf32>
    %swap3A_36 = vector.shape_cast %broadcast_in_dim3A_32 : vector<16xf32> to vector<16xf32>
    tpu.vector_store %arg9[%swap3A_33], %swap3A_36 {strides = array<i32>} : memref<128xf32, #tpu.memory_space<vmem>>, vector<16xf32>,
    %broadcast_in_dim3A_37 = arith.constant 1.000000e+00 : f32
    %broadcast_in_dim3A_38 = vector.broadcast %broadcast_in_dim3A_37 : f32 to vector<16xf32>
    %swap3A_39 = arith.constant 48 : index
    %swap3A_40 = tpu.vector_load %arg9[%swap3A_39] {strides = array<i32>} : memref<128xf32, #tpu.memory_space<vmem>>, vector<16xf32>,
    %swap3A_41 = vector.shape_cast %swap3A_40 : vector<16xf32> to vector<16xf32>
    %swap3A_42 = vector.shape_cast %broadcast_in_dim3A_38 : vector<16xf32> to vector<16xf32>
    tpu.vector_store %arg9[%swap3A_39], %swap3A_42 {strides = array<i32>} : memref<128xf32, #tpu.memory_space<vmem>>, vector<16xf32>,
    %broadcast_in_dim3A_43 = arith.constant 1.000000e+00 : f32
    %broadcast_in_dim3A_44 = vector.broadcast %broadcast_in_dim3A_43 : f32 to vector<16xf32>
    %swap3A_45 = arith.constant 64 : index
    %swap3A_46 = tpu.vector_load %arg9[%swap3A_45] {strides = array<i32>} : memref<128xf32, #tpu.memory_space<vmem>>, vector<16xf32>,
    %swap3A_47 = vector.shape_cast %swap3A_46 : vector<16xf32> to vector<16xf32>
    %swap3A_48 = vector.shape_cast %broadcast_in_dim3A_44 : vector<16xf32> to vector<16xf32>
    tpu.vector_store %arg9[%swap3A_45], %swap3A_48 {strides = array<i32>} : memref<128xf32, #tpu.memory_space<vmem>>, vector<16xf32>,
    %broadcast_in_dim3A_49 = arith.constant 1.000000e+00 : f32
    %broadcast_in_dim3A_50 = vector.broadcast %broadcast_in_dim3A_49 : f32 to vector<16xf32>
    %swap3A_51 = arith.constant 80 : index
    %swap3A_52 = tpu.vector_load %arg9[%swap3A_51] {strides = array<i32>} : memref<128xf32, #tpu.memory_space<vmem>>, vector<16xf32>,
    %swap3A_53 = vector.shape_cast %swap3A_52 : vector<16xf32> to vector<16xf32>
    %swap3A_54 = vector.shape_cast %broadcast_in_dim3A_50 : vector<16xf32> to vector<16xf32>
    tpu.vector_store %arg9[%swap3A_51], %swap3A_54 {strides = array<i32>} : memref<128xf32, #tpu.memory_space<vmem>>, vector<16xf32>,
    %broadcast_in_dim3A_55 = arith.constant 1.000000e+00 : f32
    %broadcast_in_dim3A_56 = vector.broadcast %broadcast_in_dim3A_55 : f32 to vector<16xf32>
    %swap3A_57 = arith.constant 96 : index
    %swap3A_58 = tpu.vector_load %arg9[%swap3A_57] {strides = array<i32>} : memref<128xf32, #tpu.memory_space<vmem>>, vector<16xf32>,
    %swap3A_59 = vector.shape_cast %swap3A_58 : vector<16xf32> to vector<16xf32>
    %swap3A_60 = vector.shape_cast %broadcast_in_dim3A_56 : vector<16xf32> to vector<16xf32>
    tpu.vector_store %arg9[%swap3A_57], %swap3A_60 {strides = array<i32>} : memref<128xf32, #tpu.memory_space<vmem>>, vector<16xf32>,
    %broadcast_in_dim3A_61 = arith.constant 1.000000e+00 : f32
    %broadcast_in_dim3A_62 = vector.broadcast %broadcast_in_dim3A_61 : f32 to vector<16xf32>
    %swap3A_63 = arith.constant 112 : index
    %swap3A_64 = tpu.vector_load %arg9[%swap3A_63] {strides = array<i32>} : memref<128xf32, #tpu.memory_space<vmem>>, vector<16xf32>,
    %swap3A_65 = vector.shape_cast %swap3A_64 : vector<16xf32> to vector<16xf32>
    %swap3A_66 = vector.shape_cast %broadcast_in_dim3A_62 : vector<16xf32> to vector<16xf32>
    tpu.vector_store %arg9[%swap3A_63], %swap3A_66 {strides = array<i32>} : memref<128xf32, #tpu.memory_space<vmem>>, vector<16xf32>,
    %scan3A = arith.constant 0 : i32
    %scan3A_67 = arith.constant 0 : i32
    %scan3A_68 = arith.constant 40 : i32
    %scan3A_69 = arith.addi %scan3A_67, %scan3A_68 : i32
    %scan3A_70 = arith.constant 1 : i32
    scf.for %scan3A_138 = %scan3A_67 to %scan3A_69 step %scan3A_70  : i32 {
      %broadcast_in_dim3A_139 = arith.constant 0.000000e+00 : f32
      %broadcast_in_dim3A_140 = vector.broadcast %broadcast_in_dim3A_139 : f32 to vector<16xf32>
      %mul3A_141 = arith.constant 16 : i32
      %mul3A_142 = arith.muli %scan3A_138, %mul3A_141 : i32
      %swap3A_143 = arith.index_cast %mul3A_142 : i32 to index
      %swap3A_144 = tpu.vector_load %arg10[%swap3A_143] {strides = array<i32>} : memref<640xf32, #tpu.memory_space<vmem>>, vector<16xf32>,
      %swap3A_145 = vector.shape_cast %swap3A_144 : vector<16xf32> to vector<16xf32>
      %swap3A_146 = vector.shape_cast %broadcast_in_dim3A_140 : vector<16xf32> to vector<16xf32>
      tpu.vector_store %arg10[%swap3A_143], %swap3A_146 {strides = array<i32>} : memref<640xf32, #tpu.memory_space<vmem>>, vector<16xf32>,
    }
    %scan3A_71 = arith.constant 40 : i32
    %mul3A_72 = arith.constant 640 : i32
    %mul3A_73 = arith.muli %arg1, %mul3A_72 : i32
    "tpu.region"() ({
      %run_scoped3A = tpu.sem_alloc : memref<!tpu.dma_semaphore, #tpu.memory_space<semaphore_mem>>
      %dma_start3A = tpu.memref_slice %arg11[%mul3A_73] : memref<10240xf32, #tpu.memory_space<vmem_shared>> -> memref<640xf32, #tpu.memory_space<vmem_shared>>
      %dma_start3A_138 = tpu.memref_slice %arg11[%mul3A_73] : memref<10240xf32, #tpu.memory_space<vmem_shared>> -> memref<640xf32, #tpu.memory_space<vmem_shared>>
      tpu.enqueue_dma source(%arg10 : memref<640xf32, #tpu.memory_space<vmem>>) target(%dma_start3A_138 : memref<640xf32, #tpu.memory_space<vmem_shared>>) target_semaphore(%run_scoped3A : memref<!tpu.dma_semaphore, #tpu.memory_space<semaphore_mem>>)
      %dma_wait3A = tpu.memref_slice %arg11[%mul3A_73] : memref<10240xf32, #tpu.memory_space<vmem_shared>> -> memref<640xf32, #tpu.memory_space<vmem_shared>>
      %dma_wait3A_139 = tpu.memref_slice %arg11[%mul3A_73] : memref<10240xf32, #tpu.memory_space<vmem_shared>> -> memref<640xf32, #tpu.memory_space<vmem_shared>>
      tpu.wait_dma2 semaphore(%run_scoped3A : memref<!tpu.dma_semaphore, #tpu.memory_space<semaphore_mem>>) src(%arg10 : memref<640xf32, #tpu.memory_space<vmem>>) dst(%dma_wait3A_139 : memref<640xf32, #tpu.memory_space<vmem_shared>>)
      tpu.yield
    }) : () -> ()
    %eq3A_74 = arith.constant 15 : i32
    %eq3A_75 = arith.cmpi eq, %arg1, %eq3A_74 : i32
    %mul3A_76 = arith.constant 4 : i32
    %mul3A_77 = arith.muli %mul3A_76, %arg0 : i32
    %add3A_78 = arith.constant 48 : i32
    %add3A_79 = arith.addi %add3A_78, %mul3A_77 : i32
    %jit3A = arith.constant 80 : i32
    %select_n3A = arith.select %eq3A_75, %add3A_79, %jit3A : i32
    %while3A = arith.constant 0 : i32
    %while3A_80 = arith.constant 0 : i32
    %while3A_81 = arith.subi %select_n3A, %while3A_80 : i32
    %while3A_82 = arith.addi %while3A_80, %while3A_81 : i32
    %while3A_83 = arith.constant 1 : i32
    %while3A_84 = arith.divsi %while3A_81, %while3A_83 : i32
    %while3A_85 = arith.muli %while3A_84, %while3A_83 : i32
    %while3A_86 = arith.addi %while3A_80, %while3A_85 : i32
    %while3A_87 = arith.constant 1 : i32
    scf.for %while3A_138 = %while3A_80 to %while3A_86 step %while3A_87  : i32 {
      %mul3A_139 = arith.constant 128 : i32
      %mul3A_140 = arith.muli %while3A_138, %mul3A_139 : i32
      %add3A_141 = arith.constant 0 : i32
      %add3A_142 = arith.addi %mul3A_140, %add3A_141 : i32
      %get3A = arith.index_cast %add3A_142 : i32 to index
      %get3A_143 = tpu.vector_load %arg5[%get3A] {strides = array<i32>} : memref<10240xi32, #tpu.memory_space<vmem>>, vector<16xi32>,
      %get3A_144 = vector.shape_cast %get3A_143 : vector<16xi32> to vector<16xi32>
      %mul3A_145 = arith.constant 128 : i32
      %mul3A_146 = arith.muli %while3A_138, %mul3A_145 : i32
      %add3A_147 = arith.constant 0 : i32
      %add3A_148 = arith.addi %mul3A_146, %add3A_147 : i32
      %get3A_149 = arith.index_cast %add3A_148 : i32 to index
      %get3A_150 = tpu.vector_load %arg6[%get3A_149] {strides = array<i32>} : memref<10240xi32, #tpu.memory_space<vmem>>, vector<16xi32>,
      %get3A_151 = vector.shape_cast %get3A_150 : vector<16xi32> to vector<16xi32>
      %shift_left3A = arith.constant 16 : i32
      %shift_left3A_152 = vector.broadcast %shift_left3A : i32 to vector<16xi32>
      %shift_left3A_153 = arith.shli %get3A_151, %shift_left3A_152 : vector<16xi32>
      %or3A = arith.ori %get3A_144, %shift_left3A_153 : vector<16xi32>
      %swap3A_154 = arith.index_cast %while3A_138 : i32 to index
      %swap3A_155 = arith.constant 0 : index
      %swap3A_156 = tpu.vector_load %arg7[%swap3A_154, %swap3A_155] {strides = array<i32>} : memref<80x128xi32, #tpu.memory_space<vmem>>, vector<1x16xi32>,
      %swap3A_157 = vector.shape_cast %swap3A_156 : vector<1x16xi32> to vector<16xi32>
      %swap3A_158 = vector.shape_cast %or3A : vector<16xi32> to vector<1x16xi32>
      tpu.vector_store %arg7[%swap3A_154, %swap3A_155], %swap3A_158 {strides = array<i32>} : memref<80x128xi32, #tpu.memory_space<vmem>>, vector<1x16xi32>,
      %swap3A_159 = arith.index_cast %while3A_138 : i32 to index
      %swap3A_160 = arith.constant 0 : index
      %swap3A_161 = tpu.vector_load %arg8[%swap3A_159, %swap3A_160] {strides = array<i32>} : memref<80x128xi32, #tpu.memory_space<vmem>>, vector<1x16xi32>,
      %swap3A_162 = vector.shape_cast %swap3A_161 : vector<1x16xi32> to vector<16xi32>
      %swap3A_163 = vector.shape_cast %get3A_151 : vector<16xi32> to vector<1x16xi32>
      tpu.vector_store %arg8[%swap3A_159, %swap3A_160], %swap3A_163 {strides = array<i32>} : memref<80x128xi32, #tpu.memory_space<vmem>>, vector<1x16xi32>,
      %mul3A_164 = arith.constant 128 : i32
      %mul3A_165 = arith.muli %while3A_138, %mul3A_164 : i32
      %add3A_166 = arith.constant 16 : i32
      %add3A_167 = arith.addi %mul3A_165, %add3A_166 : i32
      %get3A_168 = arith.index_cast %add3A_167 : i32 to index
      %get3A_169 = tpu.vector_load %arg5[%get3A_168] {strides = array<i32>} : memref<10240xi32, #tpu.memory_space<vmem>>, vector<16xi32>,
      %get3A_170 = vector.shape_cast %get3A_169 : vector<16xi32> to vector<16xi32>
      %mul3A_171 = arith.constant 128 : i32
      %mul3A_172 = arith.muli %while3A_138, %mul3A_171 : i32
      %add3A_173 = arith.constant 16 : i32
      %add3A_174 = arith.addi %mul3A_172, %add3A_173 : i32
      %get3A_175 = arith.index_cast %add3A_174 : i32 to index
      %get3A_176 = tpu.vector_load %arg6[%get3A_175] {strides = array<i32>} : memref<10240xi32, #tpu.memory_space<vmem>>, vector<16xi32>,
      %get3A_177 = vector.shape_cast %get3A_176 : vector<16xi32> to vector<16xi32>
      %shift_left3A_178 = arith.constant 16 : i32
      %shift_left3A_179 = vector.broadcast %shift_left3A_178 : i32 to vector<16xi32>
      %shift_left3A_180 = arith.shli %get3A_177, %shift_left3A_179 : vector<16xi32>
      %or3A_181 = arith.ori %get3A_170, %shift_left3A_180 : vector<16xi32>
      %swap3A_182 = arith.index_cast %while3A_138 : i32 to index
      %swap3A_183 = arith.constant 16 : index
      %swap3A_184 = tpu.vector_load %arg7[%swap3A_182, %swap3A_183] {strides = array<i32>} : memref<80x128xi32, #tpu.memory_space<vmem>>, vector<1x16xi32>,
      %swap3A_185 = vector.shape_cast %swap3A_184 : vector<1x16xi32> to vector<16xi32>
      %swap3A_186 = vector.shape_cast %or3A_181 : vector<16xi32> to vector<1x16xi32>
      tpu.vector_store %arg7[%swap3A_182, %swap3A_183], %swap3A_186 {strides = array<i32>} : memref<80x128xi32, #tpu.memory_space<vmem>>, vector<1x16xi32>,
      %swap3A_187 = arith.index_cast %while3A_138 : i32 to index
      %swap3A_188 = arith.constant 16 : index
      %swap3A_189 = tpu.vector_load %arg8[%swap3A_187, %swap3A_188] {strides = array<i32>} : memref<80x128xi32, #tpu.memory_space<vmem>>, vector<1x16xi32>,
      %swap3A_190 = vector.shape_cast %swap3A_189 : vector<1x16xi32> to vector<16xi32>
      %swap3A_191 = vector.shape_cast %get3A_177 : vector<16xi32> to vector<1x16xi32>
      tpu.vector_store %arg8[%swap3A_187, %swap3A_188], %swap3A_191 {strides = array<i32>} : memref<80x128xi32, #tpu.memory_space<vmem>>, vector<1x16xi32>,
      %mul3A_192 = arith.constant 128 : i32
      %mul3A_193 = arith.muli %while3A_138, %mul3A_192 : i32
      %add3A_194 = arith.constant 32 : i32
      %add3A_195 = arith.addi %mul3A_193, %add3A_194 : i32
      %get3A_196 = arith.index_cast %add3A_195 : i32 to index
      %get3A_197 = tpu.vector_load %arg5[%get3A_196] {strides = array<i32>} : memref<10240xi32, #tpu.memory_space<vmem>>, vector<16xi32>,
      %get3A_198 = vector.shape_cast %get3A_197 : vector<16xi32> to vector<16xi32>
      %mul3A_199 = arith.constant 128 : i32
      %mul3A_200 = arith.muli %while3A_138, %mul3A_199 : i32
      %add3A_201 = arith.constant 32 : i32
      %add3A_202 = arith.addi %mul3A_200, %add3A_201 : i32
      %get3A_203 = arith.index_cast %add3A_202 : i32 to index
      %get3A_204 = tpu.vector_load %arg6[%get3A_203] {strides = array<i32>} : memref<10240xi32, #tpu.memory_space<vmem>>, vector<16xi32>,
      %get3A_205 = vector.shape_cast %get3A_204 : vector<16xi32> to vector<16xi32>
      %shift_left3A_206 = arith.constant 16 : i32
      %shift_left3A_207 = vector.broadcast %shift_left3A_206 : i32 to vector<16xi32>
      %shift_left3A_208 = arith.shli %get3A_205, %shift_left3A_207 : vector<16xi32>
      %or3A_209 = arith.ori %get3A_198, %shift_left3A_208 : vector<16xi32>
      %swap3A_210 = arith.index_cast %while3A_138 : i32 to index
      %swap3A_211 = arith.constant 32 : index
      %swap3A_212 = tpu.vector_load %arg7[%swap3A_210, %swap3A_211] {strides = array<i32>} : memref<80x128xi32, #tpu.memory_space<vmem>>, vector<1x16xi32>,
      %swap3A_213 = vector.shape_cast %swap3A_212 : vector<1x16xi32> to vector<16xi32>
      %swap3A_214 = vector.shape_cast %or3A_209 : vector<16xi32> to vector<1x16xi32>
      tpu.vector_store %arg7[%swap3A_210, %swap3A_211], %swap3A_214 {strides = array<i32>} : memref<80x128xi32, #tpu.memory_space<vmem>>, vector<1x16xi32>,
      %swap3A_215 = arith.index_cast %while3A_138 : i32 to index
      %swap3A_216 = arith.constant 32 : index
      %swap3A_217 = tpu.vector_load %arg8[%swap3A_215, %swap3A_216] {strides = array<i32>} : memref<80x128xi32, #tpu.memory_space<vmem>>, vector<1x16xi32>,
      %swap3A_218 = vector.shape_cast %swap3A_217 : vector<1x16xi32> to vector<16xi32>
      %swap3A_219 = vector.shape_cast %get3A_205 : vector<16xi32> to vector<1x16xi32>
      tpu.vector_store %arg8[%swap3A_215, %swap3A_216], %swap3A_219 {strides = array<i32>} : memref<80x128xi32, #tpu.memory_space<vmem>>, vector<1x16xi32>,
      %mul3A_220 = arith.constant 128 : i32
      %mul3A_221 = arith.muli %while3A_138, %mul3A_220 : i32
      %add3A_222 = arith.constant 48 : i32
      %add3A_223 = arith.addi %mul3A_221, %add3A_222 : i32
      %get3A_224 = arith.index_cast %add3A_223 : i32 to index
      %get3A_225 = tpu.vector_load %arg5[%get3A_224] {strides = array<i32>} : memref<10240xi32, #tpu.memory_space<vmem>>, vector<16xi32>,
      %get3A_226 = vector.shape_cast %get3A_225 : vector<16xi32> to vector<16xi32>
      %mul3A_227 = arith.constant 128 : i32
      %mul3A_228 = arith.muli %while3A_138, %mul3A_227 : i32
      %add3A_229 = arith.constant 48 : i32
      %add3A_230 = arith.addi %mul3A_228, %add3A_229 : i32
      %get3A_231 = arith.index_cast %add3A_230 : i32 to index
      %get3A_232 = tpu.vector_load %arg6[%get3A_231] {strides = array<i32>} : memref<10240xi32, #tpu.memory_space<vmem>>, vector<16xi32>,
      %get3A_233 = vector.shape_cast %get3A_232 : vector<16xi32> to vector<16xi32>
      %shift_left3A_234 = arith.constant 16 : i32
      %shift_left3A_235 = vector.broadcast %shift_left3A_234 : i32 to vector<16xi32>
      %shift_left3A_236 = arith.shli %get3A_233, %shift_left3A_235 : vector<16xi32>
      %or3A_237 = arith.ori %get3A_226, %shift_left3A_236 : vector<16xi32>
      %swap3A_238 = arith.index_cast %while3A_138 : i32 to index
      %swap3A_239 = arith.constant 48 : index
      %swap3A_240 = tpu.vector_load %arg7[%swap3A_238, %swap3A_239] {strides = array<i32>} : memref<80x128xi32, #tpu.memory_space<vmem>>, vector<1x16xi32>,
      %swap3A_241 = vector.shape_cast %swap3A_240 : vector<1x16xi32> to vector<16xi32>
      %swap3A_242 = vector.shape_cast %or3A_237 : vector<16xi32> to vector<1x16xi32>
      tpu.vector_store %arg7[%swap3A_238, %swap3A_239], %swap3A_242 {strides = array<i32>} : memref<80x128xi32, #tpu.memory_space<vmem>>, vector<1x16xi32>,
      %swap3A_243 = arith.index_cast %while3A_138 : i32 to index
      %swap3A_244 = arith.constant 48 : index
      %swap3A_245 = tpu.vector_load %arg8[%swap3A_243, %swap3A_244] {strides = array<i32>} : memref<80x128xi32, #tpu.memory_space<vmem>>, vector<1x16xi32>,
      %swap3A_246 = vector.shape_cast %swap3A_245 : vector<1x16xi32> to vector<16xi32>
      %swap3A_247 = vector.shape_cast %get3A_233 : vector<16xi32> to vector<1x16xi32>
      tpu.vector_store %arg8[%swap3A_243, %swap3A_244], %swap3A_247 {strides = array<i32>} : memref<80x128xi32, #tpu.memory_space<vmem>>, vector<1x16xi32>,
      %mul3A_248 = arith.constant 128 : i32
      %mul3A_249 = arith.muli %while3A_138, %mul3A_248 : i32
      %add3A_250 = arith.constant 64 : i32
      %add3A_251 = arith.addi %mul3A_249, %add3A_250 : i32
      %get3A_252 = arith.index_cast %add3A_251 : i32 to index
      %get3A_253 = tpu.vector_load %arg5[%get3A_252] {strides = array<i32>} : memref<10240xi32, #tpu.memory_space<vmem>>, vector<16xi32>,
      %get3A_254 = vector.shape_cast %get3A_253 : vector<16xi32> to vector<16xi32>
      %mul3A_255 = arith.constant 128 : i32
      %mul3A_256 = arith.muli %while3A_138, %mul3A_255 : i32
      %add3A_257 = arith.constant 64 : i32
      %add3A_258 = arith.addi %mul3A_256, %add3A_257 : i32
      %get3A_259 = arith.index_cast %add3A_258 : i32 to index
      %get3A_260 = tpu.vector_load %arg6[%get3A_259] {strides = array<i32>} : memref<10240xi32, #tpu.memory_space<vmem>>, vector<16xi32>,
      %get3A_261 = vector.shape_cast %get3A_260 : vector<16xi32> to vector<16xi32>
      %shift_left3A_262 = arith.constant 16 : i32
      %shift_left3A_263 = vector.broadcast %shift_left3A_262 : i32 to vector<16xi32>
      %shift_left3A_264 = arith.shli %get3A_261, %shift_left3A_263 : vector<16xi32>
      %or3A_265 = arith.ori %get3A_254, %shift_left3A_264 : vector<16xi32>
      %swap3A_266 = arith.index_cast %while3A_138 : i32 to index
      %swap3A_267 = arith.constant 64 : index
      %swap3A_268 = tpu.vector_load %arg7[%swap3A_266, %swap3A_267] {strides = array<i32>} : memref<80x128xi32, #tpu.memory_space<vmem>>, vector<1x16xi32>,
      %swap3A_269 = vector.shape_cast %swap3A_268 : vector<1x16xi32> to vector<16xi32>
      %swap3A_270 = vector.shape_cast %or3A_265 : vector<16xi32> to vector<1x16xi32>
      tpu.vector_store %arg7[%swap3A_266, %swap3A_267], %swap3A_270 {strides = array<i32>} : memref<80x128xi32, #tpu.memory_space<vmem>>, vector<1x16xi32>,
      %swap3A_271 = arith.index_cast %while3A_138 : i32 to index
      %swap3A_272 = arith.constant 64 : index
      %swap3A_273 = tpu.vector_load %arg8[%swap3A_271, %swap3A_272] {strides = array<i32>} : memref<80x128xi32, #tpu.memory_space<vmem>>, vector<1x16xi32>,
      %swap3A_274 = vector.shape_cast %swap3A_273 : vector<1x16xi32> to vector<16xi32>
      %swap3A_275 = vector.shape_cast %get3A_261 : vector<16xi32> to vector<1x16xi32>
      tpu.vector_store %arg8[%swap3A_271, %swap3A_272], %swap3A_275 {strides = array<i32>} : memref<80x128xi32, #tpu.memory_space<vmem>>, vector<1x16xi32>,
      %mul3A_276 = arith.constant 128 : i32
      %mul3A_277 = arith.muli %while3A_138, %mul3A_276 : i32
      %add3A_278 = arith.constant 80 : i32
      %add3A_279 = arith.addi %mul3A_277, %add3A_278 : i32
      %get3A_280 = arith.index_cast %add3A_279 : i32 to index
      %get3A_281 = tpu.vector_load %arg5[%get3A_280] {strides = array<i32>} : memref<10240xi32, #tpu.memory_space<vmem>>, vector<16xi32>,
      %get3A_282 = vector.shape_cast %get3A_281 : vector<16xi32> to vector<16xi32>
      %mul3A_283 = arith.constant 128 : i32
      %mul3A_284 = arith.muli %while3A_138, %mul3A_283 : i32
      %add3A_285 = arith.constant 80 : i32
      %add3A_286 = arith.addi %mul3A_284, %add3A_285 : i32
      %get3A_287 = arith.index_cast %add3A_286 : i32 to index
      %get3A_288 = tpu.vector_load %arg6[%get3A_287] {strides = array<i32>} : memref<10240xi32, #tpu.memory_space<vmem>>, vector<16xi32>,
      %get3A_289 = vector.shape_cast %get3A_288 : vector<16xi32> to vector<16xi32>
      %shift_left3A_290 = arith.constant 16 : i32
      %shift_left3A_291 = vector.broadcast %shift_left3A_290 : i32 to vector<16xi32>
      %shift_left3A_292 = arith.shli %get3A_289, %shift_left3A_291 : vector<16xi32>
      %or3A_293 = arith.ori %get3A_282, %shift_left3A_292 : vector<16xi32>
      %swap3A_294 = arith.index_cast %while3A_138 : i32 to index
      %swap3A_295 = arith.constant 80 : index
      %swap3A_296 = tpu.vector_load %arg7[%swap3A_294, %swap3A_295] {strides = array<i32>} : memref<80x128xi32, #tpu.memory_space<vmem>>, vector<1x16xi32>,
      %swap3A_297 = vector.shape_cast %swap3A_296 : vector<1x16xi32> to vector<16xi32>
      %swap3A_298 = vector.shape_cast %or3A_293 : vector<16xi32> to vector<1x16xi32>
      tpu.vector_store %arg7[%swap3A_294, %swap3A_295], %swap3A_298 {strides = array<i32>} : memref<80x128xi32, #tpu.memory_space<vmem>>, vector<1x16xi32>,
      %swap3A_299 = arith.index_cast %while3A_138 : i32 to index
      %swap3A_300 = arith.constant 80 : index
      %swap3A_301 = tpu.vector_load %arg8[%swap3A_299, %swap3A_300] {strides = array<i32>} : memref<80x128xi32, #tpu.memory_space<vmem>>, vector<1x16xi32>,
      %swap3A_302 = vector.shape_cast %swap3A_301 : vector<1x16xi32> to vector<16xi32>
      %swap3A_303 = vector.shape_cast %get3A_289 : vector<16xi32> to vector<1x16xi32>
      tpu.vector_store %arg8[%swap3A_299, %swap3A_300], %swap3A_303 {strides = array<i32>} : memref<80x128xi32, #tpu.memory_space<vmem>>, vector<1x16xi32>,
      %mul3A_304 = arith.constant 128 : i32
      %mul3A_305 = arith.muli %while3A_138, %mul3A_304 : i32
      %add3A_306 = arith.constant 96 : i32
      %add3A_307 = arith.addi %mul3A_305, %add3A_306 : i32
      %get3A_308 = arith.index_cast %add3A_307 : i32 to index
      %get3A_309 = tpu.vector_load %arg5[%get3A_308] {strides = array<i32>} : memref<10240xi32, #tpu.memory_space<vmem>>, vector<16xi32>,
      %get3A_310 = vector.shape_cast %get3A_309 : vector<16xi32> to vector<16xi32>
      %mul3A_311 = arith.constant 128 : i32
      %mul3A_312 = arith.muli %while3A_138, %mul3A_311 : i32
      %add3A_313 = arith.constant 96 : i32
      %add3A_314 = arith.addi %mul3A_312, %add3A_313 : i32
      %get3A_315 = arith.index_cast %add3A_314 : i32 to index
      %get3A_316 = tpu.vector_load %arg6[%get3A_315] {strides = array<i32>} : memref<10240xi32, #tpu.memory_space<vmem>>, vector<16xi32>,
      %get3A_317 = vector.shape_cast %get3A_316 : vector<16xi32> to vector<16xi32>
      %shift_left3A_318 = arith.constant 16 : i32
      %shift_left3A_319 = vector.broadcast %shift_left3A_318 : i32 to vector<16xi32>
      %shift_left3A_320 = arith.shli %get3A_317, %shift_left3A_319 : vector<16xi32>
      %or3A_321 = arith.ori %get3A_310, %shift_left3A_320 : vector<16xi32>
      %swap3A_322 = arith.index_cast %while3A_138 : i32 to index
      %swap3A_323 = arith.constant 96 : index
      %swap3A_324 = tpu.vector_load %arg7[%swap3A_322, %swap3A_323] {strides = array<i32>} : memref<80x128xi32, #tpu.memory_space<vmem>>, vector<1x16xi32>,
      %swap3A_325 = vector.shape_cast %swap3A_324 : vector<1x16xi32> to vector<16xi32>
      %swap3A_326 = vector.shape_cast %or3A_321 : vector<16xi32> to vector<1x16xi32>
      tpu.vector_store %arg7[%swap3A_322, %swap3A_323], %swap3A_326 {strides = array<i32>} : memref<80x128xi32, #tpu.memory_space<vmem>>, vector<1x16xi32>,
      %swap3A_327 = arith.index_cast %while3A_138 : i32 to index
      %swap3A_328 = arith.constant 96 : index
      %swap3A_329 = tpu.vector_load %arg8[%swap3A_327, %swap3A_328] {strides = array<i32>} : memref<80x128xi32, #tpu.memory_space<vmem>>, vector<1x16xi32>,
      %swap3A_330 = vector.shape_cast %swap3A_329 : vector<1x16xi32> to vector<16xi32>
      %swap3A_331 = vector.shape_cast %get3A_317 : vector<16xi32> to vector<1x16xi32>
      tpu.vector_store %arg8[%swap3A_327, %swap3A_328], %swap3A_331 {strides = array<i32>} : memref<80x128xi32, #tpu.memory_space<vmem>>, vector<1x16xi32>,
      %mul3A_332 = arith.constant 128 : i32
      %mul3A_333 = arith.muli %while3A_138, %mul3A_332 : i32
      %add3A_334 = arith.constant 112 : i32
      %add3A_335 = arith.addi %mul3A_333, %add3A_334 : i32
      %get3A_336 = arith.index_cast %add3A_335 : i32 to index
      %get3A_337 = tpu.vector_load %arg5[%get3A_336] {strides = array<i32>} : memref<10240xi32, #tpu.memory_space<vmem>>, vector<16xi32>,
      %get3A_338 = vector.shape_cast %get3A_337 : vector<16xi32> to vector<16xi32>
      %mul3A_339 = arith.constant 128 : i32
      %mul3A_340 = arith.muli %while3A_138, %mul3A_339 : i32
      %add3A_341 = arith.constant 112 : i32
      %add3A_342 = arith.addi %mul3A_340, %add3A_341 : i32
      %get3A_343 = arith.index_cast %add3A_342 : i32 to index
      %get3A_344 = tpu.vector_load %arg6[%get3A_343] {strides = array<i32>} : memref<10240xi32, #tpu.memory_space<vmem>>, vector<16xi32>,
      %get3A_345 = vector.shape_cast %get3A_344 : vector<16xi32> to vector<16xi32>
      %shift_left3A_346 = arith.constant 16 : i32
      %shift_left3A_347 = vector.broadcast %shift_left3A_346 : i32 to vector<16xi32>
      %shift_left3A_348 = arith.shli %get3A_345, %shift_left3A_347 : vector<16xi32>
      %or3A_349 = arith.ori %get3A_338, %shift_left3A_348 : vector<16xi32>
      %swap3A_350 = arith.index_cast %while3A_138 : i32 to index
      %swap3A_351 = arith.constant 112 : index
      %swap3A_352 = tpu.vector_load %arg7[%swap3A_350, %swap3A_351] {strides = array<i32>} : memref<80x128xi32, #tpu.memory_space<vmem>>, vector<1x16xi32>,
      %swap3A_353 = vector.shape_cast %swap3A_352 : vector<1x16xi32> to vector<16xi32>
      %swap3A_354 = vector.shape_cast %or3A_349 : vector<16xi32> to vector<1x16xi32>
      tpu.vector_store %arg7[%swap3A_350, %swap3A_351], %swap3A_354 {strides = array<i32>} : memref<80x128xi32, #tpu.memory_space<vmem>>, vector<1x16xi32>,
      %swap3A_355 = arith.index_cast %while3A_138 : i32 to index
      %swap3A_356 = arith.constant 112 : index
      %swap3A_357 = tpu.vector_load %arg8[%swap3A_355, %swap3A_356] {strides = array<i32>} : memref<80x128xi32, #tpu.memory_space<vmem>>, vector<1x16xi32>,
      %swap3A_358 = vector.shape_cast %swap3A_357 : vector<1x16xi32> to vector<16xi32>
      %swap3A_359 = vector.shape_cast %get3A_345 : vector<16xi32> to vector<1x16xi32>
      tpu.vector_store %arg8[%swap3A_355, %swap3A_356], %swap3A_359 {strides = array<i32>} : memref<80x128xi32, #tpu.memory_space<vmem>>, vector<1x16xi32>,
    }
    %while3A_88 = arith.constant 1 : i32
    scf.for %while3A_138 = %while3A_86 to %while3A_82 step %while3A_88  : i32 {
      %mul3A_139 = arith.constant 128 : i32
      %mul3A_140 = arith.muli %while3A_138, %mul3A_139 : i32
      %add3A_141 = arith.constant 0 : i32
      %add3A_142 = arith.addi %mul3A_140, %add3A_141 : i32
      %get3A = arith.index_cast %add3A_142 : i32 to index
      %get3A_143 = tpu.vector_load %arg5[%get3A] {strides = array<i32>} : memref<10240xi32, #tpu.memory_space<vmem>>, vector<16xi32>,
      %get3A_144 = vector.shape_cast %get3A_143 : vector<16xi32> to vector<16xi32>
      %mul3A_145 = arith.constant 128 : i32
      %mul3A_146 = arith.muli %while3A_138, %mul3A_145 : i32
      %add3A_147 = arith.constant 0 : i32
      %add3A_148 = arith.addi %mul3A_146, %add3A_147 : i32
      %get3A_149 = arith.index_cast %add3A_148 : i32 to index
      %get3A_150 = tpu.vector_load %arg6[%get3A_149] {strides = array<i32>} : memref<10240xi32, #tpu.memory_space<vmem>>, vector<16xi32>,
      %get3A_151 = vector.shape_cast %get3A_150 : vector<16xi32> to vector<16xi32>
      %shift_left3A = arith.constant 16 : i32
      %shift_left3A_152 = vector.broadcast %shift_left3A : i32 to vector<16xi32>
      %shift_left3A_153 = arith.shli %get3A_151, %shift_left3A_152 : vector<16xi32>
      %or3A = arith.ori %get3A_144, %shift_left3A_153 : vector<16xi32>
      %swap3A_154 = arith.index_cast %while3A_138 : i32 to index
      %swap3A_155 = arith.constant 0 : index
      %swap3A_156 = tpu.vector_load %arg7[%swap3A_154, %swap3A_155] {strides = array<i32>} : memref<80x128xi32, #tpu.memory_space<vmem>>, vector<1x16xi32>,
      %swap3A_157 = vector.shape_cast %swap3A_156 : vector<1x16xi32> to vector<16xi32>
      %swap3A_158 = vector.shape_cast %or3A : vector<16xi32> to vector<1x16xi32>
      tpu.vector_store %arg7[%swap3A_154, %swap3A_155], %swap3A_158 {strides = array<i32>} : memref<80x128xi32, #tpu.memory_space<vmem>>, vector<1x16xi32>,
      %swap3A_159 = arith.index_cast %while3A_138 : i32 to index
      %swap3A_160 = arith.constant 0 : index
      %swap3A_161 = tpu.vector_load %arg8[%swap3A_159, %swap3A_160] {strides = array<i32>} : memref<80x128xi32, #tpu.memory_space<vmem>>, vector<1x16xi32>,
      %swap3A_162 = vector.shape_cast %swap3A_161 : vector<1x16xi32> to vector<16xi32>
      %swap3A_163 = vector.shape_cast %get3A_151 : vector<16xi32> to vector<1x16xi32>
      tpu.vector_store %arg8[%swap3A_159, %swap3A_160], %swap3A_163 {strides = array<i32>} : memref<80x128xi32, #tpu.memory_space<vmem>>, vector<1x16xi32>,
      %mul3A_164 = arith.constant 128 : i32
      %mul3A_165 = arith.muli %while3A_138, %mul3A_164 : i32
      %add3A_166 = arith.constant 16 : i32
      %add3A_167 = arith.addi %mul3A_165, %add3A_166 : i32
      %get3A_168 = arith.index_cast %add3A_167 : i32 to index
      %get3A_169 = tpu.vector_load %arg5[%get3A_168] {strides = array<i32>} : memref<10240xi32, #tpu.memory_space<vmem>>, vector<16xi32>,
      %get3A_170 = vector.shape_cast %get3A_169 : vector<16xi32> to vector<16xi32>
      %mul3A_171 = arith.constant 128 : i32
      %mul3A_172 = arith.muli %while3A_138, %mul3A_171 : i32
      %add3A_173 = arith.constant 16 : i32
      %add3A_174 = arith.addi %mul3A_172, %add3A_173 : i32
      %get3A_175 = arith.index_cast %add3A_174 : i32 to index
      %get3A_176 = tpu.vector_load %arg6[%get3A_175] {strides = array<i32>} : memref<10240xi32, #tpu.memory_space<vmem>>, vector<16xi32>,
      %get3A_177 = vector.shape_cast %get3A_176 : vector<16xi32> to vector<16xi32>
      %shift_left3A_178 = arith.constant 16 : i32
      %shift_left3A_179 = vector.broadcast %shift_left3A_178 : i32 to vector<16xi32>
      %shift_left3A_180 = arith.shli %get3A_177, %shift_left3A_179 : vector<16xi32>
      %or3A_181 = arith.ori %get3A_170, %shift_left3A_180 : vector<16xi32>
      %swap3A_182 = arith.index_cast %while3A_138 : i32 to index
      %swap3A_183 = arith.constant 16 : index
      %swap3A_184 = tpu.vector_load %arg7[%swap3A_182, %swap3A_183] {strides = array<i32>} : memref<80x128xi32, #tpu.memory_space<vmem>>, vector<1x16xi32>,
      %swap3A_185 = vector.shape_cast %swap3A_184 : vector<1x16xi32> to vector<16xi32>
      %swap3A_186 = vector.shape_cast %or3A_181 : vector<16xi32> to vector<1x16xi32>
      tpu.vector_store %arg7[%swap3A_182, %swap3A_183], %swap3A_186 {strides = array<i32>} : memref<80x128xi32, #tpu.memory_space<vmem>>, vector<1x16xi32>,
      %swap3A_187 = arith.index_cast %while3A_138 : i32 to index
      %swap3A_188 = arith.constant 16 : index
      %swap3A_189 = tpu.vector_load %arg8[%swap3A_187, %swap3A_188] {strides = array<i32>} : memref<80x128xi32, #tpu.memory_space<vmem>>, vector<1x16xi32>,
      %swap3A_190 = vector.shape_cast %swap3A_189 : vector<1x16xi32> to vector<16xi32>
      %swap3A_191 = vector.shape_cast %get3A_177 : vector<16xi32> to vector<1x16xi32>
      tpu.vector_store %arg8[%swap3A_187, %swap3A_188], %swap3A_191 {strides = array<i32>} : memref<80x128xi32, #tpu.memory_space<vmem>>, vector<1x16xi32>,
      %mul3A_192 = arith.constant 128 : i32
      %mul3A_193 = arith.muli %while3A_138, %mul3A_192 : i32
      %add3A_194 = arith.constant 32 : i32
      %add3A_195 = arith.addi %mul3A_193, %add3A_194 : i32
      %get3A_196 = arith.index_cast %add3A_195 : i32 to index
      %get3A_197 = tpu.vector_load %arg5[%get3A_196] {strides = array<i32>} : memref<10240xi32, #tpu.memory_space<vmem>>, vector<16xi32>,
      %get3A_198 = vector.shape_cast %get3A_197 : vector<16xi32> to vector<16xi32>
      %mul3A_199 = arith.constant 128 : i32
      %mul3A_200 = arith.muli %while3A_138, %mul3A_199 : i32
      %add3A_201 = arith.constant 32 : i32
      %add3A_202 = arith.addi %mul3A_200, %add3A_201 : i32
      %get3A_203 = arith.index_cast %add3A_202 : i32 to index
      %get3A_204 = tpu.vector_load %arg6[%get3A_203] {strides = array<i32>} : memref<10240xi32, #tpu.memory_space<vmem>>, vector<16xi32>,
      %get3A_205 = vector.shape_cast %get3A_204 : vector<16xi32> to vector<16xi32>
      %shift_left3A_206 = arith.constant 16 : i32
      %shift_left3A_207 = vector.broadcast %shift_left3A_206 : i32 to vector<16xi32>
      %shift_left3A_208 = arith.shli %get3A_205, %shift_left3A_207 : vector<16xi32>
      %or3A_209 = arith.ori %get3A_198, %shift_left3A_208 : vector<16xi32>
      %swap3A_210 = arith.index_cast %while3A_138 : i32 to index
      %swap3A_211 = arith.constant 32 : index
      %swap3A_212 = tpu.vector_load %arg7[%swap3A_210, %swap3A_211] {strides = array<i32>} : memref<80x128xi32, #tpu.memory_space<vmem>>, vector<1x16xi32>,
      %swap3A_213 = vector.shape_cast %swap3A_212 : vector<1x16xi32> to vector<16xi32>
      %swap3A_214 = vector.shape_cast %or3A_209 : vector<16xi32> to vector<1x16xi32>
      tpu.vector_store %arg7[%swap3A_210, %swap3A_211], %swap3A_214 {strides = array<i32>} : memref<80x128xi32, #tpu.memory_space<vmem>>, vector<1x16xi32>,
      %swap3A_215 = arith.index_cast %while3A_138 : i32 to index
      %swap3A_216 = arith.constant 32 : index
      %swap3A_217 = tpu.vector_load %arg8[%swap3A_215, %swap3A_216] {strides = array<i32>} : memref<80x128xi32, #tpu.memory_space<vmem>>, vector<1x16xi32>,
      %swap3A_218 = vector.shape_cast %swap3A_217 : vector<1x16xi32> to vector<16xi32>
      %swap3A_219 = vector.shape_cast %get3A_205 : vector<16xi32> to vector<1x16xi32>
      tpu.vector_store %arg8[%swap3A_215, %swap3A_216], %swap3A_219 {strides = array<i32>} : memref<80x128xi32, #tpu.memory_space<vmem>>, vector<1x16xi32>,
      %mul3A_220 = arith.constant 128 : i32
      %mul3A_221 = arith.muli %while3A_138, %mul3A_220 : i32
      %add3A_222 = arith.constant 48 : i32
      %add3A_223 = arith.addi %mul3A_221, %add3A_222 : i32
      %get3A_224 = arith.index_cast %add3A_223 : i32 to index
      %get3A_225 = tpu.vector_load %arg5[%get3A_224] {strides = array<i32>} : memref<10240xi32, #tpu.memory_space<vmem>>, vector<16xi32>,
      %get3A_226 = vector.shape_cast %get3A_225 : vector<16xi32> to vector<16xi32>
      %mul3A_227 = arith.constant 128 : i32
      %mul3A_228 = arith.muli %while3A_138, %mul3A_227 : i32
      %add3A_229 = arith.constant 48 : i32
      %add3A_230 = arith.addi %mul3A_228, %add3A_229 : i32
      %get3A_231 = arith.index_cast %add3A_230 : i32 to index
      %get3A_232 = tpu.vector_load %arg6[%get3A_231] {strides = array<i32>} : memref<10240xi32, #tpu.memory_space<vmem>>, vector<16xi32>,
      %get3A_233 = vector.shape_cast %get3A_232 : vector<16xi32> to vector<16xi32>
      %shift_left3A_234 = arith.constant 16 : i32
      %shift_left3A_235 = vector.broadcast %shift_left3A_234 : i32 to vector<16xi32>
      %shift_left3A_236 = arith.shli %get3A_233, %shift_left3A_235 : vector<16xi32>
      %or3A_237 = arith.ori %get3A_226, %shift_left3A_236 : vector<16xi32>
      %swap3A_238 = arith.index_cast %while3A_138 : i32 to index
      %swap3A_239 = arith.constant 48 : index
      %swap3A_240 = tpu.vector_load %arg7[%swap3A_238, %swap3A_239] {strides = array<i32>} : memref<80x128xi32, #tpu.memory_space<vmem>>, vector<1x16xi32>,
      %swap3A_241 = vector.shape_cast %swap3A_240 : vector<1x16xi32> to vector<16xi32>
      %swap3A_242 = vector.shape_cast %or3A_237 : vector<16xi32> to vector<1x16xi32>
      tpu.vector_store %arg7[%swap3A_238, %swap3A_239], %swap3A_242 {strides = array<i32>} : memref<80x128xi32, #tpu.memory_space<vmem>>, vector<1x16xi32>,
      %swap3A_243 = arith.index_cast %while3A_138 : i32 to index
      %swap3A_244 = arith.constant 48 : index
      %swap3A_245 = tpu.vector_load %arg8[%swap3A_243, %swap3A_244] {strides = array<i32>} : memref<80x128xi32, #tpu.memory_space<vmem>>, vector<1x16xi32>,
      %swap3A_246 = vector.shape_cast %swap3A_245 : vector<1x16xi32> to vector<16xi32>
      %swap3A_247 = vector.shape_cast %get3A_233 : vector<16xi32> to vector<1x16xi32>
      tpu.vector_store %arg8[%swap3A_243, %swap3A_244], %swap3A_247 {strides = array<i32>} : memref<80x128xi32, #tpu.memory_space<vmem>>, vector<1x16xi32>,
      %mul3A_248 = arith.constant 128 : i32
      %mul3A_249 = arith.muli %while3A_138, %mul3A_248 : i32
      %add3A_250 = arith.constant 64 : i32
      %add3A_251 = arith.addi %mul3A_249, %add3A_250 : i32
      %get3A_252 = arith.index_cast %add3A_251 : i32 to index
      %get3A_253 = tpu.vector_load %arg5[%get3A_252] {strides = array<i32>} : memref<10240xi32, #tpu.memory_space<vmem>>, vector<16xi32>,
      %get3A_254 = vector.shape_cast %get3A_253 : vector<16xi32> to vector<16xi32>
      %mul3A_255 = arith.constant 128 : i32
      %mul3A_256 = arith.muli %while3A_138, %mul3A_255 : i32
      %add3A_257 = arith.constant 64 : i32
      %add3A_258 = arith.addi %mul3A_256, %add3A_257 : i32
      %get3A_259 = arith.index_cast %add3A_258 : i32 to index
      %get3A_260 = tpu.vector_load %arg6[%get3A_259] {strides = array<i32>} : memref<10240xi32, #tpu.memory_space<vmem>>, vector<16xi32>,
      %get3A_261 = vector.shape_cast %get3A_260 : vector<16xi32> to vector<16xi32>
      %shift_left3A_262 = arith.constant 16 : i32
      %shift_left3A_263 = vector.broadcast %shift_left3A_262 : i32 to vector<16xi32>
      %shift_left3A_264 = arith.shli %get3A_261, %shift_left3A_263 : vector<16xi32>
      %or3A_265 = arith.ori %get3A_254, %shift_left3A_264 : vector<16xi32>
      %swap3A_266 = arith.index_cast %while3A_138 : i32 to index
      %swap3A_267 = arith.constant 64 : index
      %swap3A_268 = tpu.vector_load %arg7[%swap3A_266, %swap3A_267] {strides = array<i32>} : memref<80x128xi32, #tpu.memory_space<vmem>>, vector<1x16xi32>,
      %swap3A_269 = vector.shape_cast %swap3A_268 : vector<1x16xi32> to vector<16xi32>
      %swap3A_270 = vector.shape_cast %or3A_265 : vector<16xi32> to vector<1x16xi32>
      tpu.vector_store %arg7[%swap3A_266, %swap3A_267], %swap3A_270 {strides = array<i32>} : memref<80x128xi32, #tpu.memory_space<vmem>>, vector<1x16xi32>,
      %swap3A_271 = arith.index_cast %while3A_138 : i32 to index
      %swap3A_272 = arith.constant 64 : index
      %swap3A_273 = tpu.vector_load %arg8[%swap3A_271, %swap3A_272] {strides = array<i32>} : memref<80x128xi32, #tpu.memory_space<vmem>>, vector<1x16xi32>,
      %swap3A_274 = vector.shape_cast %swap3A_273 : vector<1x16xi32> to vector<16xi32>
      %swap3A_275 = vector.shape_cast %get3A_261 : vector<16xi32> to vector<1x16xi32>
      tpu.vector_store %arg8[%swap3A_271, %swap3A_272], %swap3A_275 {strides = array<i32>} : memref<80x128xi32, #tpu.memory_space<vmem>>, vector<1x16xi32>,
      %mul3A_276 = arith.constant 128 : i32
      %mul3A_277 = arith.muli %while3A_138, %mul3A_276 : i32
      %add3A_278 = arith.constant 80 : i32
      %add3A_279 = arith.addi %mul3A_277, %add3A_278 : i32
      %get3A_280 = arith.index_cast %add3A_279 : i32 to index
      %get3A_281 = tpu.vector_load %arg5[%get3A_280] {strides = array<i32>} : memref<10240xi32, #tpu.memory_space<vmem>>, vector<16xi32>,
      %get3A_282 = vector.shape_cast %get3A_281 : vector<16xi32> to vector<16xi32>
      %mul3A_283 = arith.constant 128 : i32
      %mul3A_284 = arith.muli %while3A_138, %mul3A_283 : i32
      %add3A_285 = arith.constant 80 : i32
      %add3A_286 = arith.addi %mul3A_284, %add3A_285 : i32
      %get3A_287 = arith.index_cast %add3A_286 : i32 to index
      %get3A_288 = tpu.vector_load %arg6[%get3A_287] {strides = array<i32>} : memref<10240xi32, #tpu.memory_space<vmem>>, vector<16xi32>,
      %get3A_289 = vector.shape_cast %get3A_288 : vector<16xi32> to vector<16xi32>
      %shift_left3A_290 = arith.constant 16 : i32
      %shift_left3A_291 = vector.broadcast %shift_left3A_290 : i32 to vector<16xi32>
      %shift_left3A_292 = arith.shli %get3A_289, %shift_left3A_291 : vector<16xi32>
      %or3A_293 = arith.ori %get3A_282, %shift_left3A_292 : vector<16xi32>
      %swap3A_294 = arith.index_cast %while3A_138 : i32 to index
      %swap3A_295 = arith.constant 80 : index
      %swap3A_296 = tpu.vector_load %arg7[%swap3A_294, %swap3A_295] {strides = array<i32>} : memref<80x128xi32, #tpu.memory_space<vmem>>, vector<1x16xi32>,
      %swap3A_297 = vector.shape_cast %swap3A_296 : vector<1x16xi32> to vector<16xi32>
      %swap3A_298 = vector.shape_cast %or3A_293 : vector<16xi32> to vector<1x16xi32>
      tpu.vector_store %arg7[%swap3A_294, %swap3A_295], %swap3A_298 {strides = array<i32>} : memref<80x128xi32, #tpu.memory_space<vmem>>, vector<1x16xi32>,
      %swap3A_299 = arith.index_cast %while3A_138 : i32 to index
      %swap3A_300 = arith.constant 80 : index
      %swap3A_301 = tpu.vector_load %arg8[%swap3A_299, %swap3A_300] {strides = array<i32>} : memref<80x128xi32, #tpu.memory_space<vmem>>, vector<1x16xi32>,
      %swap3A_302 = vector.shape_cast %swap3A_301 : vector<1x16xi32> to vector<16xi32>
      %swap3A_303 = vector.shape_cast %get3A_289 : vector<16xi32> to vector<1x16xi32>
      tpu.vector_store %arg8[%swap3A_299, %swap3A_300], %swap3A_303 {strides = array<i32>} : memref<80x128xi32, #tpu.memory_space<vmem>>, vector<1x16xi32>,
      %mul3A_304 = arith.constant 128 : i32
      %mul3A_305 = arith.muli %while3A_138, %mul3A_304 : i32
      %add3A_306 = arith.constant 96 : i32
      %add3A_307 = arith.addi %mul3A_305, %add3A_306 : i32
      %get3A_308 = arith.index_cast %add3A_307 : i32 to index
      %get3A_309 = tpu.vector_load %arg5[%get3A_308] {strides = array<i32>} : memref<10240xi32, #tpu.memory_space<vmem>>, vector<16xi32>,
      %get3A_310 = vector.shape_cast %get3A_309 : vector<16xi32> to vector<16xi32>
      %mul3A_311 = arith.constant 128 : i32
      %mul3A_312 = arith.muli %while3A_138, %mul3A_311 : i32
      %add3A_313 = arith.constant 96 : i32
      %add3A_314 = arith.addi %mul3A_312, %add3A_313 : i32
      %get3A_315 = arith.index_cast %add3A_314 : i32 to index
      %get3A_316 = tpu.vector_load %arg6[%get3A_315] {strides = array<i32>} : memref<10240xi32, #tpu.memory_space<vmem>>, vector<16xi32>,
      %get3A_317 = vector.shape_cast %get3A_316 : vector<16xi32> to vector<16xi32>
      %shift_left3A_318 = arith.constant 16 : i32
      %shift_left3A_319 = vector.broadcast %shift_left3A_318 : i32 to vector<16xi32>
      %shift_left3A_320 = arith.shli %get3A_317, %shift_left3A_319 : vector<16xi32>
      %or3A_321 = arith.ori %get3A_310, %shift_left3A_320 : vector<16xi32>
      %swap3A_322 = arith.index_cast %while3A_138 : i32 to index
      %swap3A_323 = arith.constant 96 : index
      %swap3A_324 = tpu.vector_load %arg7[%swap3A_322, %swap3A_323] {strides = array<i32>} : memref<80x128xi32, #tpu.memory_space<vmem>>, vector<1x16xi32>,
      %swap3A_325 = vector.shape_cast %swap3A_324 : vector<1x16xi32> to vector<16xi32>
      %swap3A_326 = vector.shape_cast %or3A_321 : vector<16xi32> to vector<1x16xi32>
      tpu.vector_store %arg7[%swap3A_322, %swap3A_323], %swap3A_326 {strides = array<i32>} : memref<80x128xi32, #tpu.memory_space<vmem>>, vector<1x16xi32>,
      %swap3A_327 = arith.index_cast %while3A_138 : i32 to index
      %swap3A_328 = arith.constant 96 : index
      %swap3A_329 = tpu.vector_load %arg8[%swap3A_327, %swap3A_328] {strides = array<i32>} : memref<80x128xi32, #tpu.memory_space<vmem>>, vector<1x16xi32>,
      %swap3A_330 = vector.shape_cast %swap3A_329 : vector<1x16xi32> to vector<16xi32>
      %swap3A_331 = vector.shape_cast %get3A_317 : vector<16xi32> to vector<1x16xi32>
      tpu.vector_store %arg8[%swap3A_327, %swap3A_328], %swap3A_331 {strides = array<i32>} : memref<80x128xi32, #tpu.memory_space<vmem>>, vector<1x16xi32>,
      %mul3A_332 = arith.constant 128 : i32
      %mul3A_333 = arith.muli %while3A_138, %mul3A_332 : i32
      %add3A_334 = arith.constant 112 : i32
      %add3A_335 = arith.addi %mul3A_333, %add3A_334 : i32
      %get3A_336 = arith.index_cast %add3A_335 : i32 to index
      %get3A_337 = tpu.vector_load %arg5[%get3A_336] {strides = array<i32>} : memref<10240xi32, #tpu.memory_space<vmem>>, vector<16xi32>,
      %get3A_338 = vector.shape_cast %get3A_337 : vector<16xi32> to vector<16xi32>
      %mul3A_339 = arith.constant 128 : i32
      %mul3A_340 = arith.muli %while3A_138, %mul3A_339 : i32
      %add3A_341 = arith.constant 112 : i32
      %add3A_342 = arith.addi %mul3A_340, %add3A_341 : i32
      %get3A_343 = arith.index_cast %add3A_342 : i32 to index
      %get3A_344 = tpu.vector_load %arg6[%get3A_343] {strides = array<i32>} : memref<10240xi32, #tpu.memory_space<vmem>>, vector<16xi32>,
      %get3A_345 = vector.shape_cast %get3A_344 : vector<16xi32> to vector<16xi32>
      %shift_left3A_346 = arith.constant 16 : i32
      %shift_left3A_347 = vector.broadcast %shift_left3A_346 : i32 to vector<16xi32>
      %shift_left3A_348 = arith.shli %get3A_345, %shift_left3A_347 : vector<16xi32>
      %or3A_349 = arith.ori %get3A_338, %shift_left3A_348 : vector<16xi32>
      %swap3A_350 = arith.index_cast %while3A_138 : i32 to index
      %swap3A_351 = arith.constant 112 : index
      %swap3A_352 = tpu.vector_load %arg7[%swap3A_350, %swap3A_351] {strides = array<i32>} : memref<80x128xi32, #tpu.memory_space<vmem>>, vector<1x16xi32>,
      %swap3A_353 = vector.shape_cast %swap3A_352 : vector<1x16xi32> to vector<16xi32>
      %swap3A_354 = vector.shape_cast %or3A_349 : vector<16xi32> to vector<1x16xi32>
      tpu.vector_store %arg7[%swap3A_350, %swap3A_351], %swap3A_354 {strides = array<i32>} : memref<80x128xi32, #tpu.memory_space<vmem>>, vector<1x16xi32>,
      %swap3A_355 = arith.index_cast %while3A_138 : i32 to index
      %swap3A_356 = arith.constant 112 : index
      %swap3A_357 = tpu.vector_load %arg8[%swap3A_355, %swap3A_356] {strides = array<i32>} : memref<80x128xi32, #tpu.memory_space<vmem>>, vector<1x16xi32>,
      %swap3A_358 = vector.shape_cast %swap3A_357 : vector<1x16xi32> to vector<16xi32>
      %swap3A_359 = vector.shape_cast %get3A_345 : vector<16xi32> to vector<1x16xi32>
      tpu.vector_store %arg8[%swap3A_355, %swap3A_356], %swap3A_359 {strides = array<i32>} : memref<80x128xi32, #tpu.memory_space<vmem>>, vector<1x16xi32>,
    }
    %lt3A_89 = arith.constant 15 : i32
    %lt3A_90 = arith.cmpi slt, %arg1, %lt3A_89 : i32
    %convert_element_type3A_91 = arith.extui %lt3A_90 : i1 to i32
    %cond3A_92 = arith.constant 0 : i32
    %cond3A_93 = arith.cmpi ne, %convert_element_type3A_91, %cond3A_92 : i32
    scf.if %cond3A_93 {
      "tpu.region"() ({
        %run_scoped3A = tpu.sem_alloc : memref<!tpu.dma_semaphore, #tpu.memory_space<semaphore_mem>>
        %dma_start3A = arith.constant 0 : i32
        %dma_start3A_138 = tpu.memref_slice %arg4[%add3A, %dma_start3A] : memref<2536x128xi32, #tpu.memory_space<hbm>> -> memref<80x128xi32, #tpu.memory_space<hbm>>
        %dma_start3A_139 = arith.constant 0 : i32
        %dma_start3A_140 = tpu.memref_slice %arg4[%add3A, %dma_start3A_139] : memref<2536x128xi32, #tpu.memory_space<hbm>> -> memref<80x128xi32, #tpu.memory_space<hbm>>
        tpu.enqueue_dma source(%arg7 : memref<80x128xi32, #tpu.memory_space<vmem>>) target(%dma_start3A_140 : memref<80x128xi32, #tpu.memory_space<hbm>>) target_semaphore(%run_scoped3A : memref<!tpu.dma_semaphore, #tpu.memory_space<semaphore_mem>>)
        %dma_wait3A = arith.constant 0 : i32
        %dma_wait3A_141 = tpu.memref_slice %arg4[%add3A, %dma_wait3A] : memref<2536x128xi32, #tpu.memory_space<hbm>> -> memref<80x128xi32, #tpu.memory_space<hbm>>
        %dma_wait3A_142 = arith.constant 0 : i32
        %dma_wait3A_143 = tpu.memref_slice %arg4[%add3A, %dma_wait3A_142] : memref<2536x128xi32, #tpu.memory_space<hbm>> -> memref<80x128xi32, #tpu.memory_space<hbm>>
        tpu.wait_dma2 semaphore(%run_scoped3A : memref<!tpu.dma_semaphore, #tpu.memory_space<semaphore_mem>>) src(%arg7 : memref<80x128xi32, #tpu.memory_space<vmem>>) dst(%dma_wait3A_143 : memref<80x128xi32, #tpu.memory_space<hbm>>)
        tpu.yield
      }) : () -> ()
    } else {
    }
    %eq3A_94 = arith.constant 15 : i32
    %eq3A_95 = arith.cmpi eq, %arg1, %eq3A_94 : i32
    %eq3A_96 = arith.constant 0 : i32
    %eq3A_97 = arith.cmpi eq, %arg0, %eq3A_96 : i32
    %and3A_98 = arith.andi %eq3A_95, %eq3A_97 : i1
    %convert_element_type3A_99 = arith.extui %and3A_98 : i1 to i32
    %cond3A_100 = arith.constant 0 : i32
    %cond3A_101 = arith.cmpi ne, %convert_element_type3A_99, %cond3A_100 : i32
    scf.if %cond3A_101 {
      "tpu.region"() ({
        %run_scoped3A = tpu.sem_alloc : memref<!tpu.dma_semaphore, #tpu.memory_space<semaphore_mem>>
        %dma_start3A = arith.constant 0 : i32
        %dma_start3A_138 = arith.constant 0 : i32
        %dma_start3A_139 = tpu.memref_slice %arg7[%dma_start3A, %dma_start3A_138] : memref<80x128xi32, #tpu.memory_space<vmem>> -> memref<48x128xi32, #tpu.memory_space<vmem>>
        %dma_start3A_140 = arith.constant 0 : i32
        %dma_start3A_141 = tpu.memref_slice %arg4[%add3A, %dma_start3A_140] : memref<2536x128xi32, #tpu.memory_space<hbm>> -> memref<48x128xi32, #tpu.memory_space<hbm>>
        %dma_start3A_142 = arith.constant 0 : i32
        %dma_start3A_143 = tpu.memref_slice %arg4[%add3A, %dma_start3A_142] : memref<2536x128xi32, #tpu.memory_space<hbm>> -> memref<48x128xi32, #tpu.memory_space<hbm>>
        %dma_start3A_144 = arith.constant 0 : i32
        %dma_start3A_145 = arith.constant 0 : i32
        %dma_start3A_146 = tpu.memref_slice %arg7[%dma_start3A_144, %dma_start3A_145] : memref<80x128xi32, #tpu.memory_space<vmem>> -> memref<48x128xi32, #tpu.memory_space<vmem>>
        tpu.enqueue_dma source(%dma_start3A_146 : memref<48x128xi32, #tpu.memory_space<vmem>>) target(%dma_start3A_143 : memref<48x128xi32, #tpu.memory_space<hbm>>) target_semaphore(%run_scoped3A : memref<!tpu.dma_semaphore, #tpu.memory_space<semaphore_mem>>)
        %dma_wait3A = arith.constant 0 : i32
        %dma_wait3A_147 = arith.constant 0 : i32
        %dma_wait3A_148 = tpu.memref_slice %arg7[%dma_wait3A, %dma_wait3A_147] : memref<80x128xi32, #tpu.memory_space<vmem>> -> memref<48x128xi32, #tpu.memory_space<vmem>>
        %dma_wait3A_149 = arith.constant 0 : i32
        %dma_wait3A_150 = tpu.memref_slice %arg4[%add3A, %dma_wait3A_149] : memref<2536x128xi32, #tpu.memory_space<hbm>> -> memref<48x128xi32, #tpu.memory_space<hbm>>
        %dma_wait3A_151 = arith.constant 0 : i32
        %dma_wait3A_152 = tpu.memref_slice %arg4[%add3A, %dma_wait3A_151] : memref<2536x128xi32, #tpu.memory_space<hbm>> -> memref<48x128xi32, #tpu.memory_space<hbm>>
        %dma_wait3A_153 = arith.constant 0 : i32
        %dma_wait3A_154 = arith.constant 0 : i32
        %dma_wait3A_155 = tpu.memref_slice %arg7[%dma_wait3A_153, %dma_wait3A_154] : memref<80x128xi32, #tpu.memory_space<vmem>> -> memref<48x128xi32, #tpu.memory_space<vmem>>
        tpu.wait_dma2 semaphore(%run_scoped3A : memref<!tpu.dma_semaphore, #tpu.memory_space<semaphore_mem>>) src(%dma_wait3A_155 : memref<48x128xi32, #tpu.memory_space<vmem>>) dst(%dma_wait3A_152 : memref<48x128xi32, #tpu.memory_space<hbm>>)
        tpu.yield
      }) : () -> ()
    } else {
    }
    %eq3A_102 = arith.constant 15 : i32
    %eq3A_103 = arith.cmpi eq, %arg1, %eq3A_102 : i32
    %eq3A_104 = arith.constant 1 : i32
    %eq3A_105 = arith.cmpi eq, %arg0, %eq3A_104 : i32
    %and3A_106 = arith.andi %eq3A_103, %eq3A_105 : i1
    %convert_element_type3A_107 = arith.extui %and3A_106 : i1 to i32
    %cond3A_108 = arith.constant 0 : i32
    %cond3A_109 = arith.cmpi ne, %convert_element_type3A_107, %cond3A_108 : i32
    scf.if %cond3A_109 {
      "tpu.region"() ({
        %run_scoped3A = tpu.sem_alloc : memref<!tpu.dma_semaphore, #tpu.memory_space<semaphore_mem>>
        %dma_start3A = arith.constant 0 : i32
        %dma_start3A_138 = arith.constant 0 : i32
        %dma_start3A_139 = tpu.memref_slice %arg7[%dma_start3A, %dma_start3A_138] : memref<80x128xi32, #tpu.memory_space<vmem>> -> memref<56x128xi32, #tpu.memory_space<vmem>>
        %dma_start3A_140 = arith.constant 0 : i32
        %dma_start3A_141 = tpu.memref_slice %arg4[%add3A, %dma_start3A_140] : memref<2536x128xi32, #tpu.memory_space<hbm>> -> memref<56x128xi32, #tpu.memory_space<hbm>>
        %dma_start3A_142 = arith.constant 0 : i32
        %dma_start3A_143 = tpu.memref_slice %arg4[%add3A, %dma_start3A_142] : memref<2536x128xi32, #tpu.memory_space<hbm>> -> memref<56x128xi32, #tpu.memory_space<hbm>>
        %dma_start3A_144 = arith.constant 0 : i32
        %dma_start3A_145 = arith.constant 0 : i32
        %dma_start3A_146 = tpu.memref_slice %arg7[%dma_start3A_144, %dma_start3A_145] : memref<80x128xi32, #tpu.memory_space<vmem>> -> memref<56x128xi32, #tpu.memory_space<vmem>>
        tpu.enqueue_dma source(%dma_start3A_146 : memref<56x128xi32, #tpu.memory_space<vmem>>) target(%dma_start3A_143 : memref<56x128xi32, #tpu.memory_space<hbm>>) target_semaphore(%run_scoped3A : memref<!tpu.dma_semaphore, #tpu.memory_space<semaphore_mem>>)
        %dma_wait3A = arith.constant 0 : i32
        %dma_wait3A_147 = arith.constant 0 : i32
        %dma_wait3A_148 = tpu.memref_slice %arg7[%dma_wait3A, %dma_wait3A_147] : memref<80x128xi32, #tpu.memory_space<vmem>> -> memref<56x128xi32, #tpu.memory_space<vmem>>
        %dma_wait3A_149 = arith.constant 0 : i32
        %dma_wait3A_150 = tpu.memref_slice %arg4[%add3A, %dma_wait3A_149] : memref<2536x128xi32, #tpu.memory_space<hbm>> -> memref<56x128xi32, #tpu.memory_space<hbm>>
        %dma_wait3A_151 = arith.constant 0 : i32
        %dma_wait3A_152 = tpu.memref_slice %arg4[%add3A, %dma_wait3A_151] : memref<2536x128xi32, #tpu.memory_space<hbm>> -> memref<56x128xi32, #tpu.memory_space<hbm>>
        %dma_wait3A_153 = arith.constant 0 : i32
        %dma_wait3A_154 = arith.constant 0 : i32
        %dma_wait3A_155 = tpu.memref_slice %arg7[%dma_wait3A_153, %dma_wait3A_154] : memref<80x128xi32, #tpu.memory_space<vmem>> -> memref<56x128xi32, #tpu.memory_space<vmem>>
        tpu.wait_dma2 semaphore(%run_scoped3A : memref<!tpu.dma_semaphore, #tpu.memory_space<semaphore_mem>>) src(%dma_wait3A_155 : memref<56x128xi32, #tpu.memory_space<vmem>>) dst(%dma_wait3A_152 : memref<56x128xi32, #tpu.memory_space<hbm>>)
        tpu.yield
      }) : () -> ()
    } else {
    }
    %barrier3A = arith.constant 0 : index
    tpu.barrier barrier_id(%barrier3A)
    %while3A_110 = arith.constant 0 : i32
    %while3A_111 = arith.constant 0 : i32
    %while3A_112 = arith.subi %select_n3A, %while3A_111 : i32
    %while3A_113 = arith.addi %while3A_111, %while3A_112 : i32
    %while3A_114 = arith.constant 1 : i32
    %while3A_115 = arith.divsi %while3A_112, %while3A_114 : i32
    %while3A_116 = arith.muli %while3A_115, %while3A_114 : i32
    %while3A_117 = arith.addi %while3A_111, %while3A_116 : i32
    %while3A_118 = arith.constant 1 : i32
    scf.for %while3A_138 = %while3A_111 to %while3A_117 step %while3A_118  : i32 {
      %dma_start3A = arith.constant 0 : i32
      %dma_start3A_139 = tpu.memref_slice %arg8[%while3A_138, %dma_start3A] : memref<80x128xi32, #tpu.memory_space<vmem>> -> memref<1x128xi32, #tpu.memory_space<vmem>>
      %dma_start3A_140 = tpu.memref_squeeze %dma_start3A_139 : memref<1x128xi32, #tpu.memory_space<vmem>> -> memref<128xi32, #tpu.memory_space<vmem>>
      %dma_start3A_141 = arith.constant 0 : i32
      %dma_start3A_142 = tpu.memref_slice %arg11[%dma_start3A_141] : memref<10240xf32, #tpu.memory_space<vmem_shared>> -> memref<10240xf32, #tpu.memory_space<vmem_shared>>
      tpu.enqueue_indirect_dma source(%arg9 : memref<128xf32, #tpu.memory_space<vmem>>) target(%dma_start3A_142 : memref<10240xf32, #tpu.memory_space<vmem_shared>>) offsets(%dma_start3A_140 : memref<128xi32, #tpu.memory_space<vmem>>) semaphore(%arg12 : memref<!tpu.dma_semaphore, #tpu.memory_space<semaphore_mem>>) {add = true}
    }
    %while3A_119 = arith.constant 1 : i32
    scf.for %while3A_138 = %while3A_117 to %while3A_113 step %while3A_119  : i32 {
      %dma_start3A = arith.constant 0 : i32
      %dma_start3A_139 = tpu.memref_slice %arg8[%while3A_138, %dma_start3A] : memref<80x128xi32, #tpu.memory_space<vmem>> -> memref<1x128xi32, #tpu.memory_space<vmem>>
      %dma_start3A_140 = tpu.memref_squeeze %dma_start3A_139 : memref<1x128xi32, #tpu.memory_space<vmem>> -> memref<128xi32, #tpu.memory_space<vmem>>
      %dma_start3A_141 = arith.constant 0 : i32
      %dma_start3A_142 = tpu.memref_slice %arg11[%dma_start3A_141] : memref<10240xf32, #tpu.memory_space<vmem_shared>> -> memref<10240xf32, #tpu.memory_space<vmem_shared>>
      tpu.enqueue_indirect_dma source(%arg9 : memref<128xf32, #tpu.memory_space<vmem>>) target(%dma_start3A_142 : memref<10240xf32, #tpu.memory_space<vmem_shared>>) offsets(%dma_start3A_140 : memref<128xi32, #tpu.memory_space<vmem>>) semaphore(%arg12 : memref<!tpu.dma_semaphore, #tpu.memory_space<semaphore_mem>>) {add = true}
    }
    %while3A_120 = arith.constant 0 : i32
    %while3A_121 = arith.constant 0 : i32
    %while3A_122 = arith.subi %select_n3A, %while3A_121 : i32
    %while3A_123 = arith.addi %while3A_121, %while3A_122 : i32
    %while3A_124 = arith.constant 1 : i32
    %while3A_125 = arith.divsi %while3A_122, %while3A_124 : i32
    %while3A_126 = arith.muli %while3A_125, %while3A_124 : i32
    %while3A_127 = arith.addi %while3A_121, %while3A_126 : i32
    %while3A_128 = arith.constant 1 : i32
    scf.for %while3A_138 = %while3A_121 to %while3A_127 step %while3A_128  : i32 {
      %dma_wait3A = arith.constant 0 : i32
      %dma_wait3A_139 = arith.constant 0 : i32
      %dma_wait3A_140 = tpu.memref_slice %arg8[%dma_wait3A, %dma_wait3A_139] : memref<80x128xi32, #tpu.memory_space<vmem>> -> memref<1x128xi32, #tpu.memory_space<vmem>>
      %dma_wait3A_141 = tpu.memref_squeeze %dma_wait3A_140 : memref<1x128xi32, #tpu.memory_space<vmem>> -> memref<128xi32, #tpu.memory_space<vmem>>
      %dma_wait3A_142 = arith.constant 0 : i32
      %dma_wait3A_143 = tpu.memref_slice %arg11[%dma_wait3A_142] : memref<10240xf32, #tpu.memory_space<vmem_shared>> -> memref<10240xf32, #tpu.memory_space<vmem_shared>>
      tpu.wait_indirect_dma semaphore(%arg12 : memref<!tpu.dma_semaphore, #tpu.memory_space<semaphore_mem>>) src(%arg9 : memref<128xf32, #tpu.memory_space<vmem>>) dst(%dma_wait3A_143 : memref<10240xf32, #tpu.memory_space<vmem_shared>>)
    }
    %while3A_129 = arith.constant 1 : i32
    scf.for %while3A_138 = %while3A_127 to %while3A_123 step %while3A_129  : i32 {
      %dma_wait3A = arith.constant 0 : i32
      %dma_wait3A_139 = arith.constant 0 : i32
      %dma_wait3A_140 = tpu.memref_slice %arg8[%dma_wait3A, %dma_wait3A_139] : memref<80x128xi32, #tpu.memory_space<vmem>> -> memref<1x128xi32, #tpu.memory_space<vmem>>
      %dma_wait3A_141 = tpu.memref_squeeze %dma_wait3A_140 : memref<1x128xi32, #tpu.memory_space<vmem>> -> memref<128xi32, #tpu.memory_space<vmem>>
      %dma_wait3A_142 = arith.constant 0 : i32
      %dma_wait3A_143 = tpu.memref_slice %arg11[%dma_wait3A_142] : memref<10240xf32, #tpu.memory_space<vmem_shared>> -> memref<10240xf32, #tpu.memory_space<vmem_shared>>
      tpu.wait_indirect_dma semaphore(%arg12 : memref<!tpu.dma_semaphore, #tpu.memory_space<semaphore_mem>>) src(%arg9 : memref<128xf32, #tpu.memory_space<vmem>>) dst(%dma_wait3A_143 : memref<10240xf32, #tpu.memory_space<vmem_shared>>)
    }
    %barrier3A_130 = arith.constant 0 : index
    tpu.barrier barrier_id(%barrier3A_130)
    %mul3A_131 = arith.constant 640 : i32
    %mul3A_132 = arith.muli %arg1, %mul3A_131 : i32
    "tpu.region"() ({
      %run_scoped3A = tpu.sem_alloc : memref<!tpu.dma_semaphore, #tpu.memory_space<semaphore_mem>>
      %dma_start3A = tpu.memref_slice %arg11[%mul3A_132] : memref<10240xf32, #tpu.memory_space<vmem_shared>> -> memref<640xf32, #tpu.memory_space<vmem_shared>>
      %dma_start3A_138 = tpu.memref_slice %arg11[%mul3A_132] : memref<10240xf32, #tpu.memory_space<vmem_shared>> -> memref<640xf32, #tpu.memory_space<vmem_shared>>
      tpu.enqueue_dma source(%dma_start3A_138 : memref<640xf32, #tpu.memory_space<vmem_shared>>) target(%arg10 : memref<640xf32, #tpu.memory_space<vmem>>) target_semaphore(%run_scoped3A : memref<!tpu.dma_semaphore, #tpu.memory_space<semaphore_mem>>)
      %dma_wait3A = tpu.memref_slice %arg11[%mul3A_132] : memref<10240xf32, #tpu.memory_space<vmem_shared>> -> memref<640xf32, #tpu.memory_space<vmem_shared>>
      %dma_wait3A_139 = tpu.memref_slice %arg11[%mul3A_132] : memref<10240xf32, #tpu.memory_space<vmem_shared>> -> memref<640xf32, #tpu.memory_space<vmem_shared>>
      tpu.wait_dma2 semaphore(%run_scoped3A : memref<!tpu.dma_semaphore, #tpu.memory_space<semaphore_mem>>) src(%dma_wait3A_139 : memref<640xf32, #tpu.memory_space<vmem_shared>>) dst(%arg10 : memref<640xf32, #tpu.memory_space<vmem>>)
      tpu.yield
    }) : () -> ()
    %mul3A_133 = arith.constant 10240 : i32
    %mul3A_134 = arith.muli %arg0, %mul3A_133 : i32
    %mul3A_135 = arith.constant 640 : i32
    %mul3A_136 = arith.muli %arg1, %mul3A_135 : i32
    %add3A_137 = arith.addi %mul3A_134, %mul3A_136 : i32
    "tpu.region"() ({
      %run_scoped3A = tpu.sem_alloc : memref<!tpu.dma_semaphore, #tpu.memory_space<semaphore_mem>>
      %dma_start3A = tpu.memref_slice %arg3[%add3A_137] : memref<20480xf32, #tpu.memory_space<hbm>> -> memref<640xf32, #tpu.memory_space<hbm>>
      %dma_start3A_138 = tpu.memref_slice %arg3[%add3A_137] : memref<20480xf32, #tpu.memory_space<hbm>> -> memref<640xf32, #tpu.memory_space<hbm>>
      tpu.enqueue_dma source(%arg10 : memref<640xf32, #tpu.memory_space<vmem>>) target(%dma_start3A_138 : memref<640xf32, #tpu.memory_space<hbm>>) target_semaphore(%run_scoped3A : memref<!tpu.dma_semaphore, #tpu.memory_space<semaphore_mem>>)
      %dma_wait3A = tpu.memref_slice %arg3[%add3A_137] : memref<20480xf32, #tpu.memory_space<hbm>> -> memref<640xf32, #tpu.memory_space<hbm>>
      %dma_wait3A_139 = tpu.memref_slice %arg3[%add3A_137] : memref<20480xf32, #tpu.memory_space<hbm>> -> memref<640xf32, #tpu.memory_space<hbm>>
      tpu.wait_dma2 semaphore(%run_scoped3A : memref<!tpu.dma_semaphore, #tpu.memory_space<semaphore_mem>>) src(%arg10 : memref<640xf32, #tpu.memory_space<vmem>>) dst(%dma_wait3A_139 : memref<640xf32, #tpu.memory_space<hbm>>)
      tpu.yield
    }) : () -> ()
    return
  }
}

#map = affine_map<(d0, d1) -> (0, 0)>
#map1 = affine_map<(d0, d1) -> (0, 0, 0)>
module attributes {stable_mosaic.version = 14 : i64} {
  func.func @k(%arg0: i32, %arg1: i32, %arg2: memref<10000x128xf32, #tpu.memory_space<hbm>>, %arg3: memref<2536x128xi32, #tpu.memory_space<hbm>>, %arg4: memref<2x10240x128xf32, #tpu.memory_space<hbm>>, %arg5: memref<80x128xi32, #tpu.memory_space<vmem>>, %arg6: memref<2x128xi32, #tpu.memory_space<vmem>>, %arg7: memref<2x128xi32, #tpu.memory_space<vmem>>, %arg8: memref<128x128xf32, #tpu.memory_space<vmem>>, %arg9: memref<128x128xf32, #tpu.memory_space<vmem>>, %arg10: memref<10240x128xf32, #tpu.memory_space<vmem_shared>>, %arg11: memref<!tpu.dma_semaphore, #tpu.memory_space<semaphore_mem>>, %arg12: memref<!tpu.dma_semaphore, #tpu.memory_space<semaphore_mem>>) attributes {dimension_semantics = [#tpu.dimension_semantics<core_parallel>, #tpu.dimension_semantics<subcore_parallel>], iteration_bounds = array<i64: 2, 16>, scalar_prefetch = 0 : i64, scratch_operands = 8 : i64, tpu.core_type = #tpu.core_type<sc_vector_subcore>, window_params = [{transform_indices = #map}, {transform_indices = #map}, {transform_indices = #map1}]} {
    %mul3A = arith.constant 1248 : i32
    %mul3A_0 = arith.muli %arg0, %mul3A : i32
    %mul3A_1 = arith.constant 80 : i32
    %mul3A_2 = arith.muli %arg1, %mul3A_1 : i32
    %add3A = arith.addi %mul3A_0, %mul3A_2 : i32
    %dma_start3A = arith.constant 0 : i32
    %dma_start3A_3 = tpu.memref_slice %arg3[%add3A, %dma_start3A] : memref<2536x128xi32, #tpu.memory_space<hbm>> -> memref<80x128xi32, #tpu.memory_space<hbm>>
    %dma_start3A_4 = arith.constant 0 : i32
    %dma_start3A_5 = tpu.memref_slice %arg3[%add3A, %dma_start3A_4] : memref<2536x128xi32, #tpu.memory_space<hbm>> -> memref<80x128xi32, #tpu.memory_space<hbm>>
    tpu.enqueue_dma source(%dma_start3A_5 : memref<80x128xi32, #tpu.memory_space<hbm>>) target(%arg5 : memref<80x128xi32, #tpu.memory_space<vmem>>) target_semaphore(%arg12 : memref<!tpu.dma_semaphore, #tpu.memory_space<semaphore_mem>>)
    %scan3A = arith.constant 0 : i32
    %scan3A_6 = arith.constant 0 : i32
    %scan3A_7 = arith.constant 128 : i32
    %scan3A_8 = arith.addi %scan3A_6, %scan3A_7 : i32
    %scan3A_9 = arith.constant 1 : i32
    scf.for %scan3A_389 = %scan3A_6 to %scan3A_8 step %scan3A_9  : i32 {
      %broadcast_in_dim3A = arith.constant 0.000000e+00 : f32
      %broadcast_in_dim3A_390 = vector.broadcast %broadcast_in_dim3A : f32 to vector<16xf32>
      %swap3A_391 = arith.index_cast %scan3A_389 : i32 to index
      %swap3A_392 = arith.constant 0 : index
      %swap3A_393 = tpu.vector_load %arg8[%swap3A_391, %swap3A_392] {strides = array<i32>} : memref<128x128xf32, #tpu.memory_space<vmem>>, vector<1x16xf32>,
      %swap3A_394 = vector.shape_cast %swap3A_393 : vector<1x16xf32> to vector<16xf32>
      %swap3A_395 = vector.shape_cast %broadcast_in_dim3A_390 : vector<16xf32> to vector<1x16xf32>
      tpu.vector_store %arg8[%swap3A_391, %swap3A_392], %swap3A_395 {strides = array<i32>} : memref<128x128xf32, #tpu.memory_space<vmem>>, vector<1x16xf32>,
      %broadcast_in_dim3A_396 = arith.constant 0.000000e+00 : f32
      %broadcast_in_dim3A_397 = vector.broadcast %broadcast_in_dim3A_396 : f32 to vector<16xf32>
      %swap3A_398 = arith.index_cast %scan3A_389 : i32 to index
      %swap3A_399 = arith.constant 16 : index
      %swap3A_400 = tpu.vector_load %arg8[%swap3A_398, %swap3A_399] {strides = array<i32>} : memref<128x128xf32, #tpu.memory_space<vmem>>, vector<1x16xf32>,
      %swap3A_401 = vector.shape_cast %swap3A_400 : vector<1x16xf32> to vector<16xf32>
      %swap3A_402 = vector.shape_cast %broadcast_in_dim3A_397 : vector<16xf32> to vector<1x16xf32>
      tpu.vector_store %arg8[%swap3A_398, %swap3A_399], %swap3A_402 {strides = array<i32>} : memref<128x128xf32, #tpu.memory_space<vmem>>, vector<1x16xf32>,
      %broadcast_in_dim3A_403 = arith.constant 0.000000e+00 : f32
      %broadcast_in_dim3A_404 = vector.broadcast %broadcast_in_dim3A_403 : f32 to vector<16xf32>
      %swap3A_405 = arith.index_cast %scan3A_389 : i32 to index
      %swap3A_406 = arith.constant 32 : index
      %swap3A_407 = tpu.vector_load %arg8[%swap3A_405, %swap3A_406] {strides = array<i32>} : memref<128x128xf32, #tpu.memory_space<vmem>>, vector<1x16xf32>,
      %swap3A_408 = vector.shape_cast %swap3A_407 : vector<1x16xf32> to vector<16xf32>
      %swap3A_409 = vector.shape_cast %broadcast_in_dim3A_404 : vector<16xf32> to vector<1x16xf32>
      tpu.vector_store %arg8[%swap3A_405, %swap3A_406], %swap3A_409 {strides = array<i32>} : memref<128x128xf32, #tpu.memory_space<vmem>>, vector<1x16xf32>,
      %broadcast_in_dim3A_410 = arith.constant 0.000000e+00 : f32
      %broadcast_in_dim3A_411 = vector.broadcast %broadcast_in_dim3A_410 : f32 to vector<16xf32>
      %swap3A_412 = arith.index_cast %scan3A_389 : i32 to index
      %swap3A_413 = arith.constant 48 : index
      %swap3A_414 = tpu.vector_load %arg8[%swap3A_412, %swap3A_413] {strides = array<i32>} : memref<128x128xf32, #tpu.memory_space<vmem>>, vector<1x16xf32>,
      %swap3A_415 = vector.shape_cast %swap3A_414 : vector<1x16xf32> to vector<16xf32>
      %swap3A_416 = vector.shape_cast %broadcast_in_dim3A_411 : vector<16xf32> to vector<1x16xf32>
      tpu.vector_store %arg8[%swap3A_412, %swap3A_413], %swap3A_416 {strides = array<i32>} : memref<128x128xf32, #tpu.memory_space<vmem>>, vector<1x16xf32>,
      %broadcast_in_dim3A_417 = arith.constant 0.000000e+00 : f32
      %broadcast_in_dim3A_418 = vector.broadcast %broadcast_in_dim3A_417 : f32 to vector<16xf32>
      %swap3A_419 = arith.index_cast %scan3A_389 : i32 to index
      %swap3A_420 = arith.constant 64 : index
      %swap3A_421 = tpu.vector_load %arg8[%swap3A_419, %swap3A_420] {strides = array<i32>} : memref<128x128xf32, #tpu.memory_space<vmem>>, vector<1x16xf32>,
      %swap3A_422 = vector.shape_cast %swap3A_421 : vector<1x16xf32> to vector<16xf32>
      %swap3A_423 = vector.shape_cast %broadcast_in_dim3A_418 : vector<16xf32> to vector<1x16xf32>
      tpu.vector_store %arg8[%swap3A_419, %swap3A_420], %swap3A_423 {strides = array<i32>} : memref<128x128xf32, #tpu.memory_space<vmem>>, vector<1x16xf32>,
      %broadcast_in_dim3A_424 = arith.constant 0.000000e+00 : f32
      %broadcast_in_dim3A_425 = vector.broadcast %broadcast_in_dim3A_424 : f32 to vector<16xf32>
      %swap3A_426 = arith.index_cast %scan3A_389 : i32 to index
      %swap3A_427 = arith.constant 80 : index
      %swap3A_428 = tpu.vector_load %arg8[%swap3A_426, %swap3A_427] {strides = array<i32>} : memref<128x128xf32, #tpu.memory_space<vmem>>, vector<1x16xf32>,
      %swap3A_429 = vector.shape_cast %swap3A_428 : vector<1x16xf32> to vector<16xf32>
      %swap3A_430 = vector.shape_cast %broadcast_in_dim3A_425 : vector<16xf32> to vector<1x16xf32>
      tpu.vector_store %arg8[%swap3A_426, %swap3A_427], %swap3A_430 {strides = array<i32>} : memref<128x128xf32, #tpu.memory_space<vmem>>, vector<1x16xf32>,
      %broadcast_in_dim3A_431 = arith.constant 0.000000e+00 : f32
      %broadcast_in_dim3A_432 = vector.broadcast %broadcast_in_dim3A_431 : f32 to vector<16xf32>
      %swap3A_433 = arith.index_cast %scan3A_389 : i32 to index
      %swap3A_434 = arith.constant 96 : index
      %swap3A_435 = tpu.vector_load %arg8[%swap3A_433, %swap3A_434] {strides = array<i32>} : memref<128x128xf32, #tpu.memory_space<vmem>>, vector<1x16xf32>,
      %swap3A_436 = vector.shape_cast %swap3A_435 : vector<1x16xf32> to vector<16xf32>
      %swap3A_437 = vector.shape_cast %broadcast_in_dim3A_432 : vector<16xf32> to vector<1x16xf32>
      tpu.vector_store %arg8[%swap3A_433, %swap3A_434], %swap3A_437 {strides = array<i32>} : memref<128x128xf32, #tpu.memory_space<vmem>>, vector<1x16xf32>,
      %broadcast_in_dim3A_438 = arith.constant 0.000000e+00 : f32
      %broadcast_in_dim3A_439 = vector.broadcast %broadcast_in_dim3A_438 : f32 to vector<16xf32>
      %swap3A_440 = arith.index_cast %scan3A_389 : i32 to index
      %swap3A_441 = arith.constant 112 : index
      %swap3A_442 = tpu.vector_load %arg8[%swap3A_440, %swap3A_441] {strides = array<i32>} : memref<128x128xf32, #tpu.memory_space<vmem>>, vector<1x16xf32>,
      %swap3A_443 = vector.shape_cast %swap3A_442 : vector<1x16xf32> to vector<16xf32>
      %swap3A_444 = vector.shape_cast %broadcast_in_dim3A_439 : vector<16xf32> to vector<1x16xf32>
      tpu.vector_store %arg8[%swap3A_440, %swap3A_441], %swap3A_444 {strides = array<i32>} : memref<128x128xf32, #tpu.memory_space<vmem>>, vector<1x16xf32>,
    }
    %scan3A_10 = arith.constant 128 : i32
    %mul3A_11 = arith.constant 640 : i32
    %mul3A_12 = arith.muli %arg1, %mul3A_11 : i32
    %add3A_13 = arith.constant 0 : i32
    %add3A_14 = arith.addi %mul3A_12, %add3A_13 : i32
    %dma_start3A_15 = arith.constant 0 : i32
    %dma_start3A_16 = tpu.memref_slice %arg10[%add3A_14, %dma_start3A_15] : memref<10240x128xf32, #tpu.memory_space<vmem_shared>> -> memref<128x128xf32, #tpu.memory_space<vmem_shared>>
    %dma_start3A_17 = arith.constant 0 : i32
    %dma_start3A_18 = tpu.memref_slice %arg10[%add3A_14, %dma_start3A_17] : memref<10240x128xf32, #tpu.memory_space<vmem_shared>> -> memref<128x128xf32, #tpu.memory_space<vmem_shared>>
    tpu.enqueue_dma source(%arg8 : memref<128x128xf32, #tpu.memory_space<vmem>>) target(%dma_start3A_18 : memref<128x128xf32, #tpu.memory_space<vmem_shared>>) target_semaphore(%arg11 : memref<!tpu.dma_semaphore, #tpu.memory_space<semaphore_mem>>)
    %mul3A_19 = arith.constant 640 : i32
    %mul3A_20 = arith.muli %arg1, %mul3A_19 : i32
    %add3A_21 = arith.constant 128 : i32
    %add3A_22 = arith.addi %mul3A_20, %add3A_21 : i32
    %dma_start3A_23 = arith.constant 0 : i32
    %dma_start3A_24 = tpu.memref_slice %arg10[%add3A_22, %dma_start3A_23] : memref<10240x128xf32, #tpu.memory_space<vmem_shared>> -> memref<128x128xf32, #tpu.memory_space<vmem_shared>>
    %dma_start3A_25 = arith.constant 0 : i32
    %dma_start3A_26 = tpu.memref_slice %arg10[%add3A_22, %dma_start3A_25] : memref<10240x128xf32, #tpu.memory_space<vmem_shared>> -> memref<128x128xf32, #tpu.memory_space<vmem_shared>>
    tpu.enqueue_dma source(%arg8 : memref<128x128xf32, #tpu.memory_space<vmem>>) target(%dma_start3A_26 : memref<128x128xf32, #tpu.memory_space<vmem_shared>>) target_semaphore(%arg11 : memref<!tpu.dma_semaphore, #tpu.memory_space<semaphore_mem>>)
    %mul3A_27 = arith.constant 640 : i32
    %mul3A_28 = arith.muli %arg1, %mul3A_27 : i32
    %add3A_29 = arith.constant 256 : i32
    %add3A_30 = arith.addi %mul3A_28, %add3A_29 : i32
    %dma_start3A_31 = arith.constant 0 : i32
    %dma_start3A_32 = tpu.memref_slice %arg10[%add3A_30, %dma_start3A_31] : memref<10240x128xf32, #tpu.memory_space<vmem_shared>> -> memref<128x128xf32, #tpu.memory_space<vmem_shared>>
    %dma_start3A_33 = arith.constant 0 : i32
    %dma_start3A_34 = tpu.memref_slice %arg10[%add3A_30, %dma_start3A_33] : memref<10240x128xf32, #tpu.memory_space<vmem_shared>> -> memref<128x128xf32, #tpu.memory_space<vmem_shared>>
    tpu.enqueue_dma source(%arg8 : memref<128x128xf32, #tpu.memory_space<vmem>>) target(%dma_start3A_34 : memref<128x128xf32, #tpu.memory_space<vmem_shared>>) target_semaphore(%arg11 : memref<!tpu.dma_semaphore, #tpu.memory_space<semaphore_mem>>)
    %mul3A_35 = arith.constant 640 : i32
    %mul3A_36 = arith.muli %arg1, %mul3A_35 : i32
    %add3A_37 = arith.constant 384 : i32
    %add3A_38 = arith.addi %mul3A_36, %add3A_37 : i32
    %dma_start3A_39 = arith.constant 0 : i32
    %dma_start3A_40 = tpu.memref_slice %arg10[%add3A_38, %dma_start3A_39] : memref<10240x128xf32, #tpu.memory_space<vmem_shared>> -> memref<128x128xf32, #tpu.memory_space<vmem_shared>>
    %dma_start3A_41 = arith.constant 0 : i32
    %dma_start3A_42 = tpu.memref_slice %arg10[%add3A_38, %dma_start3A_41] : memref<10240x128xf32, #tpu.memory_space<vmem_shared>> -> memref<128x128xf32, #tpu.memory_space<vmem_shared>>
    tpu.enqueue_dma source(%arg8 : memref<128x128xf32, #tpu.memory_space<vmem>>) target(%dma_start3A_42 : memref<128x128xf32, #tpu.memory_space<vmem_shared>>) target_semaphore(%arg11 : memref<!tpu.dma_semaphore, #tpu.memory_space<semaphore_mem>>)
    %mul3A_43 = arith.constant 640 : i32
    %mul3A_44 = arith.muli %arg1, %mul3A_43 : i32
    %add3A_45 = arith.constant 512 : i32
    %add3A_46 = arith.addi %mul3A_44, %add3A_45 : i32
    %dma_start3A_47 = arith.constant 0 : i32
    %dma_start3A_48 = tpu.memref_slice %arg10[%add3A_46, %dma_start3A_47] : memref<10240x128xf32, #tpu.memory_space<vmem_shared>> -> memref<128x128xf32, #tpu.memory_space<vmem_shared>>
    %dma_start3A_49 = arith.constant 0 : i32
    %dma_start3A_50 = tpu.memref_slice %arg10[%add3A_46, %dma_start3A_49] : memref<10240x128xf32, #tpu.memory_space<vmem_shared>> -> memref<128x128xf32, #tpu.memory_space<vmem_shared>>
    tpu.enqueue_dma source(%arg8 : memref<128x128xf32, #tpu.memory_space<vmem>>) target(%dma_start3A_50 : memref<128x128xf32, #tpu.memory_space<vmem_shared>>) target_semaphore(%arg11 : memref<!tpu.dma_semaphore, #tpu.memory_space<semaphore_mem>>)
    %mul3A_51 = arith.constant 640 : i32
    %mul3A_52 = arith.muli %arg1, %mul3A_51 : i32
    %dma_wait3A = arith.constant 0 : i32
    %dma_wait3A_53 = tpu.memref_slice %arg10[%mul3A_52, %dma_wait3A] : memref<10240x128xf32, #tpu.memory_space<vmem_shared>> -> memref<128x128xf32, #tpu.memory_space<vmem_shared>>
    %dma_wait3A_54 = arith.constant 0 : i32
    %dma_wait3A_55 = tpu.memref_slice %arg10[%mul3A_52, %dma_wait3A_54] : memref<10240x128xf32, #tpu.memory_space<vmem_shared>> -> memref<128x128xf32, #tpu.memory_space<vmem_shared>>
    tpu.wait_dma2 semaphore(%arg11 : memref<!tpu.dma_semaphore, #tpu.memory_space<semaphore_mem>>) src(%arg8 : memref<128x128xf32, #tpu.memory_space<vmem>>) dst(%dma_wait3A_55 : memref<128x128xf32, #tpu.memory_space<vmem_shared>>)
    %mul3A_56 = arith.constant 640 : i32
    %mul3A_57 = arith.muli %arg1, %mul3A_56 : i32
    %dma_wait3A_58 = arith.constant 0 : i32
    %dma_wait3A_59 = tpu.memref_slice %arg10[%mul3A_57, %dma_wait3A_58] : memref<10240x128xf32, #tpu.memory_space<vmem_shared>> -> memref<128x128xf32, #tpu.memory_space<vmem_shared>>
    %dma_wait3A_60 = arith.constant 0 : i32
    %dma_wait3A_61 = tpu.memref_slice %arg10[%mul3A_57, %dma_wait3A_60] : memref<10240x128xf32, #tpu.memory_space<vmem_shared>> -> memref<128x128xf32, #tpu.memory_space<vmem_shared>>
    tpu.wait_dma2 semaphore(%arg11 : memref<!tpu.dma_semaphore, #tpu.memory_space<semaphore_mem>>) src(%arg8 : memref<128x128xf32, #tpu.memory_space<vmem>>) dst(%dma_wait3A_61 : memref<128x128xf32, #tpu.memory_space<vmem_shared>>)
    %mul3A_62 = arith.constant 640 : i32
    %mul3A_63 = arith.muli %arg1, %mul3A_62 : i32
    %dma_wait3A_64 = arith.constant 0 : i32
    %dma_wait3A_65 = tpu.memref_slice %arg10[%mul3A_63, %dma_wait3A_64] : memref<10240x128xf32, #tpu.memory_space<vmem_shared>> -> memref<128x128xf32, #tpu.memory_space<vmem_shared>>
    %dma_wait3A_66 = arith.constant 0 : i32
    %dma_wait3A_67 = tpu.memref_slice %arg10[%mul3A_63, %dma_wait3A_66] : memref<10240x128xf32, #tpu.memory_space<vmem_shared>> -> memref<128x128xf32, #tpu.memory_space<vmem_shared>>
    tpu.wait_dma2 semaphore(%arg11 : memref<!tpu.dma_semaphore, #tpu.memory_space<semaphore_mem>>) src(%arg8 : memref<128x128xf32, #tpu.memory_space<vmem>>) dst(%dma_wait3A_67 : memref<128x128xf32, #tpu.memory_space<vmem_shared>>)
    %mul3A_68 = arith.constant 640 : i32
    %mul3A_69 = arith.muli %arg1, %mul3A_68 : i32
    %dma_wait3A_70 = arith.constant 0 : i32
    %dma_wait3A_71 = tpu.memref_slice %arg10[%mul3A_69, %dma_wait3A_70] : memref<10240x128xf32, #tpu.memory_space<vmem_shared>> -> memref<128x128xf32, #tpu.memory_space<vmem_shared>>
    %dma_wait3A_72 = arith.constant 0 : i32
    %dma_wait3A_73 = tpu.memref_slice %arg10[%mul3A_69, %dma_wait3A_72] : memref<10240x128xf32, #tpu.memory_space<vmem_shared>> -> memref<128x128xf32, #tpu.memory_space<vmem_shared>>
    tpu.wait_dma2 semaphore(%arg11 : memref<!tpu.dma_semaphore, #tpu.memory_space<semaphore_mem>>) src(%arg8 : memref<128x128xf32, #tpu.memory_space<vmem>>) dst(%dma_wait3A_73 : memref<128x128xf32, #tpu.memory_space<vmem_shared>>)
    %mul3A_74 = arith.constant 640 : i32
    %mul3A_75 = arith.muli %arg1, %mul3A_74 : i32
    %dma_wait3A_76 = arith.constant 0 : i32
    %dma_wait3A_77 = tpu.memref_slice %arg10[%mul3A_75, %dma_wait3A_76] : memref<10240x128xf32, #tpu.memory_space<vmem_shared>> -> memref<128x128xf32, #tpu.memory_space<vmem_shared>>
    %dma_wait3A_78 = arith.constant 0 : i32
    %dma_wait3A_79 = tpu.memref_slice %arg10[%mul3A_75, %dma_wait3A_78] : memref<10240x128xf32, #tpu.memory_space<vmem_shared>> -> memref<128x128xf32, #tpu.memory_space<vmem_shared>>
    tpu.wait_dma2 semaphore(%arg11 : memref<!tpu.dma_semaphore, #tpu.memory_space<semaphore_mem>>) src(%arg8 : memref<128x128xf32, #tpu.memory_space<vmem>>) dst(%dma_wait3A_79 : memref<128x128xf32, #tpu.memory_space<vmem_shared>>)
    %dma_wait3A_80 = arith.constant 0 : i32
    %dma_wait3A_81 = tpu.memref_slice %arg3[%add3A, %dma_wait3A_80] : memref<2536x128xi32, #tpu.memory_space<hbm>> -> memref<80x128xi32, #tpu.memory_space<hbm>>
    %dma_wait3A_82 = arith.constant 0 : i32
    %dma_wait3A_83 = tpu.memref_slice %arg3[%add3A, %dma_wait3A_82] : memref<2536x128xi32, #tpu.memory_space<hbm>> -> memref<80x128xi32, #tpu.memory_space<hbm>>
    tpu.wait_dma2 semaphore(%arg12 : memref<!tpu.dma_semaphore, #tpu.memory_space<semaphore_mem>>) src(%dma_wait3A_83 : memref<80x128xi32, #tpu.memory_space<hbm>>) dst(%arg5 : memref<80x128xi32, #tpu.memory_space<vmem>>)
    %barrier3A = arith.constant 0 : index
    tpu.barrier barrier_id(%barrier3A)
    %eq3A = arith.constant 15 : i32
    %eq3A_84 = arith.cmpi eq, %arg1, %eq3A : i32
    %mul3A_85 = arith.constant 4 : i32
    %mul3A_86 = arith.muli %mul3A_85, %arg0 : i32
    %add3A_87 = arith.constant 48 : i32
    %add3A_88 = arith.addi %add3A_87, %mul3A_86 : i32
    %jit3A = arith.constant 2 : i32
    %div3A = arith.divsi %add3A_88, %jit3A : i32
    %sign3A = arith.constant 0 : i32
    %sign3A_89 = arith.cmpi sgt, %add3A_88, %sign3A : i32
    %sign3A_90 = arith.extui %sign3A_89 : i1 to i32
    %sign3A_91 = arith.constant 0 : i32
    %sign3A_92 = arith.cmpi slt, %add3A_88, %sign3A_91 : i32
    %sign3A_93 = arith.extui %sign3A_92 : i1 to i32
    %sign3A_94 = arith.subi %sign3A_90, %sign3A_93 : i32
    %sign3A_95 = arith.constant 0 : i32
    %sign3A_96 = arith.cmpi sgt, %jit3A, %sign3A_95 : i32
    %sign3A_97 = arith.extui %sign3A_96 : i1 to i32
    %sign3A_98 = arith.constant 0 : i32
    %sign3A_99 = arith.cmpi slt, %jit3A, %sign3A_98 : i32
    %sign3A_100 = arith.extui %sign3A_99 : i1 to i32
    %sign3A_101 = arith.subi %sign3A_97, %sign3A_100 : i32
    %ne3A = arith.cmpi ne, %sign3A_94, %sign3A_101 : i32
    %rem3A = arith.remsi %add3A_88, %jit3A : i32
    %ne3A_102 = arith.constant 0 : i32
    %ne3A_103 = arith.cmpi ne, %rem3A, %ne3A_102 : i32
    %and3A = arith.andi %ne3A, %ne3A_103 : i1
    %sub3A = arith.constant 1 : i32
    %sub3A_104 = arith.subi %div3A, %sub3A : i32
    %select_n3A = arith.select %and3A, %sub3A_104, %div3A : i32
    %jit3A_105 = arith.constant 40 : i32
    %select_n3A_106 = arith.select %eq3A_84, %select_n3A, %jit3A_105 : i32
    %get3A = arith.constant 0 : i32
    %get3A_107 = arith.index_cast %get3A : i32 to index
    %get3A_108 = arith.constant 0 : index
    %get3A_109 = tpu.vector_load %arg5[%get3A_107, %get3A_108] {strides = array<i32>} : memref<80x128xi32, #tpu.memory_space<vmem>>, vector<1x16xi32>,
    %get3A_110 = vector.shape_cast %get3A_109 : vector<1x16xi32> to vector<16xi32>
    %and3A_111 = arith.constant 65535 : i32
    %and3A_112 = vector.broadcast %and3A_111 : i32 to vector<16xi32>
    %and3A_113 = arith.andi %get3A_110, %and3A_112 : vector<16xi32>
    %swap3A = arith.constant 0 : i32
    %swap3A_114 = arith.index_cast %swap3A : i32 to index
    %swap3A_115 = arith.constant 0 : index
    %swap3A_116 = tpu.vector_load %arg6[%swap3A_114, %swap3A_115] {strides = array<i32>} : memref<2x128xi32, #tpu.memory_space<vmem>>, vector<1x16xi32>,
    %swap3A_117 = vector.shape_cast %swap3A_116 : vector<1x16xi32> to vector<16xi32>
    %swap3A_118 = vector.shape_cast %and3A_113 : vector<16xi32> to vector<1x16xi32>
    tpu.vector_store %arg6[%swap3A_114, %swap3A_115], %swap3A_118 {strides = array<i32>} : memref<2x128xi32, #tpu.memory_space<vmem>>, vector<1x16xi32>,
    %shift_right_logical3A = arith.constant 16 : i32
    %shift_right_logical3A_119 = vector.broadcast %shift_right_logical3A : i32 to vector<16xi32>
    %shift_right_logical3A_120 = arith.shrui %get3A_110, %shift_right_logical3A_119 : vector<16xi32>
    %swap3A_121 = arith.constant 0 : i32
    %swap3A_122 = arith.index_cast %swap3A_121 : i32 to index
    %swap3A_123 = arith.constant 0 : index
    %swap3A_124 = tpu.vector_load %arg7[%swap3A_122, %swap3A_123] {strides = array<i32>} : memref<2x128xi32, #tpu.memory_space<vmem>>, vector<1x16xi32>,
    %swap3A_125 = vector.shape_cast %swap3A_124 : vector<1x16xi32> to vector<16xi32>
    %swap3A_126 = vector.shape_cast %shift_right_logical3A_120 : vector<16xi32> to vector<1x16xi32>
    tpu.vector_store %arg7[%swap3A_122, %swap3A_123], %swap3A_126 {strides = array<i32>} : memref<2x128xi32, #tpu.memory_space<vmem>>, vector<1x16xi32>,
    %get3A_127 = arith.constant 0 : i32
    %get3A_128 = arith.index_cast %get3A_127 : i32 to index
    %get3A_129 = arith.constant 16 : index
    %get3A_130 = tpu.vector_load %arg5[%get3A_128, %get3A_129] {strides = array<i32>} : memref<80x128xi32, #tpu.memory_space<vmem>>, vector<1x16xi32>,
    %get3A_131 = vector.shape_cast %get3A_130 : vector<1x16xi32> to vector<16xi32>
    %and3A_132 = arith.constant 65535 : i32
    %and3A_133 = vector.broadcast %and3A_132 : i32 to vector<16xi32>
    %and3A_134 = arith.andi %get3A_131, %and3A_133 : vector<16xi32>
    %swap3A_135 = arith.constant 0 : i32
    %swap3A_136 = arith.index_cast %swap3A_135 : i32 to index
    %swap3A_137 = arith.constant 16 : index
    %swap3A_138 = tpu.vector_load %arg6[%swap3A_136, %swap3A_137] {strides = array<i32>} : memref<2x128xi32, #tpu.memory_space<vmem>>, vector<1x16xi32>,
    %swap3A_139 = vector.shape_cast %swap3A_138 : vector<1x16xi32> to vector<16xi32>
    %swap3A_140 = vector.shape_cast %and3A_134 : vector<16xi32> to vector<1x16xi32>
    tpu.vector_store %arg6[%swap3A_136, %swap3A_137], %swap3A_140 {strides = array<i32>} : memref<2x128xi32, #tpu.memory_space<vmem>>, vector<1x16xi32>,
    %shift_right_logical3A_141 = arith.constant 16 : i32
    %shift_right_logical3A_142 = vector.broadcast %shift_right_logical3A_141 : i32 to vector<16xi32>
    %shift_right_logical3A_143 = arith.shrui %get3A_131, %shift_right_logical3A_142 : vector<16xi32>
    %swap3A_144 = arith.constant 0 : i32
    %swap3A_145 = arith.index_cast %swap3A_144 : i32 to index
    %swap3A_146 = arith.constant 16 : index
    %swap3A_147 = tpu.vector_load %arg7[%swap3A_145, %swap3A_146] {strides = array<i32>} : memref<2x128xi32, #tpu.memory_space<vmem>>, vector<1x16xi32>,
    %swap3A_148 = vector.shape_cast %swap3A_147 : vector<1x16xi32> to vector<16xi32>
    %swap3A_149 = vector.shape_cast %shift_right_logical3A_143 : vector<16xi32> to vector<1x16xi32>
    tpu.vector_store %arg7[%swap3A_145, %swap3A_146], %swap3A_149 {strides = array<i32>} : memref<2x128xi32, #tpu.memory_space<vmem>>, vector<1x16xi32>,
    %get3A_150 = arith.constant 0 : i32
    %get3A_151 = arith.index_cast %get3A_150 : i32 to index
    %get3A_152 = arith.constant 32 : index
    %get3A_153 = tpu.vector_load %arg5[%get3A_151, %get3A_152] {strides = array<i32>} : memref<80x128xi32, #tpu.memory_space<vmem>>, vector<1x16xi32>,
    %get3A_154 = vector.shape_cast %get3A_153 : vector<1x16xi32> to vector<16xi32>
    %and3A_155 = arith.constant 65535 : i32
    %and3A_156 = vector.broadcast %and3A_155 : i32 to vector<16xi32>
    %and3A_157 = arith.andi %get3A_154, %and3A_156 : vector<16xi32>
    %swap3A_158 = arith.constant 0 : i32
    %swap3A_159 = arith.index_cast %swap3A_158 : i32 to index
    %swap3A_160 = arith.constant 32 : index
    %swap3A_161 = tpu.vector_load %arg6[%swap3A_159, %swap3A_160] {strides = array<i32>} : memref<2x128xi32, #tpu.memory_space<vmem>>, vector<1x16xi32>,
    %swap3A_162 = vector.shape_cast %swap3A_161 : vector<1x16xi32> to vector<16xi32>
    %swap3A_163 = vector.shape_cast %and3A_157 : vector<16xi32> to vector<1x16xi32>
    tpu.vector_store %arg6[%swap3A_159, %swap3A_160], %swap3A_163 {strides = array<i32>} : memref<2x128xi32, #tpu.memory_space<vmem>>, vector<1x16xi32>,
    %shift_right_logical3A_164 = arith.constant 16 : i32
    %shift_right_logical3A_165 = vector.broadcast %shift_right_logical3A_164 : i32 to vector<16xi32>
    %shift_right_logical3A_166 = arith.shrui %get3A_154, %shift_right_logical3A_165 : vector<16xi32>
    %swap3A_167 = arith.constant 0 : i32
    %swap3A_168 = arith.index_cast %swap3A_167 : i32 to index
    %swap3A_169 = arith.constant 32 : index
    %swap3A_170 = tpu.vector_load %arg7[%swap3A_168, %swap3A_169] {strides = array<i32>} : memref<2x128xi32, #tpu.memory_space<vmem>>, vector<1x16xi32>,
    %swap3A_171 = vector.shape_cast %swap3A_170 : vector<1x16xi32> to vector<16xi32>
    %swap3A_172 = vector.shape_cast %shift_right_logical3A_166 : vector<16xi32> to vector<1x16xi32>
    tpu.vector_store %arg7[%swap3A_168, %swap3A_169], %swap3A_172 {strides = array<i32>} : memref<2x128xi32, #tpu.memory_space<vmem>>, vector<1x16xi32>,
    %get3A_173 = arith.constant 0 : i32
    %get3A_174 = arith.index_cast %get3A_173 : i32 to index
    %get3A_175 = arith.constant 48 : index
    %get3A_176 = tpu.vector_load %arg5[%get3A_174, %get3A_175] {strides = array<i32>} : memref<80x128xi32, #tpu.memory_space<vmem>>, vector<1x16xi32>,
    %get3A_177 = vector.shape_cast %get3A_176 : vector<1x16xi32> to vector<16xi32>
    %and3A_178 = arith.constant 65535 : i32
    %and3A_179 = vector.broadcast %and3A_178 : i32 to vector<16xi32>
    %and3A_180 = arith.andi %get3A_177, %and3A_179 : vector<16xi32>
    %swap3A_181 = arith.constant 0 : i32
    %swap3A_182 = arith.index_cast %swap3A_181 : i32 to index
    %swap3A_183 = arith.constant 48 : index
    %swap3A_184 = tpu.vector_load %arg6[%swap3A_182, %swap3A_183] {strides = array<i32>} : memref<2x128xi32, #tpu.memory_space<vmem>>, vector<1x16xi32>,
    %swap3A_185 = vector.shape_cast %swap3A_184 : vector<1x16xi32> to vector<16xi32>
    %swap3A_186 = vector.shape_cast %and3A_180 : vector<16xi32> to vector<1x16xi32>
    tpu.vector_store %arg6[%swap3A_182, %swap3A_183], %swap3A_186 {strides = array<i32>} : memref<2x128xi32, #tpu.memory_space<vmem>>, vector<1x16xi32>,
    %shift_right_logical3A_187 = arith.constant 16 : i32
    %shift_right_logical3A_188 = vector.broadcast %shift_right_logical3A_187 : i32 to vector<16xi32>
    %shift_right_logical3A_189 = arith.shrui %get3A_177, %shift_right_logical3A_188 : vector<16xi32>
    %swap3A_190 = arith.constant 0 : i32
    %swap3A_191 = arith.index_cast %swap3A_190 : i32 to index
    %swap3A_192 = arith.constant 48 : index
    %swap3A_193 = tpu.vector_load %arg7[%swap3A_191, %swap3A_192] {strides = array<i32>} : memref<2x128xi32, #tpu.memory_space<vmem>>, vector<1x16xi32>,
    %swap3A_194 = vector.shape_cast %swap3A_193 : vector<1x16xi32> to vector<16xi32>
    %swap3A_195 = vector.shape_cast %shift_right_logical3A_189 : vector<16xi32> to vector<1x16xi32>
    tpu.vector_store %arg7[%swap3A_191, %swap3A_192], %swap3A_195 {strides = array<i32>} : memref<2x128xi32, #tpu.memory_space<vmem>>, vector<1x16xi32>,
    %get3A_196 = arith.constant 0 : i32
    %get3A_197 = arith.index_cast %get3A_196 : i32 to index
    %get3A_198 = arith.constant 64 : index
    %get3A_199 = tpu.vector_load %arg5[%get3A_197, %get3A_198] {strides = array<i32>} : memref<80x128xi32, #tpu.memory_space<vmem>>, vector<1x16xi32>,
    %get3A_200 = vector.shape_cast %get3A_199 : vector<1x16xi32> to vector<16xi32>
    %and3A_201 = arith.constant 65535 : i32
    %and3A_202 = vector.broadcast %and3A_201 : i32 to vector<16xi32>
    %and3A_203 = arith.andi %get3A_200, %and3A_202 : vector<16xi32>
    %swap3A_204 = arith.constant 0 : i32
    %swap3A_205 = arith.index_cast %swap3A_204 : i32 to index
    %swap3A_206 = arith.constant 64 : index
    %swap3A_207 = tpu.vector_load %arg6[%swap3A_205, %swap3A_206] {strides = array<i32>} : memref<2x128xi32, #tpu.memory_space<vmem>>, vector<1x16xi32>,
    %swap3A_208 = vector.shape_cast %swap3A_207 : vector<1x16xi32> to vector<16xi32>
    %swap3A_209 = vector.shape_cast %and3A_203 : vector<16xi32> to vector<1x16xi32>
    tpu.vector_store %arg6[%swap3A_205, %swap3A_206], %swap3A_209 {strides = array<i32>} : memref<2x128xi32, #tpu.memory_space<vmem>>, vector<1x16xi32>,
    %shift_right_logical3A_210 = arith.constant 16 : i32
    %shift_right_logical3A_211 = vector.broadcast %shift_right_logical3A_210 : i32 to vector<16xi32>
    %shift_right_logical3A_212 = arith.shrui %get3A_200, %shift_right_logical3A_211 : vector<16xi32>
    %swap3A_213 = arith.constant 0 : i32
    %swap3A_214 = arith.index_cast %swap3A_213 : i32 to index
    %swap3A_215 = arith.constant 64 : index
    %swap3A_216 = tpu.vector_load %arg7[%swap3A_214, %swap3A_215] {strides = array<i32>} : memref<2x128xi32, #tpu.memory_space<vmem>>, vector<1x16xi32>,
    %swap3A_217 = vector.shape_cast %swap3A_216 : vector<1x16xi32> to vector<16xi32>
    %swap3A_218 = vector.shape_cast %shift_right_logical3A_212 : vector<16xi32> to vector<1x16xi32>
    tpu.vector_store %arg7[%swap3A_214, %swap3A_215], %swap3A_218 {strides = array<i32>} : memref<2x128xi32, #tpu.memory_space<vmem>>, vector<1x16xi32>,
    %get3A_219 = arith.constant 0 : i32
    %get3A_220 = arith.index_cast %get3A_219 : i32 to index
    %get3A_221 = arith.constant 80 : index
    %get3A_222 = tpu.vector_load %arg5[%get3A_220, %get3A_221] {strides = array<i32>} : memref<80x128xi32, #tpu.memory_space<vmem>>, vector<1x16xi32>,
    %get3A_223 = vector.shape_cast %get3A_222 : vector<1x16xi32> to vector<16xi32>
    %and3A_224 = arith.constant 65535 : i32
    %and3A_225 = vector.broadcast %and3A_224 : i32 to vector<16xi32>
    %and3A_226 = arith.andi %get3A_223, %and3A_225 : vector<16xi32>
    %swap3A_227 = arith.constant 0 : i32
    %swap3A_228 = arith.index_cast %swap3A_227 : i32 to index
    %swap3A_229 = arith.constant 80 : index
    %swap3A_230 = tpu.vector_load %arg6[%swap3A_228, %swap3A_229] {strides = array<i32>} : memref<2x128xi32, #tpu.memory_space<vmem>>, vector<1x16xi32>,
    %swap3A_231 = vector.shape_cast %swap3A_230 : vector<1x16xi32> to vector<16xi32>
    %swap3A_232 = vector.shape_cast %and3A_226 : vector<16xi32> to vector<1x16xi32>
    tpu.vector_store %arg6[%swap3A_228, %swap3A_229], %swap3A_232 {strides = array<i32>} : memref<2x128xi32, #tpu.memory_space<vmem>>, vector<1x16xi32>,
    %shift_right_logical3A_233 = arith.constant 16 : i32
    %shift_right_logical3A_234 = vector.broadcast %shift_right_logical3A_233 : i32 to vector<16xi32>
    %shift_right_logical3A_235 = arith.shrui %get3A_223, %shift_right_logical3A_234 : vector<16xi32>
    %swap3A_236 = arith.constant 0 : i32
    %swap3A_237 = arith.index_cast %swap3A_236 : i32 to index
    %swap3A_238 = arith.constant 80 : index
    %swap3A_239 = tpu.vector_load %arg7[%swap3A_237, %swap3A_238] {strides = array<i32>} : memref<2x128xi32, #tpu.memory_space<vmem>>, vector<1x16xi32>,
    %swap3A_240 = vector.shape_cast %swap3A_239 : vector<1x16xi32> to vector<16xi32>
    %swap3A_241 = vector.shape_cast %shift_right_logical3A_235 : vector<16xi32> to vector<1x16xi32>
    tpu.vector_store %arg7[%swap3A_237, %swap3A_238], %swap3A_241 {strides = array<i32>} : memref<2x128xi32, #tpu.memory_space<vmem>>, vector<1x16xi32>,
    %get3A_242 = arith.constant 0 : i32
    %get3A_243 = arith.index_cast %get3A_242 : i32 to index
    %get3A_244 = arith.constant 96 : index
    %get3A_245 = tpu.vector_load %arg5[%get3A_243, %get3A_244] {strides = array<i32>} : memref<80x128xi32, #tpu.memory_space<vmem>>, vector<1x16xi32>,
    %get3A_246 = vector.shape_cast %get3A_245 : vector<1x16xi32> to vector<16xi32>
    %and3A_247 = arith.constant 65535 : i32
    %and3A_248 = vector.broadcast %and3A_247 : i32 to vector<16xi32>
    %and3A_249 = arith.andi %get3A_246, %and3A_248 : vector<16xi32>
    %swap3A_250 = arith.constant 0 : i32
    %swap3A_251 = arith.index_cast %swap3A_250 : i32 to index
    %swap3A_252 = arith.constant 96 : index
    %swap3A_253 = tpu.vector_load %arg6[%swap3A_251, %swap3A_252] {strides = array<i32>} : memref<2x128xi32, #tpu.memory_space<vmem>>, vector<1x16xi32>,
    %swap3A_254 = vector.shape_cast %swap3A_253 : vector<1x16xi32> to vector<16xi32>
    %swap3A_255 = vector.shape_cast %and3A_249 : vector<16xi32> to vector<1x16xi32>
    tpu.vector_store %arg6[%swap3A_251, %swap3A_252], %swap3A_255 {strides = array<i32>} : memref<2x128xi32, #tpu.memory_space<vmem>>, vector<1x16xi32>,
    %shift_right_logical3A_256 = arith.constant 16 : i32
    %shift_right_logical3A_257 = vector.broadcast %shift_right_logical3A_256 : i32 to vector<16xi32>
    %shift_right_logical3A_258 = arith.shrui %get3A_246, %shift_right_logical3A_257 : vector<16xi32>
    %swap3A_259 = arith.constant 0 : i32
    %swap3A_260 = arith.index_cast %swap3A_259 : i32 to index
    %swap3A_261 = arith.constant 96 : index
    %swap3A_262 = tpu.vector_load %arg7[%swap3A_260, %swap3A_261] {strides = array<i32>} : memref<2x128xi32, #tpu.memory_space<vmem>>, vector<1x16xi32>,
    %swap3A_263 = vector.shape_cast %swap3A_262 : vector<1x16xi32> to vector<16xi32>
    %swap3A_264 = vector.shape_cast %shift_right_logical3A_258 : vector<16xi32> to vector<1x16xi32>
    tpu.vector_store %arg7[%swap3A_260, %swap3A_261], %swap3A_264 {strides = array<i32>} : memref<2x128xi32, #tpu.memory_space<vmem>>, vector<1x16xi32>,
    %get3A_265 = arith.constant 0 : i32
    %get3A_266 = arith.index_cast %get3A_265 : i32 to index
    %get3A_267 = arith.constant 112 : index
    %get3A_268 = tpu.vector_load %arg5[%get3A_266, %get3A_267] {strides = array<i32>} : memref<80x128xi32, #tpu.memory_space<vmem>>, vector<1x16xi32>,
    %get3A_269 = vector.shape_cast %get3A_268 : vector<1x16xi32> to vector<16xi32>
    %and3A_270 = arith.constant 65535 : i32
    %and3A_271 = vector.broadcast %and3A_270 : i32 to vector<16xi32>
    %and3A_272 = arith.andi %get3A_269, %and3A_271 : vector<16xi32>
    %swap3A_273 = arith.constant 0 : i32
    %swap3A_274 = arith.index_cast %swap3A_273 : i32 to index
    %swap3A_275 = arith.constant 112 : index
    %swap3A_276 = tpu.vector_load %arg6[%swap3A_274, %swap3A_275] {strides = array<i32>} : memref<2x128xi32, #tpu.memory_space<vmem>>, vector<1x16xi32>,
    %swap3A_277 = vector.shape_cast %swap3A_276 : vector<1x16xi32> to vector<16xi32>
    %swap3A_278 = vector.shape_cast %and3A_272 : vector<16xi32> to vector<1x16xi32>
    tpu.vector_store %arg6[%swap3A_274, %swap3A_275], %swap3A_278 {strides = array<i32>} : memref<2x128xi32, #tpu.memory_space<vmem>>, vector<1x16xi32>,
    %shift_right_logical3A_279 = arith.constant 16 : i32
    %shift_right_logical3A_280 = vector.broadcast %shift_right_logical3A_279 : i32 to vector<16xi32>
    %shift_right_logical3A_281 = arith.shrui %get3A_269, %shift_right_logical3A_280 : vector<16xi32>
    %swap3A_282 = arith.constant 0 : i32
    %swap3A_283 = arith.index_cast %swap3A_282 : i32 to index
    %swap3A_284 = arith.constant 112 : index
    %swap3A_285 = tpu.vector_load %arg7[%swap3A_283, %swap3A_284] {strides = array<i32>} : memref<2x128xi32, #tpu.memory_space<vmem>>, vector<1x16xi32>,
    %swap3A_286 = vector.shape_cast %swap3A_285 : vector<1x16xi32> to vector<16xi32>
    %swap3A_287 = vector.shape_cast %shift_right_logical3A_281 : vector<16xi32> to vector<1x16xi32>
    tpu.vector_store %arg7[%swap3A_283, %swap3A_284], %swap3A_287 {strides = array<i32>} : memref<2x128xi32, #tpu.memory_space<vmem>>, vector<1x16xi32>,
    %dma_start3A_288 = arith.constant 0 : i32
    %dma_start3A_289 = arith.constant 0 : i32
    %dma_start3A_290 = tpu.memref_slice %arg6[%dma_start3A_288, %dma_start3A_289] : memref<2x128xi32, #tpu.memory_space<vmem>> -> memref<1x128xi32, #tpu.memory_space<vmem>>
    %dma_start3A_291 = tpu.memref_squeeze %dma_start3A_290 : memref<1x128xi32, #tpu.memory_space<vmem>> -> memref<128xi32, #tpu.memory_space<vmem>>
    %dma_start3A_292 = arith.constant 0 : i32
    %dma_start3A_293 = arith.constant 0 : i32
    %dma_start3A_294 = tpu.memref_slice %arg2[%dma_start3A_292, %dma_start3A_293] : memref<10000x128xf32, #tpu.memory_space<hbm>> -> memref<10000x128xf32, #tpu.memory_space<hbm>>
    tpu.enqueue_indirect_dma source(%dma_start3A_294 : memref<10000x128xf32, #tpu.memory_space<hbm>>) target(%arg8 : memref<128x128xf32, #tpu.memory_space<vmem>>) offsets(%dma_start3A_291 : memref<128xi32, #tpu.memory_space<vmem>>) semaphore(%arg11 : memref<!tpu.dma_semaphore, #tpu.memory_space<semaphore_mem>>)
    %while3A = arith.constant 0 : i32
    %while3A_295 = arith.constant 0 : i32
    %while3A_296 = arith.subi %select_n3A_106, %while3A_295 : i32
    %while3A_297 = arith.addi %while3A_295, %while3A_296 : i32
    %while3A_298 = arith.constant 1 : i32
    %while3A_299 = arith.divsi %while3A_296, %while3A_298 : i32
    %while3A_300 = arith.muli %while3A_299, %while3A_298 : i32
    %while3A_301 = arith.addi %while3A_295, %while3A_300 : i32
    %while3A_302 = arith.constant 1 : i32
    scf.for %while3A_389 = %while3A_295 to %while3A_301 step %while3A_302  : i32 {
      %mul3A_390 = arith.constant 2 : i32
      %mul3A_391 = arith.muli %mul3A_390, %while3A_389 : i32
      %add3A_392 = arith.constant 1 : i32
      %add3A_393 = arith.addi %mul3A_391, %add3A_392 : i32
      %get3A_394 = arith.index_cast %add3A_393 : i32 to index
      %get3A_395 = arith.constant 0 : index
      %get3A_396 = tpu.vector_load %arg5[%get3A_394, %get3A_395] {strides = array<i32>} : memref<80x128xi32, #tpu.memory_space<vmem>>, vector<1x16xi32>,
      %get3A_397 = vector.shape_cast %get3A_396 : vector<1x16xi32> to vector<16xi32>
      %and3A_398 = arith.constant 65535 : i32
      %and3A_399 = vector.broadcast %and3A_398 : i32 to vector<16xi32>
      %and3A_400 = arith.andi %get3A_397, %and3A_399 : vector<16xi32>
      %swap3A_401 = arith.constant 1 : i32
      %swap3A_402 = arith.index_cast %swap3A_401 : i32 to index
      %swap3A_403 = arith.constant 0 : index
      %swap3A_404 = tpu.vector_load %arg6[%swap3A_402, %swap3A_403] {strides = array<i32>} : memref<2x128xi32, #tpu.memory_space<vmem>>, vector<1x16xi32>,
      %swap3A_405 = vector.shape_cast %swap3A_404 : vector<1x16xi32> to vector<16xi32>
      %swap3A_406 = vector.shape_cast %and3A_400 : vector<16xi32> to vector<1x16xi32>
      tpu.vector_store %arg6[%swap3A_402, %swap3A_403], %swap3A_406 {strides = array<i32>} : memref<2x128xi32, #tpu.memory_space<vmem>>, vector<1x16xi32>,
      %shift_right_logical3A_407 = arith.constant 16 : i32
      %shift_right_logical3A_408 = vector.broadcast %shift_right_logical3A_407 : i32 to vector<16xi32>
      %shift_right_logical3A_409 = arith.shrui %get3A_397, %shift_right_logical3A_408 : vector<16xi32>
      %swap3A_410 = arith.constant 1 : i32
      %swap3A_411 = arith.index_cast %swap3A_410 : i32 to index
      %swap3A_412 = arith.constant 0 : index
      %swap3A_413 = tpu.vector_load %arg7[%swap3A_411, %swap3A_412] {strides = array<i32>} : memref<2x128xi32, #tpu.memory_space<vmem>>, vector<1x16xi32>,
      %swap3A_414 = vector.shape_cast %swap3A_413 : vector<1x16xi32> to vector<16xi32>
      %swap3A_415 = vector.shape_cast %shift_right_logical3A_409 : vector<16xi32> to vector<1x16xi32>
      tpu.vector_store %arg7[%swap3A_411, %swap3A_412], %swap3A_415 {strides = array<i32>} : memref<2x128xi32, #tpu.memory_space<vmem>>, vector<1x16xi32>,
      %get3A_416 = arith.index_cast %add3A_393 : i32 to index
      %get3A_417 = arith.constant 16 : index
      %get3A_418 = tpu.vector_load %arg5[%get3A_416, %get3A_417] {strides = array<i32>} : memref<80x128xi32, #tpu.memory_space<vmem>>, vector<1x16xi32>,
      %get3A_419 = vector.shape_cast %get3A_418 : vector<1x16xi32> to vector<16xi32>
      %and3A_420 = arith.constant 65535 : i32
      %and3A_421 = vector.broadcast %and3A_420 : i32 to vector<16xi32>
      %and3A_422 = arith.andi %get3A_419, %and3A_421 : vector<16xi32>
      %swap3A_423 = arith.constant 1 : i32
      %swap3A_424 = arith.index_cast %swap3A_423 : i32 to index
      %swap3A_425 = arith.constant 16 : index
      %swap3A_426 = tpu.vector_load %arg6[%swap3A_424, %swap3A_425] {strides = array<i32>} : memref<2x128xi32, #tpu.memory_space<vmem>>, vector<1x16xi32>,
      %swap3A_427 = vector.shape_cast %swap3A_426 : vector<1x16xi32> to vector<16xi32>
      %swap3A_428 = vector.shape_cast %and3A_422 : vector<16xi32> to vector<1x16xi32>
      tpu.vector_store %arg6[%swap3A_424, %swap3A_425], %swap3A_428 {strides = array<i32>} : memref<2x128xi32, #tpu.memory_space<vmem>>, vector<1x16xi32>,
      %shift_right_logical3A_429 = arith.constant 16 : i32
      %shift_right_logical3A_430 = vector.broadcast %shift_right_logical3A_429 : i32 to vector<16xi32>
      %shift_right_logical3A_431 = arith.shrui %get3A_419, %shift_right_logical3A_430 : vector<16xi32>
      %swap3A_432 = arith.constant 1 : i32
      %swap3A_433 = arith.index_cast %swap3A_432 : i32 to index
      %swap3A_434 = arith.constant 16 : index
      %swap3A_435 = tpu.vector_load %arg7[%swap3A_433, %swap3A_434] {strides = array<i32>} : memref<2x128xi32, #tpu.memory_space<vmem>>, vector<1x16xi32>,
      %swap3A_436 = vector.shape_cast %swap3A_435 : vector<1x16xi32> to vector<16xi32>
      %swap3A_437 = vector.shape_cast %shift_right_logical3A_431 : vector<16xi32> to vector<1x16xi32>
      tpu.vector_store %arg7[%swap3A_433, %swap3A_434], %swap3A_437 {strides = array<i32>} : memref<2x128xi32, #tpu.memory_space<vmem>>, vector<1x16xi32>,
      %get3A_438 = arith.index_cast %add3A_393 : i32 to index
      %get3A_439 = arith.constant 32 : index
      %get3A_440 = tpu.vector_load %arg5[%get3A_438, %get3A_439] {strides = array<i32>} : memref<80x128xi32, #tpu.memory_space<vmem>>, vector<1x16xi32>,
      %get3A_441 = vector.shape_cast %get3A_440 : vector<1x16xi32> to vector<16xi32>
      %and3A_442 = arith.constant 65535 : i32
      %and3A_443 = vector.broadcast %and3A_442 : i32 to vector<16xi32>
      %and3A_444 = arith.andi %get3A_441, %and3A_443 : vector<16xi32>
      %swap3A_445 = arith.constant 1 : i32
      %swap3A_446 = arith.index_cast %swap3A_445 : i32 to index
      %swap3A_447 = arith.constant 32 : index
      %swap3A_448 = tpu.vector_load %arg6[%swap3A_446, %swap3A_447] {strides = array<i32>} : memref<2x128xi32, #tpu.memory_space<vmem>>, vector<1x16xi32>,
      %swap3A_449 = vector.shape_cast %swap3A_448 : vector<1x16xi32> to vector<16xi32>
      %swap3A_450 = vector.shape_cast %and3A_444 : vector<16xi32> to vector<1x16xi32>
      tpu.vector_store %arg6[%swap3A_446, %swap3A_447], %swap3A_450 {strides = array<i32>} : memref<2x128xi32, #tpu.memory_space<vmem>>, vector<1x16xi32>,
      %shift_right_logical3A_451 = arith.constant 16 : i32
      %shift_right_logical3A_452 = vector.broadcast %shift_right_logical3A_451 : i32 to vector<16xi32>
      %shift_right_logical3A_453 = arith.shrui %get3A_441, %shift_right_logical3A_452 : vector<16xi32>
      %swap3A_454 = arith.constant 1 : i32
      %swap3A_455 = arith.index_cast %swap3A_454 : i32 to index
      %swap3A_456 = arith.constant 32 : index
      %swap3A_457 = tpu.vector_load %arg7[%swap3A_455, %swap3A_456] {strides = array<i32>} : memref<2x128xi32, #tpu.memory_space<vmem>>, vector<1x16xi32>,
      %swap3A_458 = vector.shape_cast %swap3A_457 : vector<1x16xi32> to vector<16xi32>
      %swap3A_459 = vector.shape_cast %shift_right_logical3A_453 : vector<16xi32> to vector<1x16xi32>
      tpu.vector_store %arg7[%swap3A_455, %swap3A_456], %swap3A_459 {strides = array<i32>} : memref<2x128xi32, #tpu.memory_space<vmem>>, vector<1x16xi32>,
      %get3A_460 = arith.index_cast %add3A_393 : i32 to index
      %get3A_461 = arith.constant 48 : index
      %get3A_462 = tpu.vector_load %arg5[%get3A_460, %get3A_461] {strides = array<i32>} : memref<80x128xi32, #tpu.memory_space<vmem>>, vector<1x16xi32>,
      %get3A_463 = vector.shape_cast %get3A_462 : vector<1x16xi32> to vector<16xi32>
      %and3A_464 = arith.constant 65535 : i32
      %and3A_465 = vector.broadcast %and3A_464 : i32 to vector<16xi32>
      %and3A_466 = arith.andi %get3A_463, %and3A_465 : vector<16xi32>
      %swap3A_467 = arith.constant 1 : i32
      %swap3A_468 = arith.index_cast %swap3A_467 : i32 to index
      %swap3A_469 = arith.constant 48 : index
      %swap3A_470 = tpu.vector_load %arg6[%swap3A_468, %swap3A_469] {strides = array<i32>} : memref<2x128xi32, #tpu.memory_space<vmem>>, vector<1x16xi32>,
      %swap3A_471 = vector.shape_cast %swap3A_470 : vector<1x16xi32> to vector<16xi32>
      %swap3A_472 = vector.shape_cast %and3A_466 : vector<16xi32> to vector<1x16xi32>
      tpu.vector_store %arg6[%swap3A_468, %swap3A_469], %swap3A_472 {strides = array<i32>} : memref<2x128xi32, #tpu.memory_space<vmem>>, vector<1x16xi32>,
      %shift_right_logical3A_473 = arith.constant 16 : i32
      %shift_right_logical3A_474 = vector.broadcast %shift_right_logical3A_473 : i32 to vector<16xi32>
      %shift_right_logical3A_475 = arith.shrui %get3A_463, %shift_right_logical3A_474 : vector<16xi32>
      %swap3A_476 = arith.constant 1 : i32
      %swap3A_477 = arith.index_cast %swap3A_476 : i32 to index
      %swap3A_478 = arith.constant 48 : index
      %swap3A_479 = tpu.vector_load %arg7[%swap3A_477, %swap3A_478] {strides = array<i32>} : memref<2x128xi32, #tpu.memory_space<vmem>>, vector<1x16xi32>,
      %swap3A_480 = vector.shape_cast %swap3A_479 : vector<1x16xi32> to vector<16xi32>
      %swap3A_481 = vector.shape_cast %shift_right_logical3A_475 : vector<16xi32> to vector<1x16xi32>
      tpu.vector_store %arg7[%swap3A_477, %swap3A_478], %swap3A_481 {strides = array<i32>} : memref<2x128xi32, #tpu.memory_space<vmem>>, vector<1x16xi32>,
      %get3A_482 = arith.index_cast %add3A_393 : i32 to index
      %get3A_483 = arith.constant 64 : index
      %get3A_484 = tpu.vector_load %arg5[%get3A_482, %get3A_483] {strides = array<i32>} : memref<80x128xi32, #tpu.memory_space<vmem>>, vector<1x16xi32>,
      %get3A_485 = vector.shape_cast %get3A_484 : vector<1x16xi32> to vector<16xi32>
      %and3A_486 = arith.constant 65535 : i32
      %and3A_487 = vector.broadcast %and3A_486 : i32 to vector<16xi32>
      %and3A_488 = arith.andi %get3A_485, %and3A_487 : vector<16xi32>
      %swap3A_489 = arith.constant 1 : i32
      %swap3A_490 = arith.index_cast %swap3A_489 : i32 to index
      %swap3A_491 = arith.constant 64 : index
      %swap3A_492 = tpu.vector_load %arg6[%swap3A_490, %swap3A_491] {strides = array<i32>} : memref<2x128xi32, #tpu.memory_space<vmem>>, vector<1x16xi32>,
      %swap3A_493 = vector.shape_cast %swap3A_492 : vector<1x16xi32> to vector<16xi32>
      %swap3A_494 = vector.shape_cast %and3A_488 : vector<16xi32> to vector<1x16xi32>
      tpu.vector_store %arg6[%swap3A_490, %swap3A_491], %swap3A_494 {strides = array<i32>} : memref<2x128xi32, #tpu.memory_space<vmem>>, vector<1x16xi32>,
      %shift_right_logical3A_495 = arith.constant 16 : i32
      %shift_right_logical3A_496 = vector.broadcast %shift_right_logical3A_495 : i32 to vector<16xi32>
      %shift_right_logical3A_497 = arith.shrui %get3A_485, %shift_right_logical3A_496 : vector<16xi32>
      %swap3A_498 = arith.constant 1 : i32
      %swap3A_499 = arith.index_cast %swap3A_498 : i32 to index
      %swap3A_500 = arith.constant 64 : index
      %swap3A_501 = tpu.vector_load %arg7[%swap3A_499, %swap3A_500] {strides = array<i32>} : memref<2x128xi32, #tpu.memory_space<vmem>>, vector<1x16xi32>,
      %swap3A_502 = vector.shape_cast %swap3A_501 : vector<1x16xi32> to vector<16xi32>
      %swap3A_503 = vector.shape_cast %shift_right_logical3A_497 : vector<16xi32> to vector<1x16xi32>
      tpu.vector_store %arg7[%swap3A_499, %swap3A_500], %swap3A_503 {strides = array<i32>} : memref<2x128xi32, #tpu.memory_space<vmem>>, vector<1x16xi32>,
      %get3A_504 = arith.index_cast %add3A_393 : i32 to index
      %get3A_505 = arith.constant 80 : index
      %get3A_506 = tpu.vector_load %arg5[%get3A_504, %get3A_505] {strides = array<i32>} : memref<80x128xi32, #tpu.memory_space<vmem>>, vector<1x16xi32>,
      %get3A_507 = vector.shape_cast %get3A_506 : vector<1x16xi32> to vector<16xi32>
      %and3A_508 = arith.constant 65535 : i32
      %and3A_509 = vector.broadcast %and3A_508 : i32 to vector<16xi32>
      %and3A_510 = arith.andi %get3A_507, %and3A_509 : vector<16xi32>
      %swap3A_511 = arith.constant 1 : i32
      %swap3A_512 = arith.index_cast %swap3A_511 : i32 to index
      %swap3A_513 = arith.constant 80 : index
      %swap3A_514 = tpu.vector_load %arg6[%swap3A_512, %swap3A_513] {strides = array<i32>} : memref<2x128xi32, #tpu.memory_space<vmem>>, vector<1x16xi32>,
      %swap3A_515 = vector.shape_cast %swap3A_514 : vector<1x16xi32> to vector<16xi32>
      %swap3A_516 = vector.shape_cast %and3A_510 : vector<16xi32> to vector<1x16xi32>
      tpu.vector_store %arg6[%swap3A_512, %swap3A_513], %swap3A_516 {strides = array<i32>} : memref<2x128xi32, #tpu.memory_space<vmem>>, vector<1x16xi32>,
      %shift_right_logical3A_517 = arith.constant 16 : i32
      %shift_right_logical3A_518 = vector.broadcast %shift_right_logical3A_517 : i32 to vector<16xi32>
      %shift_right_logical3A_519 = arith.shrui %get3A_507, %shift_right_logical3A_518 : vector<16xi32>
      %swap3A_520 = arith.constant 1 : i32
      %swap3A_521 = arith.index_cast %swap3A_520 : i32 to index
      %swap3A_522 = arith.constant 80 : index
      %swap3A_523 = tpu.vector_load %arg7[%swap3A_521, %swap3A_522] {strides = array<i32>} : memref<2x128xi32, #tpu.memory_space<vmem>>, vector<1x16xi32>,
      %swap3A_524 = vector.shape_cast %swap3A_523 : vector<1x16xi32> to vector<16xi32>
      %swap3A_525 = vector.shape_cast %shift_right_logical3A_519 : vector<16xi32> to vector<1x16xi32>
      tpu.vector_store %arg7[%swap3A_521, %swap3A_522], %swap3A_525 {strides = array<i32>} : memref<2x128xi32, #tpu.memory_space<vmem>>, vector<1x16xi32>,
      %get3A_526 = arith.index_cast %add3A_393 : i32 to index
      %get3A_527 = arith.constant 96 : index
      %get3A_528 = tpu.vector_load %arg5[%get3A_526, %get3A_527] {strides = array<i32>} : memref<80x128xi32, #tpu.memory_space<vmem>>, vector<1x16xi32>,
      %get3A_529 = vector.shape_cast %get3A_528 : vector<1x16xi32> to vector<16xi32>
      %and3A_530 = arith.constant 65535 : i32
      %and3A_531 = vector.broadcast %and3A_530 : i32 to vector<16xi32>
      %and3A_532 = arith.andi %get3A_529, %and3A_531 : vector<16xi32>
      %swap3A_533 = arith.constant 1 : i32
      %swap3A_534 = arith.index_cast %swap3A_533 : i32 to index
      %swap3A_535 = arith.constant 96 : index
      %swap3A_536 = tpu.vector_load %arg6[%swap3A_534, %swap3A_535] {strides = array<i32>} : memref<2x128xi32, #tpu.memory_space<vmem>>, vector<1x16xi32>,
      %swap3A_537 = vector.shape_cast %swap3A_536 : vector<1x16xi32> to vector<16xi32>
      %swap3A_538 = vector.shape_cast %and3A_532 : vector<16xi32> to vector<1x16xi32>
      tpu.vector_store %arg6[%swap3A_534, %swap3A_535], %swap3A_538 {strides = array<i32>} : memref<2x128xi32, #tpu.memory_space<vmem>>, vector<1x16xi32>,
      %shift_right_logical3A_539 = arith.constant 16 : i32
      %shift_right_logical3A_540 = vector.broadcast %shift_right_logical3A_539 : i32 to vector<16xi32>
      %shift_right_logical3A_541 = arith.shrui %get3A_529, %shift_right_logical3A_540 : vector<16xi32>
      %swap3A_542 = arith.constant 1 : i32
      %swap3A_543 = arith.index_cast %swap3A_542 : i32 to index
      %swap3A_544 = arith.constant 96 : index
      %swap3A_545 = tpu.vector_load %arg7[%swap3A_543, %swap3A_544] {strides = array<i32>} : memref<2x128xi32, #tpu.memory_space<vmem>>, vector<1x16xi32>,
      %swap3A_546 = vector.shape_cast %swap3A_545 : vector<1x16xi32> to vector<16xi32>
      %swap3A_547 = vector.shape_cast %shift_right_logical3A_541 : vector<16xi32> to vector<1x16xi32>
      tpu.vector_store %arg7[%swap3A_543, %swap3A_544], %swap3A_547 {strides = array<i32>} : memref<2x128xi32, #tpu.memory_space<vmem>>, vector<1x16xi32>,
      %get3A_548 = arith.index_cast %add3A_393 : i32 to index
      %get3A_549 = arith.constant 112 : index
      %get3A_550 = tpu.vector_load %arg5[%get3A_548, %get3A_549] {strides = array<i32>} : memref<80x128xi32, #tpu.memory_space<vmem>>, vector<1x16xi32>,
      %get3A_551 = vector.shape_cast %get3A_550 : vector<1x16xi32> to vector<16xi32>
      %and3A_552 = arith.constant 65535 : i32
      %and3A_553 = vector.broadcast %and3A_552 : i32 to vector<16xi32>
      %and3A_554 = arith.andi %get3A_551, %and3A_553 : vector<16xi32>
      %swap3A_555 = arith.constant 1 : i32
      %swap3A_556 = arith.index_cast %swap3A_555 : i32 to index
      %swap3A_557 = arith.constant 112 : index
      %swap3A_558 = tpu.vector_load %arg6[%swap3A_556, %swap3A_557] {strides = array<i32>} : memref<2x128xi32, #tpu.memory_space<vmem>>, vector<1x16xi32>,
      %swap3A_559 = vector.shape_cast %swap3A_558 : vector<1x16xi32> to vector<16xi32>
      %swap3A_560 = vector.shape_cast %and3A_554 : vector<16xi32> to vector<1x16xi32>
      tpu.vector_store %arg6[%swap3A_556, %swap3A_557], %swap3A_560 {strides = array<i32>} : memref<2x128xi32, #tpu.memory_space<vmem>>, vector<1x16xi32>,
      %shift_right_logical3A_561 = arith.constant 16 : i32
      %shift_right_logical3A_562 = vector.broadcast %shift_right_logical3A_561 : i32 to vector<16xi32>
      %shift_right_logical3A_563 = arith.shrui %get3A_551, %shift_right_logical3A_562 : vector<16xi32>
      %swap3A_564 = arith.constant 1 : i32
      %swap3A_565 = arith.index_cast %swap3A_564 : i32 to index
      %swap3A_566 = arith.constant 112 : index
      %swap3A_567 = tpu.vector_load %arg7[%swap3A_565, %swap3A_566] {strides = array<i32>} : memref<2x128xi32, #tpu.memory_space<vmem>>, vector<1x16xi32>,
      %swap3A_568 = vector.shape_cast %swap3A_567 : vector<1x16xi32> to vector<16xi32>
      %swap3A_569 = vector.shape_cast %shift_right_logical3A_563 : vector<16xi32> to vector<1x16xi32>
      tpu.vector_store %arg7[%swap3A_565, %swap3A_566], %swap3A_569 {strides = array<i32>} : memref<2x128xi32, #tpu.memory_space<vmem>>, vector<1x16xi32>,
      %dma_start3A_570 = arith.constant 1 : i32
      %dma_start3A_571 = arith.constant 0 : i32
      %dma_start3A_572 = tpu.memref_slice %arg6[%dma_start3A_570, %dma_start3A_571] : memref<2x128xi32, #tpu.memory_space<vmem>> -> memref<1x128xi32, #tpu.memory_space<vmem>>
      %dma_start3A_573 = tpu.memref_squeeze %dma_start3A_572 : memref<1x128xi32, #tpu.memory_space<vmem>> -> memref<128xi32, #tpu.memory_space<vmem>>
      %dma_start3A_574 = arith.constant 0 : i32
      %dma_start3A_575 = arith.constant 0 : i32
      %dma_start3A_576 = tpu.memref_slice %arg2[%dma_start3A_574, %dma_start3A_575] : memref<10000x128xf32, #tpu.memory_space<hbm>> -> memref<10000x128xf32, #tpu.memory_space<hbm>>
      tpu.enqueue_indirect_dma source(%dma_start3A_576 : memref<10000x128xf32, #tpu.memory_space<hbm>>) target(%arg9 : memref<128x128xf32, #tpu.memory_space<vmem>>) offsets(%dma_start3A_573 : memref<128xi32, #tpu.memory_space<vmem>>) semaphore(%arg12 : memref<!tpu.dma_semaphore, #tpu.memory_space<semaphore_mem>>)
      %dma_wait3A_577 = arith.constant 0 : i32
      %dma_wait3A_578 = arith.constant 0 : i32
      %dma_wait3A_579 = tpu.memref_slice %arg6[%dma_wait3A_577, %dma_wait3A_578] : memref<2x128xi32, #tpu.memory_space<vmem>> -> memref<1x128xi32, #tpu.memory_space<vmem>>
      %dma_wait3A_580 = tpu.memref_squeeze %dma_wait3A_579 : memref<1x128xi32, #tpu.memory_space<vmem>> -> memref<128xi32, #tpu.memory_space<vmem>>
      %dma_wait3A_581 = arith.constant 0 : i32
      %dma_wait3A_582 = arith.constant 0 : i32
      %dma_wait3A_583 = tpu.memref_slice %arg2[%dma_wait3A_581, %dma_wait3A_582] : memref<10000x128xf32, #tpu.memory_space<hbm>> -> memref<10000x128xf32, #tpu.memory_space<hbm>>
      tpu.wait_indirect_dma semaphore(%arg11 : memref<!tpu.dma_semaphore, #tpu.memory_space<semaphore_mem>>) src(%dma_wait3A_583 : memref<10000x128xf32, #tpu.memory_space<hbm>>) dst(%arg8 : memref<128x128xf32, #tpu.memory_space<vmem>>)
      %run_scoped3A = arith.constant 0 : i32
      "tpu.region"() ({
        %run_scoped3A_595 = tpu.sem_alloc : memref<!tpu.dma_semaphore, #tpu.memory_space<semaphore_mem>>
        %dma_start3A_596 = arith.constant 0 : i32
        %dma_start3A_597 = tpu.memref_slice %arg7[%run_scoped3A, %dma_start3A_596] : memref<2x128xi32, #tpu.memory_space<vmem>> -> memref<1x128xi32, #tpu.memory_space<vmem>>
        %dma_start3A_598 = tpu.memref_squeeze %dma_start3A_597 : memref<1x128xi32, #tpu.memory_space<vmem>> -> memref<128xi32, #tpu.memory_space<vmem>>
        %dma_start3A_599 = arith.constant 0 : i32
        %dma_start3A_600 = arith.constant 0 : i32
        %dma_start3A_601 = tpu.memref_slice %arg10[%dma_start3A_599, %dma_start3A_600] : memref<10240x128xf32, #tpu.memory_space<vmem_shared>> -> memref<10240x128xf32, #tpu.memory_space<vmem_shared>>
        tpu.enqueue_indirect_dma source(%arg8 : memref<128x128xf32, #tpu.memory_space<vmem>>) target(%dma_start3A_601 : memref<10240x128xf32, #tpu.memory_space<vmem_shared>>) offsets(%dma_start3A_598 : memref<128xi32, #tpu.memory_space<vmem>>) semaphore(%run_scoped3A_595 : memref<!tpu.dma_semaphore, #tpu.memory_space<semaphore_mem>>) {add = true}
        %dma_wait3A_602 = arith.constant 0 : i32
        %dma_wait3A_603 = tpu.memref_slice %arg7[%run_scoped3A, %dma_wait3A_602] : memref<2x128xi32, #tpu.memory_space<vmem>> -> memref<1x128xi32, #tpu.memory_space<vmem>>
        %dma_wait3A_604 = tpu.memref_squeeze %dma_wait3A_603 : memref<1x128xi32, #tpu.memory_space<vmem>> -> memref<128xi32, #tpu.memory_space<vmem>>
        %dma_wait3A_605 = arith.constant 0 : i32
        %dma_wait3A_606 = arith.constant 0 : i32
        %dma_wait3A_607 = tpu.memref_slice %arg10[%dma_wait3A_605, %dma_wait3A_606] : memref<10240x128xf32, #tpu.memory_space<vmem_shared>> -> memref<10240x128xf32, #tpu.memory_space<vmem_shared>>
        tpu.wait_indirect_dma semaphore(%run_scoped3A_595 : memref<!tpu.dma_semaphore, #tpu.memory_space<semaphore_mem>>) src(%arg8 : memref<128x128xf32, #tpu.memory_space<vmem>>) dst(%dma_wait3A_607 : memref<10240x128xf32, #tpu.memory_space<vmem_shared>>)
        tpu.yield
      }) : () -> ()
      %sub3A_584 = arith.constant 1 : i32
      %sub3A_585 = arith.subi %select_n3A_106, %sub3A_584 : i32
      %lt3A = arith.cmpi slt, %while3A_389, %sub3A_585 : i32
      %convert_element_type3A = arith.extui %lt3A : i1 to i32
      %cond3A = arith.constant 0 : i32
      %cond3A_586 = arith.cmpi ne, %convert_element_type3A, %cond3A : i32
      scf.if %cond3A_586 {
        %add3A_595 = arith.constant 2 : i32
        %add3A_596 = arith.addi %mul3A_391, %add3A_595 : i32
        %get3A_597 = arith.index_cast %add3A_596 : i32 to index
        %get3A_598 = arith.constant 0 : index
        %get3A_599 = tpu.vector_load %arg5[%get3A_597, %get3A_598] {strides = array<i32>} : memref<80x128xi32, #tpu.memory_space<vmem>>, vector<1x16xi32>,
        %get3A_600 = vector.shape_cast %get3A_599 : vector<1x16xi32> to vector<16xi32>
        %and3A_601 = arith.constant 65535 : i32
        %and3A_602 = vector.broadcast %and3A_601 : i32 to vector<16xi32>
        %and3A_603 = arith.andi %get3A_600, %and3A_602 : vector<16xi32>
        %swap3A_604 = arith.constant 0 : i32
        %swap3A_605 = arith.index_cast %swap3A_604 : i32 to index
        %swap3A_606 = arith.constant 0 : index
        %swap3A_607 = tpu.vector_load %arg6[%swap3A_605, %swap3A_606] {strides = array<i32>} : memref<2x128xi32, #tpu.memory_space<vmem>>, vector<1x16xi32>,
        %swap3A_608 = vector.shape_cast %swap3A_607 : vector<1x16xi32> to vector<16xi32>
        %swap3A_609 = vector.shape_cast %and3A_603 : vector<16xi32> to vector<1x16xi32>
        tpu.vector_store %arg6[%swap3A_605, %swap3A_606], %swap3A_609 {strides = array<i32>} : memref<2x128xi32, #tpu.memory_space<vmem>>, vector<1x16xi32>,
        %shift_right_logical3A_610 = arith.constant 16 : i32
        %shift_right_logical3A_611 = vector.broadcast %shift_right_logical3A_610 : i32 to vector<16xi32>
        %shift_right_logical3A_612 = arith.shrui %get3A_600, %shift_right_logical3A_611 : vector<16xi32>
        %swap3A_613 = arith.constant 0 : i32
        %swap3A_614 = arith.index_cast %swap3A_613 : i32 to index
        %swap3A_615 = arith.constant 0 : index
        %swap3A_616 = tpu.vector_load %arg7[%swap3A_614, %swap3A_615] {strides = array<i32>} : memref<2x128xi32, #tpu.memory_space<vmem>>, vector<1x16xi32>,
        %swap3A_617 = vector.shape_cast %swap3A_616 : vector<1x16xi32> to vector<16xi32>
        %swap3A_618 = vector.shape_cast %shift_right_logical3A_612 : vector<16xi32> to vector<1x16xi32>
        tpu.vector_store %arg7[%swap3A_614, %swap3A_615], %swap3A_618 {strides = array<i32>} : memref<2x128xi32, #tpu.memory_space<vmem>>, vector<1x16xi32>,
        %get3A_619 = arith.index_cast %add3A_596 : i32 to index
        %get3A_620 = arith.constant 16 : index
        %get3A_621 = tpu.vector_load %arg5[%get3A_619, %get3A_620] {strides = array<i32>} : memref<80x128xi32, #tpu.memory_space<vmem>>, vector<1x16xi32>,
        %get3A_622 = vector.shape_cast %get3A_621 : vector<1x16xi32> to vector<16xi32>
        %and3A_623 = arith.constant 65535 : i32
        %and3A_624 = vector.broadcast %and3A_623 : i32 to vector<16xi32>
        %and3A_625 = arith.andi %get3A_622, %and3A_624 : vector<16xi32>
        %swap3A_626 = arith.constant 0 : i32
        %swap3A_627 = arith.index_cast %swap3A_626 : i32 to index
        %swap3A_628 = arith.constant 16 : index
        %swap3A_629 = tpu.vector_load %arg6[%swap3A_627, %swap3A_628] {strides = array<i32>} : memref<2x128xi32, #tpu.memory_space<vmem>>, vector<1x16xi32>,
        %swap3A_630 = vector.shape_cast %swap3A_629 : vector<1x16xi32> to vector<16xi32>
        %swap3A_631 = vector.shape_cast %and3A_625 : vector<16xi32> to vector<1x16xi32>
        tpu.vector_store %arg6[%swap3A_627, %swap3A_628], %swap3A_631 {strides = array<i32>} : memref<2x128xi32, #tpu.memory_space<vmem>>, vector<1x16xi32>,
        %shift_right_logical3A_632 = arith.constant 16 : i32
        %shift_right_logical3A_633 = vector.broadcast %shift_right_logical3A_632 : i32 to vector<16xi32>
        %shift_right_logical3A_634 = arith.shrui %get3A_622, %shift_right_logical3A_633 : vector<16xi32>
        %swap3A_635 = arith.constant 0 : i32
        %swap3A_636 = arith.index_cast %swap3A_635 : i32 to index
        %swap3A_637 = arith.constant 16 : index
        %swap3A_638 = tpu.vector_load %arg7[%swap3A_636, %swap3A_637] {strides = array<i32>} : memref<2x128xi32, #tpu.memory_space<vmem>>, vector<1x16xi32>,
        %swap3A_639 = vector.shape_cast %swap3A_638 : vector<1x16xi32> to vector<16xi32>
        %swap3A_640 = vector.shape_cast %shift_right_logical3A_634 : vector<16xi32> to vector<1x16xi32>
        tpu.vector_store %arg7[%swap3A_636, %swap3A_637], %swap3A_640 {strides = array<i32>} : memref<2x128xi32, #tpu.memory_space<vmem>>, vector<1x16xi32>,
        %get3A_641 = arith.index_cast %add3A_596 : i32 to index
        %get3A_642 = arith.constant 32 : index
        %get3A_643 = tpu.vector_load %arg5[%get3A_641, %get3A_642] {strides = array<i32>} : memref<80x128xi32, #tpu.memory_space<vmem>>, vector<1x16xi32>,
        %get3A_644 = vector.shape_cast %get3A_643 : vector<1x16xi32> to vector<16xi32>
        %and3A_645 = arith.constant 65535 : i32
        %and3A_646 = vector.broadcast %and3A_645 : i32 to vector<16xi32>
        %and3A_647 = arith.andi %get3A_644, %and3A_646 : vector<16xi32>
        %swap3A_648 = arith.constant 0 : i32
        %swap3A_649 = arith.index_cast %swap3A_648 : i32 to index
        %swap3A_650 = arith.constant 32 : index
        %swap3A_651 = tpu.vector_load %arg6[%swap3A_649, %swap3A_650] {strides = array<i32>} : memref<2x128xi32, #tpu.memory_space<vmem>>, vector<1x16xi32>,
        %swap3A_652 = vector.shape_cast %swap3A_651 : vector<1x16xi32> to vector<16xi32>
        %swap3A_653 = vector.shape_cast %and3A_647 : vector<16xi32> to vector<1x16xi32>
        tpu.vector_store %arg6[%swap3A_649, %swap3A_650], %swap3A_653 {strides = array<i32>} : memref<2x128xi32, #tpu.memory_space<vmem>>, vector<1x16xi32>,
        %shift_right_logical3A_654 = arith.constant 16 : i32
        %shift_right_logical3A_655 = vector.broadcast %shift_right_logical3A_654 : i32 to vector<16xi32>
        %shift_right_logical3A_656 = arith.shrui %get3A_644, %shift_right_logical3A_655 : vector<16xi32>
        %swap3A_657 = arith.constant 0 : i32
        %swap3A_658 = arith.index_cast %swap3A_657 : i32 to index
        %swap3A_659 = arith.constant 32 : index
        %swap3A_660 = tpu.vector_load %arg7[%swap3A_658, %swap3A_659] {strides = array<i32>} : memref<2x128xi32, #tpu.memory_space<vmem>>, vector<1x16xi32>,
        %swap3A_661 = vector.shape_cast %swap3A_660 : vector<1x16xi32> to vector<16xi32>
        %swap3A_662 = vector.shape_cast %shift_right_logical3A_656 : vector<16xi32> to vector<1x16xi32>
        tpu.vector_store %arg7[%swap3A_658, %swap3A_659], %swap3A_662 {strides = array<i32>} : memref<2x128xi32, #tpu.memory_space<vmem>>, vector<1x16xi32>,
        %get3A_663 = arith.index_cast %add3A_596 : i32 to index
        %get3A_664 = arith.constant 48 : index
        %get3A_665 = tpu.vector_load %arg5[%get3A_663, %get3A_664] {strides = array<i32>} : memref<80x128xi32, #tpu.memory_space<vmem>>, vector<1x16xi32>,
        %get3A_666 = vector.shape_cast %get3A_665 : vector<1x16xi32> to vector<16xi32>
        %and3A_667 = arith.constant 65535 : i32
        %and3A_668 = vector.broadcast %and3A_667 : i32 to vector<16xi32>
        %and3A_669 = arith.andi %get3A_666, %and3A_668 : vector<16xi32>
        %swap3A_670 = arith.constant 0 : i32
        %swap3A_671 = arith.index_cast %swap3A_670 : i32 to index
        %swap3A_672 = arith.constant 48 : index
        %swap3A_673 = tpu.vector_load %arg6[%swap3A_671, %swap3A_672] {strides = array<i32>} : memref<2x128xi32, #tpu.memory_space<vmem>>, vector<1x16xi32>,
        %swap3A_674 = vector.shape_cast %swap3A_673 : vector<1x16xi32> to vector<16xi32>
        %swap3A_675 = vector.shape_cast %and3A_669 : vector<16xi32> to vector<1x16xi32>
        tpu.vector_store %arg6[%swap3A_671, %swap3A_672], %swap3A_675 {strides = array<i32>} : memref<2x128xi32, #tpu.memory_space<vmem>>, vector<1x16xi32>,
        %shift_right_logical3A_676 = arith.constant 16 : i32
        %shift_right_logical3A_677 = vector.broadcast %shift_right_logical3A_676 : i32 to vector<16xi32>
        %shift_right_logical3A_678 = arith.shrui %get3A_666, %shift_right_logical3A_677 : vector<16xi32>
        %swap3A_679 = arith.constant 0 : i32
        %swap3A_680 = arith.index_cast %swap3A_679 : i32 to index
        %swap3A_681 = arith.constant 48 : index
        %swap3A_682 = tpu.vector_load %arg7[%swap3A_680, %swap3A_681] {strides = array<i32>} : memref<2x128xi32, #tpu.memory_space<vmem>>, vector<1x16xi32>,
        %swap3A_683 = vector.shape_cast %swap3A_682 : vector<1x16xi32> to vector<16xi32>
        %swap3A_684 = vector.shape_cast %shift_right_logical3A_678 : vector<16xi32> to vector<1x16xi32>
        tpu.vector_store %arg7[%swap3A_680, %swap3A_681], %swap3A_684 {strides = array<i32>} : memref<2x128xi32, #tpu.memory_space<vmem>>, vector<1x16xi32>,
        %get3A_685 = arith.index_cast %add3A_596 : i32 to index
        %get3A_686 = arith.constant 64 : index
        %get3A_687 = tpu.vector_load %arg5[%get3A_685, %get3A_686] {strides = array<i32>} : memref<80x128xi32, #tpu.memory_space<vmem>>, vector<1x16xi32>,
        %get3A_688 = vector.shape_cast %get3A_687 : vector<1x16xi32> to vector<16xi32>
        %and3A_689 = arith.constant 65535 : i32
        %and3A_690 = vector.broadcast %and3A_689 : i32 to vector<16xi32>
        %and3A_691 = arith.andi %get3A_688, %and3A_690 : vector<16xi32>
        %swap3A_692 = arith.constant 0 : i32
        %swap3A_693 = arith.index_cast %swap3A_692 : i32 to index
        %swap3A_694 = arith.constant 64 : index
        %swap3A_695 = tpu.vector_load %arg6[%swap3A_693, %swap3A_694] {strides = array<i32>} : memref<2x128xi32, #tpu.memory_space<vmem>>, vector<1x16xi32>,
        %swap3A_696 = vector.shape_cast %swap3A_695 : vector<1x16xi32> to vector<16xi32>
        %swap3A_697 = vector.shape_cast %and3A_691 : vector<16xi32> to vector<1x16xi32>
        tpu.vector_store %arg6[%swap3A_693, %swap3A_694], %swap3A_697 {strides = array<i32>} : memref<2x128xi32, #tpu.memory_space<vmem>>, vector<1x16xi32>,
        %shift_right_logical3A_698 = arith.constant 16 : i32
        %shift_right_logical3A_699 = vector.broadcast %shift_right_logical3A_698 : i32 to vector<16xi32>
        %shift_right_logical3A_700 = arith.shrui %get3A_688, %shift_right_logical3A_699 : vector<16xi32>
        %swap3A_701 = arith.constant 0 : i32
        %swap3A_702 = arith.index_cast %swap3A_701 : i32 to index
        %swap3A_703 = arith.constant 64 : index
        %swap3A_704 = tpu.vector_load %arg7[%swap3A_702, %swap3A_703] {strides = array<i32>} : memref<2x128xi32, #tpu.memory_space<vmem>>, vector<1x16xi32>,
        %swap3A_705 = vector.shape_cast %swap3A_704 : vector<1x16xi32> to vector<16xi32>
        %swap3A_706 = vector.shape_cast %shift_right_logical3A_700 : vector<16xi32> to vector<1x16xi32>
        tpu.vector_store %arg7[%swap3A_702, %swap3A_703], %swap3A_706 {strides = array<i32>} : memref<2x128xi32, #tpu.memory_space<vmem>>, vector<1x16xi32>,
        %get3A_707 = arith.index_cast %add3A_596 : i32 to index
        %get3A_708 = arith.constant 80 : index
        %get3A_709 = tpu.vector_load %arg5[%get3A_707, %get3A_708] {strides = array<i32>} : memref<80x128xi32, #tpu.memory_space<vmem>>, vector<1x16xi32>,
        %get3A_710 = vector.shape_cast %get3A_709 : vector<1x16xi32> to vector<16xi32>
        %and3A_711 = arith.constant 65535 : i32
        %and3A_712 = vector.broadcast %and3A_711 : i32 to vector<16xi32>
        %and3A_713 = arith.andi %get3A_710, %and3A_712 : vector<16xi32>
        %swap3A_714 = arith.constant 0 : i32
        %swap3A_715 = arith.index_cast %swap3A_714 : i32 to index
        %swap3A_716 = arith.constant 80 : index
        %swap3A_717 = tpu.vector_load %arg6[%swap3A_715, %swap3A_716] {strides = array<i32>} : memref<2x128xi32, #tpu.memory_space<vmem>>, vector<1x16xi32>,
        %swap3A_718 = vector.shape_cast %swap3A_717 : vector<1x16xi32> to vector<16xi32>
        %swap3A_719 = vector.shape_cast %and3A_713 : vector<16xi32> to vector<1x16xi32>
        tpu.vector_store %arg6[%swap3A_715, %swap3A_716], %swap3A_719 {strides = array<i32>} : memref<2x128xi32, #tpu.memory_space<vmem>>, vector<1x16xi32>,
        %shift_right_logical3A_720 = arith.constant 16 : i32
        %shift_right_logical3A_721 = vector.broadcast %shift_right_logical3A_720 : i32 to vector<16xi32>
        %shift_right_logical3A_722 = arith.shrui %get3A_710, %shift_right_logical3A_721 : vector<16xi32>
        %swap3A_723 = arith.constant 0 : i32
        %swap3A_724 = arith.index_cast %swap3A_723 : i32 to index
        %swap3A_725 = arith.constant 80 : index
        %swap3A_726 = tpu.vector_load %arg7[%swap3A_724, %swap3A_725] {strides = array<i32>} : memref<2x128xi32, #tpu.memory_space<vmem>>, vector<1x16xi32>,
        %swap3A_727 = vector.shape_cast %swap3A_726 : vector<1x16xi32> to vector<16xi32>
        %swap3A_728 = vector.shape_cast %shift_right_logical3A_722 : vector<16xi32> to vector<1x16xi32>
        tpu.vector_store %arg7[%swap3A_724, %swap3A_725], %swap3A_728 {strides = array<i32>} : memref<2x128xi32, #tpu.memory_space<vmem>>, vector<1x16xi32>,
        %get3A_729 = arith.index_cast %add3A_596 : i32 to index
        %get3A_730 = arith.constant 96 : index
        %get3A_731 = tpu.vector_load %arg5[%get3A_729, %get3A_730] {strides = array<i32>} : memref<80x128xi32, #tpu.memory_space<vmem>>, vector<1x16xi32>,
        %get3A_732 = vector.shape_cast %get3A_731 : vector<1x16xi32> to vector<16xi32>
        %and3A_733 = arith.constant 65535 : i32
        %and3A_734 = vector.broadcast %and3A_733 : i32 to vector<16xi32>
        %and3A_735 = arith.andi %get3A_732, %and3A_734 : vector<16xi32>
        %swap3A_736 = arith.constant 0 : i32
        %swap3A_737 = arith.index_cast %swap3A_736 : i32 to index
        %swap3A_738 = arith.constant 96 : index
        %swap3A_739 = tpu.vector_load %arg6[%swap3A_737, %swap3A_738] {strides = array<i32>} : memref<2x128xi32, #tpu.memory_space<vmem>>, vector<1x16xi32>,
        %swap3A_740 = vector.shape_cast %swap3A_739 : vector<1x16xi32> to vector<16xi32>
        %swap3A_741 = vector.shape_cast %and3A_735 : vector<16xi32> to vector<1x16xi32>
        tpu.vector_store %arg6[%swap3A_737, %swap3A_738], %swap3A_741 {strides = array<i32>} : memref<2x128xi32, #tpu.memory_space<vmem>>, vector<1x16xi32>,
        %shift_right_logical3A_742 = arith.constant 16 : i32
        %shift_right_logical3A_743 = vector.broadcast %shift_right_logical3A_742 : i32 to vector<16xi32>
        %shift_right_logical3A_744 = arith.shrui %get3A_732, %shift_right_logical3A_743 : vector<16xi32>
        %swap3A_745 = arith.constant 0 : i32
        %swap3A_746 = arith.index_cast %swap3A_745 : i32 to index
        %swap3A_747 = arith.constant 96 : index
        %swap3A_748 = tpu.vector_load %arg7[%swap3A_746, %swap3A_747] {strides = array<i32>} : memref<2x128xi32, #tpu.memory_space<vmem>>, vector<1x16xi32>,
        %swap3A_749 = vector.shape_cast %swap3A_748 : vector<1x16xi32> to vector<16xi32>
        %swap3A_750 = vector.shape_cast %shift_right_logical3A_744 : vector<16xi32> to vector<1x16xi32>
        tpu.vector_store %arg7[%swap3A_746, %swap3A_747], %swap3A_750 {strides = array<i32>} : memref<2x128xi32, #tpu.memory_space<vmem>>, vector<1x16xi32>,
        %get3A_751 = arith.index_cast %add3A_596 : i32 to index
        %get3A_752 = arith.constant 112 : index
        %get3A_753 = tpu.vector_load %arg5[%get3A_751, %get3A_752] {strides = array<i32>} : memref<80x128xi32, #tpu.memory_space<vmem>>, vector<1x16xi32>,
        %get3A_754 = vector.shape_cast %get3A_753 : vector<1x16xi32> to vector<16xi32>
        %and3A_755 = arith.constant 65535 : i32
        %and3A_756 = vector.broadcast %and3A_755 : i32 to vector<16xi32>
        %and3A_757 = arith.andi %get3A_754, %and3A_756 : vector<16xi32>
        %swap3A_758 = arith.constant 0 : i32
        %swap3A_759 = arith.index_cast %swap3A_758 : i32 to index
        %swap3A_760 = arith.constant 112 : index
        %swap3A_761 = tpu.vector_load %arg6[%swap3A_759, %swap3A_760] {strides = array<i32>} : memref<2x128xi32, #tpu.memory_space<vmem>>, vector<1x16xi32>,
        %swap3A_762 = vector.shape_cast %swap3A_761 : vector<1x16xi32> to vector<16xi32>
        %swap3A_763 = vector.shape_cast %and3A_757 : vector<16xi32> to vector<1x16xi32>
        tpu.vector_store %arg6[%swap3A_759, %swap3A_760], %swap3A_763 {strides = array<i32>} : memref<2x128xi32, #tpu.memory_space<vmem>>, vector<1x16xi32>,
        %shift_right_logical3A_764 = arith.constant 16 : i32
        %shift_right_logical3A_765 = vector.broadcast %shift_right_logical3A_764 : i32 to vector<16xi32>
        %shift_right_logical3A_766 = arith.shrui %get3A_754, %shift_right_logical3A_765 : vector<16xi32>
        %swap3A_767 = arith.constant 0 : i32
        %swap3A_768 = arith.index_cast %swap3A_767 : i32 to index
        %swap3A_769 = arith.constant 112 : index
        %swap3A_770 = tpu.vector_load %arg7[%swap3A_768, %swap3A_769] {strides = array<i32>} : memref<2x128xi32, #tpu.memory_space<vmem>>, vector<1x16xi32>,
        %swap3A_771 = vector.shape_cast %swap3A_770 : vector<1x16xi32> to vector<16xi32>
        %swap3A_772 = vector.shape_cast %shift_right_logical3A_766 : vector<16xi32> to vector<1x16xi32>
        tpu.vector_store %arg7[%swap3A_768, %swap3A_769], %swap3A_772 {strides = array<i32>} : memref<2x128xi32, #tpu.memory_space<vmem>>, vector<1x16xi32>,
        %dma_start3A_773 = arith.constant 0 : i32
        %dma_start3A_774 = arith.constant 0 : i32
        %dma_start3A_775 = tpu.memref_slice %arg6[%dma_start3A_773, %dma_start3A_774] : memref<2x128xi32, #tpu.memory_space<vmem>> -> memref<1x128xi32, #tpu.memory_space<vmem>>
        %dma_start3A_776 = tpu.memref_squeeze %dma_start3A_775 : memref<1x128xi32, #tpu.memory_space<vmem>> -> memref<128xi32, #tpu.memory_space<vmem>>
        %dma_start3A_777 = arith.constant 0 : i32
        %dma_start3A_778 = arith.constant 0 : i32
        %dma_start3A_779 = tpu.memref_slice %arg2[%dma_start3A_777, %dma_start3A_778] : memref<10000x128xf32, #tpu.memory_space<hbm>> -> memref<10000x128xf32, #tpu.memory_space<hbm>>
        tpu.enqueue_indirect_dma source(%dma_start3A_779 : memref<10000x128xf32, #tpu.memory_space<hbm>>) target(%arg8 : memref<128x128xf32, #tpu.memory_space<vmem>>) offsets(%dma_start3A_776 : memref<128xi32, #tpu.memory_space<vmem>>) semaphore(%arg11 : memref<!tpu.dma_semaphore, #tpu.memory_space<semaphore_mem>>)
      } else {
      }
      %dma_wait3A_587 = arith.constant 1 : i32
      %dma_wait3A_588 = arith.constant 0 : i32
      %dma_wait3A_589 = tpu.memref_slice %arg6[%dma_wait3A_587, %dma_wait3A_588] : memref<2x128xi32, #tpu.memory_space<vmem>> -> memref<1x128xi32, #tpu.memory_space<vmem>>
      %dma_wait3A_590 = tpu.memref_squeeze %dma_wait3A_589 : memref<1x128xi32, #tpu.memory_space<vmem>> -> memref<128xi32, #tpu.memory_space<vmem>>
      %dma_wait3A_591 = arith.constant 0 : i32
      %dma_wait3A_592 = arith.constant 0 : i32
      %dma_wait3A_593 = tpu.memref_slice %arg2[%dma_wait3A_591, %dma_wait3A_592] : memref<10000x128xf32, #tpu.memory_space<hbm>> -> memref<10000x128xf32, #tpu.memory_space<hbm>>
      tpu.wait_indirect_dma semaphore(%arg12 : memref<!tpu.dma_semaphore, #tpu.memory_space<semaphore_mem>>) src(%dma_wait3A_593 : memref<10000x128xf32, #tpu.memory_space<hbm>>) dst(%arg9 : memref<128x128xf32, #tpu.memory_space<vmem>>)
      %run_scoped3A_594 = arith.constant 1 : i32
      "tpu.region"() ({
        %run_scoped3A_595 = tpu.sem_alloc : memref<!tpu.dma_semaphore, #tpu.memory_space<semaphore_mem>>
        %dma_start3A_596 = arith.constant 0 : i32
        %dma_start3A_597 = tpu.memref_slice %arg7[%run_scoped3A_594, %dma_start3A_596] : memref<2x128xi32, #tpu.memory_space<vmem>> -> memref<1x128xi32, #tpu.memory_space<vmem>>
        %dma_start3A_598 = tpu.memref_squeeze %dma_start3A_597 : memref<1x128xi32, #tpu.memory_space<vmem>> -> memref<128xi32, #tpu.memory_space<vmem>>
        %dma_start3A_599 = arith.constant 0 : i32
        %dma_start3A_600 = arith.constant 0 : i32
        %dma_start3A_601 = tpu.memref_slice %arg10[%dma_start3A_599, %dma_start3A_600] : memref<10240x128xf32, #tpu.memory_space<vmem_shared>> -> memref<10240x128xf32, #tpu.memory_space<vmem_shared>>
        tpu.enqueue_indirect_dma source(%arg9 : memref<128x128xf32, #tpu.memory_space<vmem>>) target(%dma_start3A_601 : memref<10240x128xf32, #tpu.memory_space<vmem_shared>>) offsets(%dma_start3A_598 : memref<128xi32, #tpu.memory_space<vmem>>) semaphore(%run_scoped3A_595 : memref<!tpu.dma_semaphore, #tpu.memory_space<semaphore_mem>>) {add = true}
        %dma_wait3A_602 = arith.constant 0 : i32
        %dma_wait3A_603 = tpu.memref_slice %arg7[%run_scoped3A_594, %dma_wait3A_602] : memref<2x128xi32, #tpu.memory_space<vmem>> -> memref<1x128xi32, #tpu.memory_space<vmem>>
        %dma_wait3A_604 = tpu.memref_squeeze %dma_wait3A_603 : memref<1x128xi32, #tpu.memory_space<vmem>> -> memref<128xi32, #tpu.memory_space<vmem>>
        %dma_wait3A_605 = arith.constant 0 : i32
        %dma_wait3A_606 = arith.constant 0 : i32
        %dma_wait3A_607 = tpu.memref_slice %arg10[%dma_wait3A_605, %dma_wait3A_606] : memref<10240x128xf32, #tpu.memory_space<vmem_shared>> -> memref<10240x128xf32, #tpu.memory_space<vmem_shared>>
        tpu.wait_indirect_dma semaphore(%run_scoped3A_595 : memref<!tpu.dma_semaphore, #tpu.memory_space<semaphore_mem>>) src(%arg9 : memref<128x128xf32, #tpu.memory_space<vmem>>) dst(%dma_wait3A_607 : memref<10240x128xf32, #tpu.memory_space<vmem_shared>>)
        tpu.yield
      }) : () -> ()
    }
    %while3A_303 = arith.constant 1 : i32
    scf.for %while3A_389 = %while3A_301 to %while3A_297 step %while3A_303  : i32 {
      %mul3A_390 = arith.constant 2 : i32
      %mul3A_391 = arith.muli %mul3A_390, %while3A_389 : i32
      %add3A_392 = arith.constant 1 : i32
      %add3A_393 = arith.addi %mul3A_391, %add3A_392 : i32
      %get3A_394 = arith.index_cast %add3A_393 : i32 to index
      %get3A_395 = arith.constant 0 : index
      %get3A_396 = tpu.vector_load %arg5[%get3A_394, %get3A_395] {strides = array<i32>} : memref<80x128xi32, #tpu.memory_space<vmem>>, vector<1x16xi32>,
      %get3A_397 = vector.shape_cast %get3A_396 : vector<1x16xi32> to vector<16xi32>
      %and3A_398 = arith.constant 65535 : i32
      %and3A_399 = vector.broadcast %and3A_398 : i32 to vector<16xi32>
      %and3A_400 = arith.andi %get3A_397, %and3A_399 : vector<16xi32>
      %swap3A_401 = arith.constant 1 : i32
      %swap3A_402 = arith.index_cast %swap3A_401 : i32 to index
      %swap3A_403 = arith.constant 0 : index
      %swap3A_404 = tpu.vector_load %arg6[%swap3A_402, %swap3A_403] {strides = array<i32>} : memref<2x128xi32, #tpu.memory_space<vmem>>, vector<1x16xi32>,
      %swap3A_405 = vector.shape_cast %swap3A_404 : vector<1x16xi32> to vector<16xi32>
      %swap3A_406 = vector.shape_cast %and3A_400 : vector<16xi32> to vector<1x16xi32>
      tpu.vector_store %arg6[%swap3A_402, %swap3A_403], %swap3A_406 {strides = array<i32>} : memref<2x128xi32, #tpu.memory_space<vmem>>, vector<1x16xi32>,
      %shift_right_logical3A_407 = arith.constant 16 : i32
      %shift_right_logical3A_408 = vector.broadcast %shift_right_logical3A_407 : i32 to vector<16xi32>
      %shift_right_logical3A_409 = arith.shrui %get3A_397, %shift_right_logical3A_408 : vector<16xi32>
      %swap3A_410 = arith.constant 1 : i32
      %swap3A_411 = arith.index_cast %swap3A_410 : i32 to index
      %swap3A_412 = arith.constant 0 : index
      %swap3A_413 = tpu.vector_load %arg7[%swap3A_411, %swap3A_412] {strides = array<i32>} : memref<2x128xi32, #tpu.memory_space<vmem>>, vector<1x16xi32>,
      %swap3A_414 = vector.shape_cast %swap3A_413 : vector<1x16xi32> to vector<16xi32>
      %swap3A_415 = vector.shape_cast %shift_right_logical3A_409 : vector<16xi32> to vector<1x16xi32>
      tpu.vector_store %arg7[%swap3A_411, %swap3A_412], %swap3A_415 {strides = array<i32>} : memref<2x128xi32, #tpu.memory_space<vmem>>, vector<1x16xi32>,
      %get3A_416 = arith.index_cast %add3A_393 : i32 to index
      %get3A_417 = arith.constant 16 : index
      %get3A_418 = tpu.vector_load %arg5[%get3A_416, %get3A_417] {strides = array<i32>} : memref<80x128xi32, #tpu.memory_space<vmem>>, vector<1x16xi32>,
      %get3A_419 = vector.shape_cast %get3A_418 : vector<1x16xi32> to vector<16xi32>
      %and3A_420 = arith.constant 65535 : i32
      %and3A_421 = vector.broadcast %and3A_420 : i32 to vector<16xi32>
      %and3A_422 = arith.andi %get3A_419, %and3A_421 : vector<16xi32>
      %swap3A_423 = arith.constant 1 : i32
      %swap3A_424 = arith.index_cast %swap3A_423 : i32 to index
      %swap3A_425 = arith.constant 16 : index
      %swap3A_426 = tpu.vector_load %arg6[%swap3A_424, %swap3A_425] {strides = array<i32>} : memref<2x128xi32, #tpu.memory_space<vmem>>, vector<1x16xi32>,
      %swap3A_427 = vector.shape_cast %swap3A_426 : vector<1x16xi32> to vector<16xi32>
      %swap3A_428 = vector.shape_cast %and3A_422 : vector<16xi32> to vector<1x16xi32>
      tpu.vector_store %arg6[%swap3A_424, %swap3A_425], %swap3A_428 {strides = array<i32>} : memref<2x128xi32, #tpu.memory_space<vmem>>, vector<1x16xi32>,
      %shift_right_logical3A_429 = arith.constant 16 : i32
      %shift_right_logical3A_430 = vector.broadcast %shift_right_logical3A_429 : i32 to vector<16xi32>
      %shift_right_logical3A_431 = arith.shrui %get3A_419, %shift_right_logical3A_430 : vector<16xi32>
      %swap3A_432 = arith.constant 1 : i32
      %swap3A_433 = arith.index_cast %swap3A_432 : i32 to index
      %swap3A_434 = arith.constant 16 : index
      %swap3A_435 = tpu.vector_load %arg7[%swap3A_433, %swap3A_434] {strides = array<i32>} : memref<2x128xi32, #tpu.memory_space<vmem>>, vector<1x16xi32>,
      %swap3A_436 = vector.shape_cast %swap3A_435 : vector<1x16xi32> to vector<16xi32>
      %swap3A_437 = vector.shape_cast %shift_right_logical3A_431 : vector<16xi32> to vector<1x16xi32>
      tpu.vector_store %arg7[%swap3A_433, %swap3A_434], %swap3A_437 {strides = array<i32>} : memref<2x128xi32, #tpu.memory_space<vmem>>, vector<1x16xi32>,
      %get3A_438 = arith.index_cast %add3A_393 : i32 to index
      %get3A_439 = arith.constant 32 : index
      %get3A_440 = tpu.vector_load %arg5[%get3A_438, %get3A_439] {strides = array<i32>} : memref<80x128xi32, #tpu.memory_space<vmem>>, vector<1x16xi32>,
      %get3A_441 = vector.shape_cast %get3A_440 : vector<1x16xi32> to vector<16xi32>
      %and3A_442 = arith.constant 65535 : i32
      %and3A_443 = vector.broadcast %and3A_442 : i32 to vector<16xi32>
      %and3A_444 = arith.andi %get3A_441, %and3A_443 : vector<16xi32>
      %swap3A_445 = arith.constant 1 : i32
      %swap3A_446 = arith.index_cast %swap3A_445 : i32 to index
      %swap3A_447 = arith.constant 32 : index
      %swap3A_448 = tpu.vector_load %arg6[%swap3A_446, %swap3A_447] {strides = array<i32>} : memref<2x128xi32, #tpu.memory_space<vmem>>, vector<1x16xi32>,
      %swap3A_449 = vector.shape_cast %swap3A_448 : vector<1x16xi32> to vector<16xi32>
      %swap3A_450 = vector.shape_cast %and3A_444 : vector<16xi32> to vector<1x16xi32>
      tpu.vector_store %arg6[%swap3A_446, %swap3A_447], %swap3A_450 {strides = array<i32>} : memref<2x128xi32, #tpu.memory_space<vmem>>, vector<1x16xi32>,
      %shift_right_logical3A_451 = arith.constant 16 : i32
      %shift_right_logical3A_452 = vector.broadcast %shift_right_logical3A_451 : i32 to vector<16xi32>
      %shift_right_logical3A_453 = arith.shrui %get3A_441, %shift_right_logical3A_452 : vector<16xi32>
      %swap3A_454 = arith.constant 1 : i32
      %swap3A_455 = arith.index_cast %swap3A_454 : i32 to index
      %swap3A_456 = arith.constant 32 : index
      %swap3A_457 = tpu.vector_load %arg7[%swap3A_455, %swap3A_456] {strides = array<i32>} : memref<2x128xi32, #tpu.memory_space<vmem>>, vector<1x16xi32>,
      %swap3A_458 = vector.shape_cast %swap3A_457 : vector<1x16xi32> to vector<16xi32>
      %swap3A_459 = vector.shape_cast %shift_right_logical3A_453 : vector<16xi32> to vector<1x16xi32>
      tpu.vector_store %arg7[%swap3A_455, %swap3A_456], %swap3A_459 {strides = array<i32>} : memref<2x128xi32, #tpu.memory_space<vmem>>, vector<1x16xi32>,
      %get3A_460 = arith.index_cast %add3A_393 : i32 to index
      %get3A_461 = arith.constant 48 : index
      %get3A_462 = tpu.vector_load %arg5[%get3A_460, %get3A_461] {strides = array<i32>} : memref<80x128xi32, #tpu.memory_space<vmem>>, vector<1x16xi32>,
      %get3A_463 = vector.shape_cast %get3A_462 : vector<1x16xi32> to vector<16xi32>
      %and3A_464 = arith.constant 65535 : i32
      %and3A_465 = vector.broadcast %and3A_464 : i32 to vector<16xi32>
      %and3A_466 = arith.andi %get3A_463, %and3A_465 : vector<16xi32>
      %swap3A_467 = arith.constant 1 : i32
      %swap3A_468 = arith.index_cast %swap3A_467 : i32 to index
      %swap3A_469 = arith.constant 48 : index
      %swap3A_470 = tpu.vector_load %arg6[%swap3A_468, %swap3A_469] {strides = array<i32>} : memref<2x128xi32, #tpu.memory_space<vmem>>, vector<1x16xi32>,
      %swap3A_471 = vector.shape_cast %swap3A_470 : vector<1x16xi32> to vector<16xi32>
      %swap3A_472 = vector.shape_cast %and3A_466 : vector<16xi32> to vector<1x16xi32>
      tpu.vector_store %arg6[%swap3A_468, %swap3A_469], %swap3A_472 {strides = array<i32>} : memref<2x128xi32, #tpu.memory_space<vmem>>, vector<1x16xi32>,
      %shift_right_logical3A_473 = arith.constant 16 : i32
      %shift_right_logical3A_474 = vector.broadcast %shift_right_logical3A_473 : i32 to vector<16xi32>
      %shift_right_logical3A_475 = arith.shrui %get3A_463, %shift_right_logical3A_474 : vector<16xi32>
      %swap3A_476 = arith.constant 1 : i32
      %swap3A_477 = arith.index_cast %swap3A_476 : i32 to index
      %swap3A_478 = arith.constant 48 : index
      %swap3A_479 = tpu.vector_load %arg7[%swap3A_477, %swap3A_478] {strides = array<i32>} : memref<2x128xi32, #tpu.memory_space<vmem>>, vector<1x16xi32>,
      %swap3A_480 = vector.shape_cast %swap3A_479 : vector<1x16xi32> to vector<16xi32>
      %swap3A_481 = vector.shape_cast %shift_right_logical3A_475 : vector<16xi32> to vector<1x16xi32>
      tpu.vector_store %arg7[%swap3A_477, %swap3A_478], %swap3A_481 {strides = array<i32>} : memref<2x128xi32, #tpu.memory_space<vmem>>, vector<1x16xi32>,
      %get3A_482 = arith.index_cast %add3A_393 : i32 to index
      %get3A_483 = arith.constant 64 : index
      %get3A_484 = tpu.vector_load %arg5[%get3A_482, %get3A_483] {strides = array<i32>} : memref<80x128xi32, #tpu.memory_space<vmem>>, vector<1x16xi32>,
      %get3A_485 = vector.shape_cast %get3A_484 : vector<1x16xi32> to vector<16xi32>
      %and3A_486 = arith.constant 65535 : i32
      %and3A_487 = vector.broadcast %and3A_486 : i32 to vector<16xi32>
      %and3A_488 = arith.andi %get3A_485, %and3A_487 : vector<16xi32>
      %swap3A_489 = arith.constant 1 : i32
      %swap3A_490 = arith.index_cast %swap3A_489 : i32 to index
      %swap3A_491 = arith.constant 64 : index
      %swap3A_492 = tpu.vector_load %arg6[%swap3A_490, %swap3A_491] {strides = array<i32>} : memref<2x128xi32, #tpu.memory_space<vmem>>, vector<1x16xi32>,
      %swap3A_493 = vector.shape_cast %swap3A_492 : vector<1x16xi32> to vector<16xi32>
      %swap3A_494 = vector.shape_cast %and3A_488 : vector<16xi32> to vector<1x16xi32>
      tpu.vector_store %arg6[%swap3A_490, %swap3A_491], %swap3A_494 {strides = array<i32>} : memref<2x128xi32, #tpu.memory_space<vmem>>, vector<1x16xi32>,
      %shift_right_logical3A_495 = arith.constant 16 : i32
      %shift_right_logical3A_496 = vector.broadcast %shift_right_logical3A_495 : i32 to vector<16xi32>
      %shift_right_logical3A_497 = arith.shrui %get3A_485, %shift_right_logical3A_496 : vector<16xi32>
      %swap3A_498 = arith.constant 1 : i32
      %swap3A_499 = arith.index_cast %swap3A_498 : i32 to index
      %swap3A_500 = arith.constant 64 : index
      %swap3A_501 = tpu.vector_load %arg7[%swap3A_499, %swap3A_500] {strides = array<i32>} : memref<2x128xi32, #tpu.memory_space<vmem>>, vector<1x16xi32>,
      %swap3A_502 = vector.shape_cast %swap3A_501 : vector<1x16xi32> to vector<16xi32>
      %swap3A_503 = vector.shape_cast %shift_right_logical3A_497 : vector<16xi32> to vector<1x16xi32>
      tpu.vector_store %arg7[%swap3A_499, %swap3A_500], %swap3A_503 {strides = array<i32>} : memref<2x128xi32, #tpu.memory_space<vmem>>, vector<1x16xi32>,
      %get3A_504 = arith.index_cast %add3A_393 : i32 to index
      %get3A_505 = arith.constant 80 : index
      %get3A_506 = tpu.vector_load %arg5[%get3A_504, %get3A_505] {strides = array<i32>} : memref<80x128xi32, #tpu.memory_space<vmem>>, vector<1x16xi32>,
      %get3A_507 = vector.shape_cast %get3A_506 : vector<1x16xi32> to vector<16xi32>
      %and3A_508 = arith.constant 65535 : i32
      %and3A_509 = vector.broadcast %and3A_508 : i32 to vector<16xi32>
      %and3A_510 = arith.andi %get3A_507, %and3A_509 : vector<16xi32>
      %swap3A_511 = arith.constant 1 : i32
      %swap3A_512 = arith.index_cast %swap3A_511 : i32 to index
      %swap3A_513 = arith.constant 80 : index
      %swap3A_514 = tpu.vector_load %arg6[%swap3A_512, %swap3A_513] {strides = array<i32>} : memref<2x128xi32, #tpu.memory_space<vmem>>, vector<1x16xi32>,
      %swap3A_515 = vector.shape_cast %swap3A_514 : vector<1x16xi32> to vector<16xi32>
      %swap3A_516 = vector.shape_cast %and3A_510 : vector<16xi32> to vector<1x16xi32>
      tpu.vector_store %arg6[%swap3A_512, %swap3A_513], %swap3A_516 {strides = array<i32>} : memref<2x128xi32, #tpu.memory_space<vmem>>, vector<1x16xi32>,
      %shift_right_logical3A_517 = arith.constant 16 : i32
      %shift_right_logical3A_518 = vector.broadcast %shift_right_logical3A_517 : i32 to vector<16xi32>
      %shift_right_logical3A_519 = arith.shrui %get3A_507, %shift_right_logical3A_518 : vector<16xi32>
      %swap3A_520 = arith.constant 1 : i32
      %swap3A_521 = arith.index_cast %swap3A_520 : i32 to index
      %swap3A_522 = arith.constant 80 : index
      %swap3A_523 = tpu.vector_load %arg7[%swap3A_521, %swap3A_522] {strides = array<i32>} : memref<2x128xi32, #tpu.memory_space<vmem>>, vector<1x16xi32>,
      %swap3A_524 = vector.shape_cast %swap3A_523 : vector<1x16xi32> to vector<16xi32>
      %swap3A_525 = vector.shape_cast %shift_right_logical3A_519 : vector<16xi32> to vector<1x16xi32>
      tpu.vector_store %arg7[%swap3A_521, %swap3A_522], %swap3A_525 {strides = array<i32>} : memref<2x128xi32, #tpu.memory_space<vmem>>, vector<1x16xi32>,
      %get3A_526 = arith.index_cast %add3A_393 : i32 to index
      %get3A_527 = arith.constant 96 : index
      %get3A_528 = tpu.vector_load %arg5[%get3A_526, %get3A_527] {strides = array<i32>} : memref<80x128xi32, #tpu.memory_space<vmem>>, vector<1x16xi32>,
      %get3A_529 = vector.shape_cast %get3A_528 : vector<1x16xi32> to vector<16xi32>
      %and3A_530 = arith.constant 65535 : i32
      %and3A_531 = vector.broadcast %and3A_530 : i32 to vector<16xi32>
      %and3A_532 = arith.andi %get3A_529, %and3A_531 : vector<16xi32>
      %swap3A_533 = arith.constant 1 : i32
      %swap3A_534 = arith.index_cast %swap3A_533 : i32 to index
      %swap3A_535 = arith.constant 96 : index
      %swap3A_536 = tpu.vector_load %arg6[%swap3A_534, %swap3A_535] {strides = array<i32>} : memref<2x128xi32, #tpu.memory_space<vmem>>, vector<1x16xi32>,
      %swap3A_537 = vector.shape_cast %swap3A_536 : vector<1x16xi32> to vector<16xi32>
      %swap3A_538 = vector.shape_cast %and3A_532 : vector<16xi32> to vector<1x16xi32>
      tpu.vector_store %arg6[%swap3A_534, %swap3A_535], %swap3A_538 {strides = array<i32>} : memref<2x128xi32, #tpu.memory_space<vmem>>, vector<1x16xi32>,
      %shift_right_logical3A_539 = arith.constant 16 : i32
      %shift_right_logical3A_540 = vector.broadcast %shift_right_logical3A_539 : i32 to vector<16xi32>
      %shift_right_logical3A_541 = arith.shrui %get3A_529, %shift_right_logical3A_540 : vector<16xi32>
      %swap3A_542 = arith.constant 1 : i32
      %swap3A_543 = arith.index_cast %swap3A_542 : i32 to index
      %swap3A_544 = arith.constant 96 : index
      %swap3A_545 = tpu.vector_load %arg7[%swap3A_543, %swap3A_544] {strides = array<i32>} : memref<2x128xi32, #tpu.memory_space<vmem>>, vector<1x16xi32>,
      %swap3A_546 = vector.shape_cast %swap3A_545 : vector<1x16xi32> to vector<16xi32>
      %swap3A_547 = vector.shape_cast %shift_right_logical3A_541 : vector<16xi32> to vector<1x16xi32>
      tpu.vector_store %arg7[%swap3A_543, %swap3A_544], %swap3A_547 {strides = array<i32>} : memref<2x128xi32, #tpu.memory_space<vmem>>, vector<1x16xi32>,
      %get3A_548 = arith.index_cast %add3A_393 : i32 to index
      %get3A_549 = arith.constant 112 : index
      %get3A_550 = tpu.vector_load %arg5[%get3A_548, %get3A_549] {strides = array<i32>} : memref<80x128xi32, #tpu.memory_space<vmem>>, vector<1x16xi32>,
      %get3A_551 = vector.shape_cast %get3A_550 : vector<1x16xi32> to vector<16xi32>
      %and3A_552 = arith.constant 65535 : i32
      %and3A_553 = vector.broadcast %and3A_552 : i32 to vector<16xi32>
      %and3A_554 = arith.andi %get3A_551, %and3A_553 : vector<16xi32>
      %swap3A_555 = arith.constant 1 : i32
      %swap3A_556 = arith.index_cast %swap3A_555 : i32 to index
      %swap3A_557 = arith.constant 112 : index
      %swap3A_558 = tpu.vector_load %arg6[%swap3A_556, %swap3A_557] {strides = array<i32>} : memref<2x128xi32, #tpu.memory_space<vmem>>, vector<1x16xi32>,
      %swap3A_559 = vector.shape_cast %swap3A_558 : vector<1x16xi32> to vector<16xi32>
      %swap3A_560 = vector.shape_cast %and3A_554 : vector<16xi32> to vector<1x16xi32>
      tpu.vector_store %arg6[%swap3A_556, %swap3A_557], %swap3A_560 {strides = array<i32>} : memref<2x128xi32, #tpu.memory_space<vmem>>, vector<1x16xi32>,
      %shift_right_logical3A_561 = arith.constant 16 : i32
      %shift_right_logical3A_562 = vector.broadcast %shift_right_logical3A_561 : i32 to vector<16xi32>
      %shift_right_logical3A_563 = arith.shrui %get3A_551, %shift_right_logical3A_562 : vector<16xi32>
      %swap3A_564 = arith.constant 1 : i32
      %swap3A_565 = arith.index_cast %swap3A_564 : i32 to index
      %swap3A_566 = arith.constant 112 : index
      %swap3A_567 = tpu.vector_load %arg7[%swap3A_565, %swap3A_566] {strides = array<i32>} : memref<2x128xi32, #tpu.memory_space<vmem>>, vector<1x16xi32>,
      %swap3A_568 = vector.shape_cast %swap3A_567 : vector<1x16xi32> to vector<16xi32>
      %swap3A_569 = vector.shape_cast %shift_right_logical3A_563 : vector<16xi32> to vector<1x16xi32>
      tpu.vector_store %arg7[%swap3A_565, %swap3A_566], %swap3A_569 {strides = array<i32>} : memref<2x128xi32, #tpu.memory_space<vmem>>, vector<1x16xi32>,
      %dma_start3A_570 = arith.constant 1 : i32
      %dma_start3A_571 = arith.constant 0 : i32
      %dma_start3A_572 = tpu.memref_slice %arg6[%dma_start3A_570, %dma_start3A_571] : memref<2x128xi32, #tpu.memory_space<vmem>> -> memref<1x128xi32, #tpu.memory_space<vmem>>
      %dma_start3A_573 = tpu.memref_squeeze %dma_start3A_572 : memref<1x128xi32, #tpu.memory_space<vmem>> -> memref<128xi32, #tpu.memory_space<vmem>>
      %dma_start3A_574 = arith.constant 0 : i32
      %dma_start3A_575 = arith.constant 0 : i32
      %dma_start3A_576 = tpu.memref_slice %arg2[%dma_start3A_574, %dma_start3A_575] : memref<10000x128xf32, #tpu.memory_space<hbm>> -> memref<10000x128xf32, #tpu.memory_space<hbm>>
      tpu.enqueue_indirect_dma source(%dma_start3A_576 : memref<10000x128xf32, #tpu.memory_space<hbm>>) target(%arg9 : memref<128x128xf32, #tpu.memory_space<vmem>>) offsets(%dma_start3A_573 : memref<128xi32, #tpu.memory_space<vmem>>) semaphore(%arg12 : memref<!tpu.dma_semaphore, #tpu.memory_space<semaphore_mem>>)
      %dma_wait3A_577 = arith.constant 0 : i32
      %dma_wait3A_578 = arith.constant 0 : i32
      %dma_wait3A_579 = tpu.memref_slice %arg6[%dma_wait3A_577, %dma_wait3A_578] : memref<2x128xi32, #tpu.memory_space<vmem>> -> memref<1x128xi32, #tpu.memory_space<vmem>>
      %dma_wait3A_580 = tpu.memref_squeeze %dma_wait3A_579 : memref<1x128xi32, #tpu.memory_space<vmem>> -> memref<128xi32, #tpu.memory_space<vmem>>
      %dma_wait3A_581 = arith.constant 0 : i32
      %dma_wait3A_582 = arith.constant 0 : i32
      %dma_wait3A_583 = tpu.memref_slice %arg2[%dma_wait3A_581, %dma_wait3A_582] : memref<10000x128xf32, #tpu.memory_space<hbm>> -> memref<10000x128xf32, #tpu.memory_space<hbm>>
      tpu.wait_indirect_dma semaphore(%arg11 : memref<!tpu.dma_semaphore, #tpu.memory_space<semaphore_mem>>) src(%dma_wait3A_583 : memref<10000x128xf32, #tpu.memory_space<hbm>>) dst(%arg8 : memref<128x128xf32, #tpu.memory_space<vmem>>)
      %run_scoped3A = arith.constant 0 : i32
      "tpu.region"() ({
        %run_scoped3A_595 = tpu.sem_alloc : memref<!tpu.dma_semaphore, #tpu.memory_space<semaphore_mem>>
        %dma_start3A_596 = arith.constant 0 : i32
        %dma_start3A_597 = tpu.memref_slice %arg7[%run_scoped3A, %dma_start3A_596] : memref<2x128xi32, #tpu.memory_space<vmem>> -> memref<1x128xi32, #tpu.memory_space<vmem>>
        %dma_start3A_598 = tpu.memref_squeeze %dma_start3A_597 : memref<1x128xi32, #tpu.memory_space<vmem>> -> memref<128xi32, #tpu.memory_space<vmem>>
        %dma_start3A_599 = arith.constant 0 : i32
        %dma_start3A_600 = arith.constant 0 : i32
        %dma_start3A_601 = tpu.memref_slice %arg10[%dma_start3A_599, %dma_start3A_600] : memref<10240x128xf32, #tpu.memory_space<vmem_shared>> -> memref<10240x128xf32, #tpu.memory_space<vmem_shared>>
        tpu.enqueue_indirect_dma source(%arg8 : memref<128x128xf32, #tpu.memory_space<vmem>>) target(%dma_start3A_601 : memref<10240x128xf32, #tpu.memory_space<vmem_shared>>) offsets(%dma_start3A_598 : memref<128xi32, #tpu.memory_space<vmem>>) semaphore(%run_scoped3A_595 : memref<!tpu.dma_semaphore, #tpu.memory_space<semaphore_mem>>) {add = true}
        %dma_wait3A_602 = arith.constant 0 : i32
        %dma_wait3A_603 = tpu.memref_slice %arg7[%run_scoped3A, %dma_wait3A_602] : memref<2x128xi32, #tpu.memory_space<vmem>> -> memref<1x128xi32, #tpu.memory_space<vmem>>
        %dma_wait3A_604 = tpu.memref_squeeze %dma_wait3A_603 : memref<1x128xi32, #tpu.memory_space<vmem>> -> memref<128xi32, #tpu.memory_space<vmem>>
        %dma_wait3A_605 = arith.constant 0 : i32
        %dma_wait3A_606 = arith.constant 0 : i32
        %dma_wait3A_607 = tpu.memref_slice %arg10[%dma_wait3A_605, %dma_wait3A_606] : memref<10240x128xf32, #tpu.memory_space<vmem_shared>> -> memref<10240x128xf32, #tpu.memory_space<vmem_shared>>
        tpu.wait_indirect_dma semaphore(%run_scoped3A_595 : memref<!tpu.dma_semaphore, #tpu.memory_space<semaphore_mem>>) src(%arg8 : memref<128x128xf32, #tpu.memory_space<vmem>>) dst(%dma_wait3A_607 : memref<10240x128xf32, #tpu.memory_space<vmem_shared>>)
        tpu.yield
      }) : () -> ()
      %sub3A_584 = arith.constant 1 : i32
      %sub3A_585 = arith.subi %select_n3A_106, %sub3A_584 : i32
      %lt3A = arith.cmpi slt, %while3A_389, %sub3A_585 : i32
      %convert_element_type3A = arith.extui %lt3A : i1 to i32
      %cond3A = arith.constant 0 : i32
      %cond3A_586 = arith.cmpi ne, %convert_element_type3A, %cond3A : i32
      scf.if %cond3A_586 {
        %add3A_595 = arith.constant 2 : i32
        %add3A_596 = arith.addi %mul3A_391, %add3A_595 : i32
        %get3A_597 = arith.index_cast %add3A_596 : i32 to index
        %get3A_598 = arith.constant 0 : index
        %get3A_599 = tpu.vector_load %arg5[%get3A_597, %get3A_598] {strides = array<i32>} : memref<80x128xi32, #tpu.memory_space<vmem>>, vector<1x16xi32>,
        %get3A_600 = vector.shape_cast %get3A_599 : vector<1x16xi32> to vector<16xi32>
        %and3A_601 = arith.constant 65535 : i32
        %and3A_602 = vector.broadcast %and3A_601 : i32 to vector<16xi32>
        %and3A_603 = arith.andi %get3A_600, %and3A_602 : vector<16xi32>
        %swap3A_604 = arith.constant 0 : i32
        %swap3A_605 = arith.index_cast %swap3A_604 : i32 to index
        %swap3A_606 = arith.constant 0 : index
        %swap3A_607 = tpu.vector_load %arg6[%swap3A_605, %swap3A_606] {strides = array<i32>} : memref<2x128xi32, #tpu.memory_space<vmem>>, vector<1x16xi32>,
        %swap3A_608 = vector.shape_cast %swap3A_607 : vector<1x16xi32> to vector<16xi32>
        %swap3A_609 = vector.shape_cast %and3A_603 : vector<16xi32> to vector<1x16xi32>
        tpu.vector_store %arg6[%swap3A_605, %swap3A_606], %swap3A_609 {strides = array<i32>} : memref<2x128xi32, #tpu.memory_space<vmem>>, vector<1x16xi32>,
        %shift_right_logical3A_610 = arith.constant 16 : i32
        %shift_right_logical3A_611 = vector.broadcast %shift_right_logical3A_610 : i32 to vector<16xi32>
        %shift_right_logical3A_612 = arith.shrui %get3A_600, %shift_right_logical3A_611 : vector<16xi32>
        %swap3A_613 = arith.constant 0 : i32
        %swap3A_614 = arith.index_cast %swap3A_613 : i32 to index
        %swap3A_615 = arith.constant 0 : index
        %swap3A_616 = tpu.vector_load %arg7[%swap3A_614, %swap3A_615] {strides = array<i32>} : memref<2x128xi32, #tpu.memory_space<vmem>>, vector<1x16xi32>,
        %swap3A_617 = vector.shape_cast %swap3A_616 : vector<1x16xi32> to vector<16xi32>
        %swap3A_618 = vector.shape_cast %shift_right_logical3A_612 : vector<16xi32> to vector<1x16xi32>
        tpu.vector_store %arg7[%swap3A_614, %swap3A_615], %swap3A_618 {strides = array<i32>} : memref<2x128xi32, #tpu.memory_space<vmem>>, vector<1x16xi32>,
        %get3A_619 = arith.index_cast %add3A_596 : i32 to index
        %get3A_620 = arith.constant 16 : index
        %get3A_621 = tpu.vector_load %arg5[%get3A_619, %get3A_620] {strides = array<i32>} : memref<80x128xi32, #tpu.memory_space<vmem>>, vector<1x16xi32>,
        %get3A_622 = vector.shape_cast %get3A_621 : vector<1x16xi32> to vector<16xi32>
        %and3A_623 = arith.constant 65535 : i32
        %and3A_624 = vector.broadcast %and3A_623 : i32 to vector<16xi32>
        %and3A_625 = arith.andi %get3A_622, %and3A_624 : vector<16xi32>
        %swap3A_626 = arith.constant 0 : i32
        %swap3A_627 = arith.index_cast %swap3A_626 : i32 to index
        %swap3A_628 = arith.constant 16 : index
        %swap3A_629 = tpu.vector_load %arg6[%swap3A_627, %swap3A_628] {strides = array<i32>} : memref<2x128xi32, #tpu.memory_space<vmem>>, vector<1x16xi32>,
        %swap3A_630 = vector.shape_cast %swap3A_629 : vector<1x16xi32> to vector<16xi32>
        %swap3A_631 = vector.shape_cast %and3A_625 : vector<16xi32> to vector<1x16xi32>
        tpu.vector_store %arg6[%swap3A_627, %swap3A_628], %swap3A_631 {strides = array<i32>} : memref<2x128xi32, #tpu.memory_space<vmem>>, vector<1x16xi32>,
        %shift_right_logical3A_632 = arith.constant 16 : i32
        %shift_right_logical3A_633 = vector.broadcast %shift_right_logical3A_632 : i32 to vector<16xi32>
        %shift_right_logical3A_634 = arith.shrui %get3A_622, %shift_right_logical3A_633 : vector<16xi32>
        %swap3A_635 = arith.constant 0 : i32
        %swap3A_636 = arith.index_cast %swap3A_635 : i32 to index
        %swap3A_637 = arith.constant 16 : index
        %swap3A_638 = tpu.vector_load %arg7[%swap3A_636, %swap3A_637] {strides = array<i32>} : memref<2x128xi32, #tpu.memory_space<vmem>>, vector<1x16xi32>,
        %swap3A_639 = vector.shape_cast %swap3A_638 : vector<1x16xi32> to vector<16xi32>
        %swap3A_640 = vector.shape_cast %shift_right_logical3A_634 : vector<16xi32> to vector<1x16xi32>
        tpu.vector_store %arg7[%swap3A_636, %swap3A_637], %swap3A_640 {strides = array<i32>} : memref<2x128xi32, #tpu.memory_space<vmem>>, vector<1x16xi32>,
        %get3A_641 = arith.index_cast %add3A_596 : i32 to index
        %get3A_642 = arith.constant 32 : index
        %get3A_643 = tpu.vector_load %arg5[%get3A_641, %get3A_642] {strides = array<i32>} : memref<80x128xi32, #tpu.memory_space<vmem>>, vector<1x16xi32>,
        %get3A_644 = vector.shape_cast %get3A_643 : vector<1x16xi32> to vector<16xi32>
        %and3A_645 = arith.constant 65535 : i32
        %and3A_646 = vector.broadcast %and3A_645 : i32 to vector<16xi32>
        %and3A_647 = arith.andi %get3A_644, %and3A_646 : vector<16xi32>
        %swap3A_648 = arith.constant 0 : i32
        %swap3A_649 = arith.index_cast %swap3A_648 : i32 to index
        %swap3A_650 = arith.constant 32 : index
        %swap3A_651 = tpu.vector_load %arg6[%swap3A_649, %swap3A_650] {strides = array<i32>} : memref<2x128xi32, #tpu.memory_space<vmem>>, vector<1x16xi32>,
        %swap3A_652 = vector.shape_cast %swap3A_651 : vector<1x16xi32> to vector<16xi32>
        %swap3A_653 = vector.shape_cast %and3A_647 : vector<16xi32> to vector<1x16xi32>
        tpu.vector_store %arg6[%swap3A_649, %swap3A_650], %swap3A_653 {strides = array<i32>} : memref<2x128xi32, #tpu.memory_space<vmem>>, vector<1x16xi32>,
        %shift_right_logical3A_654 = arith.constant 16 : i32
        %shift_right_logical3A_655 = vector.broadcast %shift_right_logical3A_654 : i32 to vector<16xi32>
        %shift_right_logical3A_656 = arith.shrui %get3A_644, %shift_right_logical3A_655 : vector<16xi32>
        %swap3A_657 = arith.constant 0 : i32
        %swap3A_658 = arith.index_cast %swap3A_657 : i32 to index
        %swap3A_659 = arith.constant 32 : index
        %swap3A_660 = tpu.vector_load %arg7[%swap3A_658, %swap3A_659] {strides = array<i32>} : memref<2x128xi32, #tpu.memory_space<vmem>>, vector<1x16xi32>,
        %swap3A_661 = vector.shape_cast %swap3A_660 : vector<1x16xi32> to vector<16xi32>
        %swap3A_662 = vector.shape_cast %shift_right_logical3A_656 : vector<16xi32> to vector<1x16xi32>
        tpu.vector_store %arg7[%swap3A_658, %swap3A_659], %swap3A_662 {strides = array<i32>} : memref<2x128xi32, #tpu.memory_space<vmem>>, vector<1x16xi32>,
        %get3A_663 = arith.index_cast %add3A_596 : i32 to index
        %get3A_664 = arith.constant 48 : index
        %get3A_665 = tpu.vector_load %arg5[%get3A_663, %get3A_664] {strides = array<i32>} : memref<80x128xi32, #tpu.memory_space<vmem>>, vector<1x16xi32>,
        %get3A_666 = vector.shape_cast %get3A_665 : vector<1x16xi32> to vector<16xi32>
        %and3A_667 = arith.constant 65535 : i32
        %and3A_668 = vector.broadcast %and3A_667 : i32 to vector<16xi32>
        %and3A_669 = arith.andi %get3A_666, %and3A_668 : vector<16xi32>
        %swap3A_670 = arith.constant 0 : i32
        %swap3A_671 = arith.index_cast %swap3A_670 : i32 to index
        %swap3A_672 = arith.constant 48 : index
        %swap3A_673 = tpu.vector_load %arg6[%swap3A_671, %swap3A_672] {strides = array<i32>} : memref<2x128xi32, #tpu.memory_space<vmem>>, vector<1x16xi32>,
        %swap3A_674 = vector.shape_cast %swap3A_673 : vector<1x16xi32> to vector<16xi32>
        %swap3A_675 = vector.shape_cast %and3A_669 : vector<16xi32> to vector<1x16xi32>
        tpu.vector_store %arg6[%swap3A_671, %swap3A_672], %swap3A_675 {strides = array<i32>} : memref<2x128xi32, #tpu.memory_space<vmem>>, vector<1x16xi32>,
        %shift_right_logical3A_676 = arith.constant 16 : i32
        %shift_right_logical3A_677 = vector.broadcast %shift_right_logical3A_676 : i32 to vector<16xi32>
        %shift_right_logical3A_678 = arith.shrui %get3A_666, %shift_right_logical3A_677 : vector<16xi32>
        %swap3A_679 = arith.constant 0 : i32
        %swap3A_680 = arith.index_cast %swap3A_679 : i32 to index
        %swap3A_681 = arith.constant 48 : index
        %swap3A_682 = tpu.vector_load %arg7[%swap3A_680, %swap3A_681] {strides = array<i32>} : memref<2x128xi32, #tpu.memory_space<vmem>>, vector<1x16xi32>,
        %swap3A_683 = vector.shape_cast %swap3A_682 : vector<1x16xi32> to vector<16xi32>
        %swap3A_684 = vector.shape_cast %shift_right_logical3A_678 : vector<16xi32> to vector<1x16xi32>
        tpu.vector_store %arg7[%swap3A_680, %swap3A_681], %swap3A_684 {strides = array<i32>} : memref<2x128xi32, #tpu.memory_space<vmem>>, vector<1x16xi32>,
        %get3A_685 = arith.index_cast %add3A_596 : i32 to index
        %get3A_686 = arith.constant 64 : index
        %get3A_687 = tpu.vector_load %arg5[%get3A_685, %get3A_686] {strides = array<i32>} : memref<80x128xi32, #tpu.memory_space<vmem>>, vector<1x16xi32>,
        %get3A_688 = vector.shape_cast %get3A_687 : vector<1x16xi32> to vector<16xi32>
        %and3A_689 = arith.constant 65535 : i32
        %and3A_690 = vector.broadcast %and3A_689 : i32 to vector<16xi32>
        %and3A_691 = arith.andi %get3A_688, %and3A_690 : vector<16xi32>
        %swap3A_692 = arith.constant 0 : i32
        %swap3A_693 = arith.index_cast %swap3A_692 : i32 to index
        %swap3A_694 = arith.constant 64 : index
        %swap3A_695 = tpu.vector_load %arg6[%swap3A_693, %swap3A_694] {strides = array<i32>} : memref<2x128xi32, #tpu.memory_space<vmem>>, vector<1x16xi32>,
        %swap3A_696 = vector.shape_cast %swap3A_695 : vector<1x16xi32> to vector<16xi32>
        %swap3A_697 = vector.shape_cast %and3A_691 : vector<16xi32> to vector<1x16xi32>
        tpu.vector_store %arg6[%swap3A_693, %swap3A_694], %swap3A_697 {strides = array<i32>} : memref<2x128xi32, #tpu.memory_space<vmem>>, vector<1x16xi32>,
        %shift_right_logical3A_698 = arith.constant 16 : i32
        %shift_right_logical3A_699 = vector.broadcast %shift_right_logical3A_698 : i32 to vector<16xi32>
        %shift_right_logical3A_700 = arith.shrui %get3A_688, %shift_right_logical3A_699 : vector<16xi32>
        %swap3A_701 = arith.constant 0 : i32
        %swap3A_702 = arith.index_cast %swap3A_701 : i32 to index
        %swap3A_703 = arith.constant 64 : index
        %swap3A_704 = tpu.vector_load %arg7[%swap3A_702, %swap3A_703] {strides = array<i32>} : memref<2x128xi32, #tpu.memory_space<vmem>>, vector<1x16xi32>,
        %swap3A_705 = vector.shape_cast %swap3A_704 : vector<1x16xi32> to vector<16xi32>
        %swap3A_706 = vector.shape_cast %shift_right_logical3A_700 : vector<16xi32> to vector<1x16xi32>
        tpu.vector_store %arg7[%swap3A_702, %swap3A_703], %swap3A_706 {strides = array<i32>} : memref<2x128xi32, #tpu.memory_space<vmem>>, vector<1x16xi32>,
        %get3A_707 = arith.index_cast %add3A_596 : i32 to index
        %get3A_708 = arith.constant 80 : index
        %get3A_709 = tpu.vector_load %arg5[%get3A_707, %get3A_708] {strides = array<i32>} : memref<80x128xi32, #tpu.memory_space<vmem>>, vector<1x16xi32>,
        %get3A_710 = vector.shape_cast %get3A_709 : vector<1x16xi32> to vector<16xi32>
        %and3A_711 = arith.constant 65535 : i32
        %and3A_712 = vector.broadcast %and3A_711 : i32 to vector<16xi32>
        %and3A_713 = arith.andi %get3A_710, %and3A_712 : vector<16xi32>
        %swap3A_714 = arith.constant 0 : i32
        %swap3A_715 = arith.index_cast %swap3A_714 : i32 to index
        %swap3A_716 = arith.constant 80 : index
        %swap3A_717 = tpu.vector_load %arg6[%swap3A_715, %swap3A_716] {strides = array<i32>} : memref<2x128xi32, #tpu.memory_space<vmem>>, vector<1x16xi32>,
        %swap3A_718 = vector.shape_cast %swap3A_717 : vector<1x16xi32> to vector<16xi32>
        %swap3A_719 = vector.shape_cast %and3A_713 : vector<16xi32> to vector<1x16xi32>
        tpu.vector_store %arg6[%swap3A_715, %swap3A_716], %swap3A_719 {strides = array<i32>} : memref<2x128xi32, #tpu.memory_space<vmem>>, vector<1x16xi32>,
        %shift_right_logical3A_720 = arith.constant 16 : i32
        %shift_right_logical3A_721 = vector.broadcast %shift_right_logical3A_720 : i32 to vector<16xi32>
        %shift_right_logical3A_722 = arith.shrui %get3A_710, %shift_right_logical3A_721 : vector<16xi32>
        %swap3A_723 = arith.constant 0 : i32
        %swap3A_724 = arith.index_cast %swap3A_723 : i32 to index
        %swap3A_725 = arith.constant 80 : index
        %swap3A_726 = tpu.vector_load %arg7[%swap3A_724, %swap3A_725] {strides = array<i32>} : memref<2x128xi32, #tpu.memory_space<vmem>>, vector<1x16xi32>,
        %swap3A_727 = vector.shape_cast %swap3A_726 : vector<1x16xi32> to vector<16xi32>
        %swap3A_728 = vector.shape_cast %shift_right_logical3A_722 : vector<16xi32> to vector<1x16xi32>
        tpu.vector_store %arg7[%swap3A_724, %swap3A_725], %swap3A_728 {strides = array<i32>} : memref<2x128xi32, #tpu.memory_space<vmem>>, vector<1x16xi32>,
        %get3A_729 = arith.index_cast %add3A_596 : i32 to index
        %get3A_730 = arith.constant 96 : index
        %get3A_731 = tpu.vector_load %arg5[%get3A_729, %get3A_730] {strides = array<i32>} : memref<80x128xi32, #tpu.memory_space<vmem>>, vector<1x16xi32>,
        %get3A_732 = vector.shape_cast %get3A_731 : vector<1x16xi32> to vector<16xi32>
        %and3A_733 = arith.constant 65535 : i32
        %and3A_734 = vector.broadcast %and3A_733 : i32 to vector<16xi32>
        %and3A_735 = arith.andi %get3A_732, %and3A_734 : vector<16xi32>
        %swap3A_736 = arith.constant 0 : i32
        %swap3A_737 = arith.index_cast %swap3A_736 : i32 to index
        %swap3A_738 = arith.constant 96 : index
        %swap3A_739 = tpu.vector_load %arg6[%swap3A_737, %swap3A_738] {strides = array<i32>} : memref<2x128xi32, #tpu.memory_space<vmem>>, vector<1x16xi32>,
        %swap3A_740 = vector.shape_cast %swap3A_739 : vector<1x16xi32> to vector<16xi32>
        %swap3A_741 = vector.shape_cast %and3A_735 : vector<16xi32> to vector<1x16xi32>
        tpu.vector_store %arg6[%swap3A_737, %swap3A_738], %swap3A_741 {strides = array<i32>} : memref<2x128xi32, #tpu.memory_space<vmem>>, vector<1x16xi32>,
        %shift_right_logical3A_742 = arith.constant 16 : i32
        %shift_right_logical3A_743 = vector.broadcast %shift_right_logical3A_742 : i32 to vector<16xi32>
        %shift_right_logical3A_744 = arith.shrui %get3A_732, %shift_right_logical3A_743 : vector<16xi32>
        %swap3A_745 = arith.constant 0 : i32
        %swap3A_746 = arith.index_cast %swap3A_745 : i32 to index
        %swap3A_747 = arith.constant 96 : index
        %swap3A_748 = tpu.vector_load %arg7[%swap3A_746, %swap3A_747] {strides = array<i32>} : memref<2x128xi32, #tpu.memory_space<vmem>>, vector<1x16xi32>,
        %swap3A_749 = vector.shape_cast %swap3A_748 : vector<1x16xi32> to vector<16xi32>
        %swap3A_750 = vector.shape_cast %shift_right_logical3A_744 : vector<16xi32> to vector<1x16xi32>
        tpu.vector_store %arg7[%swap3A_746, %swap3A_747], %swap3A_750 {strides = array<i32>} : memref<2x128xi32, #tpu.memory_space<vmem>>, vector<1x16xi32>,
        %get3A_751 = arith.index_cast %add3A_596 : i32 to index
        %get3A_752 = arith.constant 112 : index
        %get3A_753 = tpu.vector_load %arg5[%get3A_751, %get3A_752] {strides = array<i32>} : memref<80x128xi32, #tpu.memory_space<vmem>>, vector<1x16xi32>,
        %get3A_754 = vector.shape_cast %get3A_753 : vector<1x16xi32> to vector<16xi32>
        %and3A_755 = arith.constant 65535 : i32
        %and3A_756 = vector.broadcast %and3A_755 : i32 to vector<16xi32>
        %and3A_757 = arith.andi %get3A_754, %and3A_756 : vector<16xi32>
        %swap3A_758 = arith.constant 0 : i32
        %swap3A_759 = arith.index_cast %swap3A_758 : i32 to index
        %swap3A_760 = arith.constant 112 : index
        %swap3A_761 = tpu.vector_load %arg6[%swap3A_759, %swap3A_760] {strides = array<i32>} : memref<2x128xi32, #tpu.memory_space<vmem>>, vector<1x16xi32>,
        %swap3A_762 = vector.shape_cast %swap3A_761 : vector<1x16xi32> to vector<16xi32>
        %swap3A_763 = vector.shape_cast %and3A_757 : vector<16xi32> to vector<1x16xi32>
        tpu.vector_store %arg6[%swap3A_759, %swap3A_760], %swap3A_763 {strides = array<i32>} : memref<2x128xi32, #tpu.memory_space<vmem>>, vector<1x16xi32>,
        %shift_right_logical3A_764 = arith.constant 16 : i32
        %shift_right_logical3A_765 = vector.broadcast %shift_right_logical3A_764 : i32 to vector<16xi32>
        %shift_right_logical3A_766 = arith.shrui %get3A_754, %shift_right_logical3A_765 : vector<16xi32>
        %swap3A_767 = arith.constant 0 : i32
        %swap3A_768 = arith.index_cast %swap3A_767 : i32 to index
        %swap3A_769 = arith.constant 112 : index
        %swap3A_770 = tpu.vector_load %arg7[%swap3A_768, %swap3A_769] {strides = array<i32>} : memref<2x128xi32, #tpu.memory_space<vmem>>, vector<1x16xi32>,
        %swap3A_771 = vector.shape_cast %swap3A_770 : vector<1x16xi32> to vector<16xi32>
        %swap3A_772 = vector.shape_cast %shift_right_logical3A_766 : vector<16xi32> to vector<1x16xi32>
        tpu.vector_store %arg7[%swap3A_768, %swap3A_769], %swap3A_772 {strides = array<i32>} : memref<2x128xi32, #tpu.memory_space<vmem>>, vector<1x16xi32>,
        %dma_start3A_773 = arith.constant 0 : i32
        %dma_start3A_774 = arith.constant 0 : i32
        %dma_start3A_775 = tpu.memref_slice %arg6[%dma_start3A_773, %dma_start3A_774] : memref<2x128xi32, #tpu.memory_space<vmem>> -> memref<1x128xi32, #tpu.memory_space<vmem>>
        %dma_start3A_776 = tpu.memref_squeeze %dma_start3A_775 : memref<1x128xi32, #tpu.memory_space<vmem>> -> memref<128xi32, #tpu.memory_space<vmem>>
        %dma_start3A_777 = arith.constant 0 : i32
        %dma_start3A_778 = arith.constant 0 : i32
        %dma_start3A_779 = tpu.memref_slice %arg2[%dma_start3A_777, %dma_start3A_778] : memref<10000x128xf32, #tpu.memory_space<hbm>> -> memref<10000x128xf32, #tpu.memory_space<hbm>>
        tpu.enqueue_indirect_dma source(%dma_start3A_779 : memref<10000x128xf32, #tpu.memory_space<hbm>>) target(%arg8 : memref<128x128xf32, #tpu.memory_space<vmem>>) offsets(%dma_start3A_776 : memref<128xi32, #tpu.memory_space<vmem>>) semaphore(%arg11 : memref<!tpu.dma_semaphore, #tpu.memory_space<semaphore_mem>>)
      } else {
      }
      %dma_wait3A_587 = arith.constant 1 : i32
      %dma_wait3A_588 = arith.constant 0 : i32
      %dma_wait3A_589 = tpu.memref_slice %arg6[%dma_wait3A_587, %dma_wait3A_588] : memref<2x128xi32, #tpu.memory_space<vmem>> -> memref<1x128xi32, #tpu.memory_space<vmem>>
      %dma_wait3A_590 = tpu.memref_squeeze %dma_wait3A_589 : memref<1x128xi32, #tpu.memory_space<vmem>> -> memref<128xi32, #tpu.memory_space<vmem>>
      %dma_wait3A_591 = arith.constant 0 : i32
      %dma_wait3A_592 = arith.constant 0 : i32
      %dma_wait3A_593 = tpu.memref_slice %arg2[%dma_wait3A_591, %dma_wait3A_592] : memref<10000x128xf32, #tpu.memory_space<hbm>> -> memref<10000x128xf32, #tpu.memory_space<hbm>>
      tpu.wait_indirect_dma semaphore(%arg12 : memref<!tpu.dma_semaphore, #tpu.memory_space<semaphore_mem>>) src(%dma_wait3A_593 : memref<10000x128xf32, #tpu.memory_space<hbm>>) dst(%arg9 : memref<128x128xf32, #tpu.memory_space<vmem>>)
      %run_scoped3A_594 = arith.constant 1 : i32
      "tpu.region"() ({
        %run_scoped3A_595 = tpu.sem_alloc : memref<!tpu.dma_semaphore, #tpu.memory_space<semaphore_mem>>
        %dma_start3A_596 = arith.constant 0 : i32
        %dma_start3A_597 = tpu.memref_slice %arg7[%run_scoped3A_594, %dma_start3A_596] : memref<2x128xi32, #tpu.memory_space<vmem>> -> memref<1x128xi32, #tpu.memory_space<vmem>>
        %dma_start3A_598 = tpu.memref_squeeze %dma_start3A_597 : memref<1x128xi32, #tpu.memory_space<vmem>> -> memref<128xi32, #tpu.memory_space<vmem>>
        %dma_start3A_599 = arith.constant 0 : i32
        %dma_start3A_600 = arith.constant 0 : i32
        %dma_start3A_601 = tpu.memref_slice %arg10[%dma_start3A_599, %dma_start3A_600] : memref<10240x128xf32, #tpu.memory_space<vmem_shared>> -> memref<10240x128xf32, #tpu.memory_space<vmem_shared>>
        tpu.enqueue_indirect_dma source(%arg9 : memref<128x128xf32, #tpu.memory_space<vmem>>) target(%dma_start3A_601 : memref<10240x128xf32, #tpu.memory_space<vmem_shared>>) offsets(%dma_start3A_598 : memref<128xi32, #tpu.memory_space<vmem>>) semaphore(%run_scoped3A_595 : memref<!tpu.dma_semaphore, #tpu.memory_space<semaphore_mem>>) {add = true}
        %dma_wait3A_602 = arith.constant 0 : i32
        %dma_wait3A_603 = tpu.memref_slice %arg7[%run_scoped3A_594, %dma_wait3A_602] : memref<2x128xi32, #tpu.memory_space<vmem>> -> memref<1x128xi32, #tpu.memory_space<vmem>>
        %dma_wait3A_604 = tpu.memref_squeeze %dma_wait3A_603 : memref<1x128xi32, #tpu.memory_space<vmem>> -> memref<128xi32, #tpu.memory_space<vmem>>
        %dma_wait3A_605 = arith.constant 0 : i32
        %dma_wait3A_606 = arith.constant 0 : i32
        %dma_wait3A_607 = tpu.memref_slice %arg10[%dma_wait3A_605, %dma_wait3A_606] : memref<10240x128xf32, #tpu.memory_space<vmem_shared>> -> memref<10240x128xf32, #tpu.memory_space<vmem_shared>>
        tpu.wait_indirect_dma semaphore(%run_scoped3A_595 : memref<!tpu.dma_semaphore, #tpu.memory_space<semaphore_mem>>) src(%arg9 : memref<128x128xf32, #tpu.memory_space<vmem>>) dst(%dma_wait3A_607 : memref<10240x128xf32, #tpu.memory_space<vmem_shared>>)
        tpu.yield
      }) : () -> ()
    }
    %barrier3A_304 = arith.constant 0 : index
    tpu.barrier barrier_id(%barrier3A_304)
    %mul3A_305 = arith.constant 640 : i32
    %mul3A_306 = arith.muli %arg1, %mul3A_305 : i32
    %add3A_307 = arith.constant 0 : i32
    %add3A_308 = arith.addi %mul3A_306, %add3A_307 : i32
    "tpu.region"() ({
      %run_scoped3A = tpu.sem_alloc : memref<!tpu.dma_semaphore, #tpu.memory_space<semaphore_mem>>
      %dma_start3A_389 = arith.constant 0 : i32
      %dma_start3A_390 = tpu.memref_slice %arg10[%add3A_308, %dma_start3A_389] : memref<10240x128xf32, #tpu.memory_space<vmem_shared>> -> memref<128x128xf32, #tpu.memory_space<vmem_shared>>
      %dma_start3A_391 = arith.constant 0 : i32
      %dma_start3A_392 = tpu.memref_slice %arg10[%add3A_308, %dma_start3A_391] : memref<10240x128xf32, #tpu.memory_space<vmem_shared>> -> memref<128x128xf32, #tpu.memory_space<vmem_shared>>
      tpu.enqueue_dma source(%dma_start3A_392 : memref<128x128xf32, #tpu.memory_space<vmem_shared>>) target(%arg8 : memref<128x128xf32, #tpu.memory_space<vmem>>) target_semaphore(%run_scoped3A : memref<!tpu.dma_semaphore, #tpu.memory_space<semaphore_mem>>)
      %dma_wait3A_393 = arith.constant 0 : i32
      %dma_wait3A_394 = tpu.memref_slice %arg10[%add3A_308, %dma_wait3A_393] : memref<10240x128xf32, #tpu.memory_space<vmem_shared>> -> memref<128x128xf32, #tpu.memory_space<vmem_shared>>
      %dma_wait3A_395 = arith.constant 0 : i32
      %dma_wait3A_396 = tpu.memref_slice %arg10[%add3A_308, %dma_wait3A_395] : memref<10240x128xf32, #tpu.memory_space<vmem_shared>> -> memref<128x128xf32, #tpu.memory_space<vmem_shared>>
      tpu.wait_dma2 semaphore(%run_scoped3A : memref<!tpu.dma_semaphore, #tpu.memory_space<semaphore_mem>>) src(%dma_wait3A_396 : memref<128x128xf32, #tpu.memory_space<vmem_shared>>) dst(%arg8 : memref<128x128xf32, #tpu.memory_space<vmem>>)
      tpu.yield
    }) : () -> ()
    %dma_start3A_309 = arith.constant 0 : i32
    %dma_start3A_310 = tpu.memref_slice %arg4[%arg0, %add3A_308, %dma_start3A_309] : memref<2x10240x128xf32, #tpu.memory_space<hbm>> -> memref<1x128x128xf32, #tpu.memory_space<hbm>>
    %dma_start3A_311 = tpu.memref_squeeze %dma_start3A_310 : memref<1x128x128xf32, #tpu.memory_space<hbm>> -> memref<128x128xf32, #tpu.memory_space<hbm>>
    %dma_start3A_312 = arith.constant 0 : i32
    %dma_start3A_313 = tpu.memref_slice %arg4[%arg0, %add3A_308, %dma_start3A_312] : memref<2x10240x128xf32, #tpu.memory_space<hbm>> -> memref<1x128x128xf32, #tpu.memory_space<hbm>>
    %dma_start3A_314 = tpu.memref_squeeze %dma_start3A_313 : memref<1x128x128xf32, #tpu.memory_space<hbm>> -> memref<128x128xf32, #tpu.memory_space<hbm>>
    tpu.enqueue_dma source(%arg8 : memref<128x128xf32, #tpu.memory_space<vmem>>) target(%dma_start3A_314 : memref<128x128xf32, #tpu.memory_space<hbm>>) target_semaphore(%arg11 : memref<!tpu.dma_semaphore, #tpu.memory_space<semaphore_mem>>)
    %mul3A_315 = arith.constant 640 : i32
    %mul3A_316 = arith.muli %arg1, %mul3A_315 : i32
    %add3A_317 = arith.constant 128 : i32
    %add3A_318 = arith.addi %mul3A_316, %add3A_317 : i32
    "tpu.region"() ({
      %run_scoped3A = tpu.sem_alloc : memref<!tpu.dma_semaphore, #tpu.memory_space<semaphore_mem>>
      %dma_start3A_389 = arith.constant 0 : i32
      %dma_start3A_390 = tpu.memref_slice %arg10[%add3A_318, %dma_start3A_389] : memref<10240x128xf32, #tpu.memory_space<vmem_shared>> -> memref<128x128xf32, #tpu.memory_space<vmem_shared>>
      %dma_start3A_391 = arith.constant 0 : i32
      %dma_start3A_392 = tpu.memref_slice %arg10[%add3A_318, %dma_start3A_391] : memref<10240x128xf32, #tpu.memory_space<vmem_shared>> -> memref<128x128xf32, #tpu.memory_space<vmem_shared>>
      tpu.enqueue_dma source(%dma_start3A_392 : memref<128x128xf32, #tpu.memory_space<vmem_shared>>) target(%arg9 : memref<128x128xf32, #tpu.memory_space<vmem>>) target_semaphore(%run_scoped3A : memref<!tpu.dma_semaphore, #tpu.memory_space<semaphore_mem>>)
      %dma_wait3A_393 = arith.constant 0 : i32
      %dma_wait3A_394 = tpu.memref_slice %arg10[%add3A_318, %dma_wait3A_393] : memref<10240x128xf32, #tpu.memory_space<vmem_shared>> -> memref<128x128xf32, #tpu.memory_space<vmem_shared>>
      %dma_wait3A_395 = arith.constant 0 : i32
      %dma_wait3A_396 = tpu.memref_slice %arg10[%add3A_318, %dma_wait3A_395] : memref<10240x128xf32, #tpu.memory_space<vmem_shared>> -> memref<128x128xf32, #tpu.memory_space<vmem_shared>>
      tpu.wait_dma2 semaphore(%run_scoped3A : memref<!tpu.dma_semaphore, #tpu.memory_space<semaphore_mem>>) src(%dma_wait3A_396 : memref<128x128xf32, #tpu.memory_space<vmem_shared>>) dst(%arg9 : memref<128x128xf32, #tpu.memory_space<vmem>>)
      tpu.yield
    }) : () -> ()
    %dma_start3A_319 = arith.constant 0 : i32
    %dma_start3A_320 = tpu.memref_slice %arg4[%arg0, %add3A_318, %dma_start3A_319] : memref<2x10240x128xf32, #tpu.memory_space<hbm>> -> memref<1x128x128xf32, #tpu.memory_space<hbm>>
    %dma_start3A_321 = tpu.memref_squeeze %dma_start3A_320 : memref<1x128x128xf32, #tpu.memory_space<hbm>> -> memref<128x128xf32, #tpu.memory_space<hbm>>
    %dma_start3A_322 = arith.constant 0 : i32
    %dma_start3A_323 = tpu.memref_slice %arg4[%arg0, %add3A_318, %dma_start3A_322] : memref<2x10240x128xf32, #tpu.memory_space<hbm>> -> memref<1x128x128xf32, #tpu.memory_space<hbm>>
    %dma_start3A_324 = tpu.memref_squeeze %dma_start3A_323 : memref<1x128x128xf32, #tpu.memory_space<hbm>> -> memref<128x128xf32, #tpu.memory_space<hbm>>
    tpu.enqueue_dma source(%arg9 : memref<128x128xf32, #tpu.memory_space<vmem>>) target(%dma_start3A_324 : memref<128x128xf32, #tpu.memory_space<hbm>>) target_semaphore(%arg12 : memref<!tpu.dma_semaphore, #tpu.memory_space<semaphore_mem>>)
    %mul3A_325 = arith.constant 640 : i32
    %mul3A_326 = arith.muli %arg1, %mul3A_325 : i32
    %add3A_327 = arith.constant 256 : i32
    %add3A_328 = arith.addi %mul3A_326, %add3A_327 : i32
    %dma_wait3A_329 = arith.constant 0 : i32
    %dma_wait3A_330 = tpu.memref_slice %arg4[%arg0, %add3A_328, %dma_wait3A_329] : memref<2x10240x128xf32, #tpu.memory_space<hbm>> -> memref<1x128x128xf32, #tpu.memory_space<hbm>>
    %dma_wait3A_331 = tpu.memref_squeeze %dma_wait3A_330 : memref<1x128x128xf32, #tpu.memory_space<hbm>> -> memref<128x128xf32, #tpu.memory_space<hbm>>
    %dma_wait3A_332 = arith.constant 0 : i32
    %dma_wait3A_333 = tpu.memref_slice %arg4[%arg0, %add3A_328, %dma_wait3A_332] : memref<2x10240x128xf32, #tpu.memory_space<hbm>> -> memref<1x128x128xf32, #tpu.memory_space<hbm>>
    %dma_wait3A_334 = tpu.memref_squeeze %dma_wait3A_333 : memref<1x128x128xf32, #tpu.memory_space<hbm>> -> memref<128x128xf32, #tpu.memory_space<hbm>>
    tpu.wait_dma2 semaphore(%arg11 : memref<!tpu.dma_semaphore, #tpu.memory_space<semaphore_mem>>) src(%arg8 : memref<128x128xf32, #tpu.memory_space<vmem>>) dst(%dma_wait3A_334 : memref<128x128xf32, #tpu.memory_space<hbm>>)
    "tpu.region"() ({
      %run_scoped3A = tpu.sem_alloc : memref<!tpu.dma_semaphore, #tpu.memory_space<semaphore_mem>>
      %dma_start3A_389 = arith.constant 0 : i32
      %dma_start3A_390 = tpu.memref_slice %arg10[%add3A_328, %dma_start3A_389] : memref<10240x128xf32, #tpu.memory_space<vmem_shared>> -> memref<128x128xf32, #tpu.memory_space<vmem_shared>>
      %dma_start3A_391 = arith.constant 0 : i32
      %dma_start3A_392 = tpu.memref_slice %arg10[%add3A_328, %dma_start3A_391] : memref<10240x128xf32, #tpu.memory_space<vmem_shared>> -> memref<128x128xf32, #tpu.memory_space<vmem_shared>>
      tpu.enqueue_dma source(%dma_start3A_392 : memref<128x128xf32, #tpu.memory_space<vmem_shared>>) target(%arg8 : memref<128x128xf32, #tpu.memory_space<vmem>>) target_semaphore(%run_scoped3A : memref<!tpu.dma_semaphore, #tpu.memory_space<semaphore_mem>>)
      %dma_wait3A_393 = arith.constant 0 : i32
      %dma_wait3A_394 = tpu.memref_slice %arg10[%add3A_328, %dma_wait3A_393] : memref<10240x128xf32, #tpu.memory_space<vmem_shared>> -> memref<128x128xf32, #tpu.memory_space<vmem_shared>>
      %dma_wait3A_395 = arith.constant 0 : i32
      %dma_wait3A_396 = tpu.memref_slice %arg10[%add3A_328, %dma_wait3A_395] : memref<10240x128xf32, #tpu.memory_space<vmem_shared>> -> memref<128x128xf32, #tpu.memory_space<vmem_shared>>
      tpu.wait_dma2 semaphore(%run_scoped3A : memref<!tpu.dma_semaphore, #tpu.memory_space<semaphore_mem>>) src(%dma_wait3A_396 : memref<128x128xf32, #tpu.memory_space<vmem_shared>>) dst(%arg8 : memref<128x128xf32, #tpu.memory_space<vmem>>)
      tpu.yield
    }) : () -> ()
    %dma_start3A_335 = arith.constant 0 : i32
    %dma_start3A_336 = tpu.memref_slice %arg4[%arg0, %add3A_328, %dma_start3A_335] : memref<2x10240x128xf32, #tpu.memory_space<hbm>> -> memref<1x128x128xf32, #tpu.memory_space<hbm>>
    %dma_start3A_337 = tpu.memref_squeeze %dma_start3A_336 : memref<1x128x128xf32, #tpu.memory_space<hbm>> -> memref<128x128xf32, #tpu.memory_space<hbm>>
    %dma_start3A_338 = arith.constant 0 : i32
    %dma_start3A_339 = tpu.memref_slice %arg4[%arg0, %add3A_328, %dma_start3A_338] : memref<2x10240x128xf32, #tpu.memory_space<hbm>> -> memref<1x128x128xf32, #tpu.memory_space<hbm>>
    %dma_start3A_340 = tpu.memref_squeeze %dma_start3A_339 : memref<1x128x128xf32, #tpu.memory_space<hbm>> -> memref<128x128xf32, #tpu.memory_space<hbm>>
    tpu.enqueue_dma source(%arg8 : memref<128x128xf32, #tpu.memory_space<vmem>>) target(%dma_start3A_340 : memref<128x128xf32, #tpu.memory_space<hbm>>) target_semaphore(%arg11 : memref<!tpu.dma_semaphore, #tpu.memory_space<semaphore_mem>>)
    %mul3A_341 = arith.constant 640 : i32
    %mul3A_342 = arith.muli %arg1, %mul3A_341 : i32
    %add3A_343 = arith.constant 384 : i32
    %add3A_344 = arith.addi %mul3A_342, %add3A_343 : i32
    %dma_wait3A_345 = arith.constant 0 : i32
    %dma_wait3A_346 = tpu.memref_slice %arg4[%arg0, %add3A_344, %dma_wait3A_345] : memref<2x10240x128xf32, #tpu.memory_space<hbm>> -> memref<1x128x128xf32, #tpu.memory_space<hbm>>
    %dma_wait3A_347 = tpu.memref_squeeze %dma_wait3A_346 : memref<1x128x128xf32, #tpu.memory_space<hbm>> -> memref<128x128xf32, #tpu.memory_space<hbm>>
    %dma_wait3A_348 = arith.constant 0 : i32
    %dma_wait3A_349 = tpu.memref_slice %arg4[%arg0, %add3A_344, %dma_wait3A_348] : memref<2x10240x128xf32, #tpu.memory_space<hbm>> -> memref<1x128x128xf32, #tpu.memory_space<hbm>>
    %dma_wait3A_350 = tpu.memref_squeeze %dma_wait3A_349 : memref<1x128x128xf32, #tpu.memory_space<hbm>> -> memref<128x128xf32, #tpu.memory_space<hbm>>
    tpu.wait_dma2 semaphore(%arg12 : memref<!tpu.dma_semaphore, #tpu.memory_space<semaphore_mem>>) src(%arg9 : memref<128x128xf32, #tpu.memory_space<vmem>>) dst(%dma_wait3A_350 : memref<128x128xf32, #tpu.memory_space<hbm>>)
    "tpu.region"() ({
      %run_scoped3A = tpu.sem_alloc : memref<!tpu.dma_semaphore, #tpu.memory_space<semaphore_mem>>
      %dma_start3A_389 = arith.constant 0 : i32
      %dma_start3A_390 = tpu.memref_slice %arg10[%add3A_344, %dma_start3A_389] : memref<10240x128xf32, #tpu.memory_space<vmem_shared>> -> memref<128x128xf32, #tpu.memory_space<vmem_shared>>
      %dma_start3A_391 = arith.constant 0 : i32
      %dma_start3A_392 = tpu.memref_slice %arg10[%add3A_344, %dma_start3A_391] : memref<10240x128xf32, #tpu.memory_space<vmem_shared>> -> memref<128x128xf32, #tpu.memory_space<vmem_shared>>
      tpu.enqueue_dma source(%dma_start3A_392 : memref<128x128xf32, #tpu.memory_space<vmem_shared>>) target(%arg9 : memref<128x128xf32, #tpu.memory_space<vmem>>) target_semaphore(%run_scoped3A : memref<!tpu.dma_semaphore, #tpu.memory_space<semaphore_mem>>)
      %dma_wait3A_393 = arith.constant 0 : i32
      %dma_wait3A_394 = tpu.memref_slice %arg10[%add3A_344, %dma_wait3A_393] : memref<10240x128xf32, #tpu.memory_space<vmem_shared>> -> memref<128x128xf32, #tpu.memory_space<vmem_shared>>
      %dma_wait3A_395 = arith.constant 0 : i32
      %dma_wait3A_396 = tpu.memref_slice %arg10[%add3A_344, %dma_wait3A_395] : memref<10240x128xf32, #tpu.memory_space<vmem_shared>> -> memref<128x128xf32, #tpu.memory_space<vmem_shared>>
      tpu.wait_dma2 semaphore(%run_scoped3A : memref<!tpu.dma_semaphore, #tpu.memory_space<semaphore_mem>>) src(%dma_wait3A_396 : memref<128x128xf32, #tpu.memory_space<vmem_shared>>) dst(%arg9 : memref<128x128xf32, #tpu.memory_space<vmem>>)
      tpu.yield
    }) : () -> ()
    %dma_start3A_351 = arith.constant 0 : i32
    %dma_start3A_352 = tpu.memref_slice %arg4[%arg0, %add3A_344, %dma_start3A_351] : memref<2x10240x128xf32, #tpu.memory_space<hbm>> -> memref<1x128x128xf32, #tpu.memory_space<hbm>>
    %dma_start3A_353 = tpu.memref_squeeze %dma_start3A_352 : memref<1x128x128xf32, #tpu.memory_space<hbm>> -> memref<128x128xf32, #tpu.memory_space<hbm>>
    %dma_start3A_354 = arith.constant 0 : i32
    %dma_start3A_355 = tpu.memref_slice %arg4[%arg0, %add3A_344, %dma_start3A_354] : memref<2x10240x128xf32, #tpu.memory_space<hbm>> -> memref<1x128x128xf32, #tpu.memory_space<hbm>>
    %dma_start3A_356 = tpu.memref_squeeze %dma_start3A_355 : memref<1x128x128xf32, #tpu.memory_space<hbm>> -> memref<128x128xf32, #tpu.memory_space<hbm>>
    tpu.enqueue_dma source(%arg9 : memref<128x128xf32, #tpu.memory_space<vmem>>) target(%dma_start3A_356 : memref<128x128xf32, #tpu.memory_space<hbm>>) target_semaphore(%arg12 : memref<!tpu.dma_semaphore, #tpu.memory_space<semaphore_mem>>)
    %mul3A_357 = arith.constant 640 : i32
    %mul3A_358 = arith.muli %arg1, %mul3A_357 : i32
    %add3A_359 = arith.constant 512 : i32
    %add3A_360 = arith.addi %mul3A_358, %add3A_359 : i32
    %dma_wait3A_361 = arith.constant 0 : i32
    %dma_wait3A_362 = tpu.memref_slice %arg4[%arg0, %add3A_360, %dma_wait3A_361] : memref<2x10240x128xf32, #tpu.memory_space<hbm>> -> memref<1x128x128xf32, #tpu.memory_space<hbm>>
    %dma_wait3A_363 = tpu.memref_squeeze %dma_wait3A_362 : memref<1x128x128xf32, #tpu.memory_space<hbm>> -> memref<128x128xf32, #tpu.memory_space<hbm>>
    %dma_wait3A_364 = arith.constant 0 : i32
    %dma_wait3A_365 = tpu.memref_slice %arg4[%arg0, %add3A_360, %dma_wait3A_364] : memref<2x10240x128xf32, #tpu.memory_space<hbm>> -> memref<1x128x128xf32, #tpu.memory_space<hbm>>
    %dma_wait3A_366 = tpu.memref_squeeze %dma_wait3A_365 : memref<1x128x128xf32, #tpu.memory_space<hbm>> -> memref<128x128xf32, #tpu.memory_space<hbm>>
    tpu.wait_dma2 semaphore(%arg11 : memref<!tpu.dma_semaphore, #tpu.memory_space<semaphore_mem>>) src(%arg8 : memref<128x128xf32, #tpu.memory_space<vmem>>) dst(%dma_wait3A_366 : memref<128x128xf32, #tpu.memory_space<hbm>>)
    "tpu.region"() ({
      %run_scoped3A = tpu.sem_alloc : memref<!tpu.dma_semaphore, #tpu.memory_space<semaphore_mem>>
      %dma_start3A_389 = arith.constant 0 : i32
      %dma_start3A_390 = tpu.memref_slice %arg10[%add3A_360, %dma_start3A_389] : memref<10240x128xf32, #tpu.memory_space<vmem_shared>> -> memref<128x128xf32, #tpu.memory_space<vmem_shared>>
      %dma_start3A_391 = arith.constant 0 : i32
      %dma_start3A_392 = tpu.memref_slice %arg10[%add3A_360, %dma_start3A_391] : memref<10240x128xf32, #tpu.memory_space<vmem_shared>> -> memref<128x128xf32, #tpu.memory_space<vmem_shared>>
      tpu.enqueue_dma source(%dma_start3A_392 : memref<128x128xf32, #tpu.memory_space<vmem_shared>>) target(%arg8 : memref<128x128xf32, #tpu.memory_space<vmem>>) target_semaphore(%run_scoped3A : memref<!tpu.dma_semaphore, #tpu.memory_space<semaphore_mem>>)
      %dma_wait3A_393 = arith.constant 0 : i32
      %dma_wait3A_394 = tpu.memref_slice %arg10[%add3A_360, %dma_wait3A_393] : memref<10240x128xf32, #tpu.memory_space<vmem_shared>> -> memref<128x128xf32, #tpu.memory_space<vmem_shared>>
      %dma_wait3A_395 = arith.constant 0 : i32
      %dma_wait3A_396 = tpu.memref_slice %arg10[%add3A_360, %dma_wait3A_395] : memref<10240x128xf32, #tpu.memory_space<vmem_shared>> -> memref<128x128xf32, #tpu.memory_space<vmem_shared>>
      tpu.wait_dma2 semaphore(%run_scoped3A : memref<!tpu.dma_semaphore, #tpu.memory_space<semaphore_mem>>) src(%dma_wait3A_396 : memref<128x128xf32, #tpu.memory_space<vmem_shared>>) dst(%arg8 : memref<128x128xf32, #tpu.memory_space<vmem>>)
      tpu.yield
    }) : () -> ()
    %dma_start3A_367 = arith.constant 0 : i32
    %dma_start3A_368 = tpu.memref_slice %arg4[%arg0, %add3A_360, %dma_start3A_367] : memref<2x10240x128xf32, #tpu.memory_space<hbm>> -> memref<1x128x128xf32, #tpu.memory_space<hbm>>
    %dma_start3A_369 = tpu.memref_squeeze %dma_start3A_368 : memref<1x128x128xf32, #tpu.memory_space<hbm>> -> memref<128x128xf32, #tpu.memory_space<hbm>>
    %dma_start3A_370 = arith.constant 0 : i32
    %dma_start3A_371 = tpu.memref_slice %arg4[%arg0, %add3A_360, %dma_start3A_370] : memref<2x10240x128xf32, #tpu.memory_space<hbm>> -> memref<1x128x128xf32, #tpu.memory_space<hbm>>
    %dma_start3A_372 = tpu.memref_squeeze %dma_start3A_371 : memref<1x128x128xf32, #tpu.memory_space<hbm>> -> memref<128x128xf32, #tpu.memory_space<hbm>>
    tpu.enqueue_dma source(%arg8 : memref<128x128xf32, #tpu.memory_space<vmem>>) target(%dma_start3A_372 : memref<128x128xf32, #tpu.memory_space<hbm>>) target_semaphore(%arg11 : memref<!tpu.dma_semaphore, #tpu.memory_space<semaphore_mem>>)
    %dma_wait3A_373 = arith.constant 0 : i32
    %dma_wait3A_374 = arith.constant 0 : i32
    %dma_wait3A_375 = tpu.memref_slice %arg4[%arg0, %dma_wait3A_373, %dma_wait3A_374] : memref<2x10240x128xf32, #tpu.memory_space<hbm>> -> memref<1x128x128xf32, #tpu.memory_space<hbm>>
    %dma_wait3A_376 = tpu.memref_squeeze %dma_wait3A_375 : memref<1x128x128xf32, #tpu.memory_space<hbm>> -> memref<128x128xf32, #tpu.memory_space<hbm>>
    %dma_wait3A_377 = arith.constant 0 : i32
    %dma_wait3A_378 = arith.constant 0 : i32
    %dma_wait3A_379 = tpu.memref_slice %arg4[%arg0, %dma_wait3A_377, %dma_wait3A_378] : memref<2x10240x128xf32, #tpu.memory_space<hbm>> -> memref<1x128x128xf32, #tpu.memory_space<hbm>>
    %dma_wait3A_380 = tpu.memref_squeeze %dma_wait3A_379 : memref<1x128x128xf32, #tpu.memory_space<hbm>> -> memref<128x128xf32, #tpu.memory_space<hbm>>
    tpu.wait_dma2 semaphore(%arg11 : memref<!tpu.dma_semaphore, #tpu.memory_space<semaphore_mem>>) src(%arg8 : memref<128x128xf32, #tpu.memory_space<vmem>>) dst(%dma_wait3A_380 : memref<128x128xf32, #tpu.memory_space<hbm>>)
    %dma_wait3A_381 = arith.constant 0 : i32
    %dma_wait3A_382 = arith.constant 0 : i32
    %dma_wait3A_383 = tpu.memref_slice %arg4[%arg0, %dma_wait3A_381, %dma_wait3A_382] : memref<2x10240x128xf32, #tpu.memory_space<hbm>> -> memref<1x128x128xf32, #tpu.memory_space<hbm>>
    %dma_wait3A_384 = tpu.memref_squeeze %dma_wait3A_383 : memref<1x128x128xf32, #tpu.memory_space<hbm>> -> memref<128x128xf32, #tpu.memory_space<hbm>>
    %dma_wait3A_385 = arith.constant 0 : i32
    %dma_wait3A_386 = arith.constant 0 : i32
    %dma_wait3A_387 = tpu.memref_slice %arg4[%arg0, %dma_wait3A_385, %dma_wait3A_386] : memref<2x10240x128xf32, #tpu.memory_space<hbm>> -> memref<1x128x128xf32, #tpu.memory_space<hbm>>
    %dma_wait3A_388 = tpu.memref_squeeze %dma_wait3A_387 : memref<1x128x128xf32, #tpu.memory_space<hbm>> -> memref<128x128xf32, #tpu.memory_space<hbm>>
    tpu.wait_dma2 semaphore(%arg12 : memref<!tpu.dma_semaphore, #tpu.memory_space<semaphore_mem>>) src(%arg9 : memref<128x128xf32, #tpu.memory_space<vmem>>) dst(%dma_wait3A_388 : memref<128x128xf32, #tpu.memory_space<hbm>>)
    return
  }
}

#map = affine_map<(d0, d1) -> (0, 0)>
#map1 = affine_map<(d0, d1) -> (0, 0, 0)>
module attributes {stable_mosaic.version = 14 : i64} {
  func.func @k(%arg0: i32, %arg1: i32, %arg2: memref<10000x128xf32, #tpu.memory_space<hbm>>, %arg3: memref<2536x128xi32, #tpu.memory_space<hbm>>, %arg4: memref<2x10240x128xf32, #tpu.memory_space<hbm>>, %arg5: memref<80x128xi32, #tpu.memory_space<vmem>>, %arg6: memref<2x128xi32, #tpu.memory_space<vmem>>, %arg7: memref<2x128xi32, #tpu.memory_space<vmem>>, %arg8: memref<128x128xf32, #tpu.memory_space<vmem>>, %arg9: memref<128x128xf32, #tpu.memory_space<vmem>>, %arg10: memref<10240x128xf32, #tpu.memory_space<vmem_shared>>, %arg11: memref<!tpu.dma_semaphore, #tpu.memory_space<semaphore_mem>>, %arg12: memref<!tpu.dma_semaphore, #tpu.memory_space<semaphore_mem>>) attributes {dimension_semantics = [#tpu.dimension_semantics<core_parallel>, #tpu.dimension_semantics<subcore_parallel>], iteration_bounds = array<i64: 2, 16>, scalar_prefetch = 0 : i64, scratch_operands = 8 : i64, tpu.core_type = #tpu.core_type<sc_vector_subcore>, window_params = [{transform_indices = #map}, {transform_indices = #map}, {transform_indices = #map1}]} {
    %mul3A = arith.constant 1248 : i32
    %mul3A_0 = arith.muli %arg0, %mul3A : i32
    %mul3A_1 = arith.constant 80 : i32
    %mul3A_2 = arith.muli %arg1, %mul3A_1 : i32
    %add3A = arith.addi %mul3A_0, %mul3A_2 : i32
    %dma_start3A = arith.constant 0 : i32
    %dma_start3A_3 = tpu.memref_slice %arg3[%add3A, %dma_start3A] : memref<2536x128xi32, #tpu.memory_space<hbm>> -> memref<80x128xi32, #tpu.memory_space<hbm>>
    %dma_start3A_4 = arith.constant 0 : i32
    %dma_start3A_5 = tpu.memref_slice %arg3[%add3A, %dma_start3A_4] : memref<2536x128xi32, #tpu.memory_space<hbm>> -> memref<80x128xi32, #tpu.memory_space<hbm>>
    tpu.enqueue_dma source(%dma_start3A_5 : memref<80x128xi32, #tpu.memory_space<hbm>>) target(%arg5 : memref<80x128xi32, #tpu.memory_space<vmem>>) target_semaphore(%arg12 : memref<!tpu.dma_semaphore, #tpu.memory_space<semaphore_mem>>)
    %scan3A = arith.constant 0 : i32
    %scan3A_6 = arith.constant 0 : i32
    %scan3A_7 = arith.constant 128 : i32
    %scan3A_8 = arith.addi %scan3A_6, %scan3A_7 : i32
    %scan3A_9 = arith.constant 1 : i32
    scf.for %scan3A_389 = %scan3A_6 to %scan3A_8 step %scan3A_9  : i32 {
      %broadcast_in_dim3A = arith.constant 0.000000e+00 : f32
      %broadcast_in_dim3A_390 = vector.broadcast %broadcast_in_dim3A : f32 to vector<16xf32>
      %swap3A_391 = arith.index_cast %scan3A_389 : i32 to index
      %swap3A_392 = arith.constant 0 : index
      %swap3A_393 = tpu.vector_load %arg8[%swap3A_391, %swap3A_392] {strides = array<i32>} : memref<128x128xf32, #tpu.memory_space<vmem>>, vector<1x16xf32>,
      %swap3A_394 = vector.shape_cast %swap3A_393 : vector<1x16xf32> to vector<16xf32>
      %swap3A_395 = vector.shape_cast %broadcast_in_dim3A_390 : vector<16xf32> to vector<1x16xf32>
      tpu.vector_store %arg8[%swap3A_391, %swap3A_392], %swap3A_395 {strides = array<i32>} : memref<128x128xf32, #tpu.memory_space<vmem>>, vector<1x16xf32>,
      %broadcast_in_dim3A_396 = arith.constant 0.000000e+00 : f32
      %broadcast_in_dim3A_397 = vector.broadcast %broadcast_in_dim3A_396 : f32 to vector<16xf32>
      %swap3A_398 = arith.index_cast %scan3A_389 : i32 to index
      %swap3A_399 = arith.constant 16 : index
      %swap3A_400 = tpu.vector_load %arg8[%swap3A_398, %swap3A_399] {strides = array<i32>} : memref<128x128xf32, #tpu.memory_space<vmem>>, vector<1x16xf32>,
      %swap3A_401 = vector.shape_cast %swap3A_400 : vector<1x16xf32> to vector<16xf32>
      %swap3A_402 = vector.shape_cast %broadcast_in_dim3A_397 : vector<16xf32> to vector<1x16xf32>
      tpu.vector_store %arg8[%swap3A_398, %swap3A_399], %swap3A_402 {strides = array<i32>} : memref<128x128xf32, #tpu.memory_space<vmem>>, vector<1x16xf32>,
      %broadcast_in_dim3A_403 = arith.constant 0.000000e+00 : f32
      %broadcast_in_dim3A_404 = vector.broadcast %broadcast_in_dim3A_403 : f32 to vector<16xf32>
      %swap3A_405 = arith.index_cast %scan3A_389 : i32 to index
      %swap3A_406 = arith.constant 32 : index
      %swap3A_407 = tpu.vector_load %arg8[%swap3A_405, %swap3A_406] {strides = array<i32>} : memref<128x128xf32, #tpu.memory_space<vmem>>, vector<1x16xf32>,
      %swap3A_408 = vector.shape_cast %swap3A_407 : vector<1x16xf32> to vector<16xf32>
      %swap3A_409 = vector.shape_cast %broadcast_in_dim3A_404 : vector<16xf32> to vector<1x16xf32>
      tpu.vector_store %arg8[%swap3A_405, %swap3A_406], %swap3A_409 {strides = array<i32>} : memref<128x128xf32, #tpu.memory_space<vmem>>, vector<1x16xf32>,
      %broadcast_in_dim3A_410 = arith.constant 0.000000e+00 : f32
      %broadcast_in_dim3A_411 = vector.broadcast %broadcast_in_dim3A_410 : f32 to vector<16xf32>
      %swap3A_412 = arith.index_cast %scan3A_389 : i32 to index
      %swap3A_413 = arith.constant 48 : index
      %swap3A_414 = tpu.vector_load %arg8[%swap3A_412, %swap3A_413] {strides = array<i32>} : memref<128x128xf32, #tpu.memory_space<vmem>>, vector<1x16xf32>,
      %swap3A_415 = vector.shape_cast %swap3A_414 : vector<1x16xf32> to vector<16xf32>
      %swap3A_416 = vector.shape_cast %broadcast_in_dim3A_411 : vector<16xf32> to vector<1x16xf32>
      tpu.vector_store %arg8[%swap3A_412, %swap3A_413], %swap3A_416 {strides = array<i32>} : memref<128x128xf32, #tpu.memory_space<vmem>>, vector<1x16xf32>,
      %broadcast_in_dim3A_417 = arith.constant 0.000000e+00 : f32
      %broadcast_in_dim3A_418 = vector.broadcast %broadcast_in_dim3A_417 : f32 to vector<16xf32>
      %swap3A_419 = arith.index_cast %scan3A_389 : i32 to index
      %swap3A_420 = arith.constant 64 : index
      %swap3A_421 = tpu.vector_load %arg8[%swap3A_419, %swap3A_420] {strides = array<i32>} : memref<128x128xf32, #tpu.memory_space<vmem>>, vector<1x16xf32>,
      %swap3A_422 = vector.shape_cast %swap3A_421 : vector<1x16xf32> to vector<16xf32>
      %swap3A_423 = vector.shape_cast %broadcast_in_dim3A_418 : vector<16xf32> to vector<1x16xf32>
      tpu.vector_store %arg8[%swap3A_419, %swap3A_420], %swap3A_423 {strides = array<i32>} : memref<128x128xf32, #tpu.memory_space<vmem>>, vector<1x16xf32>,
      %broadcast_in_dim3A_424 = arith.constant 0.000000e+00 : f32
      %broadcast_in_dim3A_425 = vector.broadcast %broadcast_in_dim3A_424 : f32 to vector<16xf32>
      %swap3A_426 = arith.index_cast %scan3A_389 : i32 to index
      %swap3A_427 = arith.constant 80 : index
      %swap3A_428 = tpu.vector_load %arg8[%swap3A_426, %swap3A_427] {strides = array<i32>} : memref<128x128xf32, #tpu.memory_space<vmem>>, vector<1x16xf32>,
      %swap3A_429 = vector.shape_cast %swap3A_428 : vector<1x16xf32> to vector<16xf32>
      %swap3A_430 = vector.shape_cast %broadcast_in_dim3A_425 : vector<16xf32> to vector<1x16xf32>
      tpu.vector_store %arg8[%swap3A_426, %swap3A_427], %swap3A_430 {strides = array<i32>} : memref<128x128xf32, #tpu.memory_space<vmem>>, vector<1x16xf32>,
      %broadcast_in_dim3A_431 = arith.constant 0.000000e+00 : f32
      %broadcast_in_dim3A_432 = vector.broadcast %broadcast_in_dim3A_431 : f32 to vector<16xf32>
      %swap3A_433 = arith.index_cast %scan3A_389 : i32 to index
      %swap3A_434 = arith.constant 96 : index
      %swap3A_435 = tpu.vector_load %arg8[%swap3A_433, %swap3A_434] {strides = array<i32>} : memref<128x128xf32, #tpu.memory_space<vmem>>, vector<1x16xf32>,
      %swap3A_436 = vector.shape_cast %swap3A_435 : vector<1x16xf32> to vector<16xf32>
      %swap3A_437 = vector.shape_cast %broadcast_in_dim3A_432 : vector<16xf32> to vector<1x16xf32>
      tpu.vector_store %arg8[%swap3A_433, %swap3A_434], %swap3A_437 {strides = array<i32>} : memref<128x128xf32, #tpu.memory_space<vmem>>, vector<1x16xf32>,
      %broadcast_in_dim3A_438 = arith.constant 0.000000e+00 : f32
      %broadcast_in_dim3A_439 = vector.broadcast %broadcast_in_dim3A_438 : f32 to vector<16xf32>
      %swap3A_440 = arith.index_cast %scan3A_389 : i32 to index
      %swap3A_441 = arith.constant 112 : index
      %swap3A_442 = tpu.vector_load %arg8[%swap3A_440, %swap3A_441] {strides = array<i32>} : memref<128x128xf32, #tpu.memory_space<vmem>>, vector<1x16xf32>,
      %swap3A_443 = vector.shape_cast %swap3A_442 : vector<1x16xf32> to vector<16xf32>
      %swap3A_444 = vector.shape_cast %broadcast_in_dim3A_439 : vector<16xf32> to vector<1x16xf32>
      tpu.vector_store %arg8[%swap3A_440, %swap3A_441], %swap3A_444 {strides = array<i32>} : memref<128x128xf32, #tpu.memory_space<vmem>>, vector<1x16xf32>,
    }
    %scan3A_10 = arith.constant 128 : i32
    %mul3A_11 = arith.constant 640 : i32
    %mul3A_12 = arith.muli %arg1, %mul3A_11 : i32
    %add3A_13 = arith.constant 0 : i32
    %add3A_14 = arith.addi %mul3A_12, %add3A_13 : i32
    %dma_start3A_15 = arith.constant 0 : i32
    %dma_start3A_16 = tpu.memref_slice %arg10[%add3A_14, %dma_start3A_15] : memref<10240x128xf32, #tpu.memory_space<vmem_shared>> -> memref<128x128xf32, #tpu.memory_space<vmem_shared>>
    %dma_start3A_17 = arith.constant 0 : i32
    %dma_start3A_18 = tpu.memref_slice %arg10[%add3A_14, %dma_start3A_17] : memref<10240x128xf32, #tpu.memory_space<vmem_shared>> -> memref<128x128xf32, #tpu.memory_space<vmem_shared>>
    tpu.enqueue_dma source(%arg8 : memref<128x128xf32, #tpu.memory_space<vmem>>) target(%dma_start3A_18 : memref<128x128xf32, #tpu.memory_space<vmem_shared>>) target_semaphore(%arg11 : memref<!tpu.dma_semaphore, #tpu.memory_space<semaphore_mem>>)
    %mul3A_19 = arith.constant 640 : i32
    %mul3A_20 = arith.muli %arg1, %mul3A_19 : i32
    %add3A_21 = arith.constant 128 : i32
    %add3A_22 = arith.addi %mul3A_20, %add3A_21 : i32
    %dma_start3A_23 = arith.constant 0 : i32
    %dma_start3A_24 = tpu.memref_slice %arg10[%add3A_22, %dma_start3A_23] : memref<10240x128xf32, #tpu.memory_space<vmem_shared>> -> memref<128x128xf32, #tpu.memory_space<vmem_shared>>
    %dma_start3A_25 = arith.constant 0 : i32
    %dma_start3A_26 = tpu.memref_slice %arg10[%add3A_22, %dma_start3A_25] : memref<10240x128xf32, #tpu.memory_space<vmem_shared>> -> memref<128x128xf32, #tpu.memory_space<vmem_shared>>
    tpu.enqueue_dma source(%arg8 : memref<128x128xf32, #tpu.memory_space<vmem>>) target(%dma_start3A_26 : memref<128x128xf32, #tpu.memory_space<vmem_shared>>) target_semaphore(%arg11 : memref<!tpu.dma_semaphore, #tpu.memory_space<semaphore_mem>>)
    %mul3A_27 = arith.constant 640 : i32
    %mul3A_28 = arith.muli %arg1, %mul3A_27 : i32
    %add3A_29 = arith.constant 256 : i32
    %add3A_30 = arith.addi %mul3A_28, %add3A_29 : i32
    %dma_start3A_31 = arith.constant 0 : i32
    %dma_start3A_32 = tpu.memref_slice %arg10[%add3A_30, %dma_start3A_31] : memref<10240x128xf32, #tpu.memory_space<vmem_shared>> -> memref<128x128xf32, #tpu.memory_space<vmem_shared>>
    %dma_start3A_33 = arith.constant 0 : i32
    %dma_start3A_34 = tpu.memref_slice %arg10[%add3A_30, %dma_start3A_33] : memref<10240x128xf32, #tpu.memory_space<vmem_shared>> -> memref<128x128xf32, #tpu.memory_space<vmem_shared>>
    tpu.enqueue_dma source(%arg8 : memref<128x128xf32, #tpu.memory_space<vmem>>) target(%dma_start3A_34 : memref<128x128xf32, #tpu.memory_space<vmem_shared>>) target_semaphore(%arg11 : memref<!tpu.dma_semaphore, #tpu.memory_space<semaphore_mem>>)
    %mul3A_35 = arith.constant 640 : i32
    %mul3A_36 = arith.muli %arg1, %mul3A_35 : i32
    %add3A_37 = arith.constant 384 : i32
    %add3A_38 = arith.addi %mul3A_36, %add3A_37 : i32
    %dma_start3A_39 = arith.constant 0 : i32
    %dma_start3A_40 = tpu.memref_slice %arg10[%add3A_38, %dma_start3A_39] : memref<10240x128xf32, #tpu.memory_space<vmem_shared>> -> memref<128x128xf32, #tpu.memory_space<vmem_shared>>
    %dma_start3A_41 = arith.constant 0 : i32
    %dma_start3A_42 = tpu.memref_slice %arg10[%add3A_38, %dma_start3A_41] : memref<10240x128xf32, #tpu.memory_space<vmem_shared>> -> memref<128x128xf32, #tpu.memory_space<vmem_shared>>
    tpu.enqueue_dma source(%arg8 : memref<128x128xf32, #tpu.memory_space<vmem>>) target(%dma_start3A_42 : memref<128x128xf32, #tpu.memory_space<vmem_shared>>) target_semaphore(%arg11 : memref<!tpu.dma_semaphore, #tpu.memory_space<semaphore_mem>>)
    %mul3A_43 = arith.constant 640 : i32
    %mul3A_44 = arith.muli %arg1, %mul3A_43 : i32
    %add3A_45 = arith.constant 512 : i32
    %add3A_46 = arith.addi %mul3A_44, %add3A_45 : i32
    %dma_start3A_47 = arith.constant 0 : i32
    %dma_start3A_48 = tpu.memref_slice %arg10[%add3A_46, %dma_start3A_47] : memref<10240x128xf32, #tpu.memory_space<vmem_shared>> -> memref<128x128xf32, #tpu.memory_space<vmem_shared>>
    %dma_start3A_49 = arith.constant 0 : i32
    %dma_start3A_50 = tpu.memref_slice %arg10[%add3A_46, %dma_start3A_49] : memref<10240x128xf32, #tpu.memory_space<vmem_shared>> -> memref<128x128xf32, #tpu.memory_space<vmem_shared>>
    tpu.enqueue_dma source(%arg8 : memref<128x128xf32, #tpu.memory_space<vmem>>) target(%dma_start3A_50 : memref<128x128xf32, #tpu.memory_space<vmem_shared>>) target_semaphore(%arg11 : memref<!tpu.dma_semaphore, #tpu.memory_space<semaphore_mem>>)
    %mul3A_51 = arith.constant 640 : i32
    %mul3A_52 = arith.muli %arg1, %mul3A_51 : i32
    %dma_wait3A = arith.constant 0 : i32
    %dma_wait3A_53 = tpu.memref_slice %arg10[%mul3A_52, %dma_wait3A] : memref<10240x128xf32, #tpu.memory_space<vmem_shared>> -> memref<128x128xf32, #tpu.memory_space<vmem_shared>>
    %dma_wait3A_54 = arith.constant 0 : i32
    %dma_wait3A_55 = tpu.memref_slice %arg10[%mul3A_52, %dma_wait3A_54] : memref<10240x128xf32, #tpu.memory_space<vmem_shared>> -> memref<128x128xf32, #tpu.memory_space<vmem_shared>>
    tpu.wait_dma2 semaphore(%arg11 : memref<!tpu.dma_semaphore, #tpu.memory_space<semaphore_mem>>) src(%arg8 : memref<128x128xf32, #tpu.memory_space<vmem>>) dst(%dma_wait3A_55 : memref<128x128xf32, #tpu.memory_space<vmem_shared>>)
    %mul3A_56 = arith.constant 640 : i32
    %mul3A_57 = arith.muli %arg1, %mul3A_56 : i32
    %dma_wait3A_58 = arith.constant 0 : i32
    %dma_wait3A_59 = tpu.memref_slice %arg10[%mul3A_57, %dma_wait3A_58] : memref<10240x128xf32, #tpu.memory_space<vmem_shared>> -> memref<128x128xf32, #tpu.memory_space<vmem_shared>>
    %dma_wait3A_60 = arith.constant 0 : i32
    %dma_wait3A_61 = tpu.memref_slice %arg10[%mul3A_57, %dma_wait3A_60] : memref<10240x128xf32, #tpu.memory_space<vmem_shared>> -> memref<128x128xf32, #tpu.memory_space<vmem_shared>>
    tpu.wait_dma2 semaphore(%arg11 : memref<!tpu.dma_semaphore, #tpu.memory_space<semaphore_mem>>) src(%arg8 : memref<128x128xf32, #tpu.memory_space<vmem>>) dst(%dma_wait3A_61 : memref<128x128xf32, #tpu.memory_space<vmem_shared>>)
    %mul3A_62 = arith.constant 640 : i32
    %mul3A_63 = arith.muli %arg1, %mul3A_62 : i32
    %dma_wait3A_64 = arith.constant 0 : i32
    %dma_wait3A_65 = tpu.memref_slice %arg10[%mul3A_63, %dma_wait3A_64] : memref<10240x128xf32, #tpu.memory_space<vmem_shared>> -> memref<128x128xf32, #tpu.memory_space<vmem_shared>>
    %dma_wait3A_66 = arith.constant 0 : i32
    %dma_wait3A_67 = tpu.memref_slice %arg10[%mul3A_63, %dma_wait3A_66] : memref<10240x128xf32, #tpu.memory_space<vmem_shared>> -> memref<128x128xf32, #tpu.memory_space<vmem_shared>>
    tpu.wait_dma2 semaphore(%arg11 : memref<!tpu.dma_semaphore, #tpu.memory_space<semaphore_mem>>) src(%arg8 : memref<128x128xf32, #tpu.memory_space<vmem>>) dst(%dma_wait3A_67 : memref<128x128xf32, #tpu.memory_space<vmem_shared>>)
    %mul3A_68 = arith.constant 640 : i32
    %mul3A_69 = arith.muli %arg1, %mul3A_68 : i32
    %dma_wait3A_70 = arith.constant 0 : i32
    %dma_wait3A_71 = tpu.memref_slice %arg10[%mul3A_69, %dma_wait3A_70] : memref<10240x128xf32, #tpu.memory_space<vmem_shared>> -> memref<128x128xf32, #tpu.memory_space<vmem_shared>>
    %dma_wait3A_72 = arith.constant 0 : i32
    %dma_wait3A_73 = tpu.memref_slice %arg10[%mul3A_69, %dma_wait3A_72] : memref<10240x128xf32, #tpu.memory_space<vmem_shared>> -> memref<128x128xf32, #tpu.memory_space<vmem_shared>>
    tpu.wait_dma2 semaphore(%arg11 : memref<!tpu.dma_semaphore, #tpu.memory_space<semaphore_mem>>) src(%arg8 : memref<128x128xf32, #tpu.memory_space<vmem>>) dst(%dma_wait3A_73 : memref<128x128xf32, #tpu.memory_space<vmem_shared>>)
    %mul3A_74 = arith.constant 640 : i32
    %mul3A_75 = arith.muli %arg1, %mul3A_74 : i32
    %dma_wait3A_76 = arith.constant 0 : i32
    %dma_wait3A_77 = tpu.memref_slice %arg10[%mul3A_75, %dma_wait3A_76] : memref<10240x128xf32, #tpu.memory_space<vmem_shared>> -> memref<128x128xf32, #tpu.memory_space<vmem_shared>>
    %dma_wait3A_78 = arith.constant 0 : i32
    %dma_wait3A_79 = tpu.memref_slice %arg10[%mul3A_75, %dma_wait3A_78] : memref<10240x128xf32, #tpu.memory_space<vmem_shared>> -> memref<128x128xf32, #tpu.memory_space<vmem_shared>>
    tpu.wait_dma2 semaphore(%arg11 : memref<!tpu.dma_semaphore, #tpu.memory_space<semaphore_mem>>) src(%arg8 : memref<128x128xf32, #tpu.memory_space<vmem>>) dst(%dma_wait3A_79 : memref<128x128xf32, #tpu.memory_space<vmem_shared>>)
    %dma_wait3A_80 = arith.constant 0 : i32
    %dma_wait3A_81 = tpu.memref_slice %arg3[%add3A, %dma_wait3A_80] : memref<2536x128xi32, #tpu.memory_space<hbm>> -> memref<80x128xi32, #tpu.memory_space<hbm>>
    %dma_wait3A_82 = arith.constant 0 : i32
    %dma_wait3A_83 = tpu.memref_slice %arg3[%add3A, %dma_wait3A_82] : memref<2536x128xi32, #tpu.memory_space<hbm>> -> memref<80x128xi32, #tpu.memory_space<hbm>>
    tpu.wait_dma2 semaphore(%arg12 : memref<!tpu.dma_semaphore, #tpu.memory_space<semaphore_mem>>) src(%dma_wait3A_83 : memref<80x128xi32, #tpu.memory_space<hbm>>) dst(%arg5 : memref<80x128xi32, #tpu.memory_space<vmem>>)
    %barrier3A = arith.constant 0 : index
    tpu.barrier barrier_id(%barrier3A)
    %eq3A = arith.constant 15 : i32
    %eq3A_84 = arith.cmpi eq, %arg1, %eq3A : i32
    %mul3A_85 = arith.constant 4 : i32
    %mul3A_86 = arith.muli %mul3A_85, %arg0 : i32
    %add3A_87 = arith.constant 48 : i32
    %add3A_88 = arith.addi %add3A_87, %mul3A_86 : i32
    %jit3A = arith.constant 2 : i32
    %div3A = arith.divsi %add3A_88, %jit3A : i32
    %sign3A = arith.constant 0 : i32
    %sign3A_89 = arith.cmpi sgt, %add3A_88, %sign3A : i32
    %sign3A_90 = arith.extui %sign3A_89 : i1 to i32
    %sign3A_91 = arith.constant 0 : i32
    %sign3A_92 = arith.cmpi slt, %add3A_88, %sign3A_91 : i32
    %sign3A_93 = arith.extui %sign3A_92 : i1 to i32
    %sign3A_94 = arith.subi %sign3A_90, %sign3A_93 : i32
    %sign3A_95 = arith.constant 0 : i32
    %sign3A_96 = arith.cmpi sgt, %jit3A, %sign3A_95 : i32
    %sign3A_97 = arith.extui %sign3A_96 : i1 to i32
    %sign3A_98 = arith.constant 0 : i32
    %sign3A_99 = arith.cmpi slt, %jit3A, %sign3A_98 : i32
    %sign3A_100 = arith.extui %sign3A_99 : i1 to i32
    %sign3A_101 = arith.subi %sign3A_97, %sign3A_100 : i32
    %ne3A = arith.cmpi ne, %sign3A_94, %sign3A_101 : i32
    %rem3A = arith.remsi %add3A_88, %jit3A : i32
    %ne3A_102 = arith.constant 0 : i32
    %ne3A_103 = arith.cmpi ne, %rem3A, %ne3A_102 : i32
    %and3A = arith.andi %ne3A, %ne3A_103 : i1
    %sub3A = arith.constant 1 : i32
    %sub3A_104 = arith.subi %div3A, %sub3A : i32
    %select_n3A = arith.select %and3A, %sub3A_104, %div3A : i32
    %jit3A_105 = arith.constant 40 : i32
    %select_n3A_106 = arith.select %eq3A_84, %select_n3A, %jit3A_105 : i32
    %get3A = arith.constant 0 : i32
    %get3A_107 = arith.index_cast %get3A : i32 to index
    %get3A_108 = arith.constant 0 : index
    %get3A_109 = tpu.vector_load %arg5[%get3A_107, %get3A_108] {strides = array<i32>} : memref<80x128xi32, #tpu.memory_space<vmem>>, vector<1x16xi32>,
    %get3A_110 = vector.shape_cast %get3A_109 : vector<1x16xi32> to vector<16xi32>
    %and3A_111 = arith.constant 65535 : i32
    %and3A_112 = vector.broadcast %and3A_111 : i32 to vector<16xi32>
    %and3A_113 = arith.andi %get3A_110, %and3A_112 : vector<16xi32>
    %swap3A = arith.constant 0 : i32
    %swap3A_114 = arith.index_cast %swap3A : i32 to index
    %swap3A_115 = arith.constant 0 : index
    %swap3A_116 = tpu.vector_load %arg6[%swap3A_114, %swap3A_115] {strides = array<i32>} : memref<2x128xi32, #tpu.memory_space<vmem>>, vector<1x16xi32>,
    %swap3A_117 = vector.shape_cast %swap3A_116 : vector<1x16xi32> to vector<16xi32>
    %swap3A_118 = vector.shape_cast %and3A_113 : vector<16xi32> to vector<1x16xi32>
    tpu.vector_store %arg6[%swap3A_114, %swap3A_115], %swap3A_118 {strides = array<i32>} : memref<2x128xi32, #tpu.memory_space<vmem>>, vector<1x16xi32>,
    %shift_right_logical3A = arith.constant 16 : i32
    %shift_right_logical3A_119 = vector.broadcast %shift_right_logical3A : i32 to vector<16xi32>
    %shift_right_logical3A_120 = arith.shrui %get3A_110, %shift_right_logical3A_119 : vector<16xi32>
    %swap3A_121 = arith.constant 0 : i32
    %swap3A_122 = arith.index_cast %swap3A_121 : i32 to index
    %swap3A_123 = arith.constant 0 : index
    %swap3A_124 = tpu.vector_load %arg7[%swap3A_122, %swap3A_123] {strides = array<i32>} : memref<2x128xi32, #tpu.memory_space<vmem>>, vector<1x16xi32>,
    %swap3A_125 = vector.shape_cast %swap3A_124 : vector<1x16xi32> to vector<16xi32>
    %swap3A_126 = vector.shape_cast %shift_right_logical3A_120 : vector<16xi32> to vector<1x16xi32>
    tpu.vector_store %arg7[%swap3A_122, %swap3A_123], %swap3A_126 {strides = array<i32>} : memref<2x128xi32, #tpu.memory_space<vmem>>, vector<1x16xi32>,
    %get3A_127 = arith.constant 0 : i32
    %get3A_128 = arith.index_cast %get3A_127 : i32 to index
    %get3A_129 = arith.constant 16 : index
    %get3A_130 = tpu.vector_load %arg5[%get3A_128, %get3A_129] {strides = array<i32>} : memref<80x128xi32, #tpu.memory_space<vmem>>, vector<1x16xi32>,
    %get3A_131 = vector.shape_cast %get3A_130 : vector<1x16xi32> to vector<16xi32>
    %and3A_132 = arith.constant 65535 : i32
    %and3A_133 = vector.broadcast %and3A_132 : i32 to vector<16xi32>
    %and3A_134 = arith.andi %get3A_131, %and3A_133 : vector<16xi32>
    %swap3A_135 = arith.constant 0 : i32
    %swap3A_136 = arith.index_cast %swap3A_135 : i32 to index
    %swap3A_137 = arith.constant 16 : index
    %swap3A_138 = tpu.vector_load %arg6[%swap3A_136, %swap3A_137] {strides = array<i32>} : memref<2x128xi32, #tpu.memory_space<vmem>>, vector<1x16xi32>,
    %swap3A_139 = vector.shape_cast %swap3A_138 : vector<1x16xi32> to vector<16xi32>
    %swap3A_140 = vector.shape_cast %and3A_134 : vector<16xi32> to vector<1x16xi32>
    tpu.vector_store %arg6[%swap3A_136, %swap3A_137], %swap3A_140 {strides = array<i32>} : memref<2x128xi32, #tpu.memory_space<vmem>>, vector<1x16xi32>,
    %shift_right_logical3A_141 = arith.constant 16 : i32
    %shift_right_logical3A_142 = vector.broadcast %shift_right_logical3A_141 : i32 to vector<16xi32>
    %shift_right_logical3A_143 = arith.shrui %get3A_131, %shift_right_logical3A_142 : vector<16xi32>
    %swap3A_144 = arith.constant 0 : i32
    %swap3A_145 = arith.index_cast %swap3A_144 : i32 to index
    %swap3A_146 = arith.constant 16 : index
    %swap3A_147 = tpu.vector_load %arg7[%swap3A_145, %swap3A_146] {strides = array<i32>} : memref<2x128xi32, #tpu.memory_space<vmem>>, vector<1x16xi32>,
    %swap3A_148 = vector.shape_cast %swap3A_147 : vector<1x16xi32> to vector<16xi32>
    %swap3A_149 = vector.shape_cast %shift_right_logical3A_143 : vector<16xi32> to vector<1x16xi32>
    tpu.vector_store %arg7[%swap3A_145, %swap3A_146], %swap3A_149 {strides = array<i32>} : memref<2x128xi32, #tpu.memory_space<vmem>>, vector<1x16xi32>,
    %get3A_150 = arith.constant 0 : i32
    %get3A_151 = arith.index_cast %get3A_150 : i32 to index
    %get3A_152 = arith.constant 32 : index
    %get3A_153 = tpu.vector_load %arg5[%get3A_151, %get3A_152] {strides = array<i32>} : memref<80x128xi32, #tpu.memory_space<vmem>>, vector<1x16xi32>,
    %get3A_154 = vector.shape_cast %get3A_153 : vector<1x16xi32> to vector<16xi32>
    %and3A_155 = arith.constant 65535 : i32
    %and3A_156 = vector.broadcast %and3A_155 : i32 to vector<16xi32>
    %and3A_157 = arith.andi %get3A_154, %and3A_156 : vector<16xi32>
    %swap3A_158 = arith.constant 0 : i32
    %swap3A_159 = arith.index_cast %swap3A_158 : i32 to index
    %swap3A_160 = arith.constant 32 : index
    %swap3A_161 = tpu.vector_load %arg6[%swap3A_159, %swap3A_160] {strides = array<i32>} : memref<2x128xi32, #tpu.memory_space<vmem>>, vector<1x16xi32>,
    %swap3A_162 = vector.shape_cast %swap3A_161 : vector<1x16xi32> to vector<16xi32>
    %swap3A_163 = vector.shape_cast %and3A_157 : vector<16xi32> to vector<1x16xi32>
    tpu.vector_store %arg6[%swap3A_159, %swap3A_160], %swap3A_163 {strides = array<i32>} : memref<2x128xi32, #tpu.memory_space<vmem>>, vector<1x16xi32>,
    %shift_right_logical3A_164 = arith.constant 16 : i32
    %shift_right_logical3A_165 = vector.broadcast %shift_right_logical3A_164 : i32 to vector<16xi32>
    %shift_right_logical3A_166 = arith.shrui %get3A_154, %shift_right_logical3A_165 : vector<16xi32>
    %swap3A_167 = arith.constant 0 : i32
    %swap3A_168 = arith.index_cast %swap3A_167 : i32 to index
    %swap3A_169 = arith.constant 32 : index
    %swap3A_170 = tpu.vector_load %arg7[%swap3A_168, %swap3A_169] {strides = array<i32>} : memref<2x128xi32, #tpu.memory_space<vmem>>, vector<1x16xi32>,
    %swap3A_171 = vector.shape_cast %swap3A_170 : vector<1x16xi32> to vector<16xi32>
    %swap3A_172 = vector.shape_cast %shift_right_logical3A_166 : vector<16xi32> to vector<1x16xi32>
    tpu.vector_store %arg7[%swap3A_168, %swap3A_169], %swap3A_172 {strides = array<i32>} : memref<2x128xi32, #tpu.memory_space<vmem>>, vector<1x16xi32>,
    %get3A_173 = arith.constant 0 : i32
    %get3A_174 = arith.index_cast %get3A_173 : i32 to index
    %get3A_175 = arith.constant 48 : index
    %get3A_176 = tpu.vector_load %arg5[%get3A_174, %get3A_175] {strides = array<i32>} : memref<80x128xi32, #tpu.memory_space<vmem>>, vector<1x16xi32>,
    %get3A_177 = vector.shape_cast %get3A_176 : vector<1x16xi32> to vector<16xi32>
    %and3A_178 = arith.constant 65535 : i32
    %and3A_179 = vector.broadcast %and3A_178 : i32 to vector<16xi32>
    %and3A_180 = arith.andi %get3A_177, %and3A_179 : vector<16xi32>
    %swap3A_181 = arith.constant 0 : i32
    %swap3A_182 = arith.index_cast %swap3A_181 : i32 to index
    %swap3A_183 = arith.constant 48 : index
    %swap3A_184 = tpu.vector_load %arg6[%swap3A_182, %swap3A_183] {strides = array<i32>} : memref<2x128xi32, #tpu.memory_space<vmem>>, vector<1x16xi32>,
    %swap3A_185 = vector.shape_cast %swap3A_184 : vector<1x16xi32> to vector<16xi32>
    %swap3A_186 = vector.shape_cast %and3A_180 : vector<16xi32> to vector<1x16xi32>
    tpu.vector_store %arg6[%swap3A_182, %swap3A_183], %swap3A_186 {strides = array<i32>} : memref<2x128xi32, #tpu.memory_space<vmem>>, vector<1x16xi32>,
    %shift_right_logical3A_187 = arith.constant 16 : i32
    %shift_right_logical3A_188 = vector.broadcast %shift_right_logical3A_187 : i32 to vector<16xi32>
    %shift_right_logical3A_189 = arith.shrui %get3A_177, %shift_right_logical3A_188 : vector<16xi32>
    %swap3A_190 = arith.constant 0 : i32
    %swap3A_191 = arith.index_cast %swap3A_190 : i32 to index
    %swap3A_192 = arith.constant 48 : index
    %swap3A_193 = tpu.vector_load %arg7[%swap3A_191, %swap3A_192] {strides = array<i32>} : memref<2x128xi32, #tpu.memory_space<vmem>>, vector<1x16xi32>,
    %swap3A_194 = vector.shape_cast %swap3A_193 : vector<1x16xi32> to vector<16xi32>
    %swap3A_195 = vector.shape_cast %shift_right_logical3A_189 : vector<16xi32> to vector<1x16xi32>
    tpu.vector_store %arg7[%swap3A_191, %swap3A_192], %swap3A_195 {strides = array<i32>} : memref<2x128xi32, #tpu.memory_space<vmem>>, vector<1x16xi32>,
    %get3A_196 = arith.constant 0 : i32
    %get3A_197 = arith.index_cast %get3A_196 : i32 to index
    %get3A_198 = arith.constant 64 : index
    %get3A_199 = tpu.vector_load %arg5[%get3A_197, %get3A_198] {strides = array<i32>} : memref<80x128xi32, #tpu.memory_space<vmem>>, vector<1x16xi32>,
    %get3A_200 = vector.shape_cast %get3A_199 : vector<1x16xi32> to vector<16xi32>
    %and3A_201 = arith.constant 65535 : i32
    %and3A_202 = vector.broadcast %and3A_201 : i32 to vector<16xi32>
    %and3A_203 = arith.andi %get3A_200, %and3A_202 : vector<16xi32>
    %swap3A_204 = arith.constant 0 : i32
    %swap3A_205 = arith.index_cast %swap3A_204 : i32 to index
    %swap3A_206 = arith.constant 64 : index
    %swap3A_207 = tpu.vector_load %arg6[%swap3A_205, %swap3A_206] {strides = array<i32>} : memref<2x128xi32, #tpu.memory_space<vmem>>, vector<1x16xi32>,
    %swap3A_208 = vector.shape_cast %swap3A_207 : vector<1x16xi32> to vector<16xi32>
    %swap3A_209 = vector.shape_cast %and3A_203 : vector<16xi32> to vector<1x16xi32>
    tpu.vector_store %arg6[%swap3A_205, %swap3A_206], %swap3A_209 {strides = array<i32>} : memref<2x128xi32, #tpu.memory_space<vmem>>, vector<1x16xi32>,
    %shift_right_logical3A_210 = arith.constant 16 : i32
    %shift_right_logical3A_211 = vector.broadcast %shift_right_logical3A_210 : i32 to vector<16xi32>
    %shift_right_logical3A_212 = arith.shrui %get3A_200, %shift_right_logical3A_211 : vector<16xi32>
    %swap3A_213 = arith.constant 0 : i32
    %swap3A_214 = arith.index_cast %swap3A_213 : i32 to index
    %swap3A_215 = arith.constant 64 : index
    %swap3A_216 = tpu.vector_load %arg7[%swap3A_214, %swap3A_215] {strides = array<i32>} : memref<2x128xi32, #tpu.memory_space<vmem>>, vector<1x16xi32>,
    %swap3A_217 = vector.shape_cast %swap3A_216 : vector<1x16xi32> to vector<16xi32>
    %swap3A_218 = vector.shape_cast %shift_right_logical3A_212 : vector<16xi32> to vector<1x16xi32>
    tpu.vector_store %arg7[%swap3A_214, %swap3A_215], %swap3A_218 {strides = array<i32>} : memref<2x128xi32, #tpu.memory_space<vmem>>, vector<1x16xi32>,
    %get3A_219 = arith.constant 0 : i32
    %get3A_220 = arith.index_cast %get3A_219 : i32 to index
    %get3A_221 = arith.constant 80 : index
    %get3A_222 = tpu.vector_load %arg5[%get3A_220, %get3A_221] {strides = array<i32>} : memref<80x128xi32, #tpu.memory_space<vmem>>, vector<1x16xi32>,
    %get3A_223 = vector.shape_cast %get3A_222 : vector<1x16xi32> to vector<16xi32>
    %and3A_224 = arith.constant 65535 : i32
    %and3A_225 = vector.broadcast %and3A_224 : i32 to vector<16xi32>
    %and3A_226 = arith.andi %get3A_223, %and3A_225 : vector<16xi32>
    %swap3A_227 = arith.constant 0 : i32
    %swap3A_228 = arith.index_cast %swap3A_227 : i32 to index
    %swap3A_229 = arith.constant 80 : index
    %swap3A_230 = tpu.vector_load %arg6[%swap3A_228, %swap3A_229] {strides = array<i32>} : memref<2x128xi32, #tpu.memory_space<vmem>>, vector<1x16xi32>,
    %swap3A_231 = vector.shape_cast %swap3A_230 : vector<1x16xi32> to vector<16xi32>
    %swap3A_232 = vector.shape_cast %and3A_226 : vector<16xi32> to vector<1x16xi32>
    tpu.vector_store %arg6[%swap3A_228, %swap3A_229], %swap3A_232 {strides = array<i32>} : memref<2x128xi32, #tpu.memory_space<vmem>>, vector<1x16xi32>,
    %shift_right_logical3A_233 = arith.constant 16 : i32
    %shift_right_logical3A_234 = vector.broadcast %shift_right_logical3A_233 : i32 to vector<16xi32>
    %shift_right_logical3A_235 = arith.shrui %get3A_223, %shift_right_logical3A_234 : vector<16xi32>
    %swap3A_236 = arith.constant 0 : i32
    %swap3A_237 = arith.index_cast %swap3A_236 : i32 to index
    %swap3A_238 = arith.constant 80 : index
    %swap3A_239 = tpu.vector_load %arg7[%swap3A_237, %swap3A_238] {strides = array<i32>} : memref<2x128xi32, #tpu.memory_space<vmem>>, vector<1x16xi32>,
    %swap3A_240 = vector.shape_cast %swap3A_239 : vector<1x16xi32> to vector<16xi32>
    %swap3A_241 = vector.shape_cast %shift_right_logical3A_235 : vector<16xi32> to vector<1x16xi32>
    tpu.vector_store %arg7[%swap3A_237, %swap3A_238], %swap3A_241 {strides = array<i32>} : memref<2x128xi32, #tpu.memory_space<vmem>>, vector<1x16xi32>,
    %get3A_242 = arith.constant 0 : i32
    %get3A_243 = arith.index_cast %get3A_242 : i32 to index
    %get3A_244 = arith.constant 96 : index
    %get3A_245 = tpu.vector_load %arg5[%get3A_243, %get3A_244] {strides = array<i32>} : memref<80x128xi32, #tpu.memory_space<vmem>>, vector<1x16xi32>,
    %get3A_246 = vector.shape_cast %get3A_245 : vector<1x16xi32> to vector<16xi32>
    %and3A_247 = arith.constant 65535 : i32
    %and3A_248 = vector.broadcast %and3A_247 : i32 to vector<16xi32>
    %and3A_249 = arith.andi %get3A_246, %and3A_248 : vector<16xi32>
    %swap3A_250 = arith.constant 0 : i32
    %swap3A_251 = arith.index_cast %swap3A_250 : i32 to index
    %swap3A_252 = arith.constant 96 : index
    %swap3A_253 = tpu.vector_load %arg6[%swap3A_251, %swap3A_252] {strides = array<i32>} : memref<2x128xi32, #tpu.memory_space<vmem>>, vector<1x16xi32>,
    %swap3A_254 = vector.shape_cast %swap3A_253 : vector<1x16xi32> to vector<16xi32>
    %swap3A_255 = vector.shape_cast %and3A_249 : vector<16xi32> to vector<1x16xi32>
    tpu.vector_store %arg6[%swap3A_251, %swap3A_252], %swap3A_255 {strides = array<i32>} : memref<2x128xi32, #tpu.memory_space<vmem>>, vector<1x16xi32>,
    %shift_right_logical3A_256 = arith.constant 16 : i32
    %shift_right_logical3A_257 = vector.broadcast %shift_right_logical3A_256 : i32 to vector<16xi32>
    %shift_right_logical3A_258 = arith.shrui %get3A_246, %shift_right_logical3A_257 : vector<16xi32>
    %swap3A_259 = arith.constant 0 : i32
    %swap3A_260 = arith.index_cast %swap3A_259 : i32 to index
    %swap3A_261 = arith.constant 96 : index
    %swap3A_262 = tpu.vector_load %arg7[%swap3A_260, %swap3A_261] {strides = array<i32>} : memref<2x128xi32, #tpu.memory_space<vmem>>, vector<1x16xi32>,
    %swap3A_263 = vector.shape_cast %swap3A_262 : vector<1x16xi32> to vector<16xi32>
    %swap3A_264 = vector.shape_cast %shift_right_logical3A_258 : vector<16xi32> to vector<1x16xi32>
    tpu.vector_store %arg7[%swap3A_260, %swap3A_261], %swap3A_264 {strides = array<i32>} : memref<2x128xi32, #tpu.memory_space<vmem>>, vector<1x16xi32>,
    %get3A_265 = arith.constant 0 : i32
    %get3A_266 = arith.index_cast %get3A_265 : i32 to index
    %get3A_267 = arith.constant 112 : index
    %get3A_268 = tpu.vector_load %arg5[%get3A_266, %get3A_267] {strides = array<i32>} : memref<80x128xi32, #tpu.memory_space<vmem>>, vector<1x16xi32>,
    %get3A_269 = vector.shape_cast %get3A_268 : vector<1x16xi32> to vector<16xi32>
    %and3A_270 = arith.constant 65535 : i32
    %and3A_271 = vector.broadcast %and3A_270 : i32 to vector<16xi32>
    %and3A_272 = arith.andi %get3A_269, %and3A_271 : vector<16xi32>
    %swap3A_273 = arith.constant 0 : i32
    %swap3A_274 = arith.index_cast %swap3A_273 : i32 to index
    %swap3A_275 = arith.constant 112 : index
    %swap3A_276 = tpu.vector_load %arg6[%swap3A_274, %swap3A_275] {strides = array<i32>} : memref<2x128xi32, #tpu.memory_space<vmem>>, vector<1x16xi32>,
    %swap3A_277 = vector.shape_cast %swap3A_276 : vector<1x16xi32> to vector<16xi32>
    %swap3A_278 = vector.shape_cast %and3A_272 : vector<16xi32> to vector<1x16xi32>
    tpu.vector_store %arg6[%swap3A_274, %swap3A_275], %swap3A_278 {strides = array<i32>} : memref<2x128xi32, #tpu.memory_space<vmem>>, vector<1x16xi32>,
    %shift_right_logical3A_279 = arith.constant 16 : i32
    %shift_right_logical3A_280 = vector.broadcast %shift_right_logical3A_279 : i32 to vector<16xi32>
    %shift_right_logical3A_281 = arith.shrui %get3A_269, %shift_right_logical3A_280 : vector<16xi32>
    %swap3A_282 = arith.constant 0 : i32
    %swap3A_283 = arith.index_cast %swap3A_282 : i32 to index
    %swap3A_284 = arith.constant 112 : index
    %swap3A_285 = tpu.vector_load %arg7[%swap3A_283, %swap3A_284] {strides = array<i32>} : memref<2x128xi32, #tpu.memory_space<vmem>>, vector<1x16xi32>,
    %swap3A_286 = vector.shape_cast %swap3A_285 : vector<1x16xi32> to vector<16xi32>
    %swap3A_287 = vector.shape_cast %shift_right_logical3A_281 : vector<16xi32> to vector<1x16xi32>
    tpu.vector_store %arg7[%swap3A_283, %swap3A_284], %swap3A_287 {strides = array<i32>} : memref<2x128xi32, #tpu.memory_space<vmem>>, vector<1x16xi32>,
    %dma_start3A_288 = arith.constant 0 : i32
    %dma_start3A_289 = arith.constant 0 : i32
    %dma_start3A_290 = tpu.memref_slice %arg6[%dma_start3A_288, %dma_start3A_289] : memref<2x128xi32, #tpu.memory_space<vmem>> -> memref<1x128xi32, #tpu.memory_space<vmem>>
    %dma_start3A_291 = tpu.memref_squeeze %dma_start3A_290 : memref<1x128xi32, #tpu.memory_space<vmem>> -> memref<128xi32, #tpu.memory_space<vmem>>
    %dma_start3A_292 = arith.constant 0 : i32
    %dma_start3A_293 = arith.constant 0 : i32
    %dma_start3A_294 = tpu.memref_slice %arg2[%dma_start3A_292, %dma_start3A_293] : memref<10000x128xf32, #tpu.memory_space<hbm>> -> memref<10000x128xf32, #tpu.memory_space<hbm>>
    tpu.enqueue_indirect_dma source(%dma_start3A_294 : memref<10000x128xf32, #tpu.memory_space<hbm>>) target(%arg8 : memref<128x128xf32, #tpu.memory_space<vmem>>) offsets(%dma_start3A_291 : memref<128xi32, #tpu.memory_space<vmem>>) semaphore(%arg11 : memref<!tpu.dma_semaphore, #tpu.memory_space<semaphore_mem>>)
    %while3A = arith.constant 0 : i32
    %while3A_295 = arith.constant 0 : i32
    %while3A_296 = arith.subi %select_n3A_106, %while3A_295 : i32
    %while3A_297 = arith.addi %while3A_295, %while3A_296 : i32
    %while3A_298 = arith.constant 1 : i32
    %while3A_299 = arith.divsi %while3A_296, %while3A_298 : i32
    %while3A_300 = arith.muli %while3A_299, %while3A_298 : i32
    %while3A_301 = arith.addi %while3A_295, %while3A_300 : i32
    %while3A_302 = arith.constant 1 : i32
    scf.for %while3A_389 = %while3A_295 to %while3A_301 step %while3A_302  : i32 {
      %mul3A_390 = arith.constant 2 : i32
      %mul3A_391 = arith.muli %mul3A_390, %while3A_389 : i32
      %add3A_392 = arith.constant 1 : i32
      %add3A_393 = arith.addi %mul3A_391, %add3A_392 : i32
      %get3A_394 = arith.index_cast %add3A_393 : i32 to index
      %get3A_395 = arith.constant 0 : index
      %get3A_396 = tpu.vector_load %arg5[%get3A_394, %get3A_395] {strides = array<i32>} : memref<80x128xi32, #tpu.memory_space<vmem>>, vector<1x16xi32>,
      %get3A_397 = vector.shape_cast %get3A_396 : vector<1x16xi32> to vector<16xi32>
      %and3A_398 = arith.constant 65535 : i32
      %and3A_399 = vector.broadcast %and3A_398 : i32 to vector<16xi32>
      %and3A_400 = arith.andi %get3A_397, %and3A_399 : vector<16xi32>
      %swap3A_401 = arith.constant 1 : i32
      %swap3A_402 = arith.index_cast %swap3A_401 : i32 to index
      %swap3A_403 = arith.constant 0 : index
      %swap3A_404 = tpu.vector_load %arg6[%swap3A_402, %swap3A_403] {strides = array<i32>} : memref<2x128xi32, #tpu.memory_space<vmem>>, vector<1x16xi32>,
      %swap3A_405 = vector.shape_cast %swap3A_404 : vector<1x16xi32> to vector<16xi32>
      %swap3A_406 = vector.shape_cast %and3A_400 : vector<16xi32> to vector<1x16xi32>
      tpu.vector_store %arg6[%swap3A_402, %swap3A_403], %swap3A_406 {strides = array<i32>} : memref<2x128xi32, #tpu.memory_space<vmem>>, vector<1x16xi32>,
      %shift_right_logical3A_407 = arith.constant 16 : i32
      %shift_right_logical3A_408 = vector.broadcast %shift_right_logical3A_407 : i32 to vector<16xi32>
      %shift_right_logical3A_409 = arith.shrui %get3A_397, %shift_right_logical3A_408 : vector<16xi32>
      %swap3A_410 = arith.constant 1 : i32
      %swap3A_411 = arith.index_cast %swap3A_410 : i32 to index
      %swap3A_412 = arith.constant 0 : index
      %swap3A_413 = tpu.vector_load %arg7[%swap3A_411, %swap3A_412] {strides = array<i32>} : memref<2x128xi32, #tpu.memory_space<vmem>>, vector<1x16xi32>,
      %swap3A_414 = vector.shape_cast %swap3A_413 : vector<1x16xi32> to vector<16xi32>
      %swap3A_415 = vector.shape_cast %shift_right_logical3A_409 : vector<16xi32> to vector<1x16xi32>
      tpu.vector_store %arg7[%swap3A_411, %swap3A_412], %swap3A_415 {strides = array<i32>} : memref<2x128xi32, #tpu.memory_space<vmem>>, vector<1x16xi32>,
      %get3A_416 = arith.index_cast %add3A_393 : i32 to index
      %get3A_417 = arith.constant 16 : index
      %get3A_418 = tpu.vector_load %arg5[%get3A_416, %get3A_417] {strides = array<i32>} : memref<80x128xi32, #tpu.memory_space<vmem>>, vector<1x16xi32>,
      %get3A_419 = vector.shape_cast %get3A_418 : vector<1x16xi32> to vector<16xi32>
      %and3A_420 = arith.constant 65535 : i32
      %and3A_421 = vector.broadcast %and3A_420 : i32 to vector<16xi32>
      %and3A_422 = arith.andi %get3A_419, %and3A_421 : vector<16xi32>
      %swap3A_423 = arith.constant 1 : i32
      %swap3A_424 = arith.index_cast %swap3A_423 : i32 to index
      %swap3A_425 = arith.constant 16 : index
      %swap3A_426 = tpu.vector_load %arg6[%swap3A_424, %swap3A_425] {strides = array<i32>} : memref<2x128xi32, #tpu.memory_space<vmem>>, vector<1x16xi32>,
      %swap3A_427 = vector.shape_cast %swap3A_426 : vector<1x16xi32> to vector<16xi32>
      %swap3A_428 = vector.shape_cast %and3A_422 : vector<16xi32> to vector<1x16xi32>
      tpu.vector_store %arg6[%swap3A_424, %swap3A_425], %swap3A_428 {strides = array<i32>} : memref<2x128xi32, #tpu.memory_space<vmem>>, vector<1x16xi32>,
      %shift_right_logical3A_429 = arith.constant 16 : i32
      %shift_right_logical3A_430 = vector.broadcast %shift_right_logical3A_429 : i32 to vector<16xi32>
      %shift_right_logical3A_431 = arith.shrui %get3A_419, %shift_right_logical3A_430 : vector<16xi32>
      %swap3A_432 = arith.constant 1 : i32
      %swap3A_433 = arith.index_cast %swap3A_432 : i32 to index
      %swap3A_434 = arith.constant 16 : index
      %swap3A_435 = tpu.vector_load %arg7[%swap3A_433, %swap3A_434] {strides = array<i32>} : memref<2x128xi32, #tpu.memory_space<vmem>>, vector<1x16xi32>,
      %swap3A_436 = vector.shape_cast %swap3A_435 : vector<1x16xi32> to vector<16xi32>
      %swap3A_437 = vector.shape_cast %shift_right_logical3A_431 : vector<16xi32> to vector<1x16xi32>
      tpu.vector_store %arg7[%swap3A_433, %swap3A_434], %swap3A_437 {strides = array<i32>} : memref<2x128xi32, #tpu.memory_space<vmem>>, vector<1x16xi32>,
      %get3A_438 = arith.index_cast %add3A_393 : i32 to index
      %get3A_439 = arith.constant 32 : index
      %get3A_440 = tpu.vector_load %arg5[%get3A_438, %get3A_439] {strides = array<i32>} : memref<80x128xi32, #tpu.memory_space<vmem>>, vector<1x16xi32>,
      %get3A_441 = vector.shape_cast %get3A_440 : vector<1x16xi32> to vector<16xi32>
      %and3A_442 = arith.constant 65535 : i32
      %and3A_443 = vector.broadcast %and3A_442 : i32 to vector<16xi32>
      %and3A_444 = arith.andi %get3A_441, %and3A_443 : vector<16xi32>
      %swap3A_445 = arith.constant 1 : i32
      %swap3A_446 = arith.index_cast %swap3A_445 : i32 to index
      %swap3A_447 = arith.constant 32 : index
      %swap3A_448 = tpu.vector_load %arg6[%swap3A_446, %swap3A_447] {strides = array<i32>} : memref<2x128xi32, #tpu.memory_space<vmem>>, vector<1x16xi32>,
      %swap3A_449 = vector.shape_cast %swap3A_448 : vector<1x16xi32> to vector<16xi32>
      %swap3A_450 = vector.shape_cast %and3A_444 : vector<16xi32> to vector<1x16xi32>
      tpu.vector_store %arg6[%swap3A_446, %swap3A_447], %swap3A_450 {strides = array<i32>} : memref<2x128xi32, #tpu.memory_space<vmem>>, vector<1x16xi32>,
      %shift_right_logical3A_451 = arith.constant 16 : i32
      %shift_right_logical3A_452 = vector.broadcast %shift_right_logical3A_451 : i32 to vector<16xi32>
      %shift_right_logical3A_453 = arith.shrui %get3A_441, %shift_right_logical3A_452 : vector<16xi32>
      %swap3A_454 = arith.constant 1 : i32
      %swap3A_455 = arith.index_cast %swap3A_454 : i32 to index
      %swap3A_456 = arith.constant 32 : index
      %swap3A_457 = tpu.vector_load %arg7[%swap3A_455, %swap3A_456] {strides = array<i32>} : memref<2x128xi32, #tpu.memory_space<vmem>>, vector<1x16xi32>,
      %swap3A_458 = vector.shape_cast %swap3A_457 : vector<1x16xi32> to vector<16xi32>
      %swap3A_459 = vector.shape_cast %shift_right_logical3A_453 : vector<16xi32> to vector<1x16xi32>
      tpu.vector_store %arg7[%swap3A_455, %swap3A_456], %swap3A_459 {strides = array<i32>} : memref<2x128xi32, #tpu.memory_space<vmem>>, vector<1x16xi32>,
      %get3A_460 = arith.index_cast %add3A_393 : i32 to index
      %get3A_461 = arith.constant 48 : index
      %get3A_462 = tpu.vector_load %arg5[%get3A_460, %get3A_461] {strides = array<i32>} : memref<80x128xi32, #tpu.memory_space<vmem>>, vector<1x16xi32>,
      %get3A_463 = vector.shape_cast %get3A_462 : vector<1x16xi32> to vector<16xi32>
      %and3A_464 = arith.constant 65535 : i32
      %and3A_465 = vector.broadcast %and3A_464 : i32 to vector<16xi32>
      %and3A_466 = arith.andi %get3A_463, %and3A_465 : vector<16xi32>
      %swap3A_467 = arith.constant 1 : i32
      %swap3A_468 = arith.index_cast %swap3A_467 : i32 to index
      %swap3A_469 = arith.constant 48 : index
      %swap3A_470 = tpu.vector_load %arg6[%swap3A_468, %swap3A_469] {strides = array<i32>} : memref<2x128xi32, #tpu.memory_space<vmem>>, vector<1x16xi32>,
      %swap3A_471 = vector.shape_cast %swap3A_470 : vector<1x16xi32> to vector<16xi32>
      %swap3A_472 = vector.shape_cast %and3A_466 : vector<16xi32> to vector<1x16xi32>
      tpu.vector_store %arg6[%swap3A_468, %swap3A_469], %swap3A_472 {strides = array<i32>} : memref<2x128xi32, #tpu.memory_space<vmem>>, vector<1x16xi32>,
      %shift_right_logical3A_473 = arith.constant 16 : i32
      %shift_right_logical3A_474 = vector.broadcast %shift_right_logical3A_473 : i32 to vector<16xi32>
      %shift_right_logical3A_475 = arith.shrui %get3A_463, %shift_right_logical3A_474 : vector<16xi32>
      %swap3A_476 = arith.constant 1 : i32
      %swap3A_477 = arith.index_cast %swap3A_476 : i32 to index
      %swap3A_478 = arith.constant 48 : index
      %swap3A_479 = tpu.vector_load %arg7[%swap3A_477, %swap3A_478] {strides = array<i32>} : memref<2x128xi32, #tpu.memory_space<vmem>>, vector<1x16xi32>,
      %swap3A_480 = vector.shape_cast %swap3A_479 : vector<1x16xi32> to vector<16xi32>
      %swap3A_481 = vector.shape_cast %shift_right_logical3A_475 : vector<16xi32> to vector<1x16xi32>
      tpu.vector_store %arg7[%swap3A_477, %swap3A_478], %swap3A_481 {strides = array<i32>} : memref<2x128xi32, #tpu.memory_space<vmem>>, vector<1x16xi32>,
      %get3A_482 = arith.index_cast %add3A_393 : i32 to index
      %get3A_483 = arith.constant 64 : index
      %get3A_484 = tpu.vector_load %arg5[%get3A_482, %get3A_483] {strides = array<i32>} : memref<80x128xi32, #tpu.memory_space<vmem>>, vector<1x16xi32>,
      %get3A_485 = vector.shape_cast %get3A_484 : vector<1x16xi32> to vector<16xi32>
      %and3A_486 = arith.constant 65535 : i32
      %and3A_487 = vector.broadcast %and3A_486 : i32 to vector<16xi32>
      %and3A_488 = arith.andi %get3A_485, %and3A_487 : vector<16xi32>
      %swap3A_489 = arith.constant 1 : i32
      %swap3A_490 = arith.index_cast %swap3A_489 : i32 to index
      %swap3A_491 = arith.constant 64 : index
      %swap3A_492 = tpu.vector_load %arg6[%swap3A_490, %swap3A_491] {strides = array<i32>} : memref<2x128xi32, #tpu.memory_space<vmem>>, vector<1x16xi32>,
      %swap3A_493 = vector.shape_cast %swap3A_492 : vector<1x16xi32> to vector<16xi32>
      %swap3A_494 = vector.shape_cast %and3A_488 : vector<16xi32> to vector<1x16xi32>
      tpu.vector_store %arg6[%swap3A_490, %swap3A_491], %swap3A_494 {strides = array<i32>} : memref<2x128xi32, #tpu.memory_space<vmem>>, vector<1x16xi32>,
      %shift_right_logical3A_495 = arith.constant 16 : i32
      %shift_right_logical3A_496 = vector.broadcast %shift_right_logical3A_495 : i32 to vector<16xi32>
      %shift_right_logical3A_497 = arith.shrui %get3A_485, %shift_right_logical3A_496 : vector<16xi32>
      %swap3A_498 = arith.constant 1 : i32
      %swap3A_499 = arith.index_cast %swap3A_498 : i32 to index
      %swap3A_500 = arith.constant 64 : index
      %swap3A_501 = tpu.vector_load %arg7[%swap3A_499, %swap3A_500] {strides = array<i32>} : memref<2x128xi32, #tpu.memory_space<vmem>>, vector<1x16xi32>,
      %swap3A_502 = vector.shape_cast %swap3A_501 : vector<1x16xi32> to vector<16xi32>
      %swap3A_503 = vector.shape_cast %shift_right_logical3A_497 : vector<16xi32> to vector<1x16xi32>
      tpu.vector_store %arg7[%swap3A_499, %swap3A_500], %swap3A_503 {strides = array<i32>} : memref<2x128xi32, #tpu.memory_space<vmem>>, vector<1x16xi32>,
      %get3A_504 = arith.index_cast %add3A_393 : i32 to index
      %get3A_505 = arith.constant 80 : index
      %get3A_506 = tpu.vector_load %arg5[%get3A_504, %get3A_505] {strides = array<i32>} : memref<80x128xi32, #tpu.memory_space<vmem>>, vector<1x16xi32>,
      %get3A_507 = vector.shape_cast %get3A_506 : vector<1x16xi32> to vector<16xi32>
      %and3A_508 = arith.constant 65535 : i32
      %and3A_509 = vector.broadcast %and3A_508 : i32 to vector<16xi32>
      %and3A_510 = arith.andi %get3A_507, %and3A_509 : vector<16xi32>
      %swap3A_511 = arith.constant 1 : i32
      %swap3A_512 = arith.index_cast %swap3A_511 : i32 to index
      %swap3A_513 = arith.constant 80 : index
      %swap3A_514 = tpu.vector_load %arg6[%swap3A_512, %swap3A_513] {strides = array<i32>} : memref<2x128xi32, #tpu.memory_space<vmem>>, vector<1x16xi32>,
      %swap3A_515 = vector.shape_cast %swap3A_514 : vector<1x16xi32> to vector<16xi32>
      %swap3A_516 = vector.shape_cast %and3A_510 : vector<16xi32> to vector<1x16xi32>
      tpu.vector_store %arg6[%swap3A_512, %swap3A_513], %swap3A_516 {strides = array<i32>} : memref<2x128xi32, #tpu.memory_space<vmem>>, vector<1x16xi32>,
      %shift_right_logical3A_517 = arith.constant 16 : i32
      %shift_right_logical3A_518 = vector.broadcast %shift_right_logical3A_517 : i32 to vector<16xi32>
      %shift_right_logical3A_519 = arith.shrui %get3A_507, %shift_right_logical3A_518 : vector<16xi32>
      %swap3A_520 = arith.constant 1 : i32
      %swap3A_521 = arith.index_cast %swap3A_520 : i32 to index
      %swap3A_522 = arith.constant 80 : index
      %swap3A_523 = tpu.vector_load %arg7[%swap3A_521, %swap3A_522] {strides = array<i32>} : memref<2x128xi32, #tpu.memory_space<vmem>>, vector<1x16xi32>,
      %swap3A_524 = vector.shape_cast %swap3A_523 : vector<1x16xi32> to vector<16xi32>
      %swap3A_525 = vector.shape_cast %shift_right_logical3A_519 : vector<16xi32> to vector<1x16xi32>
      tpu.vector_store %arg7[%swap3A_521, %swap3A_522], %swap3A_525 {strides = array<i32>} : memref<2x128xi32, #tpu.memory_space<vmem>>, vector<1x16xi32>,
      %get3A_526 = arith.index_cast %add3A_393 : i32 to index
      %get3A_527 = arith.constant 96 : index
      %get3A_528 = tpu.vector_load %arg5[%get3A_526, %get3A_527] {strides = array<i32>} : memref<80x128xi32, #tpu.memory_space<vmem>>, vector<1x16xi32>,
      %get3A_529 = vector.shape_cast %get3A_528 : vector<1x16xi32> to vector<16xi32>
      %and3A_530 = arith.constant 65535 : i32
      %and3A_531 = vector.broadcast %and3A_530 : i32 to vector<16xi32>
      %and3A_532 = arith.andi %get3A_529, %and3A_531 : vector<16xi32>
      %swap3A_533 = arith.constant 1 : i32
      %swap3A_534 = arith.index_cast %swap3A_533 : i32 to index
      %swap3A_535 = arith.constant 96 : index
      %swap3A_536 = tpu.vector_load %arg6[%swap3A_534, %swap3A_535] {strides = array<i32>} : memref<2x128xi32, #tpu.memory_space<vmem>>, vector<1x16xi32>,
      %swap3A_537 = vector.shape_cast %swap3A_536 : vector<1x16xi32> to vector<16xi32>
      %swap3A_538 = vector.shape_cast %and3A_532 : vector<16xi32> to vector<1x16xi32>
      tpu.vector_store %arg6[%swap3A_534, %swap3A_535], %swap3A_538 {strides = array<i32>} : memref<2x128xi32, #tpu.memory_space<vmem>>, vector<1x16xi32>,
      %shift_right_logical3A_539 = arith.constant 16 : i32
      %shift_right_logical3A_540 = vector.broadcast %shift_right_logical3A_539 : i32 to vector<16xi32>
      %shift_right_logical3A_541 = arith.shrui %get3A_529, %shift_right_logical3A_540 : vector<16xi32>
      %swap3A_542 = arith.constant 1 : i32
      %swap3A_543 = arith.index_cast %swap3A_542 : i32 to index
      %swap3A_544 = arith.constant 96 : index
      %swap3A_545 = tpu.vector_load %arg7[%swap3A_543, %swap3A_544] {strides = array<i32>} : memref<2x128xi32, #tpu.memory_space<vmem>>, vector<1x16xi32>,
      %swap3A_546 = vector.shape_cast %swap3A_545 : vector<1x16xi32> to vector<16xi32>
      %swap3A_547 = vector.shape_cast %shift_right_logical3A_541 : vector<16xi32> to vector<1x16xi32>
      tpu.vector_store %arg7[%swap3A_543, %swap3A_544], %swap3A_547 {strides = array<i32>} : memref<2x128xi32, #tpu.memory_space<vmem>>, vector<1x16xi32>,
      %get3A_548 = arith.index_cast %add3A_393 : i32 to index
      %get3A_549 = arith.constant 112 : index
      %get3A_550 = tpu.vector_load %arg5[%get3A_548, %get3A_549] {strides = array<i32>} : memref<80x128xi32, #tpu.memory_space<vmem>>, vector<1x16xi32>,
      %get3A_551 = vector.shape_cast %get3A_550 : vector<1x16xi32> to vector<16xi32>
      %and3A_552 = arith.constant 65535 : i32
      %and3A_553 = vector.broadcast %and3A_552 : i32 to vector<16xi32>
      %and3A_554 = arith.andi %get3A_551, %and3A_553 : vector<16xi32>
      %swap3A_555 = arith.constant 1 : i32
      %swap3A_556 = arith.index_cast %swap3A_555 : i32 to index
      %swap3A_557 = arith.constant 112 : index
      %swap3A_558 = tpu.vector_load %arg6[%swap3A_556, %swap3A_557] {strides = array<i32>} : memref<2x128xi32, #tpu.memory_space<vmem>>, vector<1x16xi32>,
      %swap3A_559 = vector.shape_cast %swap3A_558 : vector<1x16xi32> to vector<16xi32>
      %swap3A_560 = vector.shape_cast %and3A_554 : vector<16xi32> to vector<1x16xi32>
      tpu.vector_store %arg6[%swap3A_556, %swap3A_557], %swap3A_560 {strides = array<i32>} : memref<2x128xi32, #tpu.memory_space<vmem>>, vector<1x16xi32>,
      %shift_right_logical3A_561 = arith.constant 16 : i32
      %shift_right_logical3A_562 = vector.broadcast %shift_right_logical3A_561 : i32 to vector<16xi32>
      %shift_right_logical3A_563 = arith.shrui %get3A_551, %shift_right_logical3A_562 : vector<16xi32>
      %swap3A_564 = arith.constant 1 : i32
      %swap3A_565 = arith.index_cast %swap3A_564 : i32 to index
      %swap3A_566 = arith.constant 112 : index
      %swap3A_567 = tpu.vector_load %arg7[%swap3A_565, %swap3A_566] {strides = array<i32>} : memref<2x128xi32, #tpu.memory_space<vmem>>, vector<1x16xi32>,
      %swap3A_568 = vector.shape_cast %swap3A_567 : vector<1x16xi32> to vector<16xi32>
      %swap3A_569 = vector.shape_cast %shift_right_logical3A_563 : vector<16xi32> to vector<1x16xi32>
      tpu.vector_store %arg7[%swap3A_565, %swap3A_566], %swap3A_569 {strides = array<i32>} : memref<2x128xi32, #tpu.memory_space<vmem>>, vector<1x16xi32>,
      %dma_start3A_570 = arith.constant 1 : i32
      %dma_start3A_571 = arith.constant 0 : i32
      %dma_start3A_572 = tpu.memref_slice %arg6[%dma_start3A_570, %dma_start3A_571] : memref<2x128xi32, #tpu.memory_space<vmem>> -> memref<1x128xi32, #tpu.memory_space<vmem>>
      %dma_start3A_573 = tpu.memref_squeeze %dma_start3A_572 : memref<1x128xi32, #tpu.memory_space<vmem>> -> memref<128xi32, #tpu.memory_space<vmem>>
      %dma_start3A_574 = arith.constant 0 : i32
      %dma_start3A_575 = arith.constant 0 : i32
      %dma_start3A_576 = tpu.memref_slice %arg2[%dma_start3A_574, %dma_start3A_575] : memref<10000x128xf32, #tpu.memory_space<hbm>> -> memref<10000x128xf32, #tpu.memory_space<hbm>>
      tpu.enqueue_indirect_dma source(%dma_start3A_576 : memref<10000x128xf32, #tpu.memory_space<hbm>>) target(%arg9 : memref<128x128xf32, #tpu.memory_space<vmem>>) offsets(%dma_start3A_573 : memref<128xi32, #tpu.memory_space<vmem>>) semaphore(%arg12 : memref<!tpu.dma_semaphore, #tpu.memory_space<semaphore_mem>>)
      %dma_wait3A_577 = arith.constant 0 : i32
      %dma_wait3A_578 = arith.constant 0 : i32
      %dma_wait3A_579 = tpu.memref_slice %arg6[%dma_wait3A_577, %dma_wait3A_578] : memref<2x128xi32, #tpu.memory_space<vmem>> -> memref<1x128xi32, #tpu.memory_space<vmem>>
      %dma_wait3A_580 = tpu.memref_squeeze %dma_wait3A_579 : memref<1x128xi32, #tpu.memory_space<vmem>> -> memref<128xi32, #tpu.memory_space<vmem>>
      %dma_wait3A_581 = arith.constant 0 : i32
      %dma_wait3A_582 = arith.constant 0 : i32
      %dma_wait3A_583 = tpu.memref_slice %arg2[%dma_wait3A_581, %dma_wait3A_582] : memref<10000x128xf32, #tpu.memory_space<hbm>> -> memref<10000x128xf32, #tpu.memory_space<hbm>>
      tpu.wait_indirect_dma semaphore(%arg11 : memref<!tpu.dma_semaphore, #tpu.memory_space<semaphore_mem>>) src(%dma_wait3A_583 : memref<10000x128xf32, #tpu.memory_space<hbm>>) dst(%arg8 : memref<128x128xf32, #tpu.memory_space<vmem>>)
      %run_scoped3A = arith.constant 0 : i32
      "tpu.region"() ({
        %run_scoped3A_595 = tpu.sem_alloc : memref<!tpu.dma_semaphore, #tpu.memory_space<semaphore_mem>>
        %dma_start3A_596 = arith.constant 0 : i32
        %dma_start3A_597 = tpu.memref_slice %arg7[%run_scoped3A, %dma_start3A_596] : memref<2x128xi32, #tpu.memory_space<vmem>> -> memref<1x128xi32, #tpu.memory_space<vmem>>
        %dma_start3A_598 = tpu.memref_squeeze %dma_start3A_597 : memref<1x128xi32, #tpu.memory_space<vmem>> -> memref<128xi32, #tpu.memory_space<vmem>>
        %dma_start3A_599 = arith.constant 0 : i32
        %dma_start3A_600 = arith.constant 0 : i32
        %dma_start3A_601 = tpu.memref_slice %arg10[%dma_start3A_599, %dma_start3A_600] : memref<10240x128xf32, #tpu.memory_space<vmem_shared>> -> memref<10240x128xf32, #tpu.memory_space<vmem_shared>>
        tpu.enqueue_indirect_dma source(%arg8 : memref<128x128xf32, #tpu.memory_space<vmem>>) target(%dma_start3A_601 : memref<10240x128xf32, #tpu.memory_space<vmem_shared>>) offsets(%dma_start3A_598 : memref<128xi32, #tpu.memory_space<vmem>>) semaphore(%run_scoped3A_595 : memref<!tpu.dma_semaphore, #tpu.memory_space<semaphore_mem>>) {add = true}
        %dma_wait3A_602 = arith.constant 0 : i32
        %dma_wait3A_603 = tpu.memref_slice %arg7[%run_scoped3A, %dma_wait3A_602] : memref<2x128xi32, #tpu.memory_space<vmem>> -> memref<1x128xi32, #tpu.memory_space<vmem>>
        %dma_wait3A_604 = tpu.memref_squeeze %dma_wait3A_603 : memref<1x128xi32, #tpu.memory_space<vmem>> -> memref<128xi32, #tpu.memory_space<vmem>>
        %dma_wait3A_605 = arith.constant 0 : i32
        %dma_wait3A_606 = arith.constant 0 : i32
        %dma_wait3A_607 = tpu.memref_slice %arg10[%dma_wait3A_605, %dma_wait3A_606] : memref<10240x128xf32, #tpu.memory_space<vmem_shared>> -> memref<10240x128xf32, #tpu.memory_space<vmem_shared>>
        tpu.wait_indirect_dma semaphore(%run_scoped3A_595 : memref<!tpu.dma_semaphore, #tpu.memory_space<semaphore_mem>>) src(%arg8 : memref<128x128xf32, #tpu.memory_space<vmem>>) dst(%dma_wait3A_607 : memref<10240x128xf32, #tpu.memory_space<vmem_shared>>)
        tpu.yield
      }) : () -> ()
      %sub3A_584 = arith.constant 1 : i32
      %sub3A_585 = arith.subi %select_n3A_106, %sub3A_584 : i32
      %lt3A = arith.cmpi slt, %while3A_389, %sub3A_585 : i32
      %convert_element_type3A = arith.extui %lt3A : i1 to i32
      %cond3A = arith.constant 0 : i32
      %cond3A_586 = arith.cmpi ne, %convert_element_type3A, %cond3A : i32
      scf.if %cond3A_586 {
        %add3A_595 = arith.constant 2 : i32
        %add3A_596 = arith.addi %mul3A_391, %add3A_595 : i32
        %get3A_597 = arith.index_cast %add3A_596 : i32 to index
        %get3A_598 = arith.constant 0 : index
        %get3A_599 = tpu.vector_load %arg5[%get3A_597, %get3A_598] {strides = array<i32>} : memref<80x128xi32, #tpu.memory_space<vmem>>, vector<1x16xi32>,
        %get3A_600 = vector.shape_cast %get3A_599 : vector<1x16xi32> to vector<16xi32>
        %and3A_601 = arith.constant 65535 : i32
        %and3A_602 = vector.broadcast %and3A_601 : i32 to vector<16xi32>
        %and3A_603 = arith.andi %get3A_600, %and3A_602 : vector<16xi32>
        %swap3A_604 = arith.constant 0 : i32
        %swap3A_605 = arith.index_cast %swap3A_604 : i32 to index
        %swap3A_606 = arith.constant 0 : index
        %swap3A_607 = tpu.vector_load %arg6[%swap3A_605, %swap3A_606] {strides = array<i32>} : memref<2x128xi32, #tpu.memory_space<vmem>>, vector<1x16xi32>,
        %swap3A_608 = vector.shape_cast %swap3A_607 : vector<1x16xi32> to vector<16xi32>
        %swap3A_609 = vector.shape_cast %and3A_603 : vector<16xi32> to vector<1x16xi32>
        tpu.vector_store %arg6[%swap3A_605, %swap3A_606], %swap3A_609 {strides = array<i32>} : memref<2x128xi32, #tpu.memory_space<vmem>>, vector<1x16xi32>,
        %shift_right_logical3A_610 = arith.constant 16 : i32
        %shift_right_logical3A_611 = vector.broadcast %shift_right_logical3A_610 : i32 to vector<16xi32>
        %shift_right_logical3A_612 = arith.shrui %get3A_600, %shift_right_logical3A_611 : vector<16xi32>
        %swap3A_613 = arith.constant 0 : i32
        %swap3A_614 = arith.index_cast %swap3A_613 : i32 to index
        %swap3A_615 = arith.constant 0 : index
        %swap3A_616 = tpu.vector_load %arg7[%swap3A_614, %swap3A_615] {strides = array<i32>} : memref<2x128xi32, #tpu.memory_space<vmem>>, vector<1x16xi32>,
        %swap3A_617 = vector.shape_cast %swap3A_616 : vector<1x16xi32> to vector<16xi32>
        %swap3A_618 = vector.shape_cast %shift_right_logical3A_612 : vector<16xi32> to vector<1x16xi32>
        tpu.vector_store %arg7[%swap3A_614, %swap3A_615], %swap3A_618 {strides = array<i32>} : memref<2x128xi32, #tpu.memory_space<vmem>>, vector<1x16xi32>,
        %get3A_619 = arith.index_cast %add3A_596 : i32 to index
        %get3A_620 = arith.constant 16 : index
        %get3A_621 = tpu.vector_load %arg5[%get3A_619, %get3A_620] {strides = array<i32>} : memref<80x128xi32, #tpu.memory_space<vmem>>, vector<1x16xi32>,
        %get3A_622 = vector.shape_cast %get3A_621 : vector<1x16xi32> to vector<16xi32>
        %and3A_623 = arith.constant 65535 : i32
        %and3A_624 = vector.broadcast %and3A_623 : i32 to vector<16xi32>
        %and3A_625 = arith.andi %get3A_622, %and3A_624 : vector<16xi32>
        %swap3A_626 = arith.constant 0 : i32
        %swap3A_627 = arith.index_cast %swap3A_626 : i32 to index
        %swap3A_628 = arith.constant 16 : index
        %swap3A_629 = tpu.vector_load %arg6[%swap3A_627, %swap3A_628] {strides = array<i32>} : memref<2x128xi32, #tpu.memory_space<vmem>>, vector<1x16xi32>,
        %swap3A_630 = vector.shape_cast %swap3A_629 : vector<1x16xi32> to vector<16xi32>
        %swap3A_631 = vector.shape_cast %and3A_625 : vector<16xi32> to vector<1x16xi32>
        tpu.vector_store %arg6[%swap3A_627, %swap3A_628], %swap3A_631 {strides = array<i32>} : memref<2x128xi32, #tpu.memory_space<vmem>>, vector<1x16xi32>,
        %shift_right_logical3A_632 = arith.constant 16 : i32
        %shift_right_logical3A_633 = vector.broadcast %shift_right_logical3A_632 : i32 to vector<16xi32>
        %shift_right_logical3A_634 = arith.shrui %get3A_622, %shift_right_logical3A_633 : vector<16xi32>
        %swap3A_635 = arith.constant 0 : i32
        %swap3A_636 = arith.index_cast %swap3A_635 : i32 to index
        %swap3A_637 = arith.constant 16 : index
        %swap3A_638 = tpu.vector_load %arg7[%swap3A_636, %swap3A_637] {strides = array<i32>} : memref<2x128xi32, #tpu.memory_space<vmem>>, vector<1x16xi32>,
        %swap3A_639 = vector.shape_cast %swap3A_638 : vector<1x16xi32> to vector<16xi32>
        %swap3A_640 = vector.shape_cast %shift_right_logical3A_634 : vector<16xi32> to vector<1x16xi32>
        tpu.vector_store %arg7[%swap3A_636, %swap3A_637], %swap3A_640 {strides = array<i32>} : memref<2x128xi32, #tpu.memory_space<vmem>>, vector<1x16xi32>,
        %get3A_641 = arith.index_cast %add3A_596 : i32 to index
        %get3A_642 = arith.constant 32 : index
        %get3A_643 = tpu.vector_load %arg5[%get3A_641, %get3A_642] {strides = array<i32>} : memref<80x128xi32, #tpu.memory_space<vmem>>, vector<1x16xi32>,
        %get3A_644 = vector.shape_cast %get3A_643 : vector<1x16xi32> to vector<16xi32>
        %and3A_645 = arith.constant 65535 : i32
        %and3A_646 = vector.broadcast %and3A_645 : i32 to vector<16xi32>
        %and3A_647 = arith.andi %get3A_644, %and3A_646 : vector<16xi32>
        %swap3A_648 = arith.constant 0 : i32
        %swap3A_649 = arith.index_cast %swap3A_648 : i32 to index
        %swap3A_650 = arith.constant 32 : index
        %swap3A_651 = tpu.vector_load %arg6[%swap3A_649, %swap3A_650] {strides = array<i32>} : memref<2x128xi32, #tpu.memory_space<vmem>>, vector<1x16xi32>,
        %swap3A_652 = vector.shape_cast %swap3A_651 : vector<1x16xi32> to vector<16xi32>
        %swap3A_653 = vector.shape_cast %and3A_647 : vector<16xi32> to vector<1x16xi32>
        tpu.vector_store %arg6[%swap3A_649, %swap3A_650], %swap3A_653 {strides = array<i32>} : memref<2x128xi32, #tpu.memory_space<vmem>>, vector<1x16xi32>,
        %shift_right_logical3A_654 = arith.constant 16 : i32
        %shift_right_logical3A_655 = vector.broadcast %shift_right_logical3A_654 : i32 to vector<16xi32>
        %shift_right_logical3A_656 = arith.shrui %get3A_644, %shift_right_logical3A_655 : vector<16xi32>
        %swap3A_657 = arith.constant 0 : i32
        %swap3A_658 = arith.index_cast %swap3A_657 : i32 to index
        %swap3A_659 = arith.constant 32 : index
        %swap3A_660 = tpu.vector_load %arg7[%swap3A_658, %swap3A_659] {strides = array<i32>} : memref<2x128xi32, #tpu.memory_space<vmem>>, vector<1x16xi32>,
        %swap3A_661 = vector.shape_cast %swap3A_660 : vector<1x16xi32> to vector<16xi32>
        %swap3A_662 = vector.shape_cast %shift_right_logical3A_656 : vector<16xi32> to vector<1x16xi32>
        tpu.vector_store %arg7[%swap3A_658, %swap3A_659], %swap3A_662 {strides = array<i32>} : memref<2x128xi32, #tpu.memory_space<vmem>>, vector<1x16xi32>,
        %get3A_663 = arith.index_cast %add3A_596 : i32 to index
        %get3A_664 = arith.constant 48 : index
        %get3A_665 = tpu.vector_load %arg5[%get3A_663, %get3A_664] {strides = array<i32>} : memref<80x128xi32, #tpu.memory_space<vmem>>, vector<1x16xi32>,
        %get3A_666 = vector.shape_cast %get3A_665 : vector<1x16xi32> to vector<16xi32>
        %and3A_667 = arith.constant 65535 : i32
        %and3A_668 = vector.broadcast %and3A_667 : i32 to vector<16xi32>
        %and3A_669 = arith.andi %get3A_666, %and3A_668 : vector<16xi32>
        %swap3A_670 = arith.constant 0 : i32
        %swap3A_671 = arith.index_cast %swap3A_670 : i32 to index
        %swap3A_672 = arith.constant 48 : index
        %swap3A_673 = tpu.vector_load %arg6[%swap3A_671, %swap3A_672] {strides = array<i32>} : memref<2x128xi32, #tpu.memory_space<vmem>>, vector<1x16xi32>,
        %swap3A_674 = vector.shape_cast %swap3A_673 : vector<1x16xi32> to vector<16xi32>
        %swap3A_675 = vector.shape_cast %and3A_669 : vector<16xi32> to vector<1x16xi32>
        tpu.vector_store %arg6[%swap3A_671, %swap3A_672], %swap3A_675 {strides = array<i32>} : memref<2x128xi32, #tpu.memory_space<vmem>>, vector<1x16xi32>,
        %shift_right_logical3A_676 = arith.constant 16 : i32
        %shift_right_logical3A_677 = vector.broadcast %shift_right_logical3A_676 : i32 to vector<16xi32>
        %shift_right_logical3A_678 = arith.shrui %get3A_666, %shift_right_logical3A_677 : vector<16xi32>
        %swap3A_679 = arith.constant 0 : i32
        %swap3A_680 = arith.index_cast %swap3A_679 : i32 to index
        %swap3A_681 = arith.constant 48 : index
        %swap3A_682 = tpu.vector_load %arg7[%swap3A_680, %swap3A_681] {strides = array<i32>} : memref<2x128xi32, #tpu.memory_space<vmem>>, vector<1x16xi32>,
        %swap3A_683 = vector.shape_cast %swap3A_682 : vector<1x16xi32> to vector<16xi32>
        %swap3A_684 = vector.shape_cast %shift_right_logical3A_678 : vector<16xi32> to vector<1x16xi32>
        tpu.vector_store %arg7[%swap3A_680, %swap3A_681], %swap3A_684 {strides = array<i32>} : memref<2x128xi32, #tpu.memory_space<vmem>>, vector<1x16xi32>,
        %get3A_685 = arith.index_cast %add3A_596 : i32 to index
        %get3A_686 = arith.constant 64 : index
        %get3A_687 = tpu.vector_load %arg5[%get3A_685, %get3A_686] {strides = array<i32>} : memref<80x128xi32, #tpu.memory_space<vmem>>, vector<1x16xi32>,
        %get3A_688 = vector.shape_cast %get3A_687 : vector<1x16xi32> to vector<16xi32>
        %and3A_689 = arith.constant 65535 : i32
        %and3A_690 = vector.broadcast %and3A_689 : i32 to vector<16xi32>
        %and3A_691 = arith.andi %get3A_688, %and3A_690 : vector<16xi32>
        %swap3A_692 = arith.constant 0 : i32
        %swap3A_693 = arith.index_cast %swap3A_692 : i32 to index
        %swap3A_694 = arith.constant 64 : index
        %swap3A_695 = tpu.vector_load %arg6[%swap3A_693, %swap3A_694] {strides = array<i32>} : memref<2x128xi32, #tpu.memory_space<vmem>>, vector<1x16xi32>,
        %swap3A_696 = vector.shape_cast %swap3A_695 : vector<1x16xi32> to vector<16xi32>
        %swap3A_697 = vector.shape_cast %and3A_691 : vector<16xi32> to vector<1x16xi32>
        tpu.vector_store %arg6[%swap3A_693, %swap3A_694], %swap3A_697 {strides = array<i32>} : memref<2x128xi32, #tpu.memory_space<vmem>>, vector<1x16xi32>,
        %shift_right_logical3A_698 = arith.constant 16 : i32
        %shift_right_logical3A_699 = vector.broadcast %shift_right_logical3A_698 : i32 to vector<16xi32>
        %shift_right_logical3A_700 = arith.shrui %get3A_688, %shift_right_logical3A_699 : vector<16xi32>
        %swap3A_701 = arith.constant 0 : i32
        %swap3A_702 = arith.index_cast %swap3A_701 : i32 to index
        %swap3A_703 = arith.constant 64 : index
        %swap3A_704 = tpu.vector_load %arg7[%swap3A_702, %swap3A_703] {strides = array<i32>} : memref<2x128xi32, #tpu.memory_space<vmem>>, vector<1x16xi32>,
        %swap3A_705 = vector.shape_cast %swap3A_704 : vector<1x16xi32> to vector<16xi32>
        %swap3A_706 = vector.shape_cast %shift_right_logical3A_700 : vector<16xi32> to vector<1x16xi32>
        tpu.vector_store %arg7[%swap3A_702, %swap3A_703], %swap3A_706 {strides = array<i32>} : memref<2x128xi32, #tpu.memory_space<vmem>>, vector<1x16xi32>,
        %get3A_707 = arith.index_cast %add3A_596 : i32 to index
        %get3A_708 = arith.constant 80 : index
        %get3A_709 = tpu.vector_load %arg5[%get3A_707, %get3A_708] {strides = array<i32>} : memref<80x128xi32, #tpu.memory_space<vmem>>, vector<1x16xi32>,
        %get3A_710 = vector.shape_cast %get3A_709 : vector<1x16xi32> to vector<16xi32>
        %and3A_711 = arith.constant 65535 : i32
        %and3A_712 = vector.broadcast %and3A_711 : i32 to vector<16xi32>
        %and3A_713 = arith.andi %get3A_710, %and3A_712 : vector<16xi32>
        %swap3A_714 = arith.constant 0 : i32
        %swap3A_715 = arith.index_cast %swap3A_714 : i32 to index
        %swap3A_716 = arith.constant 80 : index
        %swap3A_717 = tpu.vector_load %arg6[%swap3A_715, %swap3A_716] {strides = array<i32>} : memref<2x128xi32, #tpu.memory_space<vmem>>, vector<1x16xi32>,
        %swap3A_718 = vector.shape_cast %swap3A_717 : vector<1x16xi32> to vector<16xi32>
        %swap3A_719 = vector.shape_cast %and3A_713 : vector<16xi32> to vector<1x16xi32>
        tpu.vector_store %arg6[%swap3A_715, %swap3A_716], %swap3A_719 {strides = array<i32>} : memref<2x128xi32, #tpu.memory_space<vmem>>, vector<1x16xi32>,
        %shift_right_logical3A_720 = arith.constant 16 : i32
        %shift_right_logical3A_721 = vector.broadcast %shift_right_logical3A_720 : i32 to vector<16xi32>
        %shift_right_logical3A_722 = arith.shrui %get3A_710, %shift_right_logical3A_721 : vector<16xi32>
        %swap3A_723 = arith.constant 0 : i32
        %swap3A_724 = arith.index_cast %swap3A_723 : i32 to index
        %swap3A_725 = arith.constant 80 : index
        %swap3A_726 = tpu.vector_load %arg7[%swap3A_724, %swap3A_725] {strides = array<i32>} : memref<2x128xi32, #tpu.memory_space<vmem>>, vector<1x16xi32>,
        %swap3A_727 = vector.shape_cast %swap3A_726 : vector<1x16xi32> to vector<16xi32>
        %swap3A_728 = vector.shape_cast %shift_right_logical3A_722 : vector<16xi32> to vector<1x16xi32>
        tpu.vector_store %arg7[%swap3A_724, %swap3A_725], %swap3A_728 {strides = array<i32>} : memref<2x128xi32, #tpu.memory_space<vmem>>, vector<1x16xi32>,
        %get3A_729 = arith.index_cast %add3A_596 : i32 to index
        %get3A_730 = arith.constant 96 : index
        %get3A_731 = tpu.vector_load %arg5[%get3A_729, %get3A_730] {strides = array<i32>} : memref<80x128xi32, #tpu.memory_space<vmem>>, vector<1x16xi32>,
        %get3A_732 = vector.shape_cast %get3A_731 : vector<1x16xi32> to vector<16xi32>
        %and3A_733 = arith.constant 65535 : i32
        %and3A_734 = vector.broadcast %and3A_733 : i32 to vector<16xi32>
        %and3A_735 = arith.andi %get3A_732, %and3A_734 : vector<16xi32>
        %swap3A_736 = arith.constant 0 : i32
        %swap3A_737 = arith.index_cast %swap3A_736 : i32 to index
        %swap3A_738 = arith.constant 96 : index
        %swap3A_739 = tpu.vector_load %arg6[%swap3A_737, %swap3A_738] {strides = array<i32>} : memref<2x128xi32, #tpu.memory_space<vmem>>, vector<1x16xi32>,
        %swap3A_740 = vector.shape_cast %swap3A_739 : vector<1x16xi32> to vector<16xi32>
        %swap3A_741 = vector.shape_cast %and3A_735 : vector<16xi32> to vector<1x16xi32>
        tpu.vector_store %arg6[%swap3A_737, %swap3A_738], %swap3A_741 {strides = array<i32>} : memref<2x128xi32, #tpu.memory_space<vmem>>, vector<1x16xi32>,
        %shift_right_logical3A_742 = arith.constant 16 : i32
        %shift_right_logical3A_743 = vector.broadcast %shift_right_logical3A_742 : i32 to vector<16xi32>
        %shift_right_logical3A_744 = arith.shrui %get3A_732, %shift_right_logical3A_743 : vector<16xi32>
        %swap3A_745 = arith.constant 0 : i32
        %swap3A_746 = arith.index_cast %swap3A_745 : i32 to index
        %swap3A_747 = arith.constant 96 : index
        %swap3A_748 = tpu.vector_load %arg7[%swap3A_746, %swap3A_747] {strides = array<i32>} : memref<2x128xi32, #tpu.memory_space<vmem>>, vector<1x16xi32>,
        %swap3A_749 = vector.shape_cast %swap3A_748 : vector<1x16xi32> to vector<16xi32>
        %swap3A_750 = vector.shape_cast %shift_right_logical3A_744 : vector<16xi32> to vector<1x16xi32>
        tpu.vector_store %arg7[%swap3A_746, %swap3A_747], %swap3A_750 {strides = array<i32>} : memref<2x128xi32, #tpu.memory_space<vmem>>, vector<1x16xi32>,
        %get3A_751 = arith.index_cast %add3A_596 : i32 to index
        %get3A_752 = arith.constant 112 : index
        %get3A_753 = tpu.vector_load %arg5[%get3A_751, %get3A_752] {strides = array<i32>} : memref<80x128xi32, #tpu.memory_space<vmem>>, vector<1x16xi32>,
        %get3A_754 = vector.shape_cast %get3A_753 : vector<1x16xi32> to vector<16xi32>
        %and3A_755 = arith.constant 65535 : i32
        %and3A_756 = vector.broadcast %and3A_755 : i32 to vector<16xi32>
        %and3A_757 = arith.andi %get3A_754, %and3A_756 : vector<16xi32>
        %swap3A_758 = arith.constant 0 : i32
        %swap3A_759 = arith.index_cast %swap3A_758 : i32 to index
        %swap3A_760 = arith.constant 112 : index
        %swap3A_761 = tpu.vector_load %arg6[%swap3A_759, %swap3A_760] {strides = array<i32>} : memref<2x128xi32, #tpu.memory_space<vmem>>, vector<1x16xi32>,
        %swap3A_762 = vector.shape_cast %swap3A_761 : vector<1x16xi32> to vector<16xi32>
        %swap3A_763 = vector.shape_cast %and3A_757 : vector<16xi32> to vector<1x16xi32>
        tpu.vector_store %arg6[%swap3A_759, %swap3A_760], %swap3A_763 {strides = array<i32>} : memref<2x128xi32, #tpu.memory_space<vmem>>, vector<1x16xi32>,
        %shift_right_logical3A_764 = arith.constant 16 : i32
        %shift_right_logical3A_765 = vector.broadcast %shift_right_logical3A_764 : i32 to vector<16xi32>
        %shift_right_logical3A_766 = arith.shrui %get3A_754, %shift_right_logical3A_765 : vector<16xi32>
        %swap3A_767 = arith.constant 0 : i32
        %swap3A_768 = arith.index_cast %swap3A_767 : i32 to index
        %swap3A_769 = arith.constant 112 : index
        %swap3A_770 = tpu.vector_load %arg7[%swap3A_768, %swap3A_769] {strides = array<i32>} : memref<2x128xi32, #tpu.memory_space<vmem>>, vector<1x16xi32>,
        %swap3A_771 = vector.shape_cast %swap3A_770 : vector<1x16xi32> to vector<16xi32>
        %swap3A_772 = vector.shape_cast %shift_right_logical3A_766 : vector<16xi32> to vector<1x16xi32>
        tpu.vector_store %arg7[%swap3A_768, %swap3A_769], %swap3A_772 {strides = array<i32>} : memref<2x128xi32, #tpu.memory_space<vmem>>, vector<1x16xi32>,
        %dma_start3A_773 = arith.constant 0 : i32
        %dma_start3A_774 = arith.constant 0 : i32
        %dma_start3A_775 = tpu.memref_slice %arg6[%dma_start3A_773, %dma_start3A_774] : memref<2x128xi32, #tpu.memory_space<vmem>> -> memref<1x128xi32, #tpu.memory_space<vmem>>
        %dma_start3A_776 = tpu.memref_squeeze %dma_start3A_775 : memref<1x128xi32, #tpu.memory_space<vmem>> -> memref<128xi32, #tpu.memory_space<vmem>>
        %dma_start3A_777 = arith.constant 0 : i32
        %dma_start3A_778 = arith.constant 0 : i32
        %dma_start3A_779 = tpu.memref_slice %arg2[%dma_start3A_777, %dma_start3A_778] : memref<10000x128xf32, #tpu.memory_space<hbm>> -> memref<10000x128xf32, #tpu.memory_space<hbm>>
        tpu.enqueue_indirect_dma source(%dma_start3A_779 : memref<10000x128xf32, #tpu.memory_space<hbm>>) target(%arg8 : memref<128x128xf32, #tpu.memory_space<vmem>>) offsets(%dma_start3A_776 : memref<128xi32, #tpu.memory_space<vmem>>) semaphore(%arg11 : memref<!tpu.dma_semaphore, #tpu.memory_space<semaphore_mem>>)
      } else {
      }
      %dma_wait3A_587 = arith.constant 1 : i32
      %dma_wait3A_588 = arith.constant 0 : i32
      %dma_wait3A_589 = tpu.memref_slice %arg6[%dma_wait3A_587, %dma_wait3A_588] : memref<2x128xi32, #tpu.memory_space<vmem>> -> memref<1x128xi32, #tpu.memory_space<vmem>>
      %dma_wait3A_590 = tpu.memref_squeeze %dma_wait3A_589 : memref<1x128xi32, #tpu.memory_space<vmem>> -> memref<128xi32, #tpu.memory_space<vmem>>
      %dma_wait3A_591 = arith.constant 0 : i32
      %dma_wait3A_592 = arith.constant 0 : i32
      %dma_wait3A_593 = tpu.memref_slice %arg2[%dma_wait3A_591, %dma_wait3A_592] : memref<10000x128xf32, #tpu.memory_space<hbm>> -> memref<10000x128xf32, #tpu.memory_space<hbm>>
      tpu.wait_indirect_dma semaphore(%arg12 : memref<!tpu.dma_semaphore, #tpu.memory_space<semaphore_mem>>) src(%dma_wait3A_593 : memref<10000x128xf32, #tpu.memory_space<hbm>>) dst(%arg9 : memref<128x128xf32, #tpu.memory_space<vmem>>)
      %run_scoped3A_594 = arith.constant 1 : i32
      "tpu.region"() ({
        %run_scoped3A_595 = tpu.sem_alloc : memref<!tpu.dma_semaphore, #tpu.memory_space<semaphore_mem>>
        %dma_start3A_596 = arith.constant 0 : i32
        %dma_start3A_597 = tpu.memref_slice %arg7[%run_scoped3A_594, %dma_start3A_596] : memref<2x128xi32, #tpu.memory_space<vmem>> -> memref<1x128xi32, #tpu.memory_space<vmem>>
        %dma_start3A_598 = tpu.memref_squeeze %dma_start3A_597 : memref<1x128xi32, #tpu.memory_space<vmem>> -> memref<128xi32, #tpu.memory_space<vmem>>
        %dma_start3A_599 = arith.constant 0 : i32
        %dma_start3A_600 = arith.constant 0 : i32
        %dma_start3A_601 = tpu.memref_slice %arg10[%dma_start3A_599, %dma_start3A_600] : memref<10240x128xf32, #tpu.memory_space<vmem_shared>> -> memref<10240x128xf32, #tpu.memory_space<vmem_shared>>
        tpu.enqueue_indirect_dma source(%arg9 : memref<128x128xf32, #tpu.memory_space<vmem>>) target(%dma_start3A_601 : memref<10240x128xf32, #tpu.memory_space<vmem_shared>>) offsets(%dma_start3A_598 : memref<128xi32, #tpu.memory_space<vmem>>) semaphore(%run_scoped3A_595 : memref<!tpu.dma_semaphore, #tpu.memory_space<semaphore_mem>>) {add = true}
        %dma_wait3A_602 = arith.constant 0 : i32
        %dma_wait3A_603 = tpu.memref_slice %arg7[%run_scoped3A_594, %dma_wait3A_602] : memref<2x128xi32, #tpu.memory_space<vmem>> -> memref<1x128xi32, #tpu.memory_space<vmem>>
        %dma_wait3A_604 = tpu.memref_squeeze %dma_wait3A_603 : memref<1x128xi32, #tpu.memory_space<vmem>> -> memref<128xi32, #tpu.memory_space<vmem>>
        %dma_wait3A_605 = arith.constant 0 : i32
        %dma_wait3A_606 = arith.constant 0 : i32
        %dma_wait3A_607 = tpu.memref_slice %arg10[%dma_wait3A_605, %dma_wait3A_606] : memref<10240x128xf32, #tpu.memory_space<vmem_shared>> -> memref<10240x128xf32, #tpu.memory_space<vmem_shared>>
        tpu.wait_indirect_dma semaphore(%run_scoped3A_595 : memref<!tpu.dma_semaphore, #tpu.memory_space<semaphore_mem>>) src(%arg9 : memref<128x128xf32, #tpu.memory_space<vmem>>) dst(%dma_wait3A_607 : memref<10240x128xf32, #tpu.memory_space<vmem_shared>>)
        tpu.yield
      }) : () -> ()
    }
    %while3A_303 = arith.constant 1 : i32
    scf.for %while3A_389 = %while3A_301 to %while3A_297 step %while3A_303  : i32 {
      %mul3A_390 = arith.constant 2 : i32
      %mul3A_391 = arith.muli %mul3A_390, %while3A_389 : i32
      %add3A_392 = arith.constant 1 : i32
      %add3A_393 = arith.addi %mul3A_391, %add3A_392 : i32
      %get3A_394 = arith.index_cast %add3A_393 : i32 to index
      %get3A_395 = arith.constant 0 : index
      %get3A_396 = tpu.vector_load %arg5[%get3A_394, %get3A_395] {strides = array<i32>} : memref<80x128xi32, #tpu.memory_space<vmem>>, vector<1x16xi32>,
      %get3A_397 = vector.shape_cast %get3A_396 : vector<1x16xi32> to vector<16xi32>
      %and3A_398 = arith.constant 65535 : i32
      %and3A_399 = vector.broadcast %and3A_398 : i32 to vector<16xi32>
      %and3A_400 = arith.andi %get3A_397, %and3A_399 : vector<16xi32>
      %swap3A_401 = arith.constant 1 : i32
      %swap3A_402 = arith.index_cast %swap3A_401 : i32 to index
      %swap3A_403 = arith.constant 0 : index
      %swap3A_404 = tpu.vector_load %arg6[%swap3A_402, %swap3A_403] {strides = array<i32>} : memref<2x128xi32, #tpu.memory_space<vmem>>, vector<1x16xi32>,
      %swap3A_405 = vector.shape_cast %swap3A_404 : vector<1x16xi32> to vector<16xi32>
      %swap3A_406 = vector.shape_cast %and3A_400 : vector<16xi32> to vector<1x16xi32>
      tpu.vector_store %arg6[%swap3A_402, %swap3A_403], %swap3A_406 {strides = array<i32>} : memref<2x128xi32, #tpu.memory_space<vmem>>, vector<1x16xi32>,
      %shift_right_logical3A_407 = arith.constant 16 : i32
      %shift_right_logical3A_408 = vector.broadcast %shift_right_logical3A_407 : i32 to vector<16xi32>
      %shift_right_logical3A_409 = arith.shrui %get3A_397, %shift_right_logical3A_408 : vector<16xi32>
      %swap3A_410 = arith.constant 1 : i32
      %swap3A_411 = arith.index_cast %swap3A_410 : i32 to index
      %swap3A_412 = arith.constant 0 : index
      %swap3A_413 = tpu.vector_load %arg7[%swap3A_411, %swap3A_412] {strides = array<i32>} : memref<2x128xi32, #tpu.memory_space<vmem>>, vector<1x16xi32>,
      %swap3A_414 = vector.shape_cast %swap3A_413 : vector<1x16xi32> to vector<16xi32>
      %swap3A_415 = vector.shape_cast %shift_right_logical3A_409 : vector<16xi32> to vector<1x16xi32>
      tpu.vector_store %arg7[%swap3A_411, %swap3A_412], %swap3A_415 {strides = array<i32>} : memref<2x128xi32, #tpu.memory_space<vmem>>, vector<1x16xi32>,
      %get3A_416 = arith.index_cast %add3A_393 : i32 to index
      %get3A_417 = arith.constant 16 : index
      %get3A_418 = tpu.vector_load %arg5[%get3A_416, %get3A_417] {strides = array<i32>} : memref<80x128xi32, #tpu.memory_space<vmem>>, vector<1x16xi32>,
      %get3A_419 = vector.shape_cast %get3A_418 : vector<1x16xi32> to vector<16xi32>
      %and3A_420 = arith.constant 65535 : i32
      %and3A_421 = vector.broadcast %and3A_420 : i32 to vector<16xi32>
      %and3A_422 = arith.andi %get3A_419, %and3A_421 : vector<16xi32>
      %swap3A_423 = arith.constant 1 : i32
      %swap3A_424 = arith.index_cast %swap3A_423 : i32 to index
      %swap3A_425 = arith.constant 16 : index
      %swap3A_426 = tpu.vector_load %arg6[%swap3A_424, %swap3A_425] {strides = array<i32>} : memref<2x128xi32, #tpu.memory_space<vmem>>, vector<1x16xi32>,
      %swap3A_427 = vector.shape_cast %swap3A_426 : vector<1x16xi32> to vector<16xi32>
      %swap3A_428 = vector.shape_cast %and3A_422 : vector<16xi32> to vector<1x16xi32>
      tpu.vector_store %arg6[%swap3A_424, %swap3A_425], %swap3A_428 {strides = array<i32>} : memref<2x128xi32, #tpu.memory_space<vmem>>, vector<1x16xi32>,
      %shift_right_logical3A_429 = arith.constant 16 : i32
      %shift_right_logical3A_430 = vector.broadcast %shift_right_logical3A_429 : i32 to vector<16xi32>
      %shift_right_logical3A_431 = arith.shrui %get3A_419, %shift_right_logical3A_430 : vector<16xi32>
      %swap3A_432 = arith.constant 1 : i32
      %swap3A_433 = arith.index_cast %swap3A_432 : i32 to index
      %swap3A_434 = arith.constant 16 : index
      %swap3A_435 = tpu.vector_load %arg7[%swap3A_433, %swap3A_434] {strides = array<i32>} : memref<2x128xi32, #tpu.memory_space<vmem>>, vector<1x16xi32>,
      %swap3A_436 = vector.shape_cast %swap3A_435 : vector<1x16xi32> to vector<16xi32>
      %swap3A_437 = vector.shape_cast %shift_right_logical3A_431 : vector<16xi32> to vector<1x16xi32>
      tpu.vector_store %arg7[%swap3A_433, %swap3A_434], %swap3A_437 {strides = array<i32>} : memref<2x128xi32, #tpu.memory_space<vmem>>, vector<1x16xi32>,
      %get3A_438 = arith.index_cast %add3A_393 : i32 to index
      %get3A_439 = arith.constant 32 : index
      %get3A_440 = tpu.vector_load %arg5[%get3A_438, %get3A_439] {strides = array<i32>} : memref<80x128xi32, #tpu.memory_space<vmem>>, vector<1x16xi32>,
      %get3A_441 = vector.shape_cast %get3A_440 : vector<1x16xi32> to vector<16xi32>
      %and3A_442 = arith.constant 65535 : i32
      %and3A_443 = vector.broadcast %and3A_442 : i32 to vector<16xi32>
      %and3A_444 = arith.andi %get3A_441, %and3A_443 : vector<16xi32>
      %swap3A_445 = arith.constant 1 : i32
      %swap3A_446 = arith.index_cast %swap3A_445 : i32 to index
      %swap3A_447 = arith.constant 32 : index
      %swap3A_448 = tpu.vector_load %arg6[%swap3A_446, %swap3A_447] {strides = array<i32>} : memref<2x128xi32, #tpu.memory_space<vmem>>, vector<1x16xi32>,
      %swap3A_449 = vector.shape_cast %swap3A_448 : vector<1x16xi32> to vector<16xi32>
      %swap3A_450 = vector.shape_cast %and3A_444 : vector<16xi32> to vector<1x16xi32>
      tpu.vector_store %arg6[%swap3A_446, %swap3A_447], %swap3A_450 {strides = array<i32>} : memref<2x128xi32, #tpu.memory_space<vmem>>, vector<1x16xi32>,
      %shift_right_logical3A_451 = arith.constant 16 : i32
      %shift_right_logical3A_452 = vector.broadcast %shift_right_logical3A_451 : i32 to vector<16xi32>
      %shift_right_logical3A_453 = arith.shrui %get3A_441, %shift_right_logical3A_452 : vector<16xi32>
      %swap3A_454 = arith.constant 1 : i32
      %swap3A_455 = arith.index_cast %swap3A_454 : i32 to index
      %swap3A_456 = arith.constant 32 : index
      %swap3A_457 = tpu.vector_load %arg7[%swap3A_455, %swap3A_456] {strides = array<i32>} : memref<2x128xi32, #tpu.memory_space<vmem>>, vector<1x16xi32>,
      %swap3A_458 = vector.shape_cast %swap3A_457 : vector<1x16xi32> to vector<16xi32>
      %swap3A_459 = vector.shape_cast %shift_right_logical3A_453 : vector<16xi32> to vector<1x16xi32>
      tpu.vector_store %arg7[%swap3A_455, %swap3A_456], %swap3A_459 {strides = array<i32>} : memref<2x128xi32, #tpu.memory_space<vmem>>, vector<1x16xi32>,
      %get3A_460 = arith.index_cast %add3A_393 : i32 to index
      %get3A_461 = arith.constant 48 : index
      %get3A_462 = tpu.vector_load %arg5[%get3A_460, %get3A_461] {strides = array<i32>} : memref<80x128xi32, #tpu.memory_space<vmem>>, vector<1x16xi32>,
      %get3A_463 = vector.shape_cast %get3A_462 : vector<1x16xi32> to vector<16xi32>
      %and3A_464 = arith.constant 65535 : i32
      %and3A_465 = vector.broadcast %and3A_464 : i32 to vector<16xi32>
      %and3A_466 = arith.andi %get3A_463, %and3A_465 : vector<16xi32>
      %swap3A_467 = arith.constant 1 : i32
      %swap3A_468 = arith.index_cast %swap3A_467 : i32 to index
      %swap3A_469 = arith.constant 48 : index
      %swap3A_470 = tpu.vector_load %arg6[%swap3A_468, %swap3A_469] {strides = array<i32>} : memref<2x128xi32, #tpu.memory_space<vmem>>, vector<1x16xi32>,
      %swap3A_471 = vector.shape_cast %swap3A_470 : vector<1x16xi32> to vector<16xi32>
      %swap3A_472 = vector.shape_cast %and3A_466 : vector<16xi32> to vector<1x16xi32>
      tpu.vector_store %arg6[%swap3A_468, %swap3A_469], %swap3A_472 {strides = array<i32>} : memref<2x128xi32, #tpu.memory_space<vmem>>, vector<1x16xi32>,
      %shift_right_logical3A_473 = arith.constant 16 : i32
      %shift_right_logical3A_474 = vector.broadcast %shift_right_logical3A_473 : i32 to vector<16xi32>
      %shift_right_logical3A_475 = arith.shrui %get3A_463, %shift_right_logical3A_474 : vector<16xi32>
      %swap3A_476 = arith.constant 1 : i32
      %swap3A_477 = arith.index_cast %swap3A_476 : i32 to index
      %swap3A_478 = arith.constant 48 : index
      %swap3A_479 = tpu.vector_load %arg7[%swap3A_477, %swap3A_478] {strides = array<i32>} : memref<2x128xi32, #tpu.memory_space<vmem>>, vector<1x16xi32>,
      %swap3A_480 = vector.shape_cast %swap3A_479 : vector<1x16xi32> to vector<16xi32>
      %swap3A_481 = vector.shape_cast %shift_right_logical3A_475 : vector<16xi32> to vector<1x16xi32>
      tpu.vector_store %arg7[%swap3A_477, %swap3A_478], %swap3A_481 {strides = array<i32>} : memref<2x128xi32, #tpu.memory_space<vmem>>, vector<1x16xi32>,
      %get3A_482 = arith.index_cast %add3A_393 : i32 to index
      %get3A_483 = arith.constant 64 : index
      %get3A_484 = tpu.vector_load %arg5[%get3A_482, %get3A_483] {strides = array<i32>} : memref<80x128xi32, #tpu.memory_space<vmem>>, vector<1x16xi32>,
      %get3A_485 = vector.shape_cast %get3A_484 : vector<1x16xi32> to vector<16xi32>
      %and3A_486 = arith.constant 65535 : i32
      %and3A_487 = vector.broadcast %and3A_486 : i32 to vector<16xi32>
      %and3A_488 = arith.andi %get3A_485, %and3A_487 : vector<16xi32>
      %swap3A_489 = arith.constant 1 : i32
      %swap3A_490 = arith.index_cast %swap3A_489 : i32 to index
      %swap3A_491 = arith.constant 64 : index
      %swap3A_492 = tpu.vector_load %arg6[%swap3A_490, %swap3A_491] {strides = array<i32>} : memref<2x128xi32, #tpu.memory_space<vmem>>, vector<1x16xi32>,
      %swap3A_493 = vector.shape_cast %swap3A_492 : vector<1x16xi32> to vector<16xi32>
      %swap3A_494 = vector.shape_cast %and3A_488 : vector<16xi32> to vector<1x16xi32>
      tpu.vector_store %arg6[%swap3A_490, %swap3A_491], %swap3A_494 {strides = array<i32>} : memref<2x128xi32, #tpu.memory_space<vmem>>, vector<1x16xi32>,
      %shift_right_logical3A_495 = arith.constant 16 : i32
      %shift_right_logical3A_496 = vector.broadcast %shift_right_logical3A_495 : i32 to vector<16xi32>
      %shift_right_logical3A_497 = arith.shrui %get3A_485, %shift_right_logical3A_496 : vector<16xi32>
      %swap3A_498 = arith.constant 1 : i32
      %swap3A_499 = arith.index_cast %swap3A_498 : i32 to index
      %swap3A_500 = arith.constant 64 : index
      %swap3A_501 = tpu.vector_load %arg7[%swap3A_499, %swap3A_500] {strides = array<i32>} : memref<2x128xi32, #tpu.memory_space<vmem>>, vector<1x16xi32>,
      %swap3A_502 = vector.shape_cast %swap3A_501 : vector<1x16xi32> to vector<16xi32>
      %swap3A_503 = vector.shape_cast %shift_right_logical3A_497 : vector<16xi32> to vector<1x16xi32>
      tpu.vector_store %arg7[%swap3A_499, %swap3A_500], %swap3A_503 {strides = array<i32>} : memref<2x128xi32, #tpu.memory_space<vmem>>, vector<1x16xi32>,
      %get3A_504 = arith.index_cast %add3A_393 : i32 to index
      %get3A_505 = arith.constant 80 : index
      %get3A_506 = tpu.vector_load %arg5[%get3A_504, %get3A_505] {strides = array<i32>} : memref<80x128xi32, #tpu.memory_space<vmem>>, vector<1x16xi32>,
      %get3A_507 = vector.shape_cast %get3A_506 : vector<1x16xi32> to vector<16xi32>
      %and3A_508 = arith.constant 65535 : i32
      %and3A_509 = vector.broadcast %and3A_508 : i32 to vector<16xi32>
      %and3A_510 = arith.andi %get3A_507, %and3A_509 : vector<16xi32>
      %swap3A_511 = arith.constant 1 : i32
      %swap3A_512 = arith.index_cast %swap3A_511 : i32 to index
      %swap3A_513 = arith.constant 80 : index
      %swap3A_514 = tpu.vector_load %arg6[%swap3A_512, %swap3A_513] {strides = array<i32>} : memref<2x128xi32, #tpu.memory_space<vmem>>, vector<1x16xi32>,
      %swap3A_515 = vector.shape_cast %swap3A_514 : vector<1x16xi32> to vector<16xi32>
      %swap3A_516 = vector.shape_cast %and3A_510 : vector<16xi32> to vector<1x16xi32>
      tpu.vector_store %arg6[%swap3A_512, %swap3A_513], %swap3A_516 {strides = array<i32>} : memref<2x128xi32, #tpu.memory_space<vmem>>, vector<1x16xi32>,
      %shift_right_logical3A_517 = arith.constant 16 : i32
      %shift_right_logical3A_518 = vector.broadcast %shift_right_logical3A_517 : i32 to vector<16xi32>
      %shift_right_logical3A_519 = arith.shrui %get3A_507, %shift_right_logical3A_518 : vector<16xi32>
      %swap3A_520 = arith.constant 1 : i32
      %swap3A_521 = arith.index_cast %swap3A_520 : i32 to index
      %swap3A_522 = arith.constant 80 : index
      %swap3A_523 = tpu.vector_load %arg7[%swap3A_521, %swap3A_522] {strides = array<i32>} : memref<2x128xi32, #tpu.memory_space<vmem>>, vector<1x16xi32>,
      %swap3A_524 = vector.shape_cast %swap3A_523 : vector<1x16xi32> to vector<16xi32>
      %swap3A_525 = vector.shape_cast %shift_right_logical3A_519 : vector<16xi32> to vector<1x16xi32>
      tpu.vector_store %arg7[%swap3A_521, %swap3A_522], %swap3A_525 {strides = array<i32>} : memref<2x128xi32, #tpu.memory_space<vmem>>, vector<1x16xi32>,
      %get3A_526 = arith.index_cast %add3A_393 : i32 to index
      %get3A_527 = arith.constant 96 : index
      %get3A_528 = tpu.vector_load %arg5[%get3A_526, %get3A_527] {strides = array<i32>} : memref<80x128xi32, #tpu.memory_space<vmem>>, vector<1x16xi32>,
      %get3A_529 = vector.shape_cast %get3A_528 : vector<1x16xi32> to vector<16xi32>
      %and3A_530 = arith.constant 65535 : i32
      %and3A_531 = vector.broadcast %and3A_530 : i32 to vector<16xi32>
      %and3A_532 = arith.andi %get3A_529, %and3A_531 : vector<16xi32>
      %swap3A_533 = arith.constant 1 : i32
      %swap3A_534 = arith.index_cast %swap3A_533 : i32 to index
      %swap3A_535 = arith.constant 96 : index
      %swap3A_536 = tpu.vector_load %arg6[%swap3A_534, %swap3A_535] {strides = array<i32>} : memref<2x128xi32, #tpu.memory_space<vmem>>, vector<1x16xi32>,
      %swap3A_537 = vector.shape_cast %swap3A_536 : vector<1x16xi32> to vector<16xi32>
      %swap3A_538 = vector.shape_cast %and3A_532 : vector<16xi32> to vector<1x16xi32>
      tpu.vector_store %arg6[%swap3A_534, %swap3A_535], %swap3A_538 {strides = array<i32>} : memref<2x128xi32, #tpu.memory_space<vmem>>, vector<1x16xi32>,
      %shift_right_logical3A_539 = arith.constant 16 : i32
      %shift_right_logical3A_540 = vector.broadcast %shift_right_logical3A_539 : i32 to vector<16xi32>
      %shift_right_logical3A_541 = arith.shrui %get3A_529, %shift_right_logical3A_540 : vector<16xi32>
      %swap3A_542 = arith.constant 1 : i32
      %swap3A_543 = arith.index_cast %swap3A_542 : i32 to index
      %swap3A_544 = arith.constant 96 : index
      %swap3A_545 = tpu.vector_load %arg7[%swap3A_543, %swap3A_544] {strides = array<i32>} : memref<2x128xi32, #tpu.memory_space<vmem>>, vector<1x16xi32>,
      %swap3A_546 = vector.shape_cast %swap3A_545 : vector<1x16xi32> to vector<16xi32>
      %swap3A_547 = vector.shape_cast %shift_right_logical3A_541 : vector<16xi32> to vector<1x16xi32>
      tpu.vector_store %arg7[%swap3A_543, %swap3A_544], %swap3A_547 {strides = array<i32>} : memref<2x128xi32, #tpu.memory_space<vmem>>, vector<1x16xi32>,
      %get3A_548 = arith.index_cast %add3A_393 : i32 to index
      %get3A_549 = arith.constant 112 : index
      %get3A_550 = tpu.vector_load %arg5[%get3A_548, %get3A_549] {strides = array<i32>} : memref<80x128xi32, #tpu.memory_space<vmem>>, vector<1x16xi32>,
      %get3A_551 = vector.shape_cast %get3A_550 : vector<1x16xi32> to vector<16xi32>
      %and3A_552 = arith.constant 65535 : i32
      %and3A_553 = vector.broadcast %and3A_552 : i32 to vector<16xi32>
      %and3A_554 = arith.andi %get3A_551, %and3A_553 : vector<16xi32>
      %swap3A_555 = arith.constant 1 : i32
      %swap3A_556 = arith.index_cast %swap3A_555 : i32 to index
      %swap3A_557 = arith.constant 112 : index
      %swap3A_558 = tpu.vector_load %arg6[%swap3A_556, %swap3A_557] {strides = array<i32>} : memref<2x128xi32, #tpu.memory_space<vmem>>, vector<1x16xi32>,
      %swap3A_559 = vector.shape_cast %swap3A_558 : vector<1x16xi32> to vector<16xi32>
      %swap3A_560 = vector.shape_cast %and3A_554 : vector<16xi32> to vector<1x16xi32>
      tpu.vector_store %arg6[%swap3A_556, %swap3A_557], %swap3A_560 {strides = array<i32>} : memref<2x128xi32, #tpu.memory_space<vmem>>, vector<1x16xi32>,
      %shift_right_logical3A_561 = arith.constant 16 : i32
      %shift_right_logical3A_562 = vector.broadcast %shift_right_logical3A_561 : i32 to vector<16xi32>
      %shift_right_logical3A_563 = arith.shrui %get3A_551, %shift_right_logical3A_562 : vector<16xi32>
      %swap3A_564 = arith.constant 1 : i32
      %swap3A_565 = arith.index_cast %swap3A_564 : i32 to index
      %swap3A_566 = arith.constant 112 : index
      %swap3A_567 = tpu.vector_load %arg7[%swap3A_565, %swap3A_566] {strides = array<i32>} : memref<2x128xi32, #tpu.memory_space<vmem>>, vector<1x16xi32>,
      %swap3A_568 = vector.shape_cast %swap3A_567 : vector<1x16xi32> to vector<16xi32>
      %swap3A_569 = vector.shape_cast %shift_right_logical3A_563 : vector<16xi32> to vector<1x16xi32>
      tpu.vector_store %arg7[%swap3A_565, %swap3A_566], %swap3A_569 {strides = array<i32>} : memref<2x128xi32, #tpu.memory_space<vmem>>, vector<1x16xi32>,
      %dma_start3A_570 = arith.constant 1 : i32
      %dma_start3A_571 = arith.constant 0 : i32
      %dma_start3A_572 = tpu.memref_slice %arg6[%dma_start3A_570, %dma_start3A_571] : memref<2x128xi32, #tpu.memory_space<vmem>> -> memref<1x128xi32, #tpu.memory_space<vmem>>
      %dma_start3A_573 = tpu.memref_squeeze %dma_start3A_572 : memref<1x128xi32, #tpu.memory_space<vmem>> -> memref<128xi32, #tpu.memory_space<vmem>>
      %dma_start3A_574 = arith.constant 0 : i32
      %dma_start3A_575 = arith.constant 0 : i32
      %dma_start3A_576 = tpu.memref_slice %arg2[%dma_start3A_574, %dma_start3A_575] : memref<10000x128xf32, #tpu.memory_space<hbm>> -> memref<10000x128xf32, #tpu.memory_space<hbm>>
      tpu.enqueue_indirect_dma source(%dma_start3A_576 : memref<10000x128xf32, #tpu.memory_space<hbm>>) target(%arg9 : memref<128x128xf32, #tpu.memory_space<vmem>>) offsets(%dma_start3A_573 : memref<128xi32, #tpu.memory_space<vmem>>) semaphore(%arg12 : memref<!tpu.dma_semaphore, #tpu.memory_space<semaphore_mem>>)
      %dma_wait3A_577 = arith.constant 0 : i32
      %dma_wait3A_578 = arith.constant 0 : i32
      %dma_wait3A_579 = tpu.memref_slice %arg6[%dma_wait3A_577, %dma_wait3A_578] : memref<2x128xi32, #tpu.memory_space<vmem>> -> memref<1x128xi32, #tpu.memory_space<vmem>>
      %dma_wait3A_580 = tpu.memref_squeeze %dma_wait3A_579 : memref<1x128xi32, #tpu.memory_space<vmem>> -> memref<128xi32, #tpu.memory_space<vmem>>
      %dma_wait3A_581 = arith.constant 0 : i32
      %dma_wait3A_582 = arith.constant 0 : i32
      %dma_wait3A_583 = tpu.memref_slice %arg2[%dma_wait3A_581, %dma_wait3A_582] : memref<10000x128xf32, #tpu.memory_space<hbm>> -> memref<10000x128xf32, #tpu.memory_space<hbm>>
      tpu.wait_indirect_dma semaphore(%arg11 : memref<!tpu.dma_semaphore, #tpu.memory_space<semaphore_mem>>) src(%dma_wait3A_583 : memref<10000x128xf32, #tpu.memory_space<hbm>>) dst(%arg8 : memref<128x128xf32, #tpu.memory_space<vmem>>)
      %run_scoped3A = arith.constant 0 : i32
      "tpu.region"() ({
        %run_scoped3A_595 = tpu.sem_alloc : memref<!tpu.dma_semaphore, #tpu.memory_space<semaphore_mem>>
        %dma_start3A_596 = arith.constant 0 : i32
        %dma_start3A_597 = tpu.memref_slice %arg7[%run_scoped3A, %dma_start3A_596] : memref<2x128xi32, #tpu.memory_space<vmem>> -> memref<1x128xi32, #tpu.memory_space<vmem>>
        %dma_start3A_598 = tpu.memref_squeeze %dma_start3A_597 : memref<1x128xi32, #tpu.memory_space<vmem>> -> memref<128xi32, #tpu.memory_space<vmem>>
        %dma_start3A_599 = arith.constant 0 : i32
        %dma_start3A_600 = arith.constant 0 : i32
        %dma_start3A_601 = tpu.memref_slice %arg10[%dma_start3A_599, %dma_start3A_600] : memref<10240x128xf32, #tpu.memory_space<vmem_shared>> -> memref<10240x128xf32, #tpu.memory_space<vmem_shared>>
        tpu.enqueue_indirect_dma source(%arg8 : memref<128x128xf32, #tpu.memory_space<vmem>>) target(%dma_start3A_601 : memref<10240x128xf32, #tpu.memory_space<vmem_shared>>) offsets(%dma_start3A_598 : memref<128xi32, #tpu.memory_space<vmem>>) semaphore(%run_scoped3A_595 : memref<!tpu.dma_semaphore, #tpu.memory_space<semaphore_mem>>) {add = true}
        %dma_wait3A_602 = arith.constant 0 : i32
        %dma_wait3A_603 = tpu.memref_slice %arg7[%run_scoped3A, %dma_wait3A_602] : memref<2x128xi32, #tpu.memory_space<vmem>> -> memref<1x128xi32, #tpu.memory_space<vmem>>
        %dma_wait3A_604 = tpu.memref_squeeze %dma_wait3A_603 : memref<1x128xi32, #tpu.memory_space<vmem>> -> memref<128xi32, #tpu.memory_space<vmem>>
        %dma_wait3A_605 = arith.constant 0 : i32
        %dma_wait3A_606 = arith.constant 0 : i32
        %dma_wait3A_607 = tpu.memref_slice %arg10[%dma_wait3A_605, %dma_wait3A_606] : memref<10240x128xf32, #tpu.memory_space<vmem_shared>> -> memref<10240x128xf32, #tpu.memory_space<vmem_shared>>
        tpu.wait_indirect_dma semaphore(%run_scoped3A_595 : memref<!tpu.dma_semaphore, #tpu.memory_space<semaphore_mem>>) src(%arg8 : memref<128x128xf32, #tpu.memory_space<vmem>>) dst(%dma_wait3A_607 : memref<10240x128xf32, #tpu.memory_space<vmem_shared>>)
        tpu.yield
      }) : () -> ()
      %sub3A_584 = arith.constant 1 : i32
      %sub3A_585 = arith.subi %select_n3A_106, %sub3A_584 : i32
      %lt3A = arith.cmpi slt, %while3A_389, %sub3A_585 : i32
      %convert_element_type3A = arith.extui %lt3A : i1 to i32
      %cond3A = arith.constant 0 : i32
      %cond3A_586 = arith.cmpi ne, %convert_element_type3A, %cond3A : i32
      scf.if %cond3A_586 {
        %add3A_595 = arith.constant 2 : i32
        %add3A_596 = arith.addi %mul3A_391, %add3A_595 : i32
        %get3A_597 = arith.index_cast %add3A_596 : i32 to index
        %get3A_598 = arith.constant 0 : index
        %get3A_599 = tpu.vector_load %arg5[%get3A_597, %get3A_598] {strides = array<i32>} : memref<80x128xi32, #tpu.memory_space<vmem>>, vector<1x16xi32>,
        %get3A_600 = vector.shape_cast %get3A_599 : vector<1x16xi32> to vector<16xi32>
        %and3A_601 = arith.constant 65535 : i32
        %and3A_602 = vector.broadcast %and3A_601 : i32 to vector<16xi32>
        %and3A_603 = arith.andi %get3A_600, %and3A_602 : vector<16xi32>
        %swap3A_604 = arith.constant 0 : i32
        %swap3A_605 = arith.index_cast %swap3A_604 : i32 to index
        %swap3A_606 = arith.constant 0 : index
        %swap3A_607 = tpu.vector_load %arg6[%swap3A_605, %swap3A_606] {strides = array<i32>} : memref<2x128xi32, #tpu.memory_space<vmem>>, vector<1x16xi32>,
        %swap3A_608 = vector.shape_cast %swap3A_607 : vector<1x16xi32> to vector<16xi32>
        %swap3A_609 = vector.shape_cast %and3A_603 : vector<16xi32> to vector<1x16xi32>
        tpu.vector_store %arg6[%swap3A_605, %swap3A_606], %swap3A_609 {strides = array<i32>} : memref<2x128xi32, #tpu.memory_space<vmem>>, vector<1x16xi32>,
        %shift_right_logical3A_610 = arith.constant 16 : i32
        %shift_right_logical3A_611 = vector.broadcast %shift_right_logical3A_610 : i32 to vector<16xi32>
        %shift_right_logical3A_612 = arith.shrui %get3A_600, %shift_right_logical3A_611 : vector<16xi32>
        %swap3A_613 = arith.constant 0 : i32
        %swap3A_614 = arith.index_cast %swap3A_613 : i32 to index
        %swap3A_615 = arith.constant 0 : index
        %swap3A_616 = tpu.vector_load %arg7[%swap3A_614, %swap3A_615] {strides = array<i32>} : memref<2x128xi32, #tpu.memory_space<vmem>>, vector<1x16xi32>,
        %swap3A_617 = vector.shape_cast %swap3A_616 : vector<1x16xi32> to vector<16xi32>
        %swap3A_618 = vector.shape_cast %shift_right_logical3A_612 : vector<16xi32> to vector<1x16xi32>
        tpu.vector_store %arg7[%swap3A_614, %swap3A_615], %swap3A_618 {strides = array<i32>} : memref<2x128xi32, #tpu.memory_space<vmem>>, vector<1x16xi32>,
        %get3A_619 = arith.index_cast %add3A_596 : i32 to index
        %get3A_620 = arith.constant 16 : index
        %get3A_621 = tpu.vector_load %arg5[%get3A_619, %get3A_620] {strides = array<i32>} : memref<80x128xi32, #tpu.memory_space<vmem>>, vector<1x16xi32>,
        %get3A_622 = vector.shape_cast %get3A_621 : vector<1x16xi32> to vector<16xi32>
        %and3A_623 = arith.constant 65535 : i32
        %and3A_624 = vector.broadcast %and3A_623 : i32 to vector<16xi32>
        %and3A_625 = arith.andi %get3A_622, %and3A_624 : vector<16xi32>
        %swap3A_626 = arith.constant 0 : i32
        %swap3A_627 = arith.index_cast %swap3A_626 : i32 to index
        %swap3A_628 = arith.constant 16 : index
        %swap3A_629 = tpu.vector_load %arg6[%swap3A_627, %swap3A_628] {strides = array<i32>} : memref<2x128xi32, #tpu.memory_space<vmem>>, vector<1x16xi32>,
        %swap3A_630 = vector.shape_cast %swap3A_629 : vector<1x16xi32> to vector<16xi32>
        %swap3A_631 = vector.shape_cast %and3A_625 : vector<16xi32> to vector<1x16xi32>
        tpu.vector_store %arg6[%swap3A_627, %swap3A_628], %swap3A_631 {strides = array<i32>} : memref<2x128xi32, #tpu.memory_space<vmem>>, vector<1x16xi32>,
        %shift_right_logical3A_632 = arith.constant 16 : i32
        %shift_right_logical3A_633 = vector.broadcast %shift_right_logical3A_632 : i32 to vector<16xi32>
        %shift_right_logical3A_634 = arith.shrui %get3A_622, %shift_right_logical3A_633 : vector<16xi32>
        %swap3A_635 = arith.constant 0 : i32
        %swap3A_636 = arith.index_cast %swap3A_635 : i32 to index
        %swap3A_637 = arith.constant 16 : index
        %swap3A_638 = tpu.vector_load %arg7[%swap3A_636, %swap3A_637] {strides = array<i32>} : memref<2x128xi32, #tpu.memory_space<vmem>>, vector<1x16xi32>,
        %swap3A_639 = vector.shape_cast %swap3A_638 : vector<1x16xi32> to vector<16xi32>
        %swap3A_640 = vector.shape_cast %shift_right_logical3A_634 : vector<16xi32> to vector<1x16xi32>
        tpu.vector_store %arg7[%swap3A_636, %swap3A_637], %swap3A_640 {strides = array<i32>} : memref<2x128xi32, #tpu.memory_space<vmem>>, vector<1x16xi32>,
        %get3A_641 = arith.index_cast %add3A_596 : i32 to index
        %get3A_642 = arith.constant 32 : index
        %get3A_643 = tpu.vector_load %arg5[%get3A_641, %get3A_642] {strides = array<i32>} : memref<80x128xi32, #tpu.memory_space<vmem>>, vector<1x16xi32>,
        %get3A_644 = vector.shape_cast %get3A_643 : vector<1x16xi32> to vector<16xi32>
        %and3A_645 = arith.constant 65535 : i32
        %and3A_646 = vector.broadcast %and3A_645 : i32 to vector<16xi32>
        %and3A_647 = arith.andi %get3A_644, %and3A_646 : vector<16xi32>
        %swap3A_648 = arith.constant 0 : i32
        %swap3A_649 = arith.index_cast %swap3A_648 : i32 to index
        %swap3A_650 = arith.constant 32 : index
        %swap3A_651 = tpu.vector_load %arg6[%swap3A_649, %swap3A_650] {strides = array<i32>} : memref<2x128xi32, #tpu.memory_space<vmem>>, vector<1x16xi32>,
        %swap3A_652 = vector.shape_cast %swap3A_651 : vector<1x16xi32> to vector<16xi32>
        %swap3A_653 = vector.shape_cast %and3A_647 : vector<16xi32> to vector<1x16xi32>
        tpu.vector_store %arg6[%swap3A_649, %swap3A_650], %swap3A_653 {strides = array<i32>} : memref<2x128xi32, #tpu.memory_space<vmem>>, vector<1x16xi32>,
        %shift_right_logical3A_654 = arith.constant 16 : i32
        %shift_right_logical3A_655 = vector.broadcast %shift_right_logical3A_654 : i32 to vector<16xi32>
        %shift_right_logical3A_656 = arith.shrui %get3A_644, %shift_right_logical3A_655 : vector<16xi32>
        %swap3A_657 = arith.constant 0 : i32
        %swap3A_658 = arith.index_cast %swap3A_657 : i32 to index
        %swap3A_659 = arith.constant 32 : index
        %swap3A_660 = tpu.vector_load %arg7[%swap3A_658, %swap3A_659] {strides = array<i32>} : memref<2x128xi32, #tpu.memory_space<vmem>>, vector<1x16xi32>,
        %swap3A_661 = vector.shape_cast %swap3A_660 : vector<1x16xi32> to vector<16xi32>
        %swap3A_662 = vector.shape_cast %shift_right_logical3A_656 : vector<16xi32> to vector<1x16xi32>
        tpu.vector_store %arg7[%swap3A_658, %swap3A_659], %swap3A_662 {strides = array<i32>} : memref<2x128xi32, #tpu.memory_space<vmem>>, vector<1x16xi32>,
        %get3A_663 = arith.index_cast %add3A_596 : i32 to index
        %get3A_664 = arith.constant 48 : index
        %get3A_665 = tpu.vector_load %arg5[%get3A_663, %get3A_664] {strides = array<i32>} : memref<80x128xi32, #tpu.memory_space<vmem>>, vector<1x16xi32>,
        %get3A_666 = vector.shape_cast %get3A_665 : vector<1x16xi32> to vector<16xi32>
        %and3A_667 = arith.constant 65535 : i32
        %and3A_668 = vector.broadcast %and3A_667 : i32 to vector<16xi32>
        %and3A_669 = arith.andi %get3A_666, %and3A_668 : vector<16xi32>
        %swap3A_670 = arith.constant 0 : i32
        %swap3A_671 = arith.index_cast %swap3A_670 : i32 to index
        %swap3A_672 = arith.constant 48 : index
        %swap3A_673 = tpu.vector_load %arg6[%swap3A_671, %swap3A_672] {strides = array<i32>} : memref<2x128xi32, #tpu.memory_space<vmem>>, vector<1x16xi32>,
        %swap3A_674 = vector.shape_cast %swap3A_673 : vector<1x16xi32> to vector<16xi32>
        %swap3A_675 = vector.shape_cast %and3A_669 : vector<16xi32> to vector<1x16xi32>
        tpu.vector_store %arg6[%swap3A_671, %swap3A_672], %swap3A_675 {strides = array<i32>} : memref<2x128xi32, #tpu.memory_space<vmem>>, vector<1x16xi32>,
        %shift_right_logical3A_676 = arith.constant 16 : i32
        %shift_right_logical3A_677 = vector.broadcast %shift_right_logical3A_676 : i32 to vector<16xi32>
        %shift_right_logical3A_678 = arith.shrui %get3A_666, %shift_right_logical3A_677 : vector<16xi32>
        %swap3A_679 = arith.constant 0 : i32
        %swap3A_680 = arith.index_cast %swap3A_679 : i32 to index
        %swap3A_681 = arith.constant 48 : index
        %swap3A_682 = tpu.vector_load %arg7[%swap3A_680, %swap3A_681] {strides = array<i32>} : memref<2x128xi32, #tpu.memory_space<vmem>>, vector<1x16xi32>,
        %swap3A_683 = vector.shape_cast %swap3A_682 : vector<1x16xi32> to vector<16xi32>
        %swap3A_684 = vector.shape_cast %shift_right_logical3A_678 : vector<16xi32> to vector<1x16xi32>
        tpu.vector_store %arg7[%swap3A_680, %swap3A_681], %swap3A_684 {strides = array<i32>} : memref<2x128xi32, #tpu.memory_space<vmem>>, vector<1x16xi32>,
        %get3A_685 = arith.index_cast %add3A_596 : i32 to index
        %get3A_686 = arith.constant 64 : index
        %get3A_687 = tpu.vector_load %arg5[%get3A_685, %get3A_686] {strides = array<i32>} : memref<80x128xi32, #tpu.memory_space<vmem>>, vector<1x16xi32>,
        %get3A_688 = vector.shape_cast %get3A_687 : vector<1x16xi32> to vector<16xi32>
        %and3A_689 = arith.constant 65535 : i32
        %and3A_690 = vector.broadcast %and3A_689 : i32 to vector<16xi32>
        %and3A_691 = arith.andi %get3A_688, %and3A_690 : vector<16xi32>
        %swap3A_692 = arith.constant 0 : i32
        %swap3A_693 = arith.index_cast %swap3A_692 : i32 to index
        %swap3A_694 = arith.constant 64 : index
        %swap3A_695 = tpu.vector_load %arg6[%swap3A_693, %swap3A_694] {strides = array<i32>} : memref<2x128xi32, #tpu.memory_space<vmem>>, vector<1x16xi32>,
        %swap3A_696 = vector.shape_cast %swap3A_695 : vector<1x16xi32> to vector<16xi32>
        %swap3A_697 = vector.shape_cast %and3A_691 : vector<16xi32> to vector<1x16xi32>
        tpu.vector_store %arg6[%swap3A_693, %swap3A_694], %swap3A_697 {strides = array<i32>} : memref<2x128xi32, #tpu.memory_space<vmem>>, vector<1x16xi32>,
        %shift_right_logical3A_698 = arith.constant 16 : i32
        %shift_right_logical3A_699 = vector.broadcast %shift_right_logical3A_698 : i32 to vector<16xi32>
        %shift_right_logical3A_700 = arith.shrui %get3A_688, %shift_right_logical3A_699 : vector<16xi32>
        %swap3A_701 = arith.constant 0 : i32
        %swap3A_702 = arith.index_cast %swap3A_701 : i32 to index
        %swap3A_703 = arith.constant 64 : index
        %swap3A_704 = tpu.vector_load %arg7[%swap3A_702, %swap3A_703] {strides = array<i32>} : memref<2x128xi32, #tpu.memory_space<vmem>>, vector<1x16xi32>,
        %swap3A_705 = vector.shape_cast %swap3A_704 : vector<1x16xi32> to vector<16xi32>
        %swap3A_706 = vector.shape_cast %shift_right_logical3A_700 : vector<16xi32> to vector<1x16xi32>
        tpu.vector_store %arg7[%swap3A_702, %swap3A_703], %swap3A_706 {strides = array<i32>} : memref<2x128xi32, #tpu.memory_space<vmem>>, vector<1x16xi32>,
        %get3A_707 = arith.index_cast %add3A_596 : i32 to index
        %get3A_708 = arith.constant 80 : index
        %get3A_709 = tpu.vector_load %arg5[%get3A_707, %get3A_708] {strides = array<i32>} : memref<80x128xi32, #tpu.memory_space<vmem>>, vector<1x16xi32>,
        %get3A_710 = vector.shape_cast %get3A_709 : vector<1x16xi32> to vector<16xi32>
        %and3A_711 = arith.constant 65535 : i32
        %and3A_712 = vector.broadcast %and3A_711 : i32 to vector<16xi32>
        %and3A_713 = arith.andi %get3A_710, %and3A_712 : vector<16xi32>
        %swap3A_714 = arith.constant 0 : i32
        %swap3A_715 = arith.index_cast %swap3A_714 : i32 to index
        %swap3A_716 = arith.constant 80 : index
        %swap3A_717 = tpu.vector_load %arg6[%swap3A_715, %swap3A_716] {strides = array<i32>} : memref<2x128xi32, #tpu.memory_space<vmem>>, vector<1x16xi32>,
        %swap3A_718 = vector.shape_cast %swap3A_717 : vector<1x16xi32> to vector<16xi32>
        %swap3A_719 = vector.shape_cast %and3A_713 : vector<16xi32> to vector<1x16xi32>
        tpu.vector_store %arg6[%swap3A_715, %swap3A_716], %swap3A_719 {strides = array<i32>} : memref<2x128xi32, #tpu.memory_space<vmem>>, vector<1x16xi32>,
        %shift_right_logical3A_720 = arith.constant 16 : i32
        %shift_right_logical3A_721 = vector.broadcast %shift_right_logical3A_720 : i32 to vector<16xi32>
        %shift_right_logical3A_722 = arith.shrui %get3A_710, %shift_right_logical3A_721 : vector<16xi32>
        %swap3A_723 = arith.constant 0 : i32
        %swap3A_724 = arith.index_cast %swap3A_723 : i32 to index
        %swap3A_725 = arith.constant 80 : index
        %swap3A_726 = tpu.vector_load %arg7[%swap3A_724, %swap3A_725] {strides = array<i32>} : memref<2x128xi32, #tpu.memory_space<vmem>>, vector<1x16xi32>,
        %swap3A_727 = vector.shape_cast %swap3A_726 : vector<1x16xi32> to vector<16xi32>
        %swap3A_728 = vector.shape_cast %shift_right_logical3A_722 : vector<16xi32> to vector<1x16xi32>
        tpu.vector_store %arg7[%swap3A_724, %swap3A_725], %swap3A_728 {strides = array<i32>} : memref<2x128xi32, #tpu.memory_space<vmem>>, vector<1x16xi32>,
        %get3A_729 = arith.index_cast %add3A_596 : i32 to index
        %get3A_730 = arith.constant 96 : index
        %get3A_731 = tpu.vector_load %arg5[%get3A_729, %get3A_730] {strides = array<i32>} : memref<80x128xi32, #tpu.memory_space<vmem>>, vector<1x16xi32>,
        %get3A_732 = vector.shape_cast %get3A_731 : vector<1x16xi32> to vector<16xi32>
        %and3A_733 = arith.constant 65535 : i32
        %and3A_734 = vector.broadcast %and3A_733 : i32 to vector<16xi32>
        %and3A_735 = arith.andi %get3A_732, %and3A_734 : vector<16xi32>
        %swap3A_736 = arith.constant 0 : i32
        %swap3A_737 = arith.index_cast %swap3A_736 : i32 to index
        %swap3A_738 = arith.constant 96 : index
        %swap3A_739 = tpu.vector_load %arg6[%swap3A_737, %swap3A_738] {strides = array<i32>} : memref<2x128xi32, #tpu.memory_space<vmem>>, vector<1x16xi32>,
        %swap3A_740 = vector.shape_cast %swap3A_739 : vector<1x16xi32> to vector<16xi32>
        %swap3A_741 = vector.shape_cast %and3A_735 : vector<16xi32> to vector<1x16xi32>
        tpu.vector_store %arg6[%swap3A_737, %swap3A_738], %swap3A_741 {strides = array<i32>} : memref<2x128xi32, #tpu.memory_space<vmem>>, vector<1x16xi32>,
        %shift_right_logical3A_742 = arith.constant 16 : i32
        %shift_right_logical3A_743 = vector.broadcast %shift_right_logical3A_742 : i32 to vector<16xi32>
        %shift_right_logical3A_744 = arith.shrui %get3A_732, %shift_right_logical3A_743 : vector<16xi32>
        %swap3A_745 = arith.constant 0 : i32
        %swap3A_746 = arith.index_cast %swap3A_745 : i32 to index
        %swap3A_747 = arith.constant 96 : index
        %swap3A_748 = tpu.vector_load %arg7[%swap3A_746, %swap3A_747] {strides = array<i32>} : memref<2x128xi32, #tpu.memory_space<vmem>>, vector<1x16xi32>,
        %swap3A_749 = vector.shape_cast %swap3A_748 : vector<1x16xi32> to vector<16xi32>
        %swap3A_750 = vector.shape_cast %shift_right_logical3A_744 : vector<16xi32> to vector<1x16xi32>
        tpu.vector_store %arg7[%swap3A_746, %swap3A_747], %swap3A_750 {strides = array<i32>} : memref<2x128xi32, #tpu.memory_space<vmem>>, vector<1x16xi32>,
        %get3A_751 = arith.index_cast %add3A_596 : i32 to index
        %get3A_752 = arith.constant 112 : index
        %get3A_753 = tpu.vector_load %arg5[%get3A_751, %get3A_752] {strides = array<i32>} : memref<80x128xi32, #tpu.memory_space<vmem>>, vector<1x16xi32>,
        %get3A_754 = vector.shape_cast %get3A_753 : vector<1x16xi32> to vector<16xi32>
        %and3A_755 = arith.constant 65535 : i32
        %and3A_756 = vector.broadcast %and3A_755 : i32 to vector<16xi32>
        %and3A_757 = arith.andi %get3A_754, %and3A_756 : vector<16xi32>
        %swap3A_758 = arith.constant 0 : i32
        %swap3A_759 = arith.index_cast %swap3A_758 : i32 to index
        %swap3A_760 = arith.constant 112 : index
        %swap3A_761 = tpu.vector_load %arg6[%swap3A_759, %swap3A_760] {strides = array<i32>} : memref<2x128xi32, #tpu.memory_space<vmem>>, vector<1x16xi32>,
        %swap3A_762 = vector.shape_cast %swap3A_761 : vector<1x16xi32> to vector<16xi32>
        %swap3A_763 = vector.shape_cast %and3A_757 : vector<16xi32> to vector<1x16xi32>
        tpu.vector_store %arg6[%swap3A_759, %swap3A_760], %swap3A_763 {strides = array<i32>} : memref<2x128xi32, #tpu.memory_space<vmem>>, vector<1x16xi32>,
        %shift_right_logical3A_764 = arith.constant 16 : i32
        %shift_right_logical3A_765 = vector.broadcast %shift_right_logical3A_764 : i32 to vector<16xi32>
        %shift_right_logical3A_766 = arith.shrui %get3A_754, %shift_right_logical3A_765 : vector<16xi32>
        %swap3A_767 = arith.constant 0 : i32
        %swap3A_768 = arith.index_cast %swap3A_767 : i32 to index
        %swap3A_769 = arith.constant 112 : index
        %swap3A_770 = tpu.vector_load %arg7[%swap3A_768, %swap3A_769] {strides = array<i32>} : memref<2x128xi32, #tpu.memory_space<vmem>>, vector<1x16xi32>,
        %swap3A_771 = vector.shape_cast %swap3A_770 : vector<1x16xi32> to vector<16xi32>
        %swap3A_772 = vector.shape_cast %shift_right_logical3A_766 : vector<16xi32> to vector<1x16xi32>
        tpu.vector_store %arg7[%swap3A_768, %swap3A_769], %swap3A_772 {strides = array<i32>} : memref<2x128xi32, #tpu.memory_space<vmem>>, vector<1x16xi32>,
        %dma_start3A_773 = arith.constant 0 : i32
        %dma_start3A_774 = arith.constant 0 : i32
        %dma_start3A_775 = tpu.memref_slice %arg6[%dma_start3A_773, %dma_start3A_774] : memref<2x128xi32, #tpu.memory_space<vmem>> -> memref<1x128xi32, #tpu.memory_space<vmem>>
        %dma_start3A_776 = tpu.memref_squeeze %dma_start3A_775 : memref<1x128xi32, #tpu.memory_space<vmem>> -> memref<128xi32, #tpu.memory_space<vmem>>
        %dma_start3A_777 = arith.constant 0 : i32
        %dma_start3A_778 = arith.constant 0 : i32
        %dma_start3A_779 = tpu.memref_slice %arg2[%dma_start3A_777, %dma_start3A_778] : memref<10000x128xf32, #tpu.memory_space<hbm>> -> memref<10000x128xf32, #tpu.memory_space<hbm>>
        tpu.enqueue_indirect_dma source(%dma_start3A_779 : memref<10000x128xf32, #tpu.memory_space<hbm>>) target(%arg8 : memref<128x128xf32, #tpu.memory_space<vmem>>) offsets(%dma_start3A_776 : memref<128xi32, #tpu.memory_space<vmem>>) semaphore(%arg11 : memref<!tpu.dma_semaphore, #tpu.memory_space<semaphore_mem>>)
      } else {
      }
      %dma_wait3A_587 = arith.constant 1 : i32
      %dma_wait3A_588 = arith.constant 0 : i32
      %dma_wait3A_589 = tpu.memref_slice %arg6[%dma_wait3A_587, %dma_wait3A_588] : memref<2x128xi32, #tpu.memory_space<vmem>> -> memref<1x128xi32, #tpu.memory_space<vmem>>
      %dma_wait3A_590 = tpu.memref_squeeze %dma_wait3A_589 : memref<1x128xi32, #tpu.memory_space<vmem>> -> memref<128xi32, #tpu.memory_space<vmem>>
      %dma_wait3A_591 = arith.constant 0 : i32
      %dma_wait3A_592 = arith.constant 0 : i32
      %dma_wait3A_593 = tpu.memref_slice %arg2[%dma_wait3A_591, %dma_wait3A_592] : memref<10000x128xf32, #tpu.memory_space<hbm>> -> memref<10000x128xf32, #tpu.memory_space<hbm>>
      tpu.wait_indirect_dma semaphore(%arg12 : memref<!tpu.dma_semaphore, #tpu.memory_space<semaphore_mem>>) src(%dma_wait3A_593 : memref<10000x128xf32, #tpu.memory_space<hbm>>) dst(%arg9 : memref<128x128xf32, #tpu.memory_space<vmem>>)
      %run_scoped3A_594 = arith.constant 1 : i32
      "tpu.region"() ({
        %run_scoped3A_595 = tpu.sem_alloc : memref<!tpu.dma_semaphore, #tpu.memory_space<semaphore_mem>>
        %dma_start3A_596 = arith.constant 0 : i32
        %dma_start3A_597 = tpu.memref_slice %arg7[%run_scoped3A_594, %dma_start3A_596] : memref<2x128xi32, #tpu.memory_space<vmem>> -> memref<1x128xi32, #tpu.memory_space<vmem>>
        %dma_start3A_598 = tpu.memref_squeeze %dma_start3A_597 : memref<1x128xi32, #tpu.memory_space<vmem>> -> memref<128xi32, #tpu.memory_space<vmem>>
        %dma_start3A_599 = arith.constant 0 : i32
        %dma_start3A_600 = arith.constant 0 : i32
        %dma_start3A_601 = tpu.memref_slice %arg10[%dma_start3A_599, %dma_start3A_600] : memref<10240x128xf32, #tpu.memory_space<vmem_shared>> -> memref<10240x128xf32, #tpu.memory_space<vmem_shared>>
        tpu.enqueue_indirect_dma source(%arg9 : memref<128x128xf32, #tpu.memory_space<vmem>>) target(%dma_start3A_601 : memref<10240x128xf32, #tpu.memory_space<vmem_shared>>) offsets(%dma_start3A_598 : memref<128xi32, #tpu.memory_space<vmem>>) semaphore(%run_scoped3A_595 : memref<!tpu.dma_semaphore, #tpu.memory_space<semaphore_mem>>) {add = true}
        %dma_wait3A_602 = arith.constant 0 : i32
        %dma_wait3A_603 = tpu.memref_slice %arg7[%run_scoped3A_594, %dma_wait3A_602] : memref<2x128xi32, #tpu.memory_space<vmem>> -> memref<1x128xi32, #tpu.memory_space<vmem>>
        %dma_wait3A_604 = tpu.memref_squeeze %dma_wait3A_603 : memref<1x128xi32, #tpu.memory_space<vmem>> -> memref<128xi32, #tpu.memory_space<vmem>>
        %dma_wait3A_605 = arith.constant 0 : i32
        %dma_wait3A_606 = arith.constant 0 : i32
        %dma_wait3A_607 = tpu.memref_slice %arg10[%dma_wait3A_605, %dma_wait3A_606] : memref<10240x128xf32, #tpu.memory_space<vmem_shared>> -> memref<10240x128xf32, #tpu.memory_space<vmem_shared>>
        tpu.wait_indirect_dma semaphore(%run_scoped3A_595 : memref<!tpu.dma_semaphore, #tpu.memory_space<semaphore_mem>>) src(%arg9 : memref<128x128xf32, #tpu.memory_space<vmem>>) dst(%dma_wait3A_607 : memref<10240x128xf32, #tpu.memory_space<vmem_shared>>)
        tpu.yield
      }) : () -> ()
    }
    %barrier3A_304 = arith.constant 0 : index
    tpu.barrier barrier_id(%barrier3A_304)
    %mul3A_305 = arith.constant 640 : i32
    %mul3A_306 = arith.muli %arg1, %mul3A_305 : i32
    %add3A_307 = arith.constant 0 : i32
    %add3A_308 = arith.addi %mul3A_306, %add3A_307 : i32
    "tpu.region"() ({
      %run_scoped3A = tpu.sem_alloc : memref<!tpu.dma_semaphore, #tpu.memory_space<semaphore_mem>>
      %dma_start3A_389 = arith.constant 0 : i32
      %dma_start3A_390 = tpu.memref_slice %arg10[%add3A_308, %dma_start3A_389] : memref<10240x128xf32, #tpu.memory_space<vmem_shared>> -> memref<128x128xf32, #tpu.memory_space<vmem_shared>>
      %dma_start3A_391 = arith.constant 0 : i32
      %dma_start3A_392 = tpu.memref_slice %arg10[%add3A_308, %dma_start3A_391] : memref<10240x128xf32, #tpu.memory_space<vmem_shared>> -> memref<128x128xf32, #tpu.memory_space<vmem_shared>>
      tpu.enqueue_dma source(%dma_start3A_392 : memref<128x128xf32, #tpu.memory_space<vmem_shared>>) target(%arg8 : memref<128x128xf32, #tpu.memory_space<vmem>>) target_semaphore(%run_scoped3A : memref<!tpu.dma_semaphore, #tpu.memory_space<semaphore_mem>>)
      %dma_wait3A_393 = arith.constant 0 : i32
      %dma_wait3A_394 = tpu.memref_slice %arg10[%add3A_308, %dma_wait3A_393] : memref<10240x128xf32, #tpu.memory_space<vmem_shared>> -> memref<128x128xf32, #tpu.memory_space<vmem_shared>>
      %dma_wait3A_395 = arith.constant 0 : i32
      %dma_wait3A_396 = tpu.memref_slice %arg10[%add3A_308, %dma_wait3A_395] : memref<10240x128xf32, #tpu.memory_space<vmem_shared>> -> memref<128x128xf32, #tpu.memory_space<vmem_shared>>
      tpu.wait_dma2 semaphore(%run_scoped3A : memref<!tpu.dma_semaphore, #tpu.memory_space<semaphore_mem>>) src(%dma_wait3A_396 : memref<128x128xf32, #tpu.memory_space<vmem_shared>>) dst(%arg8 : memref<128x128xf32, #tpu.memory_space<vmem>>)
      tpu.yield
    }) : () -> ()
    %dma_start3A_309 = arith.constant 0 : i32
    %dma_start3A_310 = tpu.memref_slice %arg4[%arg0, %add3A_308, %dma_start3A_309] : memref<2x10240x128xf32, #tpu.memory_space<hbm>> -> memref<1x128x128xf32, #tpu.memory_space<hbm>>
    %dma_start3A_311 = tpu.memref_squeeze %dma_start3A_310 : memref<1x128x128xf32, #tpu.memory_space<hbm>> -> memref<128x128xf32, #tpu.memory_space<hbm>>
    %dma_start3A_312 = arith.constant 0 : i32
    %dma_start3A_313 = tpu.memref_slice %arg4[%arg0, %add3A_308, %dma_start3A_312] : memref<2x10240x128xf32, #tpu.memory_space<hbm>> -> memref<1x128x128xf32, #tpu.memory_space<hbm>>
    %dma_start3A_314 = tpu.memref_squeeze %dma_start3A_313 : memref<1x128x128xf32, #tpu.memory_space<hbm>> -> memref<128x128xf32, #tpu.memory_space<hbm>>
    tpu.enqueue_dma source(%arg8 : memref<128x128xf32, #tpu.memory_space<vmem>>) target(%dma_start3A_314 : memref<128x128xf32, #tpu.memory_space<hbm>>) target_semaphore(%arg11 : memref<!tpu.dma_semaphore, #tpu.memory_space<semaphore_mem>>)
    %mul3A_315 = arith.constant 640 : i32
    %mul3A_316 = arith.muli %arg1, %mul3A_315 : i32
    %add3A_317 = arith.constant 128 : i32
    %add3A_318 = arith.addi %mul3A_316, %add3A_317 : i32
    "tpu.region"() ({
      %run_scoped3A = tpu.sem_alloc : memref<!tpu.dma_semaphore, #tpu.memory_space<semaphore_mem>>
      %dma_start3A_389 = arith.constant 0 : i32
      %dma_start3A_390 = tpu.memref_slice %arg10[%add3A_318, %dma_start3A_389] : memref<10240x128xf32, #tpu.memory_space<vmem_shared>> -> memref<128x128xf32, #tpu.memory_space<vmem_shared>>
      %dma_start3A_391 = arith.constant 0 : i32
      %dma_start3A_392 = tpu.memref_slice %arg10[%add3A_318, %dma_start3A_391] : memref<10240x128xf32, #tpu.memory_space<vmem_shared>> -> memref<128x128xf32, #tpu.memory_space<vmem_shared>>
      tpu.enqueue_dma source(%dma_start3A_392 : memref<128x128xf32, #tpu.memory_space<vmem_shared>>) target(%arg9 : memref<128x128xf32, #tpu.memory_space<vmem>>) target_semaphore(%run_scoped3A : memref<!tpu.dma_semaphore, #tpu.memory_space<semaphore_mem>>)
      %dma_wait3A_393 = arith.constant 0 : i32
      %dma_wait3A_394 = tpu.memref_slice %arg10[%add3A_318, %dma_wait3A_393] : memref<10240x128xf32, #tpu.memory_space<vmem_shared>> -> memref<128x128xf32, #tpu.memory_space<vmem_shared>>
      %dma_wait3A_395 = arith.constant 0 : i32
      %dma_wait3A_396 = tpu.memref_slice %arg10[%add3A_318, %dma_wait3A_395] : memref<10240x128xf32, #tpu.memory_space<vmem_shared>> -> memref<128x128xf32, #tpu.memory_space<vmem_shared>>
      tpu.wait_dma2 semaphore(%run_scoped3A : memref<!tpu.dma_semaphore, #tpu.memory_space<semaphore_mem>>) src(%dma_wait3A_396 : memref<128x128xf32, #tpu.memory_space<vmem_shared>>) dst(%arg9 : memref<128x128xf32, #tpu.memory_space<vmem>>)
      tpu.yield
    }) : () -> ()
    %dma_start3A_319 = arith.constant 0 : i32
    %dma_start3A_320 = tpu.memref_slice %arg4[%arg0, %add3A_318, %dma_start3A_319] : memref<2x10240x128xf32, #tpu.memory_space<hbm>> -> memref<1x128x128xf32, #tpu.memory_space<hbm>>
    %dma_start3A_321 = tpu.memref_squeeze %dma_start3A_320 : memref<1x128x128xf32, #tpu.memory_space<hbm>> -> memref<128x128xf32, #tpu.memory_space<hbm>>
    %dma_start3A_322 = arith.constant 0 : i32
    %dma_start3A_323 = tpu.memref_slice %arg4[%arg0, %add3A_318, %dma_start3A_322] : memref<2x10240x128xf32, #tpu.memory_space<hbm>> -> memref<1x128x128xf32, #tpu.memory_space<hbm>>
    %dma_start3A_324 = tpu.memref_squeeze %dma_start3A_323 : memref<1x128x128xf32, #tpu.memory_space<hbm>> -> memref<128x128xf32, #tpu.memory_space<hbm>>
    tpu.enqueue_dma source(%arg9 : memref<128x128xf32, #tpu.memory_space<vmem>>) target(%dma_start3A_324 : memref<128x128xf32, #tpu.memory_space<hbm>>) target_semaphore(%arg12 : memref<!tpu.dma_semaphore, #tpu.memory_space<semaphore_mem>>)
    %mul3A_325 = arith.constant 640 : i32
    %mul3A_326 = arith.muli %arg1, %mul3A_325 : i32
    %add3A_327 = arith.constant 256 : i32
    %add3A_328 = arith.addi %mul3A_326, %add3A_327 : i32
    %dma_wait3A_329 = arith.constant 0 : i32
    %dma_wait3A_330 = tpu.memref_slice %arg4[%arg0, %add3A_328, %dma_wait3A_329] : memref<2x10240x128xf32, #tpu.memory_space<hbm>> -> memref<1x128x128xf32, #tpu.memory_space<hbm>>
    %dma_wait3A_331 = tpu.memref_squeeze %dma_wait3A_330 : memref<1x128x128xf32, #tpu.memory_space<hbm>> -> memref<128x128xf32, #tpu.memory_space<hbm>>
    %dma_wait3A_332 = arith.constant 0 : i32
    %dma_wait3A_333 = tpu.memref_slice %arg4[%arg0, %add3A_328, %dma_wait3A_332] : memref<2x10240x128xf32, #tpu.memory_space<hbm>> -> memref<1x128x128xf32, #tpu.memory_space<hbm>>
    %dma_wait3A_334 = tpu.memref_squeeze %dma_wait3A_333 : memref<1x128x128xf32, #tpu.memory_space<hbm>> -> memref<128x128xf32, #tpu.memory_space<hbm>>
    tpu.wait_dma2 semaphore(%arg11 : memref<!tpu.dma_semaphore, #tpu.memory_space<semaphore_mem>>) src(%arg8 : memref<128x128xf32, #tpu.memory_space<vmem>>) dst(%dma_wait3A_334 : memref<128x128xf32, #tpu.memory_space<hbm>>)
    "tpu.region"() ({
      %run_scoped3A = tpu.sem_alloc : memref<!tpu.dma_semaphore, #tpu.memory_space<semaphore_mem>>
      %dma_start3A_389 = arith.constant 0 : i32
      %dma_start3A_390 = tpu.memref_slice %arg10[%add3A_328, %dma_start3A_389] : memref<10240x128xf32, #tpu.memory_space<vmem_shared>> -> memref<128x128xf32, #tpu.memory_space<vmem_shared>>
      %dma_start3A_391 = arith.constant 0 : i32
      %dma_start3A_392 = tpu.memref_slice %arg10[%add3A_328, %dma_start3A_391] : memref<10240x128xf32, #tpu.memory_space<vmem_shared>> -> memref<128x128xf32, #tpu.memory_space<vmem_shared>>
      tpu.enqueue_dma source(%dma_start3A_392 : memref<128x128xf32, #tpu.memory_space<vmem_shared>>) target(%arg8 : memref<128x128xf32, #tpu.memory_space<vmem>>) target_semaphore(%run_scoped3A : memref<!tpu.dma_semaphore, #tpu.memory_space<semaphore_mem>>)
      %dma_wait3A_393 = arith.constant 0 : i32
      %dma_wait3A_394 = tpu.memref_slice %arg10[%add3A_328, %dma_wait3A_393] : memref<10240x128xf32, #tpu.memory_space<vmem_shared>> -> memref<128x128xf32, #tpu.memory_space<vmem_shared>>
      %dma_wait3A_395 = arith.constant 0 : i32
      %dma_wait3A_396 = tpu.memref_slice %arg10[%add3A_328, %dma_wait3A_395] : memref<10240x128xf32, #tpu.memory_space<vmem_shared>> -> memref<128x128xf32, #tpu.memory_space<vmem_shared>>
      tpu.wait_dma2 semaphore(%run_scoped3A : memref<!tpu.dma_semaphore, #tpu.memory_space<semaphore_mem>>) src(%dma_wait3A_396 : memref<128x128xf32, #tpu.memory_space<vmem_shared>>) dst(%arg8 : memref<128x128xf32, #tpu.memory_space<vmem>>)
      tpu.yield
    }) : () -> ()
    %dma_start3A_335 = arith.constant 0 : i32
    %dma_start3A_336 = tpu.memref_slice %arg4[%arg0, %add3A_328, %dma_start3A_335] : memref<2x10240x128xf32, #tpu.memory_space<hbm>> -> memref<1x128x128xf32, #tpu.memory_space<hbm>>
    %dma_start3A_337 = tpu.memref_squeeze %dma_start3A_336 : memref<1x128x128xf32, #tpu.memory_space<hbm>> -> memref<128x128xf32, #tpu.memory_space<hbm>>
    %dma_start3A_338 = arith.constant 0 : i32
    %dma_start3A_339 = tpu.memref_slice %arg4[%arg0, %add3A_328, %dma_start3A_338] : memref<2x10240x128xf32, #tpu.memory_space<hbm>> -> memref<1x128x128xf32, #tpu.memory_space<hbm>>
    %dma_start3A_340 = tpu.memref_squeeze %dma_start3A_339 : memref<1x128x128xf32, #tpu.memory_space<hbm>> -> memref<128x128xf32, #tpu.memory_space<hbm>>
    tpu.enqueue_dma source(%arg8 : memref<128x128xf32, #tpu.memory_space<vmem>>) target(%dma_start3A_340 : memref<128x128xf32, #tpu.memory_space<hbm>>) target_semaphore(%arg11 : memref<!tpu.dma_semaphore, #tpu.memory_space<semaphore_mem>>)
    %mul3A_341 = arith.constant 640 : i32
    %mul3A_342 = arith.muli %arg1, %mul3A_341 : i32
    %add3A_343 = arith.constant 384 : i32
    %add3A_344 = arith.addi %mul3A_342, %add3A_343 : i32
    %dma_wait3A_345 = arith.constant 0 : i32
    %dma_wait3A_346 = tpu.memref_slice %arg4[%arg0, %add3A_344, %dma_wait3A_345] : memref<2x10240x128xf32, #tpu.memory_space<hbm>> -> memref<1x128x128xf32, #tpu.memory_space<hbm>>
    %dma_wait3A_347 = tpu.memref_squeeze %dma_wait3A_346 : memref<1x128x128xf32, #tpu.memory_space<hbm>> -> memref<128x128xf32, #tpu.memory_space<hbm>>
    %dma_wait3A_348 = arith.constant 0 : i32
    %dma_wait3A_349 = tpu.memref_slice %arg4[%arg0, %add3A_344, %dma_wait3A_348] : memref<2x10240x128xf32, #tpu.memory_space<hbm>> -> memref<1x128x128xf32, #tpu.memory_space<hbm>>
    %dma_wait3A_350 = tpu.memref_squeeze %dma_wait3A_349 : memref<1x128x128xf32, #tpu.memory_space<hbm>> -> memref<128x128xf32, #tpu.memory_space<hbm>>
    tpu.wait_dma2 semaphore(%arg12 : memref<!tpu.dma_semaphore, #tpu.memory_space<semaphore_mem>>) src(%arg9 : memref<128x128xf32, #tpu.memory_space<vmem>>) dst(%dma_wait3A_350 : memref<128x128xf32, #tpu.memory_space<hbm>>)
    "tpu.region"() ({
      %run_scoped3A = tpu.sem_alloc : memref<!tpu.dma_semaphore, #tpu.memory_space<semaphore_mem>>
      %dma_start3A_389 = arith.constant 0 : i32
      %dma_start3A_390 = tpu.memref_slice %arg10[%add3A_344, %dma_start3A_389] : memref<10240x128xf32, #tpu.memory_space<vmem_shared>> -> memref<128x128xf32, #tpu.memory_space<vmem_shared>>
      %dma_start3A_391 = arith.constant 0 : i32
      %dma_start3A_392 = tpu.memref_slice %arg10[%add3A_344, %dma_start3A_391] : memref<10240x128xf32, #tpu.memory_space<vmem_shared>> -> memref<128x128xf32, #tpu.memory_space<vmem_shared>>
      tpu.enqueue_dma source(%dma_start3A_392 : memref<128x128xf32, #tpu.memory_space<vmem_shared>>) target(%arg9 : memref<128x128xf32, #tpu.memory_space<vmem>>) target_semaphore(%run_scoped3A : memref<!tpu.dma_semaphore, #tpu.memory_space<semaphore_mem>>)
      %dma_wait3A_393 = arith.constant 0 : i32
      %dma_wait3A_394 = tpu.memref_slice %arg10[%add3A_344, %dma_wait3A_393] : memref<10240x128xf32, #tpu.memory_space<vmem_shared>> -> memref<128x128xf32, #tpu.memory_space<vmem_shared>>
      %dma_wait3A_395 = arith.constant 0 : i32
      %dma_wait3A_396 = tpu.memref_slice %arg10[%add3A_344, %dma_wait3A_395] : memref<10240x128xf32, #tpu.memory_space<vmem_shared>> -> memref<128x128xf32, #tpu.memory_space<vmem_shared>>
      tpu.wait_dma2 semaphore(%run_scoped3A : memref<!tpu.dma_semaphore, #tpu.memory_space<semaphore_mem>>) src(%dma_wait3A_396 : memref<128x128xf32, #tpu.memory_space<vmem_shared>>) dst(%arg9 : memref<128x128xf32, #tpu.memory_space<vmem>>)
      tpu.yield
    }) : () -> ()
    %dma_start3A_351 = arith.constant 0 : i32
    %dma_start3A_352 = tpu.memref_slice %arg4[%arg0, %add3A_344, %dma_start3A_351] : memref<2x10240x128xf32, #tpu.memory_space<hbm>> -> memref<1x128x128xf32, #tpu.memory_space<hbm>>
    %dma_start3A_353 = tpu.memref_squeeze %dma_start3A_352 : memref<1x128x128xf32, #tpu.memory_space<hbm>> -> memref<128x128xf32, #tpu.memory_space<hbm>>
    %dma_start3A_354 = arith.constant 0 : i32
    %dma_start3A_355 = tpu.memref_slice %arg4[%arg0, %add3A_344, %dma_start3A_354] : memref<2x10240x128xf32, #tpu.memory_space<hbm>> -> memref<1x128x128xf32, #tpu.memory_space<hbm>>
    %dma_start3A_356 = tpu.memref_squeeze %dma_start3A_355 : memref<1x128x128xf32, #tpu.memory_space<hbm>> -> memref<128x128xf32, #tpu.memory_space<hbm>>
    tpu.enqueue_dma source(%arg9 : memref<128x128xf32, #tpu.memory_space<vmem>>) target(%dma_start3A_356 : memref<128x128xf32, #tpu.memory_space<hbm>>) target_semaphore(%arg12 : memref<!tpu.dma_semaphore, #tpu.memory_space<semaphore_mem>>)
    %mul3A_357 = arith.constant 640 : i32
    %mul3A_358 = arith.muli %arg1, %mul3A_357 : i32
    %add3A_359 = arith.constant 512 : i32
    %add3A_360 = arith.addi %mul3A_358, %add3A_359 : i32
    %dma_wait3A_361 = arith.constant 0 : i32
    %dma_wait3A_362 = tpu.memref_slice %arg4[%arg0, %add3A_360, %dma_wait3A_361] : memref<2x10240x128xf32, #tpu.memory_space<hbm>> -> memref<1x128x128xf32, #tpu.memory_space<hbm>>
    %dma_wait3A_363 = tpu.memref_squeeze %dma_wait3A_362 : memref<1x128x128xf32, #tpu.memory_space<hbm>> -> memref<128x128xf32, #tpu.memory_space<hbm>>
    %dma_wait3A_364 = arith.constant 0 : i32
    %dma_wait3A_365 = tpu.memref_slice %arg4[%arg0, %add3A_360, %dma_wait3A_364] : memref<2x10240x128xf32, #tpu.memory_space<hbm>> -> memref<1x128x128xf32, #tpu.memory_space<hbm>>
    %dma_wait3A_366 = tpu.memref_squeeze %dma_wait3A_365 : memref<1x128x128xf32, #tpu.memory_space<hbm>> -> memref<128x128xf32, #tpu.memory_space<hbm>>
    tpu.wait_dma2 semaphore(%arg11 : memref<!tpu.dma_semaphore, #tpu.memory_space<semaphore_mem>>) src(%arg8 : memref<128x128xf32, #tpu.memory_space<vmem>>) dst(%dma_wait3A_366 : memref<128x128xf32, #tpu.memory_space<hbm>>)
    "tpu.region"() ({
      %run_scoped3A = tpu.sem_alloc : memref<!tpu.dma_semaphore, #tpu.memory_space<semaphore_mem>>
      %dma_start3A_389 = arith.constant 0 : i32
      %dma_start3A_390 = tpu.memref_slice %arg10[%add3A_360, %dma_start3A_389] : memref<10240x128xf32, #tpu.memory_space<vmem_shared>> -> memref<128x128xf32, #tpu.memory_space<vmem_shared>>
      %dma_start3A_391 = arith.constant 0 : i32
      %dma_start3A_392 = tpu.memref_slice %arg10[%add3A_360, %dma_start3A_391] : memref<10240x128xf32, #tpu.memory_space<vmem_shared>> -> memref<128x128xf32, #tpu.memory_space<vmem_shared>>
      tpu.enqueue_dma source(%dma_start3A_392 : memref<128x128xf32, #tpu.memory_space<vmem_shared>>) target(%arg8 : memref<128x128xf32, #tpu.memory_space<vmem>>) target_semaphore(%run_scoped3A : memref<!tpu.dma_semaphore, #tpu.memory_space<semaphore_mem>>)
      %dma_wait3A_393 = arith.constant 0 : i32
      %dma_wait3A_394 = tpu.memref_slice %arg10[%add3A_360, %dma_wait3A_393] : memref<10240x128xf32, #tpu.memory_space<vmem_shared>> -> memref<128x128xf32, #tpu.memory_space<vmem_shared>>
      %dma_wait3A_395 = arith.constant 0 : i32
      %dma_wait3A_396 = tpu.memref_slice %arg10[%add3A_360, %dma_wait3A_395] : memref<10240x128xf32, #tpu.memory_space<vmem_shared>> -> memref<128x128xf32, #tpu.memory_space<vmem_shared>>
      tpu.wait_dma2 semaphore(%run_scoped3A : memref<!tpu.dma_semaphore, #tpu.memory_space<semaphore_mem>>) src(%dma_wait3A_396 : memref<128x128xf32, #tpu.memory_space<vmem_shared>>) dst(%arg8 : memref<128x128xf32, #tpu.memory_space<vmem>>)
      tpu.yield
    }) : () -> ()
    %dma_start3A_367 = arith.constant 0 : i32
    %dma_start3A_368 = tpu.memref_slice %arg4[%arg0, %add3A_360, %dma_start3A_367] : memref<2x10240x128xf32, #tpu.memory_space<hbm>> -> memref<1x128x128xf32, #tpu.memory_space<hbm>>
    %dma_start3A_369 = tpu.memref_squeeze %dma_start3A_368 : memref<1x128x128xf32, #tpu.memory_space<hbm>> -> memref<128x128xf32, #tpu.memory_space<hbm>>
    %dma_start3A_370 = arith.constant 0 : i32
    %dma_start3A_371 = tpu.memref_slice %arg4[%arg0, %add3A_360, %dma_start3A_370] : memref<2x10240x128xf32, #tpu.memory_space<hbm>> -> memref<1x128x128xf32, #tpu.memory_space<hbm>>
    %dma_start3A_372 = tpu.memref_squeeze %dma_start3A_371 : memref<1x128x128xf32, #tpu.memory_space<hbm>> -> memref<128x128xf32, #tpu.memory_space<hbm>>
    tpu.enqueue_dma source(%arg8 : memref<128x128xf32, #tpu.memory_space<vmem>>) target(%dma_start3A_372 : memref<128x128xf32, #tpu.memory_space<hbm>>) target_semaphore(%arg11 : memref<!tpu.dma_semaphore, #tpu.memory_space<semaphore_mem>>)
    %dma_wait3A_373 = arith.constant 0 : i32
    %dma_wait3A_374 = arith.constant 0 : i32
    %dma_wait3A_375 = tpu.memref_slice %arg4[%arg0, %dma_wait3A_373, %dma_wait3A_374] : memref<2x10240x128xf32, #tpu.memory_space<hbm>> -> memref<1x128x128xf32, #tpu.memory_space<hbm>>
    %dma_wait3A_376 = tpu.memref_squeeze %dma_wait3A_375 : memref<1x128x128xf32, #tpu.memory_space<hbm>> -> memref<128x128xf32, #tpu.memory_space<hbm>>
    %dma_wait3A_377 = arith.constant 0 : i32
    %dma_wait3A_378 = arith.constant 0 : i32
    %dma_wait3A_379 = tpu.memref_slice %arg4[%arg0, %dma_wait3A_377, %dma_wait3A_378] : memref<2x10240x128xf32, #tpu.memory_space<hbm>> -> memref<1x128x128xf32, #tpu.memory_space<hbm>>
    %dma_wait3A_380 = tpu.memref_squeeze %dma_wait3A_379 : memref<1x128x128xf32, #tpu.memory_space<hbm>> -> memref<128x128xf32, #tpu.memory_space<hbm>>
    tpu.wait_dma2 semaphore(%arg11 : memref<!tpu.dma_semaphore, #tpu.memory_space<semaphore_mem>>) src(%arg8 : memref<128x128xf32, #tpu.memory_space<vmem>>) dst(%dma_wait3A_380 : memref<128x128xf32, #tpu.memory_space<hbm>>)
    %dma_wait3A_381 = arith.constant 0 : i32
    %dma_wait3A_382 = arith.constant 0 : i32
    %dma_wait3A_383 = tpu.memref_slice %arg4[%arg0, %dma_wait3A_381, %dma_wait3A_382] : memref<2x10240x128xf32, #tpu.memory_space<hbm>> -> memref<1x128x128xf32, #tpu.memory_space<hbm>>
    %dma_wait3A_384 = tpu.memref_squeeze %dma_wait3A_383 : memref<1x128x128xf32, #tpu.memory_space<hbm>> -> memref<128x128xf32, #tpu.memory_space<hbm>>
    %dma_wait3A_385 = arith.constant 0 : i32
    %dma_wait3A_386 = arith.constant 0 : i32
    %dma_wait3A_387 = tpu.memref_slice %arg4[%arg0, %dma_wait3A_385, %dma_wait3A_386] : memref<2x10240x128xf32, #tpu.memory_space<hbm>> -> memref<1x128x128xf32, #tpu.memory_space<hbm>>
    %dma_wait3A_388 = tpu.memref_squeeze %dma_wait3A_387 : memref<1x128x128xf32, #tpu.memory_space<hbm>> -> memref<128x128xf32, #tpu.memory_space<hbm>>
    tpu.wait_dma2 semaphore(%arg12 : memref<!tpu.dma_semaphore, #tpu.memory_space<semaphore_mem>>) src(%arg9 : memref<128x128xf32, #tpu.memory_space<vmem>>) dst(%dma_wait3A_388 : memref<128x128xf32, #tpu.memory_space<hbm>>)
    return
  }
}

module attributes {stable_mosaic.version = 14 : i64} {
  func.func @_tc1_body(%arg0: i32, %arg1: memref<2000x1xf32, #tpu.memory_space<vmem>>, %arg2: memref<2000x128xf32, #tpu.memory_space<vmem>>, %arg3: memref<128x128xf32, #tpu.memory_space<vmem>>, %arg4: memref<2000x128xf32, #tpu.memory_space<vmem>>, %arg5: memref<2000x1xf32, #tpu.memory_space<vmem>>) attributes {dimension_semantics = [#tpu.dimension_semantics<arbitrary>], iteration_bounds = array<i64: 5>, scalar_prefetch = 0 : i64, scratch_operands = 0 : i64, tpu.core_type = #tpu.core_type<tc>, window_params = [{transform_indices = @transform_0, window_bounds = array<i64: 2000, 1>}, {transform_indices = @transform_1, window_bounds = array<i64: 2000, 128>}, {pipeline_mode = #tpu.pipeline_mode<synchronous>, transform_indices = @transform_2, window_bounds = array<i64: 128, 128>}, {transform_indices = @transform_3, window_bounds = array<i64: 2000, 128>}, {transform_indices = @transform_4, window_bounds = array<i64: 2000, 1>}]} {
    %get3A = arith.constant 0 : index
    %get3A_0 = arith.constant 0 : index
    %get3A_1 = vector.load %arg1[%get3A, %get3A_0] : memref<2000x1xf32, #tpu.memory_space<vmem>>, vector<2000x1xf32>
    %gt3A = arith.constant 0.000000e+00 : f32
    %gt3A_2 = vector.broadcast %gt3A : f32 to vector<2000x1xf32>
    %gt3A_3 = arith.cmpf ogt, %get3A_1, %gt3A_2 : vector<2000x1xf32>
    %rsqrt3A = math.rsqrt %get3A_1 : vector<2000x1xf32>
    %jit3A = arith.constant 0.000000e+00 : f32
    %broadcast_in_dim3A = vector.broadcast %jit3A : f32 to vector<2000x1xf32>
    %select_n3A = arith.select %gt3A_3, %rsqrt3A, %broadcast_in_dim3A : vector<2000x1xi1>, vector<2000x1xf32>
    %get3A_4 = arith.constant 0 : index
    %get3A_5 = arith.constant 0 : index
    %get3A_6 = vector.load %arg2[%get3A_4, %get3A_5] : memref<2000x128xf32, #tpu.memory_space<vmem>>, vector<2000x128xf32>
    %get3A_7 = arith.constant 0 : index
    %get3A_8 = arith.constant 0 : index
    %get3A_9 = vector.load %arg3[%get3A_7, %get3A_8] : memref<128x128xf32, #tpu.memory_space<vmem>>, vector<128x128xf32>
    %dot_general3A = arith.constant dense<0.000000e+00> : vector<2000x128xf32>
    %dot_general3A_10 = tpu.matmul %get3A_6, %get3A_9, %dot_general3A {dimension_numbers = #tpu.dot_dimension_numbers<[1], [0], [0], [1], [0, 0, 1, 1], [], []>, transpose_lhs_hint = false} : vector<2000x128xf32>, vector<128x128xf32>, vector<2000x128xf32> -> vector<2000x128xf32>
    %mul3A = vector.broadcast %select_n3A : vector<2000x1xf32> to vector<2000x128xf32>
    %mul3A_11 = arith.mulf %mul3A, %dot_general3A_10 : vector<2000x128xf32>
    %swap3A = arith.constant 0 : index
    %swap3A_12 = arith.constant 0 : index
    %swap3A_13 = vector.load %arg4[%swap3A, %swap3A_12] : memref<2000x128xf32, #tpu.memory_space<vmem>>, vector<2000x128xf32>
    tpu.vector_store %arg4[%swap3A, %swap3A_12], %mul3A_11 {strides = array<i32>} : memref<2000x128xf32, #tpu.memory_space<vmem>>, vector<2000x128xf32>,
    %swap3A_14 = arith.constant 0 : index
    %swap3A_15 = arith.constant 0 : index
    %swap3A_16 = vector.load %arg5[%swap3A_14, %swap3A_15] : memref<2000x1xf32, #tpu.memory_space<vmem>>, vector<2000x1xf32>
    tpu.vector_store %arg5[%swap3A_14, %swap3A_15], %select_n3A {strides = array<i32>} : memref<2000x1xf32, #tpu.memory_space<vmem>>, vector<2000x1xf32>,
    return
  }
  func.func @transform_0(%arg0: i32) -> (i32, i32) {
    %c0_i32 = arith.constant 0 : i32
    %c0_i32_0 = arith.constant 0 : i32
    return %arg0, %c0_i32 : i32, i32
  }
  func.func @transform_1(%arg0: i32) -> (i32, i32) {
    %c0_i32 = arith.constant 0 : i32
    %c0_i32_0 = arith.constant 0 : i32
    return %arg0, %c0_i32 : i32, i32
  }
  func.func @transform_2(%arg0: i32) -> (i32, i32) {
    %c0_i32 = arith.constant 0 : i32
    %c0_i32_0 = arith.constant 0 : i32
    %c0_i32_1 = arith.constant 0 : i32
    return %c0_i32, %c0_i32_0 : i32, i32
  }
  func.func @transform_3(%arg0: i32) -> (i32, i32) {
    %c0_i32 = arith.constant 0 : i32
    %c0_i32_0 = arith.constant 0 : i32
    return %arg0, %c0_i32 : i32, i32
  }
  func.func @transform_4(%arg0: i32) -> (i32, i32) {
    %c0_i32 = arith.constant 0 : i32
    %c0_i32_0 = arith.constant 0 : i32
    return %arg0, %c0_i32 : i32, i32
  }
}

module attributes {stable_mosaic.version = 14 : i64} {
  func.func @_tc2_body(%arg0: i32, %arg1: memref<2x2000x128xf32, #tpu.memory_space<vmem>>, %arg2: memref<2000x1xf32, #tpu.memory_space<vmem>>, %arg3: memref<1x128xf32, #tpu.memory_space<vmem>>, %arg4: memref<128x128xf32, #tpu.memory_space<vmem>>, %arg5: memref<2000x128xf32, #tpu.memory_space<vmem>>, %arg6: memref<2000x128xf32, #tpu.memory_space<vmem>>) attributes {dimension_semantics = [#tpu.dimension_semantics<arbitrary>], iteration_bounds = array<i64: 5>, scalar_prefetch = 0 : i64, scratch_operands = 0 : i64, tpu.core_type = #tpu.core_type<tc>, window_params = [{transform_indices = @transform_0, window_bounds = array<i64: 2, 2000, 128>}, {transform_indices = @transform_1, window_bounds = array<i64: 2000, 1>}, {pipeline_mode = #tpu.pipeline_mode<synchronous>, transform_indices = @transform_2, window_bounds = array<i64: 1, 128>}, {pipeline_mode = #tpu.pipeline_mode<synchronous>, transform_indices = @transform_3, window_bounds = array<i64: 128, 128>}, {transform_indices = @transform_4, window_bounds = array<i64: 2000, 128>}, {transform_indices = @transform_5, window_bounds = array<i64: 2000, 128>}]} {
    %get3A = arith.constant 0 : index
    %get3A_0 = arith.constant 0 : index
    %get3A_1 = vector.load %arg2[%get3A, %get3A_0] : memref<2000x1xf32, #tpu.memory_space<vmem>>, vector<2000x1xf32>
    %get3A_2 = arith.constant 0 : index
    %get3A_3 = arith.constant 0 : index
    %get3A_4 = arith.constant 0 : index
    %get3A_5 = vector.load %arg1[%get3A_2, %get3A_3, %get3A_4] : memref<2x2000x128xf32, #tpu.memory_space<vmem>>, vector<1x2000x128xf32>
    %get3A_6 = vector.shape_cast %get3A_5 : vector<1x2000x128xf32> to vector<2000x128xf32>
    %get3A_7 = arith.constant 1 : index
    %get3A_8 = arith.constant 0 : index
    %get3A_9 = arith.constant 0 : index
    %get3A_10 = vector.load %arg1[%get3A_7, %get3A_8, %get3A_9] : memref<2x2000x128xf32, #tpu.memory_space<vmem>>, vector<1x2000x128xf32>
    %get3A_11 = vector.shape_cast %get3A_10 : vector<1x2000x128xf32> to vector<2000x128xf32>
    %add3A = arith.addf %get3A_6, %get3A_11 : vector<2000x128xf32>
    %mul3A = vector.broadcast %get3A_1 : vector<2000x1xf32> to vector<2000x128xf32>
    %mul3A_12 = arith.mulf %mul3A, %add3A : vector<2000x128xf32>
    %get3A_13 = arith.constant 0 : index
    %get3A_14 = arith.constant 0 : index
    %get3A_15 = vector.load %arg3[%get3A_13, %get3A_14] : memref<1x128xf32, #tpu.memory_space<vmem>>, vector<1x128xf32>
    %add3A_16 = vector.broadcast %get3A_15 : vector<1x128xf32> to vector<2000x128xf32>
    %add3A_17 = arith.addf %mul3A_12, %add3A_16 : vector<2000x128xf32>
    %swap3A = arith.constant 0 : index
    %swap3A_18 = arith.constant 0 : index
    %swap3A_19 = vector.load %arg5[%swap3A, %swap3A_18] : memref<2000x128xf32, #tpu.memory_space<vmem>>, vector<2000x128xf32>
    tpu.vector_store %arg5[%swap3A, %swap3A_18], %add3A_17 {strides = array<i32>} : memref<2000x128xf32, #tpu.memory_space<vmem>>, vector<2000x128xf32>,
    %get3A_20 = arith.constant 0 : index
    %get3A_21 = arith.constant 0 : index
    %get3A_22 = vector.load %arg4[%get3A_20, %get3A_21] : memref<128x128xf32, #tpu.memory_space<vmem>>, vector<128x128xf32>
    %dot_general3A = arith.constant dense<0.000000e+00> : vector<2000x128xf32>
    %dot_general3A_23 = tpu.matmul %add3A_17, %get3A_22, %dot_general3A {dimension_numbers = #tpu.dot_dimension_numbers<[1], [0], [0], [1], [0, 0, 1, 1], [], []>, transpose_lhs_hint = false} : vector<2000x128xf32>, vector<128x128xf32>, vector<2000x128xf32> -> vector<2000x128xf32>
    %mul3A_24 = vector.broadcast %get3A_1 : vector<2000x1xf32> to vector<2000x128xf32>
    %mul3A_25 = arith.mulf %mul3A_24, %dot_general3A_23 : vector<2000x128xf32>
    %swap3A_26 = arith.constant 0 : index
    %swap3A_27 = arith.constant 0 : index
    %swap3A_28 = vector.load %arg6[%swap3A_26, %swap3A_27] : memref<2000x128xf32, #tpu.memory_space<vmem>>, vector<2000x128xf32>
    tpu.vector_store %arg6[%swap3A_26, %swap3A_27], %mul3A_25 {strides = array<i32>} : memref<2000x128xf32, #tpu.memory_space<vmem>>, vector<2000x128xf32>,
    return
  }
  func.func @transform_0(%arg0: i32) -> (i32, i32, i32) {
    %c0_i32 = arith.constant 0 : i32
    %c0_i32_0 = arith.constant 0 : i32
    %c0_i32_1 = arith.constant 0 : i32
    return %c0_i32, %arg0, %c0_i32_0 : i32, i32, i32
  }
  func.func @transform_1(%arg0: i32) -> (i32, i32) {
    %c0_i32 = arith.constant 0 : i32
    %c0_i32_0 = arith.constant 0 : i32
    return %arg0, %c0_i32 : i32, i32
  }
  func.func @transform_2(%arg0: i32) -> (i32, i32) {
    %c0_i32 = arith.constant 0 : i32
    %c0_i32_0 = arith.constant 0 : i32
    %c0_i32_1 = arith.constant 0 : i32
    return %c0_i32, %c0_i32_0 : i32, i32
  }
  func.func @transform_3(%arg0: i32) -> (i32, i32) {
    %c0_i32 = arith.constant 0 : i32
    %c0_i32_0 = arith.constant 0 : i32
    %c0_i32_1 = arith.constant 0 : i32
    return %c0_i32, %c0_i32_0 : i32, i32
  }
  func.func @transform_4(%arg0: i32) -> (i32, i32) {
    %c0_i32 = arith.constant 0 : i32
    %c0_i32_0 = arith.constant 0 : i32
    return %arg0, %c0_i32 : i32, i32
  }
  func.func @transform_5(%arg0: i32) -> (i32, i32) {
    %c0_i32 = arith.constant 0 : i32
    %c0_i32_0 = arith.constant 0 : i32
    return %arg0, %c0_i32 : i32, i32
  }
}

module attributes {stable_mosaic.version = 14 : i64} {
  func.func @_tc3_body(%arg0: i32, %arg1: memref<2x2000x128xf32, #tpu.memory_space<vmem>>, %arg2: memref<2000x1xf32, #tpu.memory_space<vmem>>, %arg3: memref<1x128xf32, #tpu.memory_space<vmem>>, %arg4: memref<2000x128xf32, #tpu.memory_space<vmem>>, %arg5: memref<2000x128xf32, #tpu.memory_space<vmem>>) attributes {dimension_semantics = [#tpu.dimension_semantics<arbitrary>], iteration_bounds = array<i64: 5>, scalar_prefetch = 0 : i64, scratch_operands = 0 : i64, tpu.core_type = #tpu.core_type<tc>, window_params = [{transform_indices = @transform_0, window_bounds = array<i64: 2, 2000, 128>}, {transform_indices = @transform_1, window_bounds = array<i64: 2000, 1>}, {pipeline_mode = #tpu.pipeline_mode<synchronous>, transform_indices = @transform_2, window_bounds = array<i64: 1, 128>}, {transform_indices = @transform_3, window_bounds = array<i64: 2000, 128>}, {transform_indices = @transform_4, window_bounds = array<i64: 2000, 128>}]} {
    %get3A = arith.constant 0 : index
    %get3A_0 = arith.constant 0 : index
    %get3A_1 = vector.load %arg2[%get3A, %get3A_0] : memref<2000x1xf32, #tpu.memory_space<vmem>>, vector<2000x1xf32>
    %get3A_2 = arith.constant 0 : index
    %get3A_3 = arith.constant 0 : index
    %get3A_4 = arith.constant 0 : index
    %get3A_5 = vector.load %arg1[%get3A_2, %get3A_3, %get3A_4] : memref<2x2000x128xf32, #tpu.memory_space<vmem>>, vector<1x2000x128xf32>
    %get3A_6 = vector.shape_cast %get3A_5 : vector<1x2000x128xf32> to vector<2000x128xf32>
    %get3A_7 = arith.constant 1 : index
    %get3A_8 = arith.constant 0 : index
    %get3A_9 = arith.constant 0 : index
    %get3A_10 = vector.load %arg1[%get3A_7, %get3A_8, %get3A_9] : memref<2x2000x128xf32, #tpu.memory_space<vmem>>, vector<1x2000x128xf32>
    %get3A_11 = vector.shape_cast %get3A_10 : vector<1x2000x128xf32> to vector<2000x128xf32>
    %add3A = arith.addf %get3A_6, %get3A_11 : vector<2000x128xf32>
    %mul3A = vector.broadcast %get3A_1 : vector<2000x1xf32> to vector<2000x128xf32>
    %mul3A_12 = arith.mulf %mul3A, %add3A : vector<2000x128xf32>
    %get3A_13 = arith.constant 0 : index
    %get3A_14 = arith.constant 0 : index
    %get3A_15 = vector.load %arg3[%get3A_13, %get3A_14] : memref<1x128xf32, #tpu.memory_space<vmem>>, vector<1x128xf32>
    %add3A_16 = vector.broadcast %get3A_15 : vector<1x128xf32> to vector<2000x128xf32>
    %add3A_17 = arith.addf %mul3A_12, %add3A_16 : vector<2000x128xf32>
    %swap3A = arith.constant 0 : index
    %swap3A_18 = arith.constant 0 : index
    %swap3A_19 = vector.load %arg4[%swap3A, %swap3A_18] : memref<2000x128xf32, #tpu.memory_space<vmem>>, vector<2000x128xf32>
    tpu.vector_store %arg4[%swap3A, %swap3A_18], %add3A_17 {strides = array<i32>} : memref<2000x128xf32, #tpu.memory_space<vmem>>, vector<2000x128xf32>,
    %swap3A_20 = arith.constant 0 : index
    %swap3A_21 = arith.constant 0 : index
    %swap3A_22 = vector.load %arg5[%swap3A_20, %swap3A_21] : memref<2000x128xf32, #tpu.memory_space<vmem>>, vector<2000x128xf32>
    tpu.vector_store %arg5[%swap3A_20, %swap3A_21], %add3A_17 {strides = array<i32>} : memref<2000x128xf32, #tpu.memory_space<vmem>>, vector<2000x128xf32>,
    return
  }
  func.func @transform_0(%arg0: i32) -> (i32, i32, i32) {
    %c0_i32 = arith.constant 0 : i32
    %c0_i32_0 = arith.constant 0 : i32
    %c0_i32_1 = arith.constant 0 : i32
    return %c0_i32, %arg0, %c0_i32_0 : i32, i32, i32
  }
  func.func @transform_1(%arg0: i32) -> (i32, i32) {
    %c0_i32 = arith.constant 0 : i32
    %c0_i32_0 = arith.constant 0 : i32
    return %arg0, %c0_i32 : i32, i32
  }
  func.func @transform_2(%arg0: i32) -> (i32, i32) {
    %c0_i32 = arith.constant 0 : i32
    %c0_i32_0 = arith.constant 0 : i32
    %c0_i32_1 = arith.constant 0 : i32
    return %c0_i32, %c0_i32_0 : i32, i32
  }
  func.func @transform_3(%arg0: i32) -> (i32, i32) {
    %c0_i32 = arith.constant 0 : i32
    %c0_i32_0 = arith.constant 0 : i32
    return %arg0, %c0_i32 : i32, i32
  }
  func.func @transform_4(%arg0: i32) -> (i32, i32) {
    %c0_i32 = arith.constant 0 : i32
    %c0_i32_0 = arith.constant 0 : i32
    return %arg0, %c0_i32 : i32, i32
  }
}

</mosaic_0001>

<sc_bundles>
// kernel: kernel.11.cloned.1.call-start
scs
__scs_entry_jumppad:
0x0: {  	(pc) =	sbr.rel $0x88, $3  }
0x1: {  	(tag) =	ssettag $0x0;
	lr =	simm.s32 $0x1  }
0x2: {  	[smem:$0x3F9B] =	sst lr;
	_ =	strace $0xD0000000  }
0x3: {  	_ = 	snop  }
0x4: {  	_ = 	snop  }
0x5: {  	_ = 	snop  }
0x6: {  	_ = 	snop  }
0x7: {  	_ = 	snop  }
__scs_overlays_trampoline_lowered:
0x8: {  	[smem:$0x3FAA] =	sst s0  }
0x9: {  	[smem:$0x3FAB] =	sst s1  }
0xa: {  	[smem:$0x3FAC] =	sst s2  }
0xb: {  	[smem:$0x3FAD] =	sst s3  }
0xc: {  	[smem:$0x3FAE] =	sst s4  }
0xd: {  	[smem:$0x3FAF] =	sst s5  }
0xe: {  	[smem:$0x3FB0] =	sst s6  }
0xf: {  	[smem:$0x3FB1] =	sst s7  }
0x10: {  	[smem:$0x3FB2] =	sst s8  }
0x11: {  	[smem:$0x3FB3] =	sst s9;
	s0 =	simm.s32 @!p0 $0x0  }
0x12: {  	s1 =	sld [smem:$0x3F99];
	s0 =	simm.s32 @p0 $0x1  }
0x13: {  	[smem:$0x3FB4] =	sst s0;
	s0 =	simm.s32 @!p1 $0x0  }
0x14: {  	s2 =	sld [smem:$0x3F98];
	s0 =	simm.s32 @p1 $0x1  }
0x15: {  	[smem:$0x3FB5] =	sst s0;
	s0 =	simm.s32 @!p2 $0x0  }
0x16: {  	s3 =	sld [smem:$0x3FDB];
	s0 =	simm.s32 @p2 $0x1  }
0x17: {  	s4 =	simm.s32 $0x1BF5;
	[smem:$0x3FB7] =	sst s0  }
0x18: {  	s0 =	sld [smem:$0x3F9A];
	_ =	swait.ge [sflag:s4], $0x0  }
0x19: {  	s7 =	sld [smem:$0x3F9B]  }
0x1a: {  	s8 =	sadd.s32 $0xFFFFE003, lr  }
0x1b: {  	s9 =	sadd.s32 $0xFFFFFEF7, lr;
	s5 =	simm.s32 $0xFFFFFFFF;
	p2 =	slt.u32 s8, $0xFFFFF086  }
0x1c: {  	p1 =	slt.u32 s9, $0xF7A;
	s5 =	simm.s32 @!p2 $0x0  }
0x1d: {  	s5 =	simm.s32 @p1 $0x1;
	p0 =	seq.s32 s7, s2  }
0x1e: {  	s7 =	smul.u32 @!p0 $0xF7A, s2;
	p2 =	seq.s32 @!p0 s5, $0x0  }
0x1f: {  	s9 =	smul.u32 $0xF7A, s1;
	s8 =	simm.s32 @!p0 $0x1BF5;
	p2 =	por !p2, p0  }
0x20: {  	[sflag:s8] =	ssyncset.s32 @!p0 $0xFFFFF086;
	s6 =	sadd.s32 @!p0 s3, s7;
	s7 =	simm.s32 @!p0 $0x108  }
0x21: {  	s3 =	sadd.s32 s3, s9;
	s6 =	sadd.s32 @!p0 $0x88, s6;
	s7 =	simm.s32 @p2 $0x1082  }
0x22: {  	[simem:s7], [sflag:s8] =	dma.local @!p0 [hbm:s6], $0xF7A  }
0x23: {  	s9 =	sor.u32 $0xD0000000, s2;
	s6 =	simm.s32 $0x108;
	_ =	swait.ge @!p0 [sflag:s8], $0x0  }
0x24: {  	s3 =	sadd.s32 $0x88, s3;
	s6 =	simm.s32 @!p1 $0x1082;
	[sflag:s4] =	ssyncset.s32 $0xFFFFF086  }
0x25: {  	[simem:s6], [sflag:s4] =	dma.local [hbm:s3], $0xF7A  }
0x26: {  	[smem:$0x3F9B] =	sst s1;
	(tag) =	ssettag s2;
	_ =	strace s9  }
0x27: {  	s1 =	sld [smem:$0x3FAB]  }
0x28: {  	s2 =	sld [smem:$0x3FAC]  }
0x29: {  	s4 =	sld [smem:$0x3FAE]  }
0x2a: {  	p0 =	seq.s32 s5, $0x0;
	s5 =	sld [smem:$0x3FAF]  }
0x2b: {  	s6 =	sld [smem:$0x3FB0]  }
0x2c: {  	s7 =	sld [smem:$0x3FB1]  }
0x2d: {  	s3 =	simm.s32 $0x108;
	s8 =	sld [smem:$0x3FB2]  }
0x2e: {  	s3 =	simm.s32 @!p0 $0x1082;
	s9 =	sld [smem:$0x3FB3]  }
0x2f: {  	lr =	sadd.s32 s0, s3;
	s0 =	sld [smem:$0x3FAA]  }
0x30: {  	s3 =	sld [smem:$0x3FAD]  }
0x31: {  	[smem:$0x3FB6] =	sst s10  }
0x32: {  	s10 =	sld [smem:$0x3FB4];
	_ =	sdelay $0x3  }
0x33: {  	p0 =	seq.s32 s10, $0x1;
	s10 =	sld [smem:$0x3FB6];
	_ =	sdelay $0x3  }
0x34: {  	[smem:$0x3FB6] =	sst s10  }
0x35: {  	s10 =	sld [smem:$0x3FB5];
	_ =	sdelay $0x3  }
0x36: {  	p1 =	seq.s32 s10, $0x1;
	s10 =	sld [smem:$0x3FB6];
	_ =	sdelay $0x3  }
0x37: {  	[smem:$0x3FB6] =	sst s10  }
0x38: {  	s10 =	sld [smem:$0x3FB7]  }
0x39: {  	_ = 	snop;
	(pc) =	sbr.ind lr, $3  }
0x3a: {  	_ = 	snop  }
0x3b: {  	_ = 	snop  }
0x3c: {  	p2 =	seq.s32 s10, $0x1;
	s10 =	sld [smem:$0x3FB6]  }
0x3d: {  	_ =	shalt  }
0x3e: {  	_ =	shalt  }
0x3f: {  	_ =	shalt  }
0x40: {  	_ =	shalt  }
0x41: {  	_ =	shalt  }
0x42: {  	_ =	shalt  }
0x43: {  	_ =	shalt  }
0x44: {  	_ =	shalt  }
0x45: {  	_ =	shalt  }
0x46: {  	_ =	shalt  }
0x47: {  	_ =	shalt  }
0x48: {  	_ =	shalt  }
0x49: {  	_ =	shalt  }
0x4a: {  	_ =	shalt  }
0x4b: {  	_ =	shalt  }
0x4c: {  	_ =	shalt  }
0x4d: {  	_ =	shalt  }
0x4e: {  	_ =	shalt  }
0x4f: {  	_ =	shalt  }
0x50: {  	_ =	shalt  }
0x51: {  	_ =	shalt  }
0x52: {  	_ =	shalt  }
0x53: {  	_ =	shalt  }
0x54: {  	_ =	shalt  }
0x55: {  	_ =	shalt  }
0x56: {  	_ =	shalt  }
0x57: {  	_ =	shalt  }
0x58: {  	_ =	shalt  }
0x59: {  	_ =	shalt  }
0x5a: {  	_ =	shalt  }
0x5b: {  	_ =	shalt  }
0x5c: {  	_ =	shalt  }
0x5d: {  	_ =	shalt  }
0x5e: {  	_ =	shalt  }
0x5f: {  	_ =	shalt  }
0x60: {  	_ =	shalt  }
0x61: {  	_ =	shalt  }
0x62: {  	_ =	shalt  }
0x63: {  	_ =	shalt  }
0x64: {  	_ =	shalt  }
0x65: {  	_ =	shalt  }
0x66: {  	_ =	shalt  }
0x67: {  	_ =	shalt  }
0x68: {  	_ =	shalt  }
0x69: {  	_ =	shalt  }
0x6a: {  	_ =	shalt  }
0x6b: {  	_ =	shalt  }
0x6c: {  	_ =	shalt  }
0x6d: {  	_ =	shalt  }
0x6e: {  	_ =	shalt  }
0x6f: {  	_ =	shalt  }
0x70: {  	_ =	shalt  }
0x71: {  	_ =	shalt  }
0x72: {  	_ =	shalt  }
0x73: {  	_ =	shalt  }
0x74: {  	_ =	shalt  }
0x75: {  	_ =	shalt  }
0x76: {  	_ =	shalt  }
0x77: {  	_ =	shalt  }
0x78: {  	_ =	shalt  }
0x79: {  	_ =	shalt  }
0x7a: {  	_ =	shalt  }
0x7b: {  	_ =	shalt  }
0x7c: {  	_ =	shalt  }
0x7d: {  	_ =	shalt  }
0x7e: {  	_ =	shalt  }
0x7f: {  	_ =	shalt  }
0x80: {  	_ =	shalt  }
0x81: {  	_ =	shalt  }
0x82: {  	_ =	shalt  }
0x83: {  	_ =	shalt  }
0x84: {  	_ =	shalt  }
0x85: {  	_ =	shalt  }
0x86: {  	_ =	shalt  }
0x87: {  	_ =	shalt  }
.Lfunc_end0:
.L_simem_size_0:
called_computation.1_lowered:
.L_overlay_start_0:
0x88: {  	s2 =	sld [smem:$0x3FD9]  }
0x89: {  	s3 =	sld [smem:$0x3FFE];
	_ =	sdelay $0x1  }
0x8a: {  	s1 =	srdreg.scid  }
0x8b: {  	s0 =	sand.u32 $0x1, s1  }
0x8c: {  	s14 =	sshll.u32 s0, $0xA;
	s2 =	sadd.s32 s3, s2  }
0x8d: {  	s2 =	sadd.s32 s2, s14  }
0x8e: {  	[smem:$0x3FC2] =	sst s2  }
0x8f: {  	_ = 	snop  }
0x90: {  	s2 =	sld [smem:$0x3FD0];
	_ =	sdelay $0x2  }
0x91: {  	s15 =	simm.s32 $0xA;
	s4 =	simm.s32 $0x10  }
0x92: {  	[smem:s4], [sflag:s15] =	dma.local [hbm:s2], $0x1  }
0x93: {  	_ =	swait.eq [sflag:s15], $0x1  }
0x94: {  	[sflag:s15] =	ssyncset.done $0x0  }
0x95: {  	s16 =	sld [smem:$0x11];
	[sflag:s15] =	ssyncadd.s32 $0xFFFFFFFF  }
0x96: {  	s17 =	sld [smem:$0x13];
	(tm) =	ssettm $0x1  }
0x97: {  	s18 =	sld [smem:$0x3FFB];
	_ =	sdelay $0x3  }
0x98: {  	_ =	strace s18  }
0x99: {  	s4 =	sld [smem:$0x3FFC];
	_ =	sdelay $0x3  }
0x9a: {  	_ =	strace s4  }
0x9b: {  	s4 =	sld [smem:$0x3FFD];
	_ =	sdelay $0x3  }
0x9c: {  	_ =	strace s4  }
0x9d: {  	_ =	strace $0x8FFFFFFF  }
0x9e: {  	s19 =	sld [smem:$0x3FDB];
	_ =	sdelay $0x1  }
0x9f: {  	s5 =	simm.s32 $_scs_section_size  }
0xa0: {  	s6 =	simm.s32 $_size__tile_overlayer_lowered;
	s7 =	simm.s32 $_tile_overlayer_lowered  }
0xa1: {  	s22 =	simm.s32 $0x1BFF;
	s21 =	sshll.u32 s7, $0x1;
	s4 =	sadd.s32 s5, s19  }
0xa2: {  	s8 =	simm.s32 $0x0;
	s20 =	sshll.u32 s6, $0x1;
	s6 =	sadd.s32 s21, s4  }
0xa3: {  	[timem:s8], [sflag:s22] =	dma.local [hbm:s6], s20  }
0xa4: {  	_ =	swait.ge [sflag:s22], s20  }
0xa5: {  	s5 =	ssub.s32 $0x0, s20;
	[sflag:s22] =	ssyncset.done $0x0  }
0xa6: {  	[sflag:s22] =	ssyncadd.s32 s5;
	_ =	sdelay $0x1  }
0xa7: {  	s23 =	simm.s32 $0x1B8B  }
0xa8: {  	_ =	swait.ge [sflag:s23], $0x1  }
0xa9: {  	[sflag:s23] =	ssyncset.done $0x0  }
0xaa: {  	s25 =	simm.s32 $0x1B8E;
	s24 =	sld [smem:$0x3FFE];
	[sflag:s23] =	ssyncadd.s32 $0xFFFFFFFF  }
0xab: {  	s26 =	simm.s32 $execute0_lowered;
	[smem:$0x3FD2] =	sst s25  }
0xac: {  	s6 =	sshll.u32 s26, $0x1;
	_ =	strace $0x80000049;
	[dreg:$0x1] =	wrdreg $0xFFFFFFFF  }
0xad: {  	s28 =	simm.s32 $_size_execute0_lowered;
	s4 =	sadd.s32 s4, s6;
	[dreg:$0x0] =	wrdreg $0x0  }
0xae: {  	s6 =	sshll.u32 s28, $0x1;
	[dreg:$0x2] =	wrdreg s4  }
0xaf: {  	[dreg:$0x3] =	wrdreg s6  }
0xb0: {  	[dreg:$0x4] =	wrdreg $0xC0  }
0xb1: {  	_ =	task [dreg:s8], $0x5FFFF  }
0xb2: {  	[dreg:$0x1] =	wrdreg $0xFFFFFFFF  }
0xb3: {  	[dreg:$0x0] =	wrdreg $0x60  }
0xb4: {  	[dreg:$0x2] =	wrdreg s16  }
0xb5: {  	[dreg:$0x3] =	wrdreg s17  }
0xb6: {  	[dreg:$0x4] =	wrdreg s24  }
0xb7: {  	[dreg:$0x5] =	wrdreg $0xAA000  }
0xb8: {  	[dreg:$0x6] =	wrdreg $0x9  }
0xb9: {  	_ =	task.clear_ibuf [dreg:s8], $0x7FFFF;
	_ =	strace $0x90000049  }
0xba: {  	s29 =	simm.s32 $0x9;
	_ =	strace $0x8000004B  }
0xbb: {  	_ =	swait.ge [sflag:s29], $0x1  }
0xbc: {  	[sflag:s29] =	ssyncadd.s32 $0xFFFFFFFF  }
0xbd: {  	_ =	strace $0x9000004B  }
0xbe: {  	_ =	sfence  }
0xbf: {  	s30 =	sld [smem:$0x0];
	_ =	sdelay $0x2  }
0xc0: {  	s31 =	sshll.u32 s1, $0xD;
	s1 =	sshrl.u32 s1, $0x2  }
0xc1: {  	s3 =	sand.u32 $0x4000, s31;
	s1 =	sadd.s32 s1, s30  }
0xc2: {  	s0 =	sor.u32 s3, s0;
	s1 =	sshll.u32 s1, $0x11  }
0xc3: {  	s0 =	sor.u32 s1, s0  }
0xc4: {  	s0 =	sadd.s32 $0x8F2B, s0  }
0xc5: {  	[sflag:s0] =	ssyncadd.remote.s32 $0x1  }
0xc6: {  	_ =	sfence.sel $0xFFFF  }
0xc7: {  	[dreg:$0x0] =	wrdreg $0xFFFFFFFF;
	(pc) =	sbr.abs _section_cstart, $3  }
0xc8: {  	[dreg:$0x1] =	wrdreg $0xFFFFFFFF  }
0xc9: {  	_ =	task.clear_ibuf [dreg:s8], $0x2FFFF;
	_ =	strace $0x9FFFFFFF  }
0xca: {  	(tm) =	ssettm $0x7FFFFFFF  }
0xcb: {  	_ =	shalt  }
tec
execute0_lowered:
.L_overlay_start_1:
0x0: {  	(tag) =	ssettag $0x1  }
0x1: {  	s1 =	rddreg [dreg:$0x0]  }
0x2: {  	s0 =	rddreg [dreg:$0x1]  }
0x3: {  	s3 =	rddreg [dreg:$0x2]  }
0x4: {  	s2 =	rddreg [dreg:$0x3];
	s4 =	simm.s32 $0x0  }
0x5: {  	s5 =	srdreg.scid;
	s11 =	stileid.u32;
	s19 =	simm.s32 $0x2A00  }
0x6: {  	s20 =	simm.s32 $0x1;
	s21 =	simm.s32 $0x2;
	s28 =	simm.s32 $0x3  }
0x7: {  	s29 =	simm.s32 $0x2980;
	s30 =	simm.s32 $0x0;
	s7 =	smul.u32 $0x500, s11  }
0x8: {  	[smem:$0x7FF] =	sst s4;
	s5 =	sand.u32 $0x1, s5;
	s9 =	smul.u32 $0x50000, s11  }
0x9: {  	s3 =	sadd.s32 $0x2E00, s3;
	s12 =	smul.u32 $0x14000, s11;
	p0 =	seq.s32 s11, $0xF  }
0xa: {  	s6 =	smul.u32 $0x4E00, s5;
	_ =	strace $0x8000004A;
	s8 =	ssub.s32 $0x2, s5  }
0xb: {  	s17 =	smul.u32 $0x140000, s5;
	s5 =	sshll.u32 s5, $0x1;
	s10 =	sshrl.u32 s8, $0x1  }
0xc: {  	s22 =	sshrl.u32 s9, $0x2;
	s23 =	sadd.s32 $0x4000, s12;
	s14 =	sadd.s32 $0x8000, s12  }
0xd: {  	s15 =	sadd.s32 $0xC000, s12;
	s16 =	sadd.s32 $0x10000, s12;
	s11 =	sor.u32 $0x18, s5  }
0xe: {  	s6 =	sadd.s32 s7, s6;
	s13 =	ssub.s32 s8, s10;
	s7 =	sadd.s32 s23, s2  }
0xf: {  	s8 =	sadd.s32 s14, s2;
	s9 =	sadd.s32 s15, s2;
	s10 =	sadd.s32 s16, s2  }
0x10: {  	s24 =	sadd.s32 s12, s17;
	s11 =	simm.s32 @!p0 $0x28;
	s25 =	sadd.s32 s17, s14  }
0x11: {  	s26 =	sadd.s32 s17, s15;
	s31 =	sadd.s32 s17, s16;
	s0 =	sadd.s32 s0, s6  }
0x12: {  	s6 =	sadd.s32 s22, s2;
	s5 =	sshrl.u32 s24, $0x3;
	s12 =	sadd.s32 $0xFFFFFFFF, s11  }
0x13: {  	s14 =	sshrl.u32 s31, $0x3;
	s18 =	smax.u32 s13, $0x1;
	s22 =	simm.s32 $0x80  }
0x14: {  	s24 =	simm.s32 $0x2880;
	[dreg:$0x5] =	wrdreg s0;
	s0 =	sadd.s32 s17, s23  }
0x15: {  	s5 =	sadd.s32 s3, s5;
	s17 =	sadd.s32 s3, s14;
	s0 =	sshrl.u32 s0, $0x3  }
0x16: {  	[dreg:$0x6] =	wrdreg s5;
	s5 =	sshrl.u32 s26, $0x3;
	s0 =	sadd.s32 s3, s0  }
0x17: {  	s26 =	simm.s32 $0x2900;
	[dreg:$0x7] =	wrdreg s0;
	s0 =	sshrl.u32 s25, $0x3  }
0x18: {  	v0 =	vimm.f32 $0.0e+00;
	s16 =	sadd.s32 s3, s5;
	s25 =	simm.s32 $0x6A00;
	s15 =	sadd.s32 s3, s0  }
.LBB2_1:
0x19: {  	s0 =	rddreg [dreg:$0x5]  }
0x1a: {  	[tilespmem:s4], [sflag:$0x2] =	stream.linear.gather [hbm4b:s0+s4], $0x2800, $0x38;
	[tilespmem:$0x1EA00] =	vst v63  }
0x1b: {  	s3 =	simm.s32 $0x200;
	s0 =	simm.s32 $0x0  }
.LBB2_2:
0x1c: {  	p0 =	sne.s32 s3, $0xFE00;
	[tilespmem:s0+$0x2A70] =	vst v0  }
0x1d: {  	[tilespmem:s0+$0x2A00] =	vst v0  }
0x1e: {  	[tilespmem:s0+$0x2A10] =	vst v0  }
.Ltmp0:
0x1f: {  	[tilespmem:s0+$0x2A20] =	vst v0;
	(pc) =	sbr.rel @p0 .LBB2_2-.Ltmp0, $4  }
0x20: {  	[tilespmem:s0+$0x2A30] =	vst v0  }
0x21: {  	[tilespmem:s0+$0x2A40] =	vst v0  }
0x22: {  	[tilespmem:s0+$0x2A50] =	vst v0  }
0x23: {  	[tilespmem:s0+$0x2A60] =	vst v0;
	s0 =	sshra.s32 s3, $0x2;
	s3 =	sadd.s32 $0x200, s3  }
0x24: {  	[tilespmem:s0+$0x2A70] =	vst v0  }
0x25: {  	[tilespmem:s0+$0x2A00] =	vst v0  }
0x26: {  	[tilespmem:s0+$0x2A10] =	vst v0  }
0x27: {  	[tilespmem:s0+$0x2A20] =	vst v0  }
0x28: {  	[tilespmem:s0+$0x2A30] =	vst v0  }
0x29: {  	[tilespmem:s0+$0x2A40] =	vst v0  }
0x2a: {  	[tilespmem:s0+$0x2A50] =	vst v0  }
0x2b: {  	[tilespmem:s0+$0x2A60] =	vst v0  }
0x2c: {  	[spmem:s6] =	stream.linear.scatter [tilespmem:s19], [sflag:$0x1], $0x4000, $0x38;
	[tilespmem:$0x1EA00] =	vst v63  }
0x2d: {  	_ = 	snop  }
0x2e: {  	[spmem:s7] =	stream.linear.scatter [tilespmem:s19], [sflag:$0x1], $0x4000, $0x38;
	[tilespmem:$0x1EA00] =	vst v63  }
0x2f: {  	_ = 	snop  }
0x30: {  	[spmem:s8] =	stream.linear.scatter [tilespmem:s19], [sflag:$0x1], $0x4000, $0x38;
	[tilespmem:$0x1EA00] =	vst v63  }
0x31: {  	_ = 	snop  }
0x32: {  	[spmem:s9] =	stream.linear.scatter [tilespmem:s19], [sflag:$0x1], $0x4000, $0x38;
	[tilespmem:$0x1EA00] =	vst v63  }
0x33: {  	_ = 	snop  }
0x34: {  	[spmem:s10] =	stream.linear.scatter [tilespmem:s19], [sflag:$0x1], $0x4000, $0x38;
	[tilespmem:$0x1EA00] =	vst v63  }
0x35: {  	_ =	swait.ge [sflag:s20], $0x4000  }
0x36: {  	[sflag:s20] =	ssyncset.done $0x0  }
0x37: {  	[sflag:s20] =	ssyncadd.s32 $0xFFFFC000  }
0x38: {  	_ =	swait.ge [sflag:s20], $0x4000  }
0x39: {  	[sflag:s20] =	ssyncset.done $0x0  }
0x3a: {  	[sflag:s20] =	ssyncadd.s32 $0xFFFFC000  }
0x3b: {  	_ =	swait.ge [sflag:s20], $0x4000  }
0x3c: {  	[sflag:s20] =	ssyncset.done $0x0  }
0x3d: {  	[sflag:s20] =	ssyncadd.s32 $0xFFFFC000  }
0x3e: {  	_ =	swait.ge [sflag:s20], $0x4000  }
0x3f: {  	[sflag:s20] =	ssyncset.done $0x0  }
0x40: {  	[sflag:s20] =	ssyncadd.s32 $0xFFFFC000  }
0x41: {  	_ =	swait.ge [sflag:s20], $0x4000  }
0x42: {  	[sflag:s20] =	ssyncset.done $0x0  }
0x43: {  	[sflag:s20] =	ssyncadd.s32 $0xFFFFC000  }
0x44: {  	_ =	swait.ge [sflag:s21], $0x2800  }
0x45: {  	[sflag:s21] =	ssyncset.done $0x0  }
0x46: {  	[sflag:s21] =	ssyncadd.s32 $0xFFFFD800  }
0x47: {  	[bflag:$0x0] =	sbarrier.arrive $0xFFFF  }
0x48: {  	v1 =	vld [tilespmem:$0x0];
	_ =	sdelay $0x1  }
0x49: {  	v2 =	vld [tilespmem:$0x10];
	_ =	sdelay $0x1  }
0x4a: {  	v3 =	vld [tilespmem:$0x20]  }
0x4b: {  	v4 =	vand.u32 $0xFFFF, v1  }
0x4c: {  	v62 =	vld [tilespmem:$0x30];
	v1 =	vshrl.u32 v1, $0x10;
	[tilespmem:$0x2800] =	vst v4  }
0x4d: {  	[tilespmem:$0x2900] =	vst v1;
	v1 =	vand.u32 $0xFFFF, v2  }
0x4e: {  	[tilespmem:$0x2810] =	vst v1;
	v1 =	vshrl.u32 v2, $0x10;
	v2 =	vld [tilespmem:$0x40]  }
0x4f: {  	[tilespmem:$0x2910] =	vst v1;
	v1 =	vand.u32 $0xFFFF, v3  }
0x50: {  	[tilespmem:$0x2820] =	vst v1;
	v1 =	vshrl.u32 v3, $0x10;
	v3 =	vld [tilespmem:$0x50]  }
0x51: {  	[tilespmem:$0x2920] =	vst v1;
	v1 =	vand.u32 $0xFFFF, v62  }
0x52: {  	v63 =	vld [tilespmem:$0x60];
	[tilespmem:$0x2830] =	vst v1;
	v1 =	vshrl.u32 v62, $0x10  }
0x53: {  	[tilespmem:$0x2930] =	vst v1;
	v1 =	vand.u32 $0xFFFF, v2  }
0x54: {  	[tilespmem:$0x2840] =	vst v1;
	v1 =	vshrl.u32 v2, $0x10;
	v2 =	vld [tilespmem:$0x70]  }
0x55: {  	[tilespmem:$0x2940] =	vst v1;
	v1 =	vand.u32 $0xFFFF, v3  }
0x56: {  	[tilespmem:$0x2850] =	vst v1;
	v1 =	vshrl.u32 v3, $0x10  }
0x57: {  	[tilespmem:$0x2950] =	vst v1;
	v1 =	vand.u32 $0xFFFF, v63  }
0x58: {  	[tilespmem:$0x2860] =	vst v1;
	v1 =	vshrl.u32 v63, $0x10  }
0x59: {  	[tilespmem:$0x2960] =	vst v1;
	v1 =	vand.u32 $0xFFFF, v2  }
0x5a: {  	[tilespmem:$0x2870] =	vst v1;
	v1 =	vshrl.u32 v2, $0x10  }
0x5b: {  	s23 =	simm.s32 $0x2800;
	s31 =	simm.s32 $0xC0;
	[tilespmem:$0x2970] =	vst v1  }
0x5c: {  	[tilespmem:s19], [sflag:$0x1] =	stream.indirect.gather [hbm4b:s1+s22], $0x80, s23, s22, $0xb8;
	[tilespmem:$0x1EA00] =	vst v63  }
0x5d: {  	v1 =	vld [tilespmem:s31+$0xFFFFFFC0];
	_ =	sdelay $0x4  }
0x5e: {  	v2 =	vand.u32 $0xFFFF, v1  }
0x5f: {  	v1 =	vshrl.u32 v1, $0x10;
	[tilespmem:$0x2880] =	vst v2  }
0x60: {  	[tilespmem:$0x2980] =	vst v1  }
0x61: {  	v1 =	vld [tilespmem:s31+$0xFFFFFFD0];
	_ =	sdelay $0x4  }
0x62: {  	v2 =	vand.u32 $0xFFFF, v1  }
0x63: {  	v1 =	vshrl.u32 v1, $0x10;
	[tilespmem:$0x2890] =	vst v2  }
0x64: {  	[tilespmem:$0x2990] =	vst v1  }
0x65: {  	v1 =	vld [tilespmem:s31+$0xFFFFFFE0];
	_ =	sdelay $0x4  }
0x66: {  	v2 =	vand.u32 $0xFFFF, v1  }
0x67: {  	v1 =	vshrl.u32 v1, $0x10;
	[tilespmem:$0x28A0] =	vst v2  }
0x68: {  	[tilespmem:$0x29A0] =	vst v1  }
0x69: {  	v1 =	vld [tilespmem:s31+$0xFFFFFFF0];
	_ =	sdelay $0x4  }
0x6a: {  	v2 =	vand.u32 $0xFFFF, v1  }
0x6b: {  	v1 =	vshrl.u32 v1, $0x10;
	[tilespmem:$0x28B0] =	vst v2  }
0x6c: {  	[tilespmem:$0x29B0] =	vst v1  }
0x6d: {  	v1 =	vld [tilespmem:s31+$0x0];
	_ =	sdelay $0x4  }
0x6e: {  	v2 =	vand.u32 $0xFFFF, v1  }
0x6f: {  	v1 =	vshrl.u32 v1, $0x10;
	[tilespmem:$0x28C0] =	vst v2  }
0x70: {  	[tilespmem:$0x29C0] =	vst v1  }
0x71: {  	v1 =	vld [tilespmem:s31+$0x10];
	_ =	sdelay $0x4  }
0x72: {  	v2 =	vand.u32 $0xFFFF, v1  }
0x73: {  	v1 =	vshrl.u32 v1, $0x10;
	[tilespmem:$0x28D0] =	vst v2  }
0x74: {  	[tilespmem:$0x29D0] =	vst v1  }
0x75: {  	v1 =	vld [tilespmem:s31+$0x20];
	_ =	sdelay $0x4  }
0x76: {  	v2 =	vand.u32 $0xFFFF, v1  }
0x77: {  	v1 =	vshrl.u32 v1, $0x10;
	[tilespmem:$0x28E0] =	vst v2  }
0x78: {  	[tilespmem:$0x29E0] =	vst v1  }
0x79: {  	v1 =	vld [tilespmem:s31+$0x30];
	_ =	sdelay $0x4  }
0x7a: {  	v2 =	vand.u32 $0xFFFF, v1  }
0x7b: {  	v1 =	vshrl.u32 v1, $0x10;
	[tilespmem:$0x28F0] =	vst v2  }
0x7c: {  	[tilespmem:$0x29F0] =	vst v1  }
0x7d: {  	[tilespmem:s25], [sflag:$0x2] =	stream.indirect.gather [hbm4b:s1+s22], $0x80, s24, s22, $0xb8;
	[tilespmem:$0x1EA00] =	vst v63  }
0x7e: {  	_ =	swait.ge [sflag:s20], $0x4000  }
0x7f: {  	[sflag:s20] =	ssyncset.done $0x0  }
0x80: {  	[sflag:s20] =	ssyncadd.s32 $0xFFFFC000  }
0x81: {  	[spmem:s2] =	stream.indirect.scatter.add.f32 [tilespmem:s19], [sflag:$0x3], $0x80, s26, s22, $0xb8;
	[tilespmem:$0x1EA00] =	vst v63  }
0x82: {  	_ =	swait.ge [sflag:s28], $0x4000  }
0x83: {  	[sflag:s28] =	ssyncset.done $0x0  }
0x84: {  	p1 =	sle.u32 s12, $0x0;
	[sflag:s28] =	ssyncadd.s32 $0xFFFFC000  }
0x85: {  	v1 =	vld @!p1 [tilespmem:s31+$0x40];
	_ =	sdelay $0x4  }
0x86: {  	v2 =	vand.u32 @!p1 $0xFFFF, v1  }
0x87: {  	v1 =	vshrl.u32 @!p1 v1, $0x10;
	[tilespmem:$0x2800] =	vst @!p1 v2  }
0x88: {  	[tilespmem:$0x2900] =	vst @!p1 v1  }
0x89: {  	v1 =	vld @!p1 [tilespmem:s31+$0x50];
	_ =	sdelay $0x4  }
0x8a: {  	v2 =	vand.u32 @!p1 $0xFFFF, v1  }
0x8b: {  	v1 =	vshrl.u32 @!p1 v1, $0x10;
	[tilespmem:$0x2810] =	vst @!p1 v2  }
0x8c: {  	[tilespmem:$0x2910] =	vst @!p1 v1  }
0x8d: {  	v1 =	vld @!p1 [tilespmem:s31+$0x60];
	_ =	sdelay $0x4  }
0x8e: {  	v2 =	vand.u32 @!p1 $0xFFFF, v1  }
0x8f: {  	v1 =	vshrl.u32 @!p1 v1, $0x10;
	[tilespmem:$0x2820] =	vst @!p1 v2  }
0x90: {  	[tilespmem:$0x2920] =	vst @!p1 v1  }
0x91: {  	v1 =	vld @!p1 [tilespmem:s31+$0x70];
	_ =	sdelay $0x4  }
0x92: {  	v2 =	vand.u32 @!p1 $0xFFFF, v1  }
0x93: {  	v1 =	vshrl.u32 @!p1 v1, $0x10;
	[tilespmem:$0x2830] =	vst @!p1 v2  }
0x94: {  	[tilespmem:$0x2930] =	vst @!p1 v1  }
0x95: {  	v1 =	vld @!p1 [tilespmem:s31+$0x80];
	_ =	sdelay $0x4  }
0x96: {  	v2 =	vand.u32 @!p1 $0xFFFF, v1  }
0x97: {  	v1 =	vshrl.u32 @!p1 v1, $0x10;
	[tilespmem:$0x2840] =	vst @!p1 v2  }
0x98: {  	[tilespmem:$0x2940] =	vst @!p1 v1  }
0x99: {  	v1 =	vld @!p1 [tilespmem:s31+$0x90];
	_ =	sdelay $0x4  }
0x9a: {  	v2 =	vand.u32 @!p1 $0xFFFF, v1  }
0x9b: {  	v1 =	vshrl.u32 @!p1 v1, $0x10;
	[tilespmem:$0x2850] =	vst @!p1 v2  }
0x9c: {  	[tilespmem:$0x2950] =	vst @!p1 v1  }
0x9d: {  	v1 =	vld @!p1 [tilespmem:s31+$0xA0]  }
0x9e: {  	p0 =	sne.s32 s11, $0x1  }
.Ltmp1:
0x9f: {  	_ = 	snop;
	(pc) =	sbr.rel @!p0 .LBB2_5-.Ltmp1, $3  }
0xa0: {  	_ =	sdelay $0x1  }
0xa1: {  	s0 =	simm.s32 $0x1;
	s3 =	simm.s32 $0xC0;
	v2 =	vand.u32 @!p1 $0xFFFF, v1  }
0xa2: {  	s5 =	simm.s32 @!p1 $0x80;
	s13 =	simm.s32 @!p1 $0x2800;
	s14 =	simm.s32 @!p1 $0x2A00;
	v1 =	vshrl.u32 @!p1 v1, $0x10;
	[tilespmem:$0x2860] =	vst @!p1 v2  }
.LBB2_4:
0xa3: {  	[tilespmem:$0x2960] =	vst @!p1 v1;
	s3 =	sadd.s32 $0x100, s3;
	s23 =	smov.u32 s0;
	s0 =	sadd.s32 $0x1, s0  }
0xa4: {  	p0 =	sne.s32 s11, s0;
	v1 =	vld @!p1 [tilespmem:s31+$0xB0];
	s31 =	smov.u32 s3;
	_ =	sdelay $0x4  }
0xa5: {  	v2 =	vand.u32 @!p1 $0xFFFF, v1;
	v1 =	vshrl.u32 @!p1 v1, $0x10  }
0xa6: {  	[tilespmem:$0x2870] =	vst @!p1 v2  }
0xa7: {  	[tilespmem:$0x2970] =	vst @!p1 v1  }
0xa8: {  	[tilespmem:s14], [sflag:$0x1] =	stream.indirect.gather @!p1 [hbm4b:s1+s5], $0x80, s13, s5, $0xb8;
	[tilespmem:$0x1EA00] =	vst v63  }
0xa9: {  	_ =	swait.ge [sflag:s21], $0x4000  }
0xaa: {  	[sflag:s21] =	ssyncset.done $0x0  }
0xab: {  	[sflag:s21] =	ssyncadd.s32 $0xFFFFC000  }
0xac: {  	[spmem:s2] =	stream.indirect.scatter.add.f32 [tilespmem:s25], [sflag:$0x3], $0x80, s29, s22, $0xb8;
	[tilespmem:$0x1EA00] =	vst v63  }
0xad: {  	_ =	swait.ge [sflag:s28], $0x4000  }
0xae: {  	[sflag:s28] =	ssyncset.done $0x0  }
0xaf: {  	[sflag:s28] =	ssyncadd.s32 $0xFFFFC000  }
0xb0: {  	v1 =	vld [tilespmem:s3+$0xFFFFFFC0];
	_ =	sdelay $0x4  }
0xb1: {  	v2 =	vand.u32 $0xFFFF, v1;
	v1 =	vshrl.u32 v1, $0x10  }
0xb2: {  	[tilespmem:$0x2880] =	vst v2  }
0xb3: {  	[tilespmem:$0x2980] =	vst v1  }
0xb4: {  	v1 =	vld [tilespmem:s3+$0xFFFFFFD0];
	_ =	sdelay $0x4  }
0xb5: {  	v2 =	vand.u32 $0xFFFF, v1;
	v1 =	vshrl.u32 v1, $0x10  }
0xb6: {  	[tilespmem:$0x2890] =	vst v2  }
0xb7: {  	[tilespmem:$0x2990] =	vst v1  }
0xb8: {  	v1 =	vld [tilespmem:s3+$0xFFFFFFE0];
	_ =	sdelay $0x4  }
0xb9: {  	v2 =	vand.u32 $0xFFFF, v1;
	v1 =	vshrl.u32 v1, $0x10  }
0xba: {  	[tilespmem:$0x28A0] =	vst v2  }
0xbb: {  	[tilespmem:$0x29A0] =	vst v1  }
0xbc: {  	v1 =	vld [tilespmem:s3+$0xFFFFFFF0];
	_ =	sdelay $0x4  }
0xbd: {  	v2 =	vand.u32 $0xFFFF, v1;
	v1 =	vshrl.u32 v1, $0x10  }
0xbe: {  	[tilespmem:$0x28B0] =	vst v2  }
0xbf: {  	[tilespmem:$0x29B0] =	vst v1  }
0xc0: {  	v1 =	vld [tilespmem:s3+$0x0];
	_ =	sdelay $0x4  }
0xc1: {  	v2 =	vand.u32 $0xFFFF, v1;
	v1 =	vshrl.u32 v1, $0x10  }
0xc2: {  	[tilespmem:$0x28C0] =	vst v2  }
0xc3: {  	[tilespmem:$0x29C0] =	vst v1  }
0xc4: {  	v1 =	vld [tilespmem:s3+$0x10];
	_ =	sdelay $0x4  }
0xc5: {  	v2 =	vand.u32 $0xFFFF, v1;
	v1 =	vshrl.u32 v1, $0x10  }
0xc6: {  	[tilespmem:$0x28D0] =	vst v2  }
0xc7: {  	[tilespmem:$0x29D0] =	vst v1  }
0xc8: {  	v1 =	vld [tilespmem:s3+$0x20];
	_ =	sdelay $0x4  }
0xc9: {  	v2 =	vand.u32 $0xFFFF, v1;
	v1 =	vshrl.u32 v1, $0x10  }
0xca: {  	[tilespmem:$0x28E0] =	vst v2  }
0xcb: {  	[tilespmem:$0x29E0] =	vst v1  }
0xcc: {  	v1 =	vld [tilespmem:s3+$0x30];
	_ =	sdelay $0x4  }
0xcd: {  	v2 =	vand.u32 $0xFFFF, v1;
	v1 =	vshrl.u32 v1, $0x10  }
0xce: {  	[tilespmem:$0x28F0] =	vst v2  }
0xcf: {  	[tilespmem:$0x29F0] =	vst v1  }
0xd0: {  	[tilespmem:s25], [sflag:$0x2] =	stream.indirect.gather [hbm4b:s1+s22], $0x80, s24, s22, $0xb8;
	[tilespmem:$0x1EA00] =	vst v63  }
0xd1: {  	_ =	swait.ge [sflag:s20], $0x4000  }
0xd2: {  	[sflag:s20] =	ssyncset.done $0x0  }
0xd3: {  	[sflag:s20] =	ssyncadd.s32 $0xFFFFC000  }
0xd4: {  	[spmem:s2] =	stream.indirect.scatter.add.f32 [tilespmem:s19], [sflag:$0x3], $0x80, s26, s22, $0xb8;
	[tilespmem:$0x1EA00] =	vst v63  }
0xd5: {  	_ =	swait.ge [sflag:s28], $0x4000  }
0xd6: {  	[sflag:s28] =	ssyncset.done $0x0  }
0xd7: {  	p1 =	sge.u32 s23, s12;
	[sflag:s28] =	ssyncadd.s32 $0xFFFFC000  }
0xd8: {  	v1 =	vld @!p1 [tilespmem:s3+$0x40];
	_ =	sdelay $0x4  }
0xd9: {  	v2 =	vand.u32 @!p1 $0xFFFF, v1;
	v1 =	vshrl.u32 @!p1 v1, $0x10  }
0xda: {  	[tilespmem:$0x2800] =	vst @!p1 v2  }
0xdb: {  	[tilespmem:$0x2900] =	vst @!p1 v1  }
0xdc: {  	v1 =	vld @!p1 [tilespmem:s3+$0x50];
	_ =	sdelay $0x4  }
0xdd: {  	v2 =	vand.u32 @!p1 $0xFFFF, v1;
	v1 =	vshrl.u32 @!p1 v1, $0x10  }
0xde: {  	[tilespmem:$0x2810] =	vst @!p1 v2  }
0xdf: {  	[tilespmem:$0x2910] =	vst @!p1 v1  }
0xe0: {  	v1 =	vld @!p1 [tilespmem:s3+$0x60];
	_ =	sdelay $0x4  }
0xe1: {  	v2 =	vand.u32 @!p1 $0xFFFF, v1;
	v1 =	vshrl.u32 @!p1 v1, $0x10  }
0xe2: {  	[tilespmem:$0x2820] =	vst @!p1 v2  }
0xe3: {  	[tilespmem:$0x2920] =	vst @!p1 v1  }
0xe4: {  	v1 =	vld @!p1 [tilespmem:s3+$0x70];
	_ =	sdelay $0x4  }
0xe5: {  	v2 =	vand.u32 @!p1 $0xFFFF, v1;
	v1 =	vshrl.u32 @!p1 v1, $0x10  }
0xe6: {  	[tilespmem:$0x2830] =	vst @!p1 v2  }
0xe7: {  	[tilespmem:$0x2930] =	vst @!p1 v1  }
0xe8: {  	v1 =	vld @!p1 [tilespmem:s3+$0x80];
	_ =	sdelay $0x4  }
0xe9: {  	v2 =	vand.u32 @!p1 $0xFFFF, v1;
	v1 =	vshrl.u32 @!p1 v1, $0x10  }
0xea: {  	[tilespmem:$0x2840] =	vst @!p1 v2  }
0xeb: {  	[tilespmem:$0x2940] =	vst @!p1 v1  }
0xec: {  	v1 =	vld @!p1 [tilespmem:s3+$0x90];
	_ =	sdelay $0x4  }
0xed: {  	v2 =	vand.u32 @!p1 $0xFFFF, v1;
	v1 =	vshrl.u32 @!p1 v1, $0x10  }
0xee: {  	[tilespmem:$0x2850] =	vst @!p1 v2  }
0xef: {  	s5 =	simm.s32 @!p1 $0x80;
	s13 =	simm.s32 @!p1 $0x2800;
	s14 =	simm.s32 @!p1 $0x2A00;
	[tilespmem:$0x2950] =	vst @!p1 v1  }
0xf0: {  	v1 =	vld @!p1 [tilespmem:s3+$0xA0];
	_ =	sdelay $0x1  }
.Ltmp2:
0xf1: {  	(pc) =	sbr.rel @p0 .LBB2_4-.Ltmp2, $3  }
0xf2: {  	_ =	sdelay $0x1  }
0xf3: {  	v2 =	vand.u32 @!p1 $0xFFFF, v1;
	v1 =	vshrl.u32 @!p1 v1, $0x10  }
0xf4: {  	[tilespmem:$0x2860] =	vst @!p1 v2  }
.LBB2_5:
0xf5: {  	[tilespmem:$0x2960] =	vst @!p1 v1  }
0xf6: {  	v1 =	vld @!p1 [tilespmem:s31+$0xB0];
	_ =	sdelay $0x4  }
0xf7: {  	v2 =	vand.u32 @!p1 $0xFFFF, v1  }
0xf8: {  	v1 =	vshrl.u32 @!p1 v1, $0x10;
	[tilespmem:$0x2870] =	vst @!p1 v2  }
0xf9: {  	[tilespmem:$0x2970] =	vst @!p1 v1  }
0xfa: {  	[tilespmem:s14], [sflag:$0x1] =	stream.indirect.gather @!p1 [hbm4b:s1+s5], $0x80, s13, s5, $0xb8;
	[tilespmem:$0x1EA00] =	vst v63  }
0xfb: {  	_ =	swait.ge [sflag:s21], $0x4000  }
0xfc: {  	[sflag:s21] =	ssyncset.done $0x0  }
0xfd: {  	[sflag:s21] =	ssyncadd.s32 $0xFFFFC000  }
0xfe: {  	[spmem:s2] =	stream.indirect.scatter.add.f32 [tilespmem:s25], [sflag:$0x3], $0x80, s29, s22, $0xb8;
	[tilespmem:$0x1EA00] =	vst v63  }
0xff: {  	_ =	swait.ge [sflag:s28], $0x4000  }
0x100: {  	[sflag:s28] =	ssyncset.done $0x0  }
0x101: {  	[sflag:s28] =	ssyncadd.s32 $0xFFFFC000  }
0x102: {  	[bflag:$0x0] =	sbarrier.arrive $0xFFFF  }
0x103: {  	[tilespmem:s19], [sflag:$0x3] =	stream.linear.gather [spmem:s6], $0x4000, $0x38;
	[tilespmem:$0x1EA00] =	vst v63  }
0x104: {  	_ =	swait.ge [sflag:s28], $0x4000  }
0x105: {  	[sflag:s28] =	ssyncset.done $0x0  }
0x106: {  	s0 =	rddreg [dreg:$0x6];
	[sflag:s28] =	ssyncadd.s32 $0xFFFFC000  }
0x107: {  	[hbm4b:s0+s4] =	stream.linear.scatter [tilespmem:s19], [sflag:$0x1], $0x4000, $0x38;
	[tilespmem:$0x1EA00] =	vst v63  }
0x108: {  	_ = 	snop  }
0x109: {  	[tilespmem:s25], [sflag:$0x3] =	stream.linear.gather [spmem:s7], $0x4000, $0x38;
	[tilespmem:$0x1EA00] =	vst v63  }
0x10a: {  	_ =	swait.ge [sflag:s28], $0x4000  }
0x10b: {  	[sflag:s28] =	ssyncset.done $0x0  }
0x10c: {  	s31 =	rddreg [dreg:$0x7];
	[sflag:s28] =	ssyncadd.s32 $0xFFFFC000  }
0x10d: {  	[hbm4b:s31+s4] =	stream.linear.scatter [tilespmem:s25], [sflag:$0x2], $0x4000, $0x38;
	[tilespmem:$0x1EA00] =	vst v63  }
0x10e: {  	_ =	swait.ge [sflag:s20], $0x4000  }
0x10f: {  	[sflag:s20] =	ssyncset.done $0x0  }
0x110: {  	[sflag:s20] =	ssyncadd.s32 $0xFFFFC000  }
0x111: {  	[tilespmem:s19], [sflag:$0x3] =	stream.linear.gather [spmem:s8], $0x4000, $0x38;
	[tilespmem:$0x1EA00] =	vst v63  }
0x112: {  	_ =	swait.ge [sflag:s28], $0x4000  }
0x113: {  	[sflag:s28] =	ssyncset.done $0x0  }
0x114: {  	[sflag:s28] =	ssyncadd.s32 $0xFFFFC000  }
0x115: {  	[hbm4b:s15+s4] =	stream.linear.scatter [tilespmem:s19], [sflag:$0x1], $0x4000, $0x38;
	[tilespmem:$0x1EA00] =	vst v63  }
0x116: {  	_ =	swait.ge [sflag:s21], $0x4000  }
0x117: {  	[sflag:s21] =	ssyncset.done $0x0  }
0x118: {  	[sflag:s21] =	ssyncadd.s32 $0xFFFFC000  }
0x119: {  	[tilespmem:s25], [sflag:$0x3] =	stream.linear.gather [spmem:s9], $0x4000, $0x38;
	[tilespmem:$0x1EA00] =	vst v63  }
0x11a: {  	_ =	swait.ge [sflag:s28], $0x4000  }
0x11b: {  	[sflag:s28] =	ssyncset.done $0x0  }
0x11c: {  	[sflag:s28] =	ssyncadd.s32 $0xFFFFC000  }
0x11d: {  	[hbm4b:s16+s4] =	stream.linear.scatter [tilespmem:s25], [sflag:$0x2], $0x4000, $0x38;
	[tilespmem:$0x1EA00] =	vst v63  }
0x11e: {  	_ =	swait.ge [sflag:s20], $0x4000  }
0x11f: {  	[sflag:s20] =	ssyncset.done $0x0  }
0x120: {  	[sflag:s20] =	ssyncadd.s32 $0xFFFFC000  }
0x121: {  	[tilespmem:s19], [sflag:$0x3] =	stream.linear.gather [spmem:s10], $0x4000, $0x38;
	[tilespmem:$0x1EA00] =	vst v63  }
0x122: {  	_ =	swait.ge [sflag:s28], $0x4000  }
0x123: {  	[sflag:s28] =	ssyncset.done $0x0  }
0x124: {  	s30 =	sadd.s32 $0x1, s30;
	[sflag:s28] =	ssyncadd.s32 $0xFFFFC000  }
0x125: {  	[hbm4b:s17+s4] =	stream.linear.scatter [tilespmem:s19], [sflag:$0x1], $0x4000, $0x38;
	[tilespmem:$0x1EA00] =	vst v63  }
0x126: {  	p0 =	sne.s32 s30, s18;
	_ =	swait.ge [sflag:s20], $0x4000  }
.Ltmp3:
0x127: {  	[sflag:s20] =	ssyncset.done $0x0;
	(pc) =	sbr.rel @p0 .LBB2_1-.Ltmp3, $4  }
0x128: {  	[sflag:s20] =	ssyncadd.s32 $0xFFFFC000  }
0x129: {  	_ =	swait.ge [sflag:s21], $0x4000  }
0x12a: {  	[sflag:s21] =	ssyncset.done $0x0  }
0x12b: {  	[sflag:s21] =	ssyncadd.s32 $0xFFFFC000  }
0x12c: {  	_ =	sfence.sel $0x180000  }
0x12d: {  	[bflag:$0x0] =	sbarrier.arrive $0xFFFF  }
0x12e: {  	_ =	strace $0x9000004A  }
0x12f: {  	s0 =	stileid.u32;
	[bflag:$0x2] =	sbarrier.arrive $0xFFFF  }
0x130: {  	p0 =	sne.s32 s0, $0x0;
	s0 =	rddreg [dreg:$0x4]  }
0x131: {  	s0 =	sadd.s32 @!p0 $0x100000, s0  }
0x132: {  	[sflag:s0] =	ssyncadd.tile.s32 @!p0 $0x1;
	_ =	shalt  }
.Lfunc_end2:
_tile_overlayer_lowered:
.L_overlay_start_2:
0x133: {  	(tag) =	ssettag $0x2  }
0x134: {  	s0 =	rddreg [dreg:$0x0];
	s2 =	stileid.u32  }
0x135: {  	s1 =	rddreg [dreg:$0x1];
	p0 =	sne.s32 s2, $0x0  }
0x136: {  	s3 =	rddreg [dreg:$0x2];
	[bflag:$0x3] =	sbarrier.arrive $0xFFFF;
	s2 =	simm.s32 @!p0 $0x1C03  }
0x137: {  	[timem:s3], [sflag:s2] =	dma.local @!p0 [hbm:s0], s1  }
0x138: {  	s0 =	simm.s32 @!p0 $0x3  }
0x139: {  	_ =	swait.ge @!p0 [sflag:s0], s1  }
0x13a: {  	s1 =	ssub.s32 @!p0 $0x0, s1;
	[sflag:s0] =	ssyncset.done @!p0 $0x0  }
0x13b: {  	[sflag:s0] =	ssyncadd.s32 @!p0 s1  }
0x13c: {  	[bflag:$0x3] =	sbarrier.arrive $0xFFFF  }
0x13d: {  	_ =	shalt  }

// kernel: kernel.14.cloned.1.call-start
scs
__scs_entry_jumppad:
0x0: {  	(pc) =	sbr.rel $0x88, $3  }
0x1: {  	(tag) =	ssettag $0x0;
	lr =	simm.s32 $0x1  }
0x2: {  	[smem:$0x3F9B] =	sst lr;
	_ =	strace $0xD0000000  }
0x3: {  	_ = 	snop  }
0x4: {  	_ = 	snop  }
0x5: {  	_ = 	snop  }
0x6: {  	_ = 	snop  }
0x7: {  	_ = 	snop  }
__scs_overlays_trampoline_lowered:
0x8: {  	[smem:$0x3FAA] =	sst s0  }
0x9: {  	[smem:$0x3FAB] =	sst s1  }
0xa: {  	[smem:$0x3FAC] =	sst s2  }
0xb: {  	[smem:$0x3FAD] =	sst s3  }
0xc: {  	[smem:$0x3FAE] =	sst s4  }
0xd: {  	[smem:$0x3FAF] =	sst s5  }
0xe: {  	[smem:$0x3FB0] =	sst s6  }
0xf: {  	[smem:$0x3FB1] =	sst s7  }
0x10: {  	[smem:$0x3FB2] =	sst s8  }
0x11: {  	[smem:$0x3FB3] =	sst s9;
	s0 =	simm.s32 @!p0 $0x0  }
0x12: {  	s1 =	sld [smem:$0x3F99];
	s0 =	simm.s32 @p0 $0x1  }
0x13: {  	[smem:$0x3FB4] =	sst s0;
	s0 =	simm.s32 @!p1 $0x0  }
0x14: {  	s2 =	sld [smem:$0x3F98];
	s0 =	simm.s32 @p1 $0x1  }
0x15: {  	[smem:$0x3FB5] =	sst s0;
	s0 =	simm.s32 @!p2 $0x0  }
0x16: {  	s3 =	sld [smem:$0x3FDB];
	s0 =	simm.s32 @p2 $0x1  }
0x17: {  	s4 =	simm.s32 $0x1BF5;
	[smem:$0x3FB7] =	sst s0  }
0x18: {  	s0 =	sld [smem:$0x3F9A];
	_ =	swait.ge [sflag:s4], $0x0  }
0x19: {  	s7 =	sld [smem:$0x3F9B]  }
0x1a: {  	s8 =	sadd.s32 $0xFFFFE003, lr  }
0x1b: {  	s9 =	sadd.s32 $0xFFFFFEF7, lr;
	s5 =	simm.s32 $0xFFFFFFFF;
	p2 =	slt.u32 s8, $0xFFFFF086  }
0x1c: {  	p1 =	slt.u32 s9, $0xF7A;
	s5 =	simm.s32 @!p2 $0x0  }
0x1d: {  	s5 =	simm.s32 @p1 $0x1;
	p0 =	seq.s32 s7, s2  }
0x1e: {  	s7 =	smul.u32 @!p0 $0xF7A, s2;
	p2 =	seq.s32 @!p0 s5, $0x0  }
0x1f: {  	s9 =	smul.u32 $0xF7A, s1;
	s8 =	simm.s32 @!p0 $0x1BF5;
	p2 =	por !p2, p0  }
0x20: {  	[sflag:s8] =	ssyncset.s32 @!p0 $0xFFFFF086;
	s6 =	sadd.s32 @!p0 s3, s7;
	s7 =	simm.s32 @!p0 $0x108  }
0x21: {  	s3 =	sadd.s32 s3, s9;
	s6 =	sadd.s32 @!p0 $0x88, s6;
	s7 =	simm.s32 @p2 $0x1082  }
0x22: {  	[simem:s7], [sflag:s8] =	dma.local @!p0 [hbm:s6], $0xF7A  }
0x23: {  	s9 =	sor.u32 $0xD0000000, s2;
	s6 =	simm.s32 $0x108;
	_ =	swait.ge @!p0 [sflag:s8], $0x0  }
0x24: {  	s3 =	sadd.s32 $0x88, s3;
	s6 =	simm.s32 @!p1 $0x1082;
	[sflag:s4] =	ssyncset.s32 $0xFFFFF086  }
0x25: {  	[simem:s6], [sflag:s4] =	dma.local [hbm:s3], $0xF7A  }
0x26: {  	[smem:$0x3F9B] =	sst s1;
	(tag) =	ssettag s2;
	_ =	strace s9  }
0x27: {  	s1 =	sld [smem:$0x3FAB]  }
0x28: {  	s2 =	sld [smem:$0x3FAC]  }
0x29: {  	s4 =	sld [smem:$0x3FAE]  }
0x2a: {  	p0 =	seq.s32 s5, $0x0;
	s5 =	sld [smem:$0x3FAF]  }
0x2b: {  	s6 =	sld [smem:$0x3FB0]  }
0x2c: {  	s7 =	sld [smem:$0x3FB1]  }
0x2d: {  	s3 =	simm.s32 $0x108;
	s8 =	sld [smem:$0x3FB2]  }
0x2e: {  	s3 =	simm.s32 @!p0 $0x1082;
	s9 =	sld [smem:$0x3FB3]  }
0x2f: {  	lr =	sadd.s32 s0, s3;
	s0 =	sld [smem:$0x3FAA]  }
0x30: {  	s3 =	sld [smem:$0x3FAD]  }
0x31: {  	[smem:$0x3FB6] =	sst s10  }
0x32: {  	s10 =	sld [smem:$0x3FB4];
	_ =	sdelay $0x3  }
0x33: {  	p0 =	seq.s32 s10, $0x1;
	s10 =	sld [smem:$0x3FB6];
	_ =	sdelay $0x3  }
0x34: {  	[smem:$0x3FB6] =	sst s10  }
0x35: {  	s10 =	sld [smem:$0x3FB5];
	_ =	sdelay $0x3  }
0x36: {  	p1 =	seq.s32 s10, $0x1;
	s10 =	sld [smem:$0x3FB6];
	_ =	sdelay $0x3  }
0x37: {  	[smem:$0x3FB6] =	sst s10  }
0x38: {  	s10 =	sld [smem:$0x3FB7]  }
0x39: {  	_ = 	snop;
	(pc) =	sbr.ind lr, $3  }
0x3a: {  	_ = 	snop  }
0x3b: {  	_ = 	snop  }
0x3c: {  	p2 =	seq.s32 s10, $0x1;
	s10 =	sld [smem:$0x3FB6]  }
0x3d: {  	_ =	shalt  }
0x3e: {  	_ =	shalt  }
0x3f: {  	_ =	shalt  }
0x40: {  	_ =	shalt  }
0x41: {  	_ =	shalt  }
0x42: {  	_ =	shalt  }
0x43: {  	_ =	shalt  }
0x44: {  	_ =	shalt  }
0x45: {  	_ =	shalt  }
0x46: {  	_ =	shalt  }
0x47: {  	_ =	shalt  }
0x48: {  	_ =	shalt  }
0x49: {  	_ =	shalt  }
0x4a: {  	_ =	shalt  }
0x4b: {  	_ =	shalt  }
0x4c: {  	_ =	shalt  }
0x4d: {  	_ =	shalt  }
0x4e: {  	_ =	shalt  }
0x4f: {  	_ =	shalt  }
0x50: {  	_ =	shalt  }
0x51: {  	_ =	shalt  }
0x52: {  	_ =	shalt  }
0x53: {  	_ =	shalt  }
0x54: {  	_ =	shalt  }
0x55: {  	_ =	shalt  }
0x56: {  	_ =	shalt  }
0x57: {  	_ =	shalt  }
0x58: {  	_ =	shalt  }
0x59: {  	_ =	shalt  }
0x5a: {  	_ =	shalt  }
0x5b: {  	_ =	shalt  }
0x5c: {  	_ =	shalt  }
0x5d: {  	_ =	shalt  }
0x5e: {  	_ =	shalt  }
0x5f: {  	_ =	shalt  }
0x60: {  	_ =	shalt  }
0x61: {  	_ =	shalt  }
0x62: {  	_ =	shalt  }
0x63: {  	_ =	shalt  }
0x64: {  	_ =	shalt  }
0x65: {  	_ =	shalt  }
0x66: {  	_ =	shalt  }
0x67: {  	_ =	shalt  }
0x68: {  	_ =	shalt  }
0x69: {  	_ =	shalt  }
0x6a: {  	_ =	shalt  }
0x6b: {  	_ =	shalt  }
0x6c: {  	_ =	shalt  }
0x6d: {  	_ =	shalt  }
0x6e: {  	_ =	shalt  }
0x6f: {  	_ =	shalt  }
0x70: {  	_ =	shalt  }
0x71: {  	_ =	shalt  }
0x72: {  	_ =	shalt  }
0x73: {  	_ =	shalt  }
0x74: {  	_ =	shalt  }
0x75: {  	_ =	shalt  }
0x76: {  	_ =	shalt  }
0x77: {  	_ =	shalt  }
0x78: {  	_ =	shalt  }
0x79: {  	_ =	shalt  }
0x7a: {  	_ =	shalt  }
0x7b: {  	_ =	shalt  }
0x7c: {  	_ =	shalt  }
0x7d: {  	_ =	shalt  }
0x7e: {  	_ =	shalt  }
0x7f: {  	_ =	shalt  }
0x80: {  	_ =	shalt  }
0x81: {  	_ =	shalt  }
0x82: {  	_ =	shalt  }
0x83: {  	_ =	shalt  }
0x84: {  	_ =	shalt  }
0x85: {  	_ =	shalt  }
0x86: {  	_ =	shalt  }
0x87: {  	_ =	shalt  }
.Lfunc_end0:
.L_simem_size_0:
called_computation.2_lowered:
.L_overlay_start_0:
0x88: {  	s2 =	sld [smem:$0x3FD9]  }
0x89: {  	s3 =	sld [smem:$0x3FFE];
	_ =	sdelay $0x1  }
0x8a: {  	s1 =	srdreg.scid  }
0x8b: {  	s0 =	sand.u32 $0x1, s1  }
0x8c: {  	s14 =	sshll.u32 s0, $0xA;
	s2 =	sadd.s32 s3, s2  }
0x8d: {  	s2 =	sadd.s32 s2, s14  }
0x8e: {  	[smem:$0x3FC2] =	sst s2  }
0x8f: {  	_ = 	snop  }
0x90: {  	s2 =	sld [smem:$0x3FD0];
	_ =	sdelay $0x2  }
0x91: {  	s15 =	simm.s32 $0xA;
	s4 =	simm.s32 $0x10  }
0x92: {  	[smem:s4], [sflag:s15] =	dma.local [hbm:s2], $0x1  }
0x93: {  	_ =	swait.eq [sflag:s15], $0x1  }
0x94: {  	[sflag:s15] =	ssyncset.done $0x0  }
0x95: {  	s16 =	sld [smem:$0x11];
	[sflag:s15] =	ssyncadd.s32 $0xFFFFFFFF  }
0x96: {  	s17 =	sld [smem:$0x13];
	(tm) =	ssettm $0x1  }
0x97: {  	s18 =	sld [smem:$0x3FFB];
	_ =	sdelay $0x3  }
0x98: {  	_ =	strace s18  }
0x99: {  	s4 =	sld [smem:$0x3FFC];
	_ =	sdelay $0x3  }
0x9a: {  	_ =	strace s4  }
0x9b: {  	s4 =	sld [smem:$0x3FFD];
	_ =	sdelay $0x3  }
0x9c: {  	_ =	strace s4  }
0x9d: {  	_ =	strace $0x8FFFFFFF  }
0x9e: {  	s19 =	sld [smem:$0x3FDB];
	_ =	sdelay $0x1  }
0x9f: {  	s5 =	simm.s32 $_scs_section_size  }
0xa0: {  	s6 =	simm.s32 $_size__tile_overlayer_lowered;
	s7 =	simm.s32 $_tile_overlayer_lowered  }
0xa1: {  	s22 =	simm.s32 $0x1BFF;
	s21 =	sshll.u32 s7, $0x1;
	s4 =	sadd.s32 s5, s19  }
0xa2: {  	s8 =	simm.s32 $0x0;
	s20 =	sshll.u32 s6, $0x1;
	s6 =	sadd.s32 s21, s4  }
0xa3: {  	[timem:s8], [sflag:s22] =	dma.local [hbm:s6], s20  }
0xa4: {  	_ =	swait.ge [sflag:s22], s20  }
0xa5: {  	s5 =	ssub.s32 $0x0, s20;
	[sflag:s22] =	ssyncset.done $0x0  }
0xa6: {  	[sflag:s22] =	ssyncadd.s32 s5;
	_ =	sdelay $0x1  }
0xa7: {  	s23 =	simm.s32 $0x1B8B  }
0xa8: {  	_ =	swait.ge [sflag:s23], $0x1  }
0xa9: {  	[sflag:s23] =	ssyncset.done $0x0  }
0xaa: {  	s25 =	simm.s32 $0x1B8E;
	s24 =	sld [smem:$0x3FFE];
	[sflag:s23] =	ssyncadd.s32 $0xFFFFFFFF  }
0xab: {  	s26 =	simm.s32 $execute0_lowered;
	[smem:$0x3FD2] =	sst s25  }
0xac: {  	s6 =	sshll.u32 s26, $0x1;
	_ =	strace $0x8000004C;
	[dreg:$0x1] =	wrdreg $0xFFFFFFFF  }
0xad: {  	s28 =	simm.s32 $_size_execute0_lowered;
	s4 =	sadd.s32 s4, s6;
	[dreg:$0x0] =	wrdreg $0x0  }
0xae: {  	s6 =	sshll.u32 s28, $0x1;
	[dreg:$0x2] =	wrdreg s4  }
0xaf: {  	[dreg:$0x3] =	wrdreg s6  }
0xb0: {  	[dreg:$0x4] =	wrdreg $0xC0  }
0xb1: {  	_ =	task [dreg:s8], $0x5FFFF  }
0xb2: {  	[dreg:$0x1] =	wrdreg $0xFFFFFFFF  }
0xb3: {  	[dreg:$0x0] =	wrdreg $0x60  }
0xb4: {  	[dreg:$0x2] =	wrdreg s16  }
0xb5: {  	[dreg:$0x3] =	wrdreg s17  }
0xb6: {  	[dreg:$0x4] =	wrdreg s24  }
0xb7: {  	[dreg:$0x5] =	wrdreg $0xAA000  }
0xb8: {  	[dreg:$0x6] =	wrdreg $0x9  }
0xb9: {  	_ =	task.clear_ibuf [dreg:s8], $0x7FFFF;
	_ =	strace $0x9000004C  }
0xba: {  	s29 =	simm.s32 $0x9;
	_ =	strace $0x8000004E  }
0xbb: {  	_ =	swait.ge [sflag:s29], $0x1  }
0xbc: {  	[sflag:s29] =	ssyncadd.s32 $0xFFFFFFFF  }
0xbd: {  	_ =	strace $0x9000004E  }
0xbe: {  	_ =	sfence  }
0xbf: {  	s30 =	sld [smem:$0x0];
	_ =	sdelay $0x2  }
0xc0: {  	s31 =	sshll.u32 s1, $0xD;
	s1 =	sshrl.u32 s1, $0x2  }
0xc1: {  	s3 =	sand.u32 $0x4000, s31;
	s1 =	sadd.s32 s1, s30  }
0xc2: {  	s0 =	sor.u32 s3, s0;
	s1 =	sshll.u32 s1, $0x11  }
0xc3: {  	s0 =	sor.u32 s1, s0  }
0xc4: {  	s0 =	sadd.s32 $0x8F2B, s0  }
0xc5: {  	[sflag:s0] =	ssyncadd.remote.s32 $0x1  }
0xc6: {  	_ =	sfence.sel $0xFFFF  }
0xc7: {  	[dreg:$0x0] =	wrdreg $0xFFFFFFFF;
	(pc) =	sbr.abs _section_cstart, $3  }
0xc8: {  	[dreg:$0x1] =	wrdreg $0xFFFFFFFF  }
0xc9: {  	_ =	task.clear_ibuf [dreg:s8], $0x2FFFF;
	_ =	strace $0x9FFFFFFF  }
0xca: {  	(tm) =	ssettm $0x7FFFFFFF  }
0xcb: {  	_ =	shalt  }
tec
execute0_lowered:
.L_overlay_start_1:
0x0: {  	(tag) =	ssettag $0x1  }
0x1: {  	s1 =	rddreg [dreg:$0x0]  }
0x2: {  	s0 =	rddreg [dreg:$0x1]  }
0x3: {  	s3 =	rddreg [dreg:$0x2]  }
0x4: {  	s2 =	rddreg [dreg:$0x3];
	s4 =	simm.s32 $0x0  }
0x5: {  	s5 =	srdreg.scid;
	s11 =	stileid.u32;
	s19 =	simm.s32 $0x2A00  }
0x6: {  	s20 =	simm.s32 $0x1;
	s21 =	simm.s32 $0x2;
	s28 =	simm.s32 $0x3  }
0x7: {  	s29 =	simm.s32 $0x2980;
	s30 =	simm.s32 $0x0;
	s7 =	smul.u32 $0x500, s11  }
0x8: {  	[smem:$0x7FF] =	sst s4;
	s5 =	sand.u32 $0x1, s5;
	s9 =	smul.u32 $0x50000, s11  }
0x9: {  	s3 =	sadd.s32 $0x2E00, s3;
	s12 =	smul.u32 $0x14000, s11;
	p0 =	seq.s32 s11, $0xF  }
0xa: {  	s6 =	smul.u32 $0x4E00, s5;
	_ =	strace $0x8000004D;
	s8 =	ssub.s32 $0x2, s5  }
0xb: {  	s17 =	smul.u32 $0x140000, s5;
	s5 =	sshll.u32 s5, $0x1;
	s10 =	sshrl.u32 s8, $0x1  }
0xc: {  	s22 =	sshrl.u32 s9, $0x2;
	s23 =	sadd.s32 $0x4000, s12;
	s14 =	sadd.s32 $0x8000, s12  }
0xd: {  	s15 =	sadd.s32 $0xC000, s12;
	s16 =	sadd.s32 $0x10000, s12;
	s11 =	sor.u32 $0x18, s5  }
0xe: {  	s6 =	sadd.s32 s7, s6;
	s13 =	ssub.s32 s8, s10;
	s7 =	sadd.s32 s23, s2  }
0xf: {  	s8 =	sadd.s32 s14, s2;
	s9 =	sadd.s32 s15, s2;
	s10 =	sadd.s32 s16, s2  }
0x10: {  	s24 =	sadd.s32 s12, s17;
	s11 =	simm.s32 @!p0 $0x28;
	s25 =	sadd.s32 s17, s14  }
0x11: {  	s26 =	sadd.s32 s17, s15;
	s31 =	sadd.s32 s17, s16;
	s0 =	sadd.s32 s0, s6  }
0x12: {  	s6 =	sadd.s32 s22, s2;
	s5 =	sshrl.u32 s24, $0x3;
	s12 =	sadd.s32 $0xFFFFFFFF, s11  }
0x13: {  	s14 =	sshrl.u32 s31, $0x3;
	s18 =	smax.u32 s13, $0x1;
	s22 =	simm.s32 $0x80  }
0x14: {  	s24 =	simm.s32 $0x2880;
	[dreg:$0x5] =	wrdreg s0;
	s0 =	sadd.s32 s17, s23  }
0x15: {  	s5 =	sadd.s32 s3, s5;
	s17 =	sadd.s32 s3, s14;
	s0 =	sshrl.u32 s0, $0x3  }
0x16: {  	[dreg:$0x6] =	wrdreg s5;
	s5 =	sshrl.u32 s26, $0x3;
	s0 =	sadd.s32 s3, s0  }
0x17: {  	s26 =	simm.s32 $0x2900;
	[dreg:$0x7] =	wrdreg s0;
	s0 =	sshrl.u32 s25, $0x3  }
0x18: {  	v0 =	vimm.f32 $0.0e+00;
	s16 =	sadd.s32 s3, s5;
	s25 =	simm.s32 $0x6A00;
	s15 =	sadd.s32 s3, s0  }
.LBB2_1:
0x19: {  	s0 =	rddreg [dreg:$0x5]  }
0x1a: {  	[tilespmem:s4], [sflag:$0x2] =	stream.linear.gather [hbm4b:s0+s4], $0x2800, $0x38;
	[tilespmem:$0x1EA00] =	vst v63  }
0x1b: {  	s3 =	simm.s32 $0x200;
	s0 =	simm.s32 $0x0  }
.LBB2_2:
0x1c: {  	p0 =	sne.s32 s3, $0xFE00;
	[tilespmem:s0+$0x2A70] =	vst v0  }
0x1d: {  	[tilespmem:s0+$0x2A00] =	vst v0  }
0x1e: {  	[tilespmem:s0+$0x2A10] =	vst v0  }
.Ltmp0:
0x1f: {  	[tilespmem:s0+$0x2A20] =	vst v0;
	(pc) =	sbr.rel @p0 .LBB2_2-.Ltmp0, $4  }
0x20: {  	[tilespmem:s0+$0x2A30] =	vst v0  }
0x21: {  	[tilespmem:s0+$0x2A40] =	vst v0  }
0x22: {  	[tilespmem:s0+$0x2A50] =	vst v0  }
0x23: {  	[tilespmem:s0+$0x2A60] =	vst v0;
	s0 =	sshra.s32 s3, $0x2;
	s3 =	sadd.s32 $0x200, s3  }
0x24: {  	[tilespmem:s0+$0x2A70] =	vst v0  }
0x25: {  	[tilespmem:s0+$0x2A00] =	vst v0  }
0x26: {  	[tilespmem:s0+$0x2A10] =	vst v0  }
0x27: {  	[tilespmem:s0+$0x2A20] =	vst v0  }
0x28: {  	[tilespmem:s0+$0x2A30] =	vst v0  }
0x29: {  	[tilespmem:s0+$0x2A40] =	vst v0  }
0x2a: {  	[tilespmem:s0+$0x2A50] =	vst v0  }
0x2b: {  	[tilespmem:s0+$0x2A60] =	vst v0  }
0x2c: {  	[spmem:s6] =	stream.linear.scatter [tilespmem:s19], [sflag:$0x1], $0x4000, $0x38;
	[tilespmem:$0x1EA00] =	vst v63  }
0x2d: {  	_ = 	snop  }
0x2e: {  	[spmem:s7] =	stream.linear.scatter [tilespmem:s19], [sflag:$0x1], $0x4000, $0x38;
	[tilespmem:$0x1EA00] =	vst v63  }
0x2f: {  	_ = 	snop  }
0x30: {  	[spmem:s8] =	stream.linear.scatter [tilespmem:s19], [sflag:$0x1], $0x4000, $0x38;
	[tilespmem:$0x1EA00] =	vst v63  }
0x31: {  	_ = 	snop  }
0x32: {  	[spmem:s9] =	stream.linear.scatter [tilespmem:s19], [sflag:$0x1], $0x4000, $0x38;
	[tilespmem:$0x1EA00] =	vst v63  }
0x33: {  	_ = 	snop  }
0x34: {  	[spmem:s10] =	stream.linear.scatter [tilespmem:s19], [sflag:$0x1], $0x4000, $0x38;
	[tilespmem:$0x1EA00] =	vst v63  }
0x35: {  	_ =	swait.ge [sflag:s20], $0x4000  }
0x36: {  	[sflag:s20] =	ssyncset.done $0x0  }
0x37: {  	[sflag:s20] =	ssyncadd.s32 $0xFFFFC000  }
0x38: {  	_ =	swait.ge [sflag:s20], $0x4000  }
0x39: {  	[sflag:s20] =	ssyncset.done $0x0  }
0x3a: {  	[sflag:s20] =	ssyncadd.s32 $0xFFFFC000  }
0x3b: {  	_ =	swait.ge [sflag:s20], $0x4000  }
0x3c: {  	[sflag:s20] =	ssyncset.done $0x0  }
0x3d: {  	[sflag:s20] =	ssyncadd.s32 $0xFFFFC000  }
0x3e: {  	_ =	swait.ge [sflag:s20], $0x4000  }
0x3f: {  	[sflag:s20] =	ssyncset.done $0x0  }
0x40: {  	[sflag:s20] =	ssyncadd.s32 $0xFFFFC000  }
0x41: {  	_ =	swait.ge [sflag:s20], $0x4000  }
0x42: {  	[sflag:s20] =	ssyncset.done $0x0  }
0x43: {  	[sflag:s20] =	ssyncadd.s32 $0xFFFFC000  }
0x44: {  	_ =	swait.ge [sflag:s21], $0x2800  }
0x45: {  	[sflag:s21] =	ssyncset.done $0x0  }
0x46: {  	[sflag:s21] =	ssyncadd.s32 $0xFFFFD800  }
0x47: {  	[bflag:$0x0] =	sbarrier.arrive $0xFFFF  }
0x48: {  	v1 =	vld [tilespmem:$0x0];
	_ =	sdelay $0x1  }
0x49: {  	v2 =	vld [tilespmem:$0x10];
	_ =	sdelay $0x1  }
0x4a: {  	v3 =	vld [tilespmem:$0x20]  }
0x4b: {  	v4 =	vand.u32 $0xFFFF, v1  }
0x4c: {  	v62 =	vld [tilespmem:$0x30];
	v1 =	vshrl.u32 v1, $0x10;
	[tilespmem:$0x2800] =	vst v4  }
0x4d: {  	[tilespmem:$0x2900] =	vst v1;
	v1 =	vand.u32 $0xFFFF, v2  }
0x4e: {  	[tilespmem:$0x2810] =	vst v1;
	v1 =	vshrl.u32 v2, $0x10;
	v2 =	vld [tilespmem:$0x40]  }
0x4f: {  	[tilespmem:$0x2910] =	vst v1;
	v1 =	vand.u32 $0xFFFF, v3  }
0x50: {  	[tilespmem:$0x2820] =	vst v1;
	v1 =	vshrl.u32 v3, $0x10;
	v3 =	vld [tilespmem:$0x50]  }
0x51: {  	[tilespmem:$0x2920] =	vst v1;
	v1 =	vand.u32 $0xFFFF, v62  }
0x52: {  	v63 =	vld [tilespmem:$0x60];
	[tilespmem:$0x2830] =	vst v1;
	v1 =	vshrl.u32 v62, $0x10  }
0x53: {  	[tilespmem:$0x2930] =	vst v1;
	v1 =	vand.u32 $0xFFFF, v2  }
0x54: {  	[tilespmem:$0x2840] =	vst v1;
	v1 =	vshrl.u32 v2, $0x10;
	v2 =	vld [tilespmem:$0x70]  }
0x55: {  	[tilespmem:$0x2940] =	vst v1;
	v1 =	vand.u32 $0xFFFF, v3  }
0x56: {  	[tilespmem:$0x2850] =	vst v1;
	v1 =	vshrl.u32 v3, $0x10  }
0x57: {  	[tilespmem:$0x2950] =	vst v1;
	v1 =	vand.u32 $0xFFFF, v63  }
0x58: {  	[tilespmem:$0x2860] =	vst v1;
	v1 =	vshrl.u32 v63, $0x10  }
0x59: {  	[tilespmem:$0x2960] =	vst v1;
	v1 =	vand.u32 $0xFFFF, v2  }
0x5a: {  	[tilespmem:$0x2870] =	vst v1;
	v1 =	vshrl.u32 v2, $0x10  }
0x5b: {  	s23 =	simm.s32 $0x2800;
	s31 =	simm.s32 $0xC0;
	[tilespmem:$0x2970] =	vst v1  }
0x5c: {  	[tilespmem:s19], [sflag:$0x1] =	stream.indirect.gather [hbm4b:s1+s22], $0x80, s23, s22, $0xb8;
	[tilespmem:$0x1EA00] =	vst v63  }
0x5d: {  	v1 =	vld [tilespmem:s31+$0xFFFFFFC0];
	_ =	sdelay $0x4  }
0x5e: {  	v2 =	vand.u32 $0xFFFF, v1  }
0x5f: {  	v1 =	vshrl.u32 v1, $0x10;
	[tilespmem:$0x2880] =	vst v2  }
0x60: {  	[tilespmem:$0x2980] =	vst v1  }
0x61: {  	v1 =	vld [tilespmem:s31+$0xFFFFFFD0];
	_ =	sdelay $0x4  }
0x62: {  	v2 =	vand.u32 $0xFFFF, v1  }
0x63: {  	v1 =	vshrl.u32 v1, $0x10;
	[tilespmem:$0x2890] =	vst v2  }
0x64: {  	[tilespmem:$0x2990] =	vst v1  }
0x65: {  	v1 =	vld [tilespmem:s31+$0xFFFFFFE0];
	_ =	sdelay $0x4  }
0x66: {  	v2 =	vand.u32 $0xFFFF, v1  }
0x67: {  	v1 =	vshrl.u32 v1, $0x10;
	[tilespmem:$0x28A0] =	vst v2  }
0x68: {  	[tilespmem:$0x29A0] =	vst v1  }
0x69: {  	v1 =	vld [tilespmem:s31+$0xFFFFFFF0];
	_ =	sdelay $0x4  }
0x6a: {  	v2 =	vand.u32 $0xFFFF, v1  }
0x6b: {  	v1 =	vshrl.u32 v1, $0x10;
	[tilespmem:$0x28B0] =	vst v2  }
0x6c: {  	[tilespmem:$0x29B0] =	vst v1  }
0x6d: {  	v1 =	vld [tilespmem:s31+$0x0];
	_ =	sdelay $0x4  }
0x6e: {  	v2 =	vand.u32 $0xFFFF, v1  }
0x6f: {  	v1 =	vshrl.u32 v1, $0x10;
	[tilespmem:$0x28C0] =	vst v2  }
0x70: {  	[tilespmem:$0x29C0] =	vst v1  }
0x71: {  	v1 =	vld [tilespmem:s31+$0x10];
	_ =	sdelay $0x4  }
0x72: {  	v2 =	vand.u32 $0xFFFF, v1  }
0x73: {  	v1 =	vshrl.u32 v1, $0x10;
	[tilespmem:$0x28D0] =	vst v2  }
0x74: {  	[tilespmem:$0x29D0] =	vst v1  }
0x75: {  	v1 =	vld [tilespmem:s31+$0x20];
	_ =	sdelay $0x4  }
0x76: {  	v2 =	vand.u32 $0xFFFF, v1  }
0x77: {  	v1 =	vshrl.u32 v1, $0x10;
	[tilespmem:$0x28E0] =	vst v2  }
0x78: {  	[tilespmem:$0x29E0] =	vst v1  }
0x79: {  	v1 =	vld [tilespmem:s31+$0x30];
	_ =	sdelay $0x4  }
0x7a: {  	v2 =	vand.u32 $0xFFFF, v1  }
0x7b: {  	v1 =	vshrl.u32 v1, $0x10;
	[tilespmem:$0x28F0] =	vst v2  }
0x7c: {  	[tilespmem:$0x29F0] =	vst v1  }
0x7d: {  	[tilespmem:s25], [sflag:$0x2] =	stream.indirect.gather [hbm4b:s1+s22], $0x80, s24, s22, $0xb8;
	[tilespmem:$0x1EA00] =	vst v63  }
0x7e: {  	_ =	swait.ge [sflag:s20], $0x4000  }
0x7f: {  	[sflag:s20] =	ssyncset.done $0x0  }
0x80: {  	[sflag:s20] =	ssyncadd.s32 $0xFFFFC000  }
0x81: {  	[spmem:s2] =	stream.indirect.scatter.add.f32 [tilespmem:s19], [sflag:$0x3], $0x80, s26, s22, $0xb8;
	[tilespmem:$0x1EA00] =	vst v63  }
0x82: {  	_ =	swait.ge [sflag:s28], $0x4000  }
0x83: {  	[sflag:s28] =	ssyncset.done $0x0  }
0x84: {  	p1 =	sle.u32 s12, $0x0;
	[sflag:s28] =	ssyncadd.s32 $0xFFFFC000  }
0x85: {  	v1 =	vld @!p1 [tilespmem:s31+$0x40];
	_ =	sdelay $0x4  }
0x86: {  	v2 =	vand.u32 @!p1 $0xFFFF, v1  }
0x87: {  	v1 =	vshrl.u32 @!p1 v1, $0x10;
	[tilespmem:$0x2800] =	vst @!p1 v2  }
0x88: {  	[tilespmem:$0x2900] =	vst @!p1 v1  }
0x89: {  	v1 =	vld @!p1 [tilespmem:s31+$0x50];
	_ =	sdelay $0x4  }
0x8a: {  	v2 =	vand.u32 @!p1 $0xFFFF, v1  }
0x8b: {  	v1 =	vshrl.u32 @!p1 v1, $0x10;
	[tilespmem:$0x2810] =	vst @!p1 v2  }
0x8c: {  	[tilespmem:$0x2910] =	vst @!p1 v1  }
0x8d: {  	v1 =	vld @!p1 [tilespmem:s31+$0x60];
	_ =	sdelay $0x4  }
0x8e: {  	v2 =	vand.u32 @!p1 $0xFFFF, v1  }
0x8f: {  	v1 =	vshrl.u32 @!p1 v1, $0x10;
	[tilespmem:$0x2820] =	vst @!p1 v2  }
0x90: {  	[tilespmem:$0x2920] =	vst @!p1 v1  }
0x91: {  	v1 =	vld @!p1 [tilespmem:s31+$0x70];
	_ =	sdelay $0x4  }
0x92: {  	v2 =	vand.u32 @!p1 $0xFFFF, v1  }
0x93: {  	v1 =	vshrl.u32 @!p1 v1, $0x10;
	[tilespmem:$0x2830] =	vst @!p1 v2  }
0x94: {  	[tilespmem:$0x2930] =	vst @!p1 v1  }
0x95: {  	v1 =	vld @!p1 [tilespmem:s31+$0x80];
	_ =	sdelay $0x4  }
0x96: {  	v2 =	vand.u32 @!p1 $0xFFFF, v1  }
0x97: {  	v1 =	vshrl.u32 @!p1 v1, $0x10;
	[tilespmem:$0x2840] =	vst @!p1 v2  }
0x98: {  	[tilespmem:$0x2940] =	vst @!p1 v1  }
0x99: {  	v1 =	vld @!p1 [tilespmem:s31+$0x90];
	_ =	sdelay $0x4  }
0x9a: {  	v2 =	vand.u32 @!p1 $0xFFFF, v1  }
0x9b: {  	v1 =	vshrl.u32 @!p1 v1, $0x10;
	[tilespmem:$0x2850] =	vst @!p1 v2  }
0x9c: {  	[tilespmem:$0x2950] =	vst @!p1 v1  }
0x9d: {  	v1 =	vld @!p1 [tilespmem:s31+$0xA0]  }
0x9e: {  	p0 =	sne.s32 s11, $0x1  }
.Ltmp1:
0x9f: {  	_ = 	snop;
	(pc) =	sbr.rel @!p0 .LBB2_5-.Ltmp1, $3  }
0xa0: {  	_ =	sdelay $0x1  }
0xa1: {  	s0 =	simm.s32 $0x1;
	s3 =	simm.s32 $0xC0;
	v2 =	vand.u32 @!p1 $0xFFFF, v1  }
0xa2: {  	s5 =	simm.s32 @!p1 $0x80;
	s13 =	simm.s32 @!p1 $0x2800;
	s14 =	simm.s32 @!p1 $0x2A00;
	v1 =	vshrl.u32 @!p1 v1, $0x10;
	[tilespmem:$0x2860] =	vst @!p1 v2  }
.LBB2_4:
0xa3: {  	[tilespmem:$0x2960] =	vst @!p1 v1;
	s3 =	sadd.s32 $0x100, s3;
	s23 =	smov.u32 s0;
	s0 =	sadd.s32 $0x1, s0  }
0xa4: {  	p0 =	sne.s32 s11, s0;
	v1 =	vld @!p1 [tilespmem:s31+$0xB0];
	s31 =	smov.u32 s3;
	_ =	sdelay $0x4  }
0xa5: {  	v2 =	vand.u32 @!p1 $0xFFFF, v1;
	v1 =	vshrl.u32 @!p1 v1, $0x10  }
0xa6: {  	[tilespmem:$0x2870] =	vst @!p1 v2  }
0xa7: {  	[tilespmem:$0x2970] =	vst @!p1 v1  }
0xa8: {  	[tilespmem:s14], [sflag:$0x1] =	stream.indirect.gather @!p1 [hbm4b:s1+s5], $0x80, s13, s5, $0xb8;
	[tilespmem:$0x1EA00] =	vst v63  }
0xa9: {  	_ =	swait.ge [sflag:s21], $0x4000  }
0xaa: {  	[sflag:s21] =	ssyncset.done $0x0  }
0xab: {  	[sflag:s21] =	ssyncadd.s32 $0xFFFFC000  }
0xac: {  	[spmem:s2] =	stream.indirect.scatter.add.f32 [tilespmem:s25], [sflag:$0x3], $0x80, s29, s22, $0xb8;
	[tilespmem:$0x1EA00] =	vst v63  }
0xad: {  	_ =	swait.ge [sflag:s28], $0x4000  }
0xae: {  	[sflag:s28] =	ssyncset.done $0x0  }
0xaf: {  	[sflag:s28] =	ssyncadd.s32 $0xFFFFC000  }
0xb0: {  	v1 =	vld [tilespmem:s3+$0xFFFFFFC0];
	_ =	sdelay $0x4  }
0xb1: {  	v2 =	vand.u32 $0xFFFF, v1;
	v1 =	vshrl.u32 v1, $0x10  }
0xb2: {  	[tilespmem:$0x2880] =	vst v2  }
0xb3: {  	[tilespmem:$0x2980] =	vst v1  }
0xb4: {  	v1 =	vld [tilespmem:s3+$0xFFFFFFD0];
	_ =	sdelay $0x4  }
0xb5: {  	v2 =	vand.u32 $0xFFFF, v1;
	v1 =	vshrl.u32 v1, $0x10  }
0xb6: {  	[tilespmem:$0x2890] =	vst v2  }
0xb7: {  	[tilespmem:$0x2990] =	vst v1  }
0xb8: {  	v1 =	vld [tilespmem:s3+$0xFFFFFFE0];
	_ =	sdelay $0x4  }
0xb9: {  	v2 =	vand.u32 $0xFFFF, v1;
	v1 =	vshrl.u32 v1, $0x10  }
0xba: {  	[tilespmem:$0x28A0] =	vst v2  }
0xbb: {  	[tilespmem:$0x29A0] =	vst v1  }
0xbc: {  	v1 =	vld [tilespmem:s3+$0xFFFFFFF0];
	_ =	sdelay $0x4  }
0xbd: {  	v2 =	vand.u32 $0xFFFF, v1;
	v1 =	vshrl.u32 v1, $0x10  }
0xbe: {  	[tilespmem:$0x28B0] =	vst v2  }
0xbf: {  	[tilespmem:$0x29B0] =	vst v1  }
0xc0: {  	v1 =	vld [tilespmem:s3+$0x0];
	_ =	sdelay $0x4  }
0xc1: {  	v2 =	vand.u32 $0xFFFF, v1;
	v1 =	vshrl.u32 v1, $0x10  }
0xc2: {  	[tilespmem:$0x28C0] =	vst v2  }
0xc3: {  	[tilespmem:$0x29C0] =	vst v1  }
0xc4: {  	v1 =	vld [tilespmem:s3+$0x10];
	_ =	sdelay $0x4  }
0xc5: {  	v2 =	vand.u32 $0xFFFF, v1;
	v1 =	vshrl.u32 v1, $0x10  }
0xc6: {  	[tilespmem:$0x28D0] =	vst v2  }
0xc7: {  	[tilespmem:$0x29D0] =	vst v1  }
0xc8: {  	v1 =	vld [tilespmem:s3+$0x20];
	_ =	sdelay $0x4  }
0xc9: {  	v2 =	vand.u32 $0xFFFF, v1;
	v1 =	vshrl.u32 v1, $0x10  }
0xca: {  	[tilespmem:$0x28E0] =	vst v2  }
0xcb: {  	[tilespmem:$0x29E0] =	vst v1  }
0xcc: {  	v1 =	vld [tilespmem:s3+$0x30];
	_ =	sdelay $0x4  }
0xcd: {  	v2 =	vand.u32 $0xFFFF, v1;
	v1 =	vshrl.u32 v1, $0x10  }
0xce: {  	[tilespmem:$0x28F0] =	vst v2  }
0xcf: {  	[tilespmem:$0x29F0] =	vst v1  }
0xd0: {  	[tilespmem:s25], [sflag:$0x2] =	stream.indirect.gather [hbm4b:s1+s22], $0x80, s24, s22, $0xb8;
	[tilespmem:$0x1EA00] =	vst v63  }
0xd1: {  	_ =	swait.ge [sflag:s20], $0x4000  }
0xd2: {  	[sflag:s20] =	ssyncset.done $0x0  }
0xd3: {  	[sflag:s20] =	ssyncadd.s32 $0xFFFFC000  }
0xd4: {  	[spmem:s2] =	stream.indirect.scatter.add.f32 [tilespmem:s19], [sflag:$0x3], $0x80, s26, s22, $0xb8;
	[tilespmem:$0x1EA00] =	vst v63  }
0xd5: {  	_ =	swait.ge [sflag:s28], $0x4000  }
0xd6: {  	[sflag:s28] =	ssyncset.done $0x0  }
0xd7: {  	p1 =	sge.u32 s23, s12;
	[sflag:s28] =	ssyncadd.s32 $0xFFFFC000  }
0xd8: {  	v1 =	vld @!p1 [tilespmem:s3+$0x40];
	_ =	sdelay $0x4  }
0xd9: {  	v2 =	vand.u32 @!p1 $0xFFFF, v1;
	v1 =	vshrl.u32 @!p1 v1, $0x10  }
0xda: {  	[tilespmem:$0x2800] =	vst @!p1 v2  }
0xdb: {  	[tilespmem:$0x2900] =	vst @!p1 v1  }
0xdc: {  	v1 =	vld @!p1 [tilespmem:s3+$0x50];
	_ =	sdelay $0x4  }
0xdd: {  	v2 =	vand.u32 @!p1 $0xFFFF, v1;
	v1 =	vshrl.u32 @!p1 v1, $0x10  }
0xde: {  	[tilespmem:$0x2810] =	vst @!p1 v2  }
0xdf: {  	[tilespmem:$0x2910] =	vst @!p1 v1  }
0xe0: {  	v1 =	vld @!p1 [tilespmem:s3+$0x60];
	_ =	sdelay $0x4  }
0xe1: {  	v2 =	vand.u32 @!p1 $0xFFFF, v1;
	v1 =	vshrl.u32 @!p1 v1, $0x10  }
0xe2: {  	[tilespmem:$0x2820] =	vst @!p1 v2  }
0xe3: {  	[tilespmem:$0x2920] =	vst @!p1 v1  }
0xe4: {  	v1 =	vld @!p1 [tilespmem:s3+$0x70];
	_ =	sdelay $0x4  }
0xe5: {  	v2 =	vand.u32 @!p1 $0xFFFF, v1;
	v1 =	vshrl.u32 @!p1 v1, $0x10  }
0xe6: {  	[tilespmem:$0x2830] =	vst @!p1 v2  }
0xe7: {  	[tilespmem:$0x2930] =	vst @!p1 v1  }
0xe8: {  	v1 =	vld @!p1 [tilespmem:s3+$0x80];
	_ =	sdelay $0x4  }
0xe9: {  	v2 =	vand.u32 @!p1 $0xFFFF, v1;
	v1 =	vshrl.u32 @!p1 v1, $0x10  }
0xea: {  	[tilespmem:$0x2840] =	vst @!p1 v2  }
0xeb: {  	[tilespmem:$0x2940] =	vst @!p1 v1  }
0xec: {  	v1 =	vld @!p1 [tilespmem:s3+$0x90];
	_ =	sdelay $0x4  }
0xed: {  	v2 =	vand.u32 @!p1 $0xFFFF, v1;
	v1 =	vshrl.u32 @!p1 v1, $0x10  }
0xee: {  	[tilespmem:$0x2850] =	vst @!p1 v2  }
0xef: {  	s5 =	simm.s32 @!p1 $0x80;
	s13 =	simm.s32 @!p1 $0x2800;
	s14 =	simm.s32 @!p1 $0x2A00;
	[tilespmem:$0x2950] =	vst @!p1 v1  }
0xf0: {  	v1 =	vld @!p1 [tilespmem:s3+$0xA0];
	_ =	sdelay $0x1  }
.Ltmp2:
0xf1: {  	(pc) =	sbr.rel @p0 .LBB2_4-.Ltmp2, $3  }
0xf2: {  	_ =	sdelay $0x1  }
0xf3: {  	v2 =	vand.u32 @!p1 $0xFFFF, v1;
	v1 =	vshrl.u32 @!p1 v1, $0x10  }
0xf4: {  	[tilespmem:$0x2860] =	vst @!p1 v2  }
.LBB2_5:
0xf5: {  	[tilespmem:$0x2960] =	vst @!p1 v1  }
0xf6: {  	v1 =	vld @!p1 [tilespmem:s31+$0xB0];
	_ =	sdelay $0x4  }
0xf7: {  	v2 =	vand.u32 @!p1 $0xFFFF, v1  }
0xf8: {  	v1 =	vshrl.u32 @!p1 v1, $0x10;
	[tilespmem:$0x2870] =	vst @!p1 v2  }
0xf9: {  	[tilespmem:$0x2970] =	vst @!p1 v1  }
0xfa: {  	[tilespmem:s14], [sflag:$0x1] =	stream.indirect.gather @!p1 [hbm4b:s1+s5], $0x80, s13, s5, $0xb8;
	[tilespmem:$0x1EA00] =	vst v63  }
0xfb: {  	_ =	swait.ge [sflag:s21], $0x4000  }
0xfc: {  	[sflag:s21] =	ssyncset.done $0x0  }
0xfd: {  	[sflag:s21] =	ssyncadd.s32 $0xFFFFC000  }
0xfe: {  	[spmem:s2] =	stream.indirect.scatter.add.f32 [tilespmem:s25], [sflag:$0x3], $0x80, s29, s22, $0xb8;
	[tilespmem:$0x1EA00] =	vst v63  }
0xff: {  	_ =	swait.ge [sflag:s28], $0x4000  }
0x100: {  	[sflag:s28] =	ssyncset.done $0x0  }
0x101: {  	[sflag:s28] =	ssyncadd.s32 $0xFFFFC000  }
0x102: {  	[bflag:$0x0] =	sbarrier.arrive $0xFFFF  }
0x103: {  	[tilespmem:s19], [sflag:$0x3] =	stream.linear.gather [spmem:s6], $0x4000, $0x38;
	[tilespmem:$0x1EA00] =	vst v63  }
0x104: {  	_ =	swait.ge [sflag:s28], $0x4000  }
0x105: {  	[sflag:s28] =	ssyncset.done $0x0  }
0x106: {  	s0 =	rddreg [dreg:$0x6];
	[sflag:s28] =	ssyncadd.s32 $0xFFFFC000  }
0x107: {  	[hbm4b:s0+s4] =	stream.linear.scatter [tilespmem:s19], [sflag:$0x1], $0x4000, $0x38;
	[tilespmem:$0x1EA00] =	vst v63  }
0x108: {  	_ = 	snop  }
0x109: {  	[tilespmem:s25], [sflag:$0x3] =	stream.linear.gather [spmem:s7], $0x4000, $0x38;
	[tilespmem:$0x1EA00] =	vst v63  }
0x10a: {  	_ =	swait.ge [sflag:s28], $0x4000  }
0x10b: {  	[sflag:s28] =	ssyncset.done $0x0  }
0x10c: {  	s31 =	rddreg [dreg:$0x7];
	[sflag:s28] =	ssyncadd.s32 $0xFFFFC000  }
0x10d: {  	[hbm4b:s31+s4] =	stream.linear.scatter [tilespmem:s25], [sflag:$0x2], $0x4000, $0x38;
	[tilespmem:$0x1EA00] =	vst v63  }
0x10e: {  	_ =	swait.ge [sflag:s20], $0x4000  }
0x10f: {  	[sflag:s20] =	ssyncset.done $0x0  }
0x110: {  	[sflag:s20] =	ssyncadd.s32 $0xFFFFC000  }
0x111: {  	[tilespmem:s19], [sflag:$0x3] =	stream.linear.gather [spmem:s8], $0x4000, $0x38;
	[tilespmem:$0x1EA00] =	vst v63  }
0x112: {  	_ =	swait.ge [sflag:s28], $0x4000  }
0x113: {  	[sflag:s28] =	ssyncset.done $0x0  }
0x114: {  	[sflag:s28] =	ssyncadd.s32 $0xFFFFC000  }
0x115: {  	[hbm4b:s15+s4] =	stream.linear.scatter [tilespmem:s19], [sflag:$0x1], $0x4000, $0x38;
	[tilespmem:$0x1EA00] =	vst v63  }
0x116: {  	_ =	swait.ge [sflag:s21], $0x4000  }
0x117: {  	[sflag:s21] =	ssyncset.done $0x0  }
0x118: {  	[sflag:s21] =	ssyncadd.s32 $0xFFFFC000  }
0x119: {  	[tilespmem:s25], [sflag:$0x3] =	stream.linear.gather [spmem:s9], $0x4000, $0x38;
	[tilespmem:$0x1EA00] =	vst v63  }
0x11a: {  	_ =	swait.ge [sflag:s28], $0x4000  }
0x11b: {  	[sflag:s28] =	ssyncset.done $0x0  }
0x11c: {  	[sflag:s28] =	ssyncadd.s32 $0xFFFFC000  }
0x11d: {  	[hbm4b:s16+s4] =	stream.linear.scatter [tilespmem:s25], [sflag:$0x2], $0x4000, $0x38;
	[tilespmem:$0x1EA00] =	vst v63  }
0x11e: {  	_ =	swait.ge [sflag:s20], $0x4000  }
0x11f: {  	[sflag:s20] =	ssyncset.done $0x0  }
0x120: {  	[sflag:s20] =	ssyncadd.s32 $0xFFFFC000  }
0x121: {  	[tilespmem:s19], [sflag:$0x3] =	stream.linear.gather [spmem:s10], $0x4000, $0x38;
	[tilespmem:$0x1EA00] =	vst v63  }
0x122: {  	_ =	swait.ge [sflag:s28], $0x4000  }
0x123: {  	[sflag:s28] =	ssyncset.done $0x0  }
0x124: {  	s30 =	sadd.s32 $0x1, s30;
	[sflag:s28] =	ssyncadd.s32 $0xFFFFC000  }
0x125: {  	[hbm4b:s17+s4] =	stream.linear.scatter [tilespmem:s19], [sflag:$0x1], $0x4000, $0x38;
	[tilespmem:$0x1EA00] =	vst v63  }
0x126: {  	p0 =	sne.s32 s30, s18;
	_ =	swait.ge [sflag:s20], $0x4000  }
.Ltmp3:
0x127: {  	[sflag:s20] =	ssyncset.done $0x0;
	(pc) =	sbr.rel @p0 .LBB2_1-.Ltmp3, $4  }
0x128: {  	[sflag:s20] =	ssyncadd.s32 $0xFFFFC000  }
0x129: {  	_ =	swait.ge [sflag:s21], $0x4000  }
0x12a: {  	[sflag:s21] =	ssyncset.done $0x0  }
0x12b: {  	[sflag:s21] =	ssyncadd.s32 $0xFFFFC000  }
0x12c: {  	_ =	sfence.sel $0x180000  }
0x12d: {  	[bflag:$0x0] =	sbarrier.arrive $0xFFFF  }
0x12e: {  	_ =	strace $0x9000004D  }
0x12f: {  	s0 =	stileid.u32;
	[bflag:$0x2] =	sbarrier.arrive $0xFFFF  }
0x130: {  	p0 =	sne.s32 s0, $0x0;
	s0 =	rddreg [dreg:$0x4]  }
0x131: {  	s0 =	sadd.s32 @!p0 $0x100000, s0  }
0x132: {  	[sflag:s0] =	ssyncadd.tile.s32 @!p0 $0x1;
	_ =	shalt  }
.Lfunc_end2:
_tile_overlayer_lowered:
.L_overlay_start_2:
0x133: {  	(tag) =	ssettag $0x2  }
0x134: {  	s0 =	rddreg [dreg:$0x0];
	s2 =	stileid.u32  }
0x135: {  	s1 =	rddreg [dreg:$0x1];
	p0 =	sne.s32 s2, $0x0  }
0x136: {  	s3 =	rddreg [dreg:$0x2];
	[bflag:$0x3] =	sbarrier.arrive $0xFFFF;
	s2 =	simm.s32 @!p0 $0x1C03  }
0x137: {  	[timem:s3], [sflag:s2] =	dma.local @!p0 [hbm:s0], s1  }
0x138: {  	s0 =	simm.s32 @!p0 $0x3  }
0x139: {  	_ =	swait.ge @!p0 [sflag:s0], s1  }
0x13a: {  	s1 =	ssub.s32 @!p0 $0x0, s1;
	[sflag:s0] =	ssyncset.done @!p0 $0x0  }
0x13b: {  	[sflag:s0] =	ssyncadd.s32 @!p0 s1  }
0x13c: {  	[bflag:$0x3] =	sbarrier.arrive $0xFFFF  }
0x13d: {  	_ =	shalt  }

// kernel: kernel.8.cloned.1.call-start
scs
__scs_entry_jumppad:
0x0: {  	(pc) =	sbr.rel $0x88, $3  }
0x1: {  	(tag) =	ssettag $0x0;
	lr =	simm.s32 $0x1  }
0x2: {  	[smem:$0x3F9B] =	sst lr;
	_ =	strace $0xD0000000  }
0x3: {  	_ = 	snop  }
0x4: {  	_ = 	snop  }
0x5: {  	_ = 	snop  }
0x6: {  	_ = 	snop  }
0x7: {  	_ = 	snop  }
__scs_overlays_trampoline_lowered:
0x8: {  	[smem:$0x3FAA] =	sst s0  }
0x9: {  	[smem:$0x3FAB] =	sst s1  }
0xa: {  	[smem:$0x3FAC] =	sst s2  }
0xb: {  	[smem:$0x3FAD] =	sst s3  }
0xc: {  	[smem:$0x3FAE] =	sst s4  }
0xd: {  	[smem:$0x3FAF] =	sst s5  }
0xe: {  	[smem:$0x3FB0] =	sst s6  }
0xf: {  	[smem:$0x3FB1] =	sst s7  }
0x10: {  	[smem:$0x3FB2] =	sst s8  }
0x11: {  	[smem:$0x3FB3] =	sst s9;
	s0 =	simm.s32 @!p0 $0x0  }
0x12: {  	s1 =	sld [smem:$0x3F99];
	s0 =	simm.s32 @p0 $0x1  }
0x13: {  	[smem:$0x3FB4] =	sst s0;
	s0 =	simm.s32 @!p1 $0x0  }
0x14: {  	s2 =	sld [smem:$0x3F98];
	s0 =	simm.s32 @p1 $0x1  }
0x15: {  	[smem:$0x3FB5] =	sst s0;
	s0 =	simm.s32 @!p2 $0x0  }
0x16: {  	s3 =	sld [smem:$0x3FDB];
	s0 =	simm.s32 @p2 $0x1  }
0x17: {  	s4 =	simm.s32 $0x1BF5;
	[smem:$0x3FB7] =	sst s0  }
0x18: {  	s0 =	sld [smem:$0x3F9A];
	_ =	swait.ge [sflag:s4], $0x0  }
0x19: {  	s7 =	sld [smem:$0x3F9B]  }
0x1a: {  	s8 =	sadd.s32 $0xFFFFE003, lr  }
0x1b: {  	s9 =	sadd.s32 $0xFFFFFEF7, lr;
	s5 =	simm.s32 $0xFFFFFFFF;
	p2 =	slt.u32 s8, $0xFFFFF086  }
0x1c: {  	p1 =	slt.u32 s9, $0xF7A;
	s5 =	simm.s32 @!p2 $0x0  }
0x1d: {  	s5 =	simm.s32 @p1 $0x1;
	p0 =	seq.s32 s7, s2  }
0x1e: {  	s7 =	smul.u32 @!p0 $0xF7A, s2;
	p2 =	seq.s32 @!p0 s5, $0x0  }
0x1f: {  	s9 =	smul.u32 $0xF7A, s1;
	s8 =	simm.s32 @!p0 $0x1BF5;
	p2 =	por !p2, p0  }
0x20: {  	[sflag:s8] =	ssyncset.s32 @!p0 $0xFFFFF086;
	s6 =	sadd.s32 @!p0 s3, s7;
	s7 =	simm.s32 @!p0 $0x108  }
0x21: {  	s3 =	sadd.s32 s3, s9;
	s6 =	sadd.s32 @!p0 $0x88, s6;
	s7 =	simm.s32 @p2 $0x1082  }
0x22: {  	[simem:s7], [sflag:s8] =	dma.local @!p0 [hbm:s6], $0xF7A  }
0x23: {  	s9 =	sor.u32 $0xD0000000, s2;
	s6 =	simm.s32 $0x108;
	_ =	swait.ge @!p0 [sflag:s8], $0x0  }
0x24: {  	s3 =	sadd.s32 $0x88, s3;
	s6 =	simm.s32 @!p1 $0x1082;
	[sflag:s4] =	ssyncset.s32 $0xFFFFF086  }
0x25: {  	[simem:s6], [sflag:s4] =	dma.local [hbm:s3], $0xF7A  }
0x26: {  	[smem:$0x3F9B] =	sst s1;
	(tag) =	ssettag s2;
	_ =	strace s9  }
0x27: {  	s1 =	sld [smem:$0x3FAB]  }
0x28: {  	s2 =	sld [smem:$0x3FAC]  }
0x29: {  	s4 =	sld [smem:$0x3FAE]  }
0x2a: {  	p0 =	seq.s32 s5, $0x0;
	s5 =	sld [smem:$0x3FAF]  }
0x2b: {  	s6 =	sld [smem:$0x3FB0]  }
0x2c: {  	s7 =	sld [smem:$0x3FB1]  }
0x2d: {  	s3 =	simm.s32 $0x108;
	s8 =	sld [smem:$0x3FB2]  }
0x2e: {  	s3 =	simm.s32 @!p0 $0x1082;
	s9 =	sld [smem:$0x3FB3]  }
0x2f: {  	lr =	sadd.s32 s0, s3;
	s0 =	sld [smem:$0x3FAA]  }
0x30: {  	s3 =	sld [smem:$0x3FAD]  }
0x31: {  	[smem:$0x3FB6] =	sst s10  }
0x32: {  	s10 =	sld [smem:$0x3FB4];
	_ =	sdelay $0x3  }
0x33: {  	p0 =	seq.s32 s10, $0x1;
	s10 =	sld [smem:$0x3FB6];
	_ =	sdelay $0x3  }
0x34: {  	[smem:$0x3FB6] =	sst s10  }
0x35: {  	s10 =	sld [smem:$0x3FB5];
	_ =	sdelay $0x3  }
0x36: {  	p1 =	seq.s32 s10, $0x1;
	s10 =	sld [smem:$0x3FB6];
	_ =	sdelay $0x3  }
0x37: {  	[smem:$0x3FB6] =	sst s10  }
0x38: {  	s10 =	sld [smem:$0x3FB7]  }
0x39: {  	_ = 	snop;
	(pc) =	sbr.ind lr, $3  }
0x3a: {  	_ = 	snop  }
0x3b: {  	_ = 	snop  }
0x3c: {  	p2 =	seq.s32 s10, $0x1;
	s10 =	sld [smem:$0x3FB6]  }
0x3d: {  	_ =	shalt  }
0x3e: {  	_ =	shalt  }
0x3f: {  	_ =	shalt  }
0x40: {  	_ =	shalt  }
0x41: {  	_ =	shalt  }
0x42: {  	_ =	shalt  }
0x43: {  	_ =	shalt  }
0x44: {  	_ =	shalt  }
0x45: {  	_ =	shalt  }
0x46: {  	_ =	shalt  }
0x47: {  	_ =	shalt  }
0x48: {  	_ =	shalt  }
0x49: {  	_ =	shalt  }
0x4a: {  	_ =	shalt  }
0x4b: {  	_ =	shalt  }
0x4c: {  	_ =	shalt  }
0x4d: {  	_ =	shalt  }
0x4e: {  	_ =	shalt  }
0x4f: {  	_ =	shalt  }
0x50: {  	_ =	shalt  }
0x51: {  	_ =	shalt  }
0x52: {  	_ =	shalt  }
0x53: {  	_ =	shalt  }
0x54: {  	_ =	shalt  }
0x55: {  	_ =	shalt  }
0x56: {  	_ =	shalt  }
0x57: {  	_ =	shalt  }
0x58: {  	_ =	shalt  }
0x59: {  	_ =	shalt  }
0x5a: {  	_ =	shalt  }
0x5b: {  	_ =	shalt  }
0x5c: {  	_ =	shalt  }
0x5d: {  	_ =	shalt  }
0x5e: {  	_ =	shalt  }
0x5f: {  	_ =	shalt  }
0x60: {  	_ =	shalt  }
0x61: {  	_ =	shalt  }
0x62: {  	_ =	shalt  }
0x63: {  	_ =	shalt  }
0x64: {  	_ =	shalt  }
0x65: {  	_ =	shalt  }
0x66: {  	_ =	shalt  }
0x67: {  	_ =	shalt  }
0x68: {  	_ =	shalt  }
0x69: {  	_ =	shalt  }
0x6a: {  	_ =	shalt  }
0x6b: {  	_ =	shalt  }
0x6c: {  	_ =	shalt  }
0x6d: {  	_ =	shalt  }
0x6e: {  	_ =	shalt  }
0x6f: {  	_ =	shalt  }
0x70: {  	_ =	shalt  }
0x71: {  	_ =	shalt  }
0x72: {  	_ =	shalt  }
0x73: {  	_ =	shalt  }
0x74: {  	_ =	shalt  }
0x75: {  	_ =	shalt  }
0x76: {  	_ =	shalt  }
0x77: {  	_ =	shalt  }
0x78: {  	_ =	shalt  }
0x79: {  	_ =	shalt  }
0x7a: {  	_ =	shalt  }
0x7b: {  	_ =	shalt  }
0x7c: {  	_ =	shalt  }
0x7d: {  	_ =	shalt  }
0x7e: {  	_ =	shalt  }
0x7f: {  	_ =	shalt  }
0x80: {  	_ =	shalt  }
0x81: {  	_ =	shalt  }
0x82: {  	_ =	shalt  }
0x83: {  	_ =	shalt  }
0x84: {  	_ =	shalt  }
0x85: {  	_ =	shalt  }
0x86: {  	_ =	shalt  }
0x87: {  	_ =	shalt  }
.Lfunc_end0:
.L_simem_size_0:
called_computation_lowered:
.L_overlay_start_0:
0x88: {  	s2 =	sld [smem:$0x3FD9]  }
0x89: {  	s3 =	sld [smem:$0x3FFE];
	_ =	sdelay $0x1  }
0x8a: {  	s1 =	srdreg.scid  }
0x8b: {  	s0 =	sand.u32 $0x1, s1  }
0x8c: {  	s15 =	sshll.u32 s0, $0xA;
	s2 =	sadd.s32 s3, s2  }
0x8d: {  	s2 =	sadd.s32 s2, s15  }
0x8e: {  	[smem:$0x3FC2] =	sst s2  }
0x8f: {  	_ = 	snop  }
0x90: {  	s2 =	sld [smem:$0x3FD0];
	_ =	sdelay $0x2  }
0x91: {  	s4 =	simm.s32 $0xA;
	s5 =	simm.s32 $0x10;
	s16 =	sld [smem:$0x3FC8]  }
0x92: {  	[smem:s5], [sflag:s4] =	dma.local [hbm:s2], $0x1  }
0x93: {  	_ =	swait.eq [sflag:s4], $0x1  }
0x94: {  	[sflag:s4] =	ssyncset.done $0x0  }
0x95: {  	s17 =	sld [smem:$0x11];
	[sflag:s4] =	ssyncadd.s32 $0xFFFFFFFF  }
0x96: {  	s18 =	sld [smem:$0x13];
	(tm) =	ssettm $0x1  }
0x97: {  	s19 =	sld [smem:$0x3FFB];
	_ =	sdelay $0x3  }
0x98: {  	_ =	strace s19  }
0x99: {  	s5 =	sld [smem:$0x3FFC];
	_ =	sdelay $0x3  }
0x9a: {  	_ =	strace s5  }
0x9b: {  	s5 =	sld [smem:$0x3FFD];
	_ =	sdelay $0x3  }
0x9c: {  	_ =	strace s5  }
0x9d: {  	_ =	strace $0x8FFFFFFF  }
0x9e: {  	s20 =	sld [smem:$0x3FDB];
	_ =	sdelay $0x1  }
0x9f: {  	s6 =	simm.s32 $_scs_section_size  }
0xa0: {  	s7 =	simm.s32 $_size__tile_overlayer_lowered;
	s8 =	simm.s32 $_tile_overlayer_lowered  }
0xa1: {  	s23 =	simm.s32 $0x1BFF;
	s22 =	sshll.u32 s8, $0x1;
	s5 =	sadd.s32 s6, s20  }
0xa2: {  	s9 =	simm.s32 $0x0;
	s21 =	sshll.u32 s7, $0x1;
	s7 =	sadd.s32 s22, s5  }
0xa3: {  	[timem:s9], [sflag:s23] =	dma.local [hbm:s7], s21  }
0xa4: {  	_ =	swait.ge [sflag:s23], s21  }
0xa5: {  	s6 =	ssub.s32 $0x0, s21;
	[sflag:s23] =	ssyncset.done $0x0  }
0xa6: {  	[sflag:s23] =	ssyncadd.s32 s6;
	_ =	sdelay $0x1  }
0xa7: {  	s24 =	simm.s32 $0x1B8B  }
0xa8: {  	_ =	swait.ge [sflag:s24], $0x1  }
0xa9: {  	[sflag:s24] =	ssyncset.done $0x0  }
0xaa: {  	s25 =	simm.s32 $0x1B8E;
	[sflag:s24] =	ssyncadd.s32 $0xFFFFFFFF  }
0xab: {  	s26 =	simm.s32 $execute0_lowered;
	[smem:$0x3FD2] =	sst s25  }
0xac: {  	s6 =	sshll.u32 s26, $0x1;
	_ =	strace $0x80000046;
	[dreg:$0x1] =	wrdreg $0xFFFFFFFF  }
0xad: {  	s28 =	simm.s32 $_size_execute0_lowered;
	s5 =	sadd.s32 s5, s6;
	[dreg:$0x0] =	wrdreg $0x0  }
0xae: {  	s6 =	sshll.u32 s28, $0x1;
	[dreg:$0x2] =	wrdreg s5  }
0xaf: {  	[dreg:$0x3] =	wrdreg s6  }
0xb0: {  	[dreg:$0x4] =	wrdreg $0xC0  }
0xb1: {  	_ =	task [dreg:s9], $0x5FFFF  }
0xb2: {  	[dreg:$0x1] =	wrdreg $0xFFFFFFFF  }
0xb3: {  	[dreg:$0x0] =	wrdreg $0x60  }
0xb4: {  	[dreg:$0x2] =	wrdreg s16  }
0xb5: {  	[dreg:$0x3] =	wrdreg s17  }
0xb6: {  	[dreg:$0x4] =	wrdreg s18  }
0xb7: {  	[dreg:$0x5] =	wrdreg $0xA3000  }
0xb8: {  	[dreg:$0x6] =	wrdreg $0x9  }
0xb9: {  	_ =	task.clear_ibuf [dreg:s9], $0x7FFFF;
	_ =	strace $0x90000046  }
0xba: {  	s29 =	simm.s32 $0x9;
	_ =	strace $0x80000048  }
0xbb: {  	_ =	swait.ge [sflag:s29], $0x1  }
0xbc: {  	[sflag:s29] =	ssyncadd.s32 $0xFFFFFFFF  }
0xbd: {  	_ =	strace $0x90000048  }
0xbe: {  	_ =	sfence  }
0xbf: {  	s30 =	sld [smem:$0x0];
	_ =	sdelay $0x2  }
0xc0: {  	s31 =	sshll.u32 s1, $0xD;
	s1 =	sshrl.u32 s1, $0x2  }
0xc1: {  	s3 =	sand.u32 $0x4000, s31;
	s1 =	sadd.s32 s1, s30  }
0xc2: {  	s0 =	sor.u32 s3, s0;
	s1 =	sshll.u32 s1, $0x11  }
0xc3: {  	s0 =	sor.u32 s1, s0  }
0xc4: {  	s0 =	sadd.s32 $0x8F2B, s0  }
0xc5: {  	[sflag:s0] =	ssyncadd.remote.s32 $0x1  }
0xc6: {  	_ =	sfence.sel $0xFFFF  }
0xc7: {  	[dreg:$0x0] =	wrdreg $0xFFFFFFFF;
	(pc) =	sbr.abs _section_cstart, $3  }
0xc8: {  	[dreg:$0x1] =	wrdreg $0xFFFFFFFF  }
0xc9: {  	_ =	task.clear_ibuf [dreg:s9], $0x2FFFF;
	_ =	strace $0x9FFFFFFF  }
0xca: {  	(tm) =	ssettm $0x7FFFFFFF  }
0xcb: {  	_ =	shalt  }
tec
execute0_lowered:
.L_overlay_start_1:
0x0: {  	(tag) =	ssettag $0x1  }
0x1: {  	s9 =	rddreg [dreg:$0x0]  }
0x2: {  	s15 =	rddreg [dreg:$0x1]  }
0x3: {  	s14 =	rddreg [dreg:$0x2]  }
0x4: {  	s0 =	srdreg.scid;
	s2 =	rddreg [dreg:$0x3]  }
0x5: {  	s1 =	rddreg [dreg:$0x4];
	s3 =	simm.s32 $0x0;
	s19 =	simm.s32 $0x80  }
0x6: {  	s20 =	simm.s32 $0xA000;
	s21 =	simm.s32 $0x1;
	s22 =	simm.s32 $0x0  }
0x7: {  	s16 =	sand.u32 $0x1, s0;
	s0 =	stileid.u32;
	[smem:$0x7FF] =	sst s3  }
0x8: {  	s7 =	sadd.s32 $0x9610, s9;
	s8 =	sadd.s32 $0x13200, s9;
	s4 =	smul.u32 $0x4E0, s16  }
0x9: {  	s5 =	smul.u32 $0x50, s0;
	s6 =	ssub.s32 $0x2, s16;
	_ =	strace $0x80000047  }
0xa: {  	p0 =	seq.s32 s0, $0xF;
	p1 =	seq.s32 s16, $0x0;
	s13 =	smul.u32 $0x280, s0  }
0xb: {  	p6 =	seq.s32 s16, $0x1;
	s11 =	sshll.u32 s16, $0x2;
	s18 =	smul.u32 $0x2800, s16  }
0xc: {  	s31 =	sshrl.u32 s6, $0x1;
	s11 =	sor.u32 $0x30, s11;
	p2 =	sne.s32 @p0 s16, $0x0  }
0xd: {  	p3 =	por !p6, !p0;
	s12 =	sadd.s32 s5, s4;
	s17 =	ssub.s32 s6, s31  }
0xe: {  	s6 =	simm.s32 @!p1 $0x0;
	s10 =	sadd.s32 s13, s2;
	s11 =	simm.s32 @!p0 $0x50  }
0xf: {  	s18 =	sadd.s32 s13, s18;
	s13 =	sadd.s32 $0x4B00, s14;
	p2 =	por p2, !p0  }
0x10: {  	s5 =	sshll.u32 s12, $0x5;
	s6 =	simm.s32 @p1 $0x1;
	s12 =	sshll.u32 s12, $0x4  }
0x11: {  	s18 =	sshrl.u32 s18, $0x3;
	s16 =	smax.u32 s17, $0x1;
	s17 =	simm.s32 $0xA080  }
0x12: {  	s4 =	sadd.s32 s9, s5;
	[smem:$0x7FD] =	sst s6;
	s6 =	sadd.s32 $0x9600, s9  }
0x13: {  	s9 =	sadd.s32 $0x13210, s9;
	s12 =	sadd.s32 s14, s12;
	s14 =	sadd.s32 $0x9900, s14  }
0x14: {  	v0 =	vimm.f32 $1.000000000e+00;
	v1 =	vimm.f32 $0.0e+00;
	s15 =	sadd.s32 s15, s18;
	s18 =	simm.s32 $0x2;
	s5 =	sadd.s32 $0x10, s4  }
.LBB2_1:
0x15: {  	s23 =	simm.s32 @!p2 $0x80;
	s24 =	simm.s32 @!p2 $0x100;
	s25 =	simm.s32 @!p2 $0x0  }
0x16: {  	[tilespmem:s25], [sflag:$0x2] =	stream.strided.gather @!p2 [hbm4b:s6+s23], $0x1800, s24, s23, $0x38;
	[tilespmem:$0xA580] =	vst v63  }
0x17: {  	s25 =	simm.s32 @!p2 $0x2  }
0x18: {  	_ =	swait.ge @!p2 [sflag:s25], $0x1800  }
0x19: {  	[sflag:s25] =	ssyncset.done @!p2 $0x0  }
0x1a: {  	s26 =	simm.s32 @!p2 $0x2800;
	[sflag:s25] =	ssyncadd.s32 @!p2 $0xFFFFE800  }
0x1b: {  	[tilespmem:s26], [sflag:$0x2] =	stream.strided.gather @!p2 [hbm4b:s7+s23], $0x1800, s24, s23, $0x38;
	[tilespmem:$0xA580] =	vst v63  }
0x1c: {  	_ =	swait.ge @!p2 [sflag:s25], $0x1800  }
0x1d: {  	s23 =	simm.s32 @!p3 $0x80;
	[sflag:s25] =	ssyncset.done @!p2 $0x0  }
0x1e: {  	s24 =	simm.s32 @!p3 $0x100;
	[sflag:s25] =	ssyncadd.s32 @!p2 $0xFFFFE800;
	s25 =	simm.s32 @!p3 $0x0  }
0x1f: {  	[tilespmem:s25], [sflag:$0x2] =	stream.strided.gather @!p3 [hbm4b:s8+s23], $0x1A00, s24, s23, $0x38;
	[tilespmem:$0xA580] =	vst v63  }
0x20: {  	s25 =	simm.s32 @!p3 $0x2  }
0x21: {  	_ =	swait.ge @!p3 [sflag:s25], $0x1A00  }
0x22: {  	[sflag:s25] =	ssyncset.done @!p3 $0x0  }
0x23: {  	s26 =	simm.s32 @!p3 $0x2800;
	[sflag:s25] =	ssyncadd.s32 @!p3 $0xFFFFE600  }
0x24: {  	[tilespmem:s26], [sflag:$0x2] =	stream.strided.gather @!p3 [hbm4b:s9+s23], $0x1A00, s24, s23, $0x38;
	[tilespmem:$0xA580] =	vst v63  }
0x25: {  	_ =	swait.ge @!p3 [sflag:s25], $0x1A00  }
0x26: {  	s26 =	simm.s32 @!p0 $0x100;
	s24 =	simm.s32 @!p0 $0x0;
	[sflag:s25] =	ssyncset.done @!p3 $0x0  }
0x27: {  	s23 =	simm.s32 @!p0 $0x2;
	[sflag:s25] =	ssyncadd.s32 @!p3 $0xFFFFE600;
	s25 =	simm.s32 @!p0 $0x80  }
0x28: {  	[tilespmem:s24], [sflag:$0x2] =	stream.strided.gather @!p0 [hbm4b:s4+s25], $0x2800, s26, s25, $0x38;
	[tilespmem:$0xA580] =	vst v63  }
0x29: {  	_ =	swait.ge @!p0 [sflag:s23], $0x2800  }
0x2a: {  	[sflag:s23] =	ssyncset.done @!p0 $0x0  }
0x2b: {  	s28 =	simm.s32 @!p0 $0x2800;
	[sflag:s23] =	ssyncadd.s32 @!p0 $0xFFFFD800  }
0x2c: {  	[tilespmem:s28], [sflag:$0x2] =	stream.strided.gather @!p0 [hbm4b:s5+s25], $0x2800, s26, s25, $0x38;
	[tilespmem:$0xA580] =	vst v63  }
0x2d: {  	_ =	swait.ge @!p0 [sflag:s23], $0x2800  }
0x2e: {  	[sflag:s23] =	ssyncset.done @!p0 $0x0  }
0x2f: {  	[sflag:s23] =	ssyncadd.s32 @!p0 $0xFFFFD800  }
0x30: {  	[tilespmem:$0xA000] =	vst v0  }
0x31: {  	[tilespmem:$0xA010] =	vst v0  }
0x32: {  	[tilespmem:$0xA020] =	vst v0  }
0x33: {  	[tilespmem:$0xA030] =	vst v0  }
0x34: {  	[tilespmem:$0xA040] =	vst v0  }
0x35: {  	[tilespmem:$0xA050] =	vst v0  }
0x36: {  	[tilespmem:$0xA060] =	vst v0  }
0x37: {  	[tilespmem:$0xA070] =	vst v0  }
0x38: {  	[tilespmem:$0xA080] =	vst v1  }
0x39: {  	[tilespmem:$0xA090] =	vst v1  }
0x3a: {  	[tilespmem:$0xA0A0] =	vst v1  }
0x3b: {  	[tilespmem:$0xA0B0] =	vst v1  }
0x3c: {  	[tilespmem:$0xA0C0] =	vst v1  }
0x3d: {  	[tilespmem:$0xA0D0] =	vst v1  }
0x3e: {  	[tilespmem:$0xA0E0] =	vst v1  }
0x3f: {  	[tilespmem:$0xA0F0] =	vst v1  }
0x40: {  	[tilespmem:$0xA100] =	vst v1  }
0x41: {  	[tilespmem:$0xA110] =	vst v1  }
0x42: {  	[tilespmem:$0xA120] =	vst v1  }
0x43: {  	[tilespmem:$0xA130] =	vst v1  }
0x44: {  	[tilespmem:$0xA140] =	vst v1  }
0x45: {  	[tilespmem:$0xA150] =	vst v1  }
0x46: {  	[tilespmem:$0xA160] =	vst v1  }
0x47: {  	[tilespmem:$0xA170] =	vst v1  }
0x48: {  	[tilespmem:$0xA180] =	vst v1  }
0x49: {  	[tilespmem:$0xA190] =	vst v1  }
0x4a: {  	[tilespmem:$0xA1A0] =	vst v1  }
0x4b: {  	[tilespmem:$0xA1B0] =	vst v1  }
0x4c: {  	[tilespmem:$0xA1C0] =	vst v1  }
0x4d: {  	[tilespmem:$0xA1D0] =	vst v1  }
0x4e: {  	[tilespmem:$0xA1E0] =	vst v1  }
0x4f: {  	[tilespmem:$0xA1F0] =	vst v1  }
0x50: {  	[tilespmem:$0xA200] =	vst v1  }
0x51: {  	[tilespmem:$0xA210] =	vst v1  }
0x52: {  	[tilespmem:$0xA220] =	vst v1  }
0x53: {  	[tilespmem:$0xA230] =	vst v1  }
0x54: {  	[tilespmem:$0xA240] =	vst v1  }
0x55: {  	[tilespmem:$0xA250] =	vst v1  }
0x56: {  	[tilespmem:$0xA260] =	vst v1  }
0x57: {  	[tilespmem:$0xA270] =	vst v1  }
0x58: {  	[tilespmem:$0xA280] =	vst v1  }
0x59: {  	[tilespmem:$0xA290] =	vst v1  }
0x5a: {  	[tilespmem:$0xA2A0] =	vst v1  }
0x5b: {  	[tilespmem:$0xA2B0] =	vst v1  }
0x5c: {  	[tilespmem:$0xA2C0] =	vst v1  }
0x5d: {  	[tilespmem:$0xA2D0] =	vst v1  }
0x5e: {  	[tilespmem:$0xA2E0] =	vst v1  }
0x5f: {  	[tilespmem:$0xA2F0] =	vst v1  }
0x60: {  	[spmem:s10] =	stream.linear.scatter [tilespmem:s17], [sflag:$0x2], $0x280, $0x38;
	[tilespmem:$0xA580] =	vst v63  }
0x61: {  	_ =	swait.ge [sflag:s18], $0x280  }
0x62: {  	[sflag:s18] =	ssyncset.done $0x0  }
0x63: {  	s25 =	simm.s32 $0x2840;
	[sflag:s18] =	ssyncadd.s32 $0xFFFFFD80  }
0x64: {  	s29 =	simm.s32 $0x40;
	v2 =	vld [tilespmem:s25+$0xFFFFFFC0]  }
0x65: {  	v3 =	vld [tilespmem:s29+$0xFFFFFFC0];
	_ =	sdelay $0x3  }
0x66: {  	v4 =	vshll.u32 v2, $0x10  }
0x67: {  	s26 =	simm.s32 $0x5040;
	v3 =	vor.u32 v3, v4  }
0x68: {  	s28 =	simm.s32 $0x7840;
	[tilespmem:s26+$0xFFFFFFC0] =	vst v3  }
0x69: {  	[tilespmem:s28+$0xFFFFFFC0] =	vst v2  }
0x6a: {  	v2 =	vld [tilespmem:s25+$0xFFFFFFD0]  }
0x6b: {  	v3 =	vld [tilespmem:s29+$0xFFFFFFD0];
	_ =	sdelay $0x3  }
0x6c: {  	v57 =	vshll.u32 v2, $0x10  }
0x6d: {  	v3 =	vor.u32 v3, v57  }
0x6e: {  	[tilespmem:s26+$0xFFFFFFD0] =	vst v3  }
0x6f: {  	[tilespmem:s28+$0xFFFFFFD0] =	vst v2  }
0x70: {  	v2 =	vld [tilespmem:s25+$0xFFFFFFE0]  }
0x71: {  	v3 =	vld [tilespmem:s29+$0xFFFFFFE0];
	_ =	sdelay $0x3  }
0x72: {  	v58 =	vshll.u32 v2, $0x10  }
0x73: {  	v3 =	vor.u32 v3, v58  }
0x74: {  	[tilespmem:s26+$0xFFFFFFE0] =	vst v3  }
0x75: {  	[tilespmem:s28+$0xFFFFFFE0] =	vst v2  }
0x76: {  	v2 =	vld [tilespmem:s25+$0xFFFFFFF0]  }
0x77: {  	v3 =	vld [tilespmem:s29+$0xFFFFFFF0];
	_ =	sdelay $0x3  }
0x78: {  	v59 =	vshll.u32 v2, $0x10  }
0x79: {  	v3 =	vor.u32 v3, v59  }
0x7a: {  	[tilespmem:s26+$0xFFFFFFF0] =	vst v3  }
0x7b: {  	[tilespmem:s28+$0xFFFFFFF0] =	vst v2  }
0x7c: {  	v2 =	vld [tilespmem:s25+$0x0]  }
0x7d: {  	v3 =	vld [tilespmem:s29+$0x0];
	_ =	sdelay $0x3  }
0x7e: {  	v60 =	vshll.u32 v2, $0x10  }
0x7f: {  	v3 =	vor.u32 v3, v60  }
0x80: {  	[tilespmem:s26+$0x0] =	vst v3  }
0x81: {  	[tilespmem:s28+$0x0] =	vst v2  }
0x82: {  	v2 =	vld [tilespmem:s25+$0x10]  }
0x83: {  	v3 =	vld [tilespmem:s29+$0x10];
	_ =	sdelay $0x3  }
0x84: {  	v61 =	vshll.u32 v2, $0x10  }
0x85: {  	v3 =	vor.u32 v3, v61  }
0x86: {  	[tilespmem:s26+$0x10] =	vst v3  }
0x87: {  	[tilespmem:s28+$0x10] =	vst v2  }
0x88: {  	v2 =	vld [tilespmem:s25+$0x20]  }
0x89: {  	v3 =	vld [tilespmem:s29+$0x20];
	_ =	sdelay $0x3  }
0x8a: {  	v62 =	vshll.u32 v2, $0x10  }
0x8b: {  	v3 =	vor.u32 v3, v62  }
0x8c: {  	[tilespmem:s26+$0x20] =	vst v3  }
0x8d: {  	[tilespmem:s28+$0x20] =	vst v2  }
0x8e: {  	v2 =	vld [tilespmem:s25+$0x30]  }
0x8f: {  	v3 =	vld [tilespmem:s29+$0x30]  }
0x90: {  	p4 =	sne.s32 s11, $0x1  }
.Ltmp0:
0x91: {  	s29 =	sld [smem:$0x7FD];
	(pc) =	sbr.rel @!p4 .LBB2_3-.Ltmp0, $4  }
0x92: {  	_ = 	snop  }
0x93: {  	p5 =	por @p0 $0x0, $0x0;
	p1 =	por @!p3 $0x1, $0x1;
	s30 =	simm.s32 $0xC0;
	v63 =	vshll.u32 v2, $0x10  }
0x94: {  	p5 =	por @!p3 p1, p1;
	p1 =	por @!p0 $0x0, $0x0;
	p6 =	seq.s32 s29, $0x1;
	v3 =	vor.u32 v3, v63  }
0x95: {  	p5 =	por @!p0 p1, p1;
	s29 =	sadd.s32 $0xFFFFFFFF, s11;
	p6 =	por @!p0 p1, p1;
	[tilespmem:s26+$0x30] =	vst v3  }
.LBB2_2:
0x96: {  	[tilespmem:s28+$0x30] =	vst v2;
	s28 =	sadd.s32 $0x80, s28;
	s26 =	sadd.s32 $0x80, s26;
	s25 =	sadd.s32 $0x80, s25  }
0x97: {  	p1 =	sne.s32 s29, $0x1;
	s29 =	sadd.s32 $0xFFFFFFFF, s29;
	v2 =	vld [tilespmem:s25+$0xFFFFFFC0]  }
0x98: {  	v3 =	vld [tilespmem:s30+$0xFFFFFFC0];
	_ =	sdelay $0x3  }
0x99: {  	v4 =	vshll.u32 v2, $0x10  }
0x9a: {  	v3 =	vor.u32 v3, v4  }
0x9b: {  	[tilespmem:s26+$0xFFFFFFC0] =	vst v3  }
0x9c: {  	[tilespmem:s28+$0xFFFFFFC0] =	vst v2  }
0x9d: {  	v2 =	vld [tilespmem:s25+$0xFFFFFFD0]  }
0x9e: {  	v3 =	vld [tilespmem:s30+$0xFFFFFFD0];
	_ =	sdelay $0x3  }
0x9f: {  	v4 =	vshll.u32 v2, $0x10  }
0xa0: {  	v3 =	vor.u32 v3, v4  }
0xa1: {  	[tilespmem:s26+$0xFFFFFFD0] =	vst v3  }
0xa2: {  	[tilespmem:s28+$0xFFFFFFD0] =	vst v2  }
0xa3: {  	v2 =	vld [tilespmem:s25+$0xFFFFFFE0]  }
0xa4: {  	v3 =	vld [tilespmem:s30+$0xFFFFFFE0];
	_ =	sdelay $0x3  }
0xa5: {  	v4 =	vshll.u32 v2, $0x10  }
0xa6: {  	v3 =	vor.u32 v3, v4  }
0xa7: {  	[tilespmem:s26+$0xFFFFFFE0] =	vst v3  }
0xa8: {  	[tilespmem:s28+$0xFFFFFFE0] =	vst v2  }
0xa9: {  	v2 =	vld [tilespmem:s25+$0xFFFFFFF0]  }
0xaa: {  	v3 =	vld [tilespmem:s30+$0xFFFFFFF0];
	_ =	sdelay $0x3  }
0xab: {  	v4 =	vshll.u32 v2, $0x10  }
0xac: {  	v3 =	vor.u32 v3, v4  }
0xad: {  	[tilespmem:s26+$0xFFFFFFF0] =	vst v3  }
0xae: {  	[tilespmem:s28+$0xFFFFFFF0] =	vst v2  }
0xaf: {  	v2 =	vld [tilespmem:s25+$0x0]  }
0xb0: {  	v3 =	vld [tilespmem:s30+$0x0];
	_ =	sdelay $0x3  }
0xb1: {  	v4 =	vshll.u32 v2, $0x10  }
0xb2: {  	v3 =	vor.u32 v3, v4  }
0xb3: {  	[tilespmem:s26+$0x0] =	vst v3  }
0xb4: {  	[tilespmem:s28+$0x0] =	vst v2  }
0xb5: {  	v2 =	vld [tilespmem:s25+$0x10]  }
0xb6: {  	v3 =	vld [tilespmem:s30+$0x10];
	_ =	sdelay $0x3  }
0xb7: {  	v4 =	vshll.u32 v2, $0x10  }
0xb8: {  	v3 =	vor.u32 v3, v4  }
0xb9: {  	[tilespmem:s26+$0x10] =	vst v3  }
0xba: {  	[tilespmem:s28+$0x10] =	vst v2  }
0xbb: {  	v2 =	vld [tilespmem:s25+$0x20]  }
0xbc: {  	v3 =	vld [tilespmem:s30+$0x20];
	_ =	sdelay $0x3  }
0xbd: {  	v4 =	vshll.u32 v2, $0x10  }
0xbe: {  	v3 =	vor.u32 v3, v4  }
0xbf: {  	[tilespmem:s26+$0x20] =	vst v3  }
0xc0: {  	[tilespmem:s28+$0x20] =	vst v2  }
0xc1: {  	v2 =	vld [tilespmem:s25+$0x30]  }
0xc2: {  	v3 =	vld [tilespmem:s30+$0x30];
	_ =	sdelay $0x1  }
.Ltmp1:
0xc3: {  	(pc) =	sbr.rel @p1 .LBB2_2-.Ltmp1, $4  }
0xc4: {  	_ = 	snop  }
0xc5: {  	v4 =	vshll.u32 v2, $0x10  }
0xc6: {  	v3 =	vor.u32 v3, v4  }
0xc7: {  	s30 =	sadd.s32 $0x80, s30;
	[tilespmem:s26+$0x30] =	vst v3  }
.LBB2_3:
0xc8: {  	[tilespmem:s28+$0x30] =	vst v2;
	s25 =	simm.s32 @!p0 $0x5000  }
0xc9: {  	[hbm4b:s12+s24] =	stream.linear.scatter @!p0 [tilespmem:s25], [sflag:$0x2], $0x2800, $0x38;
	[tilespmem:$0xA580] =	vst v63  }
0xca: {  	_ =	swait.ge @!p0 [sflag:s23], $0x2800  }
0xcb: {  	[sflag:s23] =	ssyncset.done @!p0 $0x0  }
0xcc: {  	s24 =	simm.s32 @p6 $0x5000;
	[sflag:s23] =	ssyncadd.s32 @!p0 $0xFFFFD800;
	s23 =	simm.s32 @p6 $0x0  }
0xcd: {  	[hbm4b:s13+s23] =	stream.linear.scatter @p6 [tilespmem:s24], [sflag:$0x2], $0x1800, $0x38;
	[tilespmem:$0xA580] =	vst v63  }
0xce: {  	s23 =	simm.s32 @p6 $0x2  }
0xcf: {  	_ =	swait.ge @p6 [sflag:s23], $0x1800  }
0xd0: {  	[sflag:s23] =	ssyncset.done @p6 $0x0  }
0xd1: {  	s24 =	simm.s32 @p5 $0x5000;
	[sflag:s23] =	ssyncadd.s32 @p6 $0xFFFFE800;
	s23 =	simm.s32 @p5 $0x0  }
0xd2: {  	[hbm4b:s14+s23] =	stream.linear.scatter @p5 [tilespmem:s24], [sflag:$0x2], $0x1C00, $0x38;
	[tilespmem:$0xA580] =	vst v63  }
0xd3: {  	s23 =	simm.s32 @p5 $0x2  }
.Ltmp2:
0xd4: {  	_ =	swait.ge @p5 [sflag:s23], $0x1C00;
	(pc) =	sbr.rel @!p4 .LBB2_5-.Ltmp2, $4  }
0xd5: {  	[sflag:s23] =	ssyncset.done @p5 $0x0  }
0xd6: {  	[sflag:s23] =	ssyncadd.s32 @p5 $0xFFFFE400  }
0xd7: {  	s24 =	sadd.s32 $0xFFFFFFFF, s11;
	s23 =	simm.s32 $0x7800;
	[bflag:$0x0] =	sbarrier.arrive $0xFFFF  }
0xd8: {  	[spmem:s2] =	stream.indirect.scatter.add.f32 [tilespmem:s20], [sflag:$0x1], $0x1, s23, s19, $0xb8;
	[tilespmem:$0xA580] =	vst v63  }
.LBB2_4:
0xd9: {  	p1 =	sne.s32 s24, $0x1  }
.Ltmp3:
0xda: {  	_ = 	snop;
	(pc) =	sbr.rel @p1 .LBB2_4-.Ltmp3, $3  }
0xdb: {  	_ = 	snop  }
0xdc: {  	s24 =	sadd.s32 $0xFFFFFFFF, s24;
	s23 =	sadd.s32 $0x80, s23;
	_ =	sdelay $0x1  }
0xdd: {  	[spmem:s2] =	stream.indirect.scatter.add.f32 [tilespmem:s20], [sflag:$0x1], $0x1, s23, s19, $0xb8;
	[tilespmem:$0xA580] =	vst v63  }
.LBB2_5:
.Ltmp4:
0xde: {  	(pc) =	sbr.rel @!p4 .LBB2_7-.Ltmp4, $3  }
0xdf: {  	_ =	sdelay $0x1  }
0xe0: {  	_ =	swait.ge [sflag:s21], $0x80  }
0xe1: {  	s23 =	sadd.s32 $0xFFFFFFFF, s11;
	[sflag:s21] =	ssyncset.done $0x0  }
.LBB2_6:
0xe2: {  	p1 =	sne.s32 s23, $0x1;
	s23 =	sadd.s32 $0xFFFFFFFF, s23;
	[sflag:s21] =	ssyncadd.s32 $0xFFFFFF80  }
.Ltmp5:
0xe3: {  	(pc) =	sbr.rel @p1 .LBB2_6-.Ltmp5, $3  }
0xe4: {  	_ =	sdelay $0x1  }
0xe5: {  	_ =	swait.ge [sflag:s21], $0x80  }
0xe6: {  	[sflag:s21] =	ssyncset.done $0x0  }
.LBB2_7:
0xe7: {  	[sflag:s21] =	ssyncadd.s32 $0xFFFFFF80  }
0xe8: {  	[bflag:$0x0] =	sbarrier.arrive $0xFFFF  }
0xe9: {  	[tilespmem:s17], [sflag:$0x2] =	stream.linear.gather [spmem:s10], $0x280, $0x38;
	[tilespmem:$0xA580] =	vst v63  }
0xea: {  	s22 =	sadd.s32 $0x1, s22;
	_ =	swait.ge [sflag:s18], $0x280  }
0xeb: {  	p1 =	sne.s32 s22, s16;
	[sflag:s18] =	ssyncset.done $0x0  }
.Ltmp6:
0xec: {  	[sflag:s18] =	ssyncadd.s32 $0xFFFFFD80;
	(pc) =	sbr.rel @p1 .LBB2_1-.Ltmp6, $4  }
0xed: {  	[hbm4b:s15+s3] =	stream.linear.scatter [tilespmem:s17], [sflag:$0x2], $0x280, $0x38;
	[tilespmem:$0xA580] =	vst v63  }
0xee: {  	_ =	swait.ge [sflag:s18], $0x280  }
0xef: {  	[sflag:s18] =	ssyncset.done $0x0  }
0xf0: {  	[sflag:s18] =	ssyncadd.s32 $0xFFFFFD80  }
0xf1: {  	_ =	sfence.sel $0x180000  }
0xf2: {  	[bflag:$0x0] =	sbarrier.arrive $0xFFFF  }
0xf3: {  	p0 =	sne.s32 s0, $0x0;
	_ =	strace $0x90000047  }
0xf4: {  	s0 =	sadd.s32 @!p0 $0x100000, s1;
	[bflag:$0x2] =	sbarrier.arrive $0xFFFF  }
0xf5: {  	[sflag:s0] =	ssyncadd.tile.s32 @!p0 $0x1;
	_ =	shalt  }
.Lfunc_end2:
_tile_overlayer_lowered:
.L_overlay_start_2:
0xf6: {  	(tag) =	ssettag $0x2  }
0xf7: {  	s0 =	rddreg [dreg:$0x0];
	s2 =	stileid.u32  }
0xf8: {  	s1 =	rddreg [dreg:$0x1];
	p0 =	sne.s32 s2, $0x0  }
0xf9: {  	s3 =	rddreg [dreg:$0x2];
	[bflag:$0x3] =	sbarrier.arrive $0xFFFF;
	s2 =	simm.s32 @!p0 $0x1C02  }
0xfa: {  	[timem:s3], [sflag:s2] =	dma.local @!p0 [hbm:s0], s1  }
0xfb: {  	s0 =	simm.s32 @!p0 $0x2  }
0xfc: {  	_ =	swait.ge @!p0 [sflag:s0], s1  }
0xfd: {  	s1 =	ssub.s32 @!p0 $0x0, s1;
	[sflag:s0] =	ssyncset.done @!p0 $0x0  }
0xfe: {  	[sflag:s0] =	ssyncadd.s32 @!p0 s1  }
0xff: {  	[bflag:$0x3] =	sbarrier.arrive $0xFFFF  }
0x100: {  	_ =	shalt  }

</sc_bundles>
